<compile_context>
chip_gen: v7x
topology: tpu7x:2x2x1
jax: 0.10.2.dev20260603
libtpu: 0.0.44.dev20260713+nightly
codegen_flags: <defaults>
</compile_context>

<pallas_src>
import functools

import jax
import jax.numpy as jnp
from jax import lax
from jax.experimental import pallas as pl
from jax.experimental.pallas import tpu as pltpu
from jax.experimental.pallas import tpu_sc as plsc

_B, _C, _T, _H, _W = 8, 3, 256, 64, 64
_PIX = _H * _W
_F = _B * _T
_NBINS = 512
_NW = 32
_FPW = _F // _NW
_LOOKUP = 101
_OUT_DIM = 128


_NTILES = _B * _C * _H * 16
_UBINS = 128 * _NBINS


def _sc_histograms(frames_tiles):
    mesh = plsc.VectorSubcoreMesh(core_axis_name="c", subcore_axis_name="s")

    _HROWS = _UBINS // 128

    @functools.partial(
        pl.kernel,
        mesh=mesh,
        out_type=jax.ShapeDtypeStruct((2 * _F * 4, 128), jnp.float32),
        scratch_types=[
            pltpu.VMEM((24, 8, 128), jnp.int32),
            pltpu.VMEM((_HROWS, 128), jnp.float32),
            pltpu.SemaphoreType.DMA,
            pltpu.SemaphoreType.DMA,
            pltpu.SemaphoreType.DMA,
            pltpu.SemaphoreType.DMA,
            pltpu.SemaphoreType.DMA,
            pltpu.SemaphoreType.DMA,
            pltpu.SemaphoreType.DMA,
            pltpu.SemaphoreType.DMA,
        ],
        compiler_params=pltpu.CompilerParams(needs_layout_passes=False),
    )
    def hist_kernel(frames_hbm, hist_hbm, chunk_v, hist_v,
                    in_sem0, in_sem1, in_sem2, in_sem3,
                    in_sem4, in_sem5, in_sem6, in_sem7):
        c_ax = lax.axis_index("c")
        s_ax = lax.axis_index("s")
        unit_local = s_ax // 2
        half = s_ax - 2 * unit_local
        ug = c_ax * 8 + unit_local
        b = ug // 2
        tg = ug - 2 * b
        base_n = b * (_C * 1024) + tg
        iota16 = lax.iota(jnp.int32, 16)
        iota4 = iota16 * 4
        ones16 = jnp.ones((16,), jnp.float32)
        zeros16 = jnp.zeros((16,), jnp.float32)

        def in_copies(i, slot, sem):
            m = 2 * i + half
            return [
                pltpu.make_async_copy(
                    frames_hbm.at[base_n + c * 1024 + m * 2],
                    chunk_v.at[slot * 3 + c],
                    sem)
                for c in range(_C)]

        def fire(i, slot, sem):
            for cp in in_copies(i, slot, sem):
                cp.start()

        def drain(i, slot, sem):
            for cp in in_copies(i, slot, sem):
                cp.wait()

        @plsc.parallel_loop(0, _UBINS // 16, unroll=8)
        def _(i):
            row = i // 8
            off = (i - row * 8) * 16
            hist_v[row, pl.ds(off, 16)] = zeros16

        def compute(slot):
            s3 = slot * 3

            @plsc.parallel_loop(0, 1024, step=16, unroll=8)
            def _(i):
                row = i // 128
                l = i - row * 128
                rv = chunk_v[s3, row, pl.ds(l, 16)]
                gv = chunk_v[s3 + 1, row, pl.ds(l, 16)]
                bv = chunk_v[s3 + 2, row, pl.ds(l, 16)]
                bins = ((rv & 0xE0) << 1) | ((gv & 0xE0) >> 2) | (bv >> 5)
                plsc.addupdate_scatter(
                    hist_v.at[pl.ds(l * 4, 64), :],
                    [iota4 + (bins >> 7), bins & 127], ones16)

        sems = [in_sem0, in_sem1, in_sem2, in_sem3,
                in_sem4, in_sem5, in_sem6, in_sem7]
        _NS = 8
        _LA = 7
        for p in range(_LA):
            fire(p, p, sems[p])

        def ring_body(j, carry):
            i = _NS * j
            fire(i + _LA, _LA, sems[_LA])
            for q in range(_NS):
                if q > 0:
                    ahead = i + _LA + q
                    @pl.when(ahead < 256)
                    def _(q=q, ahead=ahead):
                        fire(ahead, q - 1, sems[q - 1])
                drain(i + q, q, sems[q])
                compute(q)
            return carry

        lax.fori_loop(0, 256 // _NS, ring_body, 0)

        pltpu.sync_copy(
            hist_v,
            hist_hbm.at[pl.ds((half * _F + b * _T + tg * 128) * 4, _HROWS), :])

    return hist_kernel(frames_tiles)


def _tc_post(hist4, w_pad, bias2):
    pad = (_LOOKUP - 1) // 2
    width = 384

    def body(x0_ref, x1_ref, w_ref, b_ref, o_ref, sp_ref):
        x4 = (x0_ref[...] + x1_ref[...]).reshape(_T, 4, 128)
        x = jnp.concatenate([x4[:, k, :] for k in range(4)], axis=1)
        inv = 1.0 / jnp.sqrt(jnp.sum(x * x, axis=1, keepdims=True))
        xn = x * inv
        sims = lax.dot_general(xn, xn, (((1,), (1,)), ((), ())),
                               preferred_element_type=jnp.float32)
        sp_ref[...] = jnp.zeros((_T, width), jnp.float32)
        sp_ref[:, pad:pad + _T] = sims
        v = sp_ref[...]
        rows = lax.broadcasted_iota(jnp.int32, (_T, width), 0)
        for k in range(8):
            amt = 1 << k
            rolled = jnp.concatenate([v[:, amt:], v[:, :amt]], axis=1)
            v = jnp.where((rows & amt) != 0, rolled, v)
        band = v[:, :_OUT_DIM]
        out = lax.dot_general(band, w_ref[...], (((1,), (0,)), ((), ())),
                              preferred_element_type=jnp.float32)
        o_ref[0] = jnp.maximum(out + b_ref[...], 0.0)

    return pl.pallas_call(
        body,
        grid=(_B,),
        in_specs=[
            pl.BlockSpec((_T * 4, 128), lambda i: (i, 0)),
            pl.BlockSpec((_T * 4, 128), lambda i: (_B + i, 0)),
            pl.BlockSpec((_OUT_DIM, _OUT_DIM), lambda i: (0, 0)),
            pl.BlockSpec((1, _OUT_DIM), lambda i: (0, 0)),
        ],
        out_specs=pl.BlockSpec((1, _T, _OUT_DIM), lambda i: (i, 0, 0)),
        out_shape=jax.ShapeDtypeStruct((_B, _T, _OUT_DIM), jnp.float32),
        scratch_shapes=[pltpu.VMEM((_T, width), jnp.float32)],
    )(hist4, hist4, w_pad, bias2)


def kernel(frames, Wfc, bfc):
    frames_p = jnp.transpose(frames, (0, 1, 3, 4, 2))
    x7 = frames_p.reshape(_B, _C, _H, 8, 8, 2, 128)
    x7p = jnp.transpose(x7, (0, 1, 2, 3, 5, 4, 6))
    frames_tiles = x7p.reshape(_NTILES, 8, 128)
    hist = _sc_histograms(frames_tiles)
    w_pad = jnp.pad(Wfc.T, ((0, _OUT_DIM - _LOOKUP), (0, 0)))
    bias2 = bfc.reshape(1, _OUT_DIM)
    return _tc_post(hist, w_pad, bias2)

# --- scband reference (transcript-rebuilt; emitter-appended) ---
"""Pipeline reference for scband-color-histograms-81277961109920 (READ-ONLY COPY).

The authoritative reference and input builder live on the scoring server;
editing this copy changes nothing except your own understanding.
"""

import jax, jax.numpy as jnp
import numpy as np

B, T, H, W_ = 8, 256, 64, 64
LOOKUP = 101
OUT_DIM = 128


def setup_inputs(seed: int = 0) -> dict:
    key = jax.random.key(seed)
    k1, k2, k3 = jax.random.split(key, 3)
    frames = jax.random.randint(k1, (B, 3, T, H, W_), 0, 256, dtype=jnp.int32)
    Wfc = jax.random.normal(k2, (OUT_DIM, LOOKUP), dtype=jnp.float32) * 0.1
    bfc = jax.random.normal(k3, (OUT_DIM,), dtype=jnp.float32) * 0.01
    return {"frames": frames, "Wfc": Wfc, "bfc": bfc}


def _compute_color_histograms(frames):
    # frames: int32 [B, 3, T, H, W] -> permute to [B, T, H, W, 3]
    f = jnp.transpose(frames.astype(jnp.int32), (0, 2, 3, 4, 1))
    bsz, tw, h, w, nch = f.shape
    ff = f.reshape(bsz * tw, h * w, 3)
    R = ff[:, :, 0] >> 5
    G = ff[:, :, 1] >> 5
    Bc = ff[:, :, 2] >> 5
    binned = (R << 6) + (G << 3) + Bc  # [B*T, H*W], values in [0, 512)
    prefix = (jnp.arange(bsz * tw, dtype=jnp.int32) << 9)[:, None]
    binned = binned + prefix
    num_segments = bsz * tw * 512
    # scatter-add of ones == bincount over flattened frame-prefixed bins
    hist = jnp.bincount(binned.reshape(-1), length=num_segments)
    hist = hist.reshape(bsz, tw, 512).astype(jnp.float32)
    hist = hist / jnp.linalg.norm(hist, axis=2, keepdims=True)
    return hist


def reference(frames, Wfc, bfc):
    x = _compute_color_histograms(frames)  # [B, T, 512]
    bsz, tw = x.shape[0], x.shape[1]
    y = jnp.transpose(x, (0, 2, 1))
    similarities = jnp.matmul(x, y)  # [B, T, T]
    pad = (LOOKUP - 1) // 2
    sims_padded = jnp.pad(similarities, ((0, 0), (0, 0), (pad, pad)))
    # gather_nd: out[b, t, l] = sims_padded[b, t, t + l]
    lookup = jnp.arange(tw)[None, :, None] + jnp.arange(LOOKUP)[None, None, :]
    lookup = jnp.broadcast_to(lookup, (bsz, tw, LOOKUP))
    gathered = jnp.take_along_axis(sims_padded, lookup, axis=2)  # [B, T, 101]
    # Linear_(101 -> 128, bias=True, act='ReLU')
    out = jax.nn.relu(jnp.matmul(gathered, Wfc.T) + bfc)
    return out

if __name__ == "__main__":
    import jax
    _d = setup_inputs()
    print(jax.jit(kernel)(*tuple(_d.values())))

</pallas_src>

<mosaic_0001>
#map = affine_map<(d0, d1) -> (0, 0, 0)>
#map1 = affine_map<(d0, d1) -> (0, 0)>
module attributes {stable_mosaic.version = 14 : i64} {
  func.func @hist_kernel(%arg0: i32, %arg1: i32, %arg2: memref<24576x8x128xi32, #tpu.memory_space<hbm>>, %arg3: memref<16384x128xf32, #tpu.memory_space<hbm>>, %arg4: memref<24x8x128xi32, #tpu.memory_space<vmem>>, %arg5: memref<512x128xf32, #tpu.memory_space<vmem>>, %arg6: memref<!tpu.dma_semaphore, #tpu.memory_space<semaphore_mem>>, %arg7: memref<!tpu.dma_semaphore, #tpu.memory_space<semaphore_mem>>, %arg8: memref<!tpu.dma_semaphore, #tpu.memory_space<semaphore_mem>>, %arg9: memref<!tpu.dma_semaphore, #tpu.memory_space<semaphore_mem>>, %arg10: memref<!tpu.dma_semaphore, #tpu.memory_space<semaphore_mem>>, %arg11: memref<!tpu.dma_semaphore, #tpu.memory_space<semaphore_mem>>, %arg12: memref<!tpu.dma_semaphore, #tpu.memory_space<semaphore_mem>>, %arg13: memref<!tpu.dma_semaphore, #tpu.memory_space<semaphore_mem>>) attributes {dimension_semantics = [#tpu.dimension_semantics<core_parallel>, #tpu.dimension_semantics<subcore_parallel>], iteration_bounds = array<i64: 2, 16>, scalar_prefetch = 0 : i64, scratch_operands = 10 : i64, tpu.core_type = #tpu.core_type<sc_vector_subcore>, window_params = [{transform_indices = #map}, {transform_indices = #map1}]} {
    %jit3A = arith.constant 2 : i32
    %div3A = arith.divsi %arg1, %jit3A : i32
    %sign3A = arith.constant 0 : i32
    %sign3A_0 = arith.cmpi sgt, %arg1, %sign3A : i32
    %sign3A_1 = arith.extui %sign3A_0 : i1 to i32
    %sign3A_2 = arith.constant 0 : i32
    %sign3A_3 = arith.cmpi slt, %arg1, %sign3A_2 : i32
    %sign3A_4 = arith.extui %sign3A_3 : i1 to i32
    %sign3A_5 = arith.subi %sign3A_1, %sign3A_4 : i32
    %sign3A_6 = arith.constant 0 : i32
    %sign3A_7 = arith.cmpi sgt, %jit3A, %sign3A_6 : i32
    %sign3A_8 = arith.extui %sign3A_7 : i1 to i32
    %sign3A_9 = arith.constant 0 : i32
    %sign3A_10 = arith.cmpi slt, %jit3A, %sign3A_9 : i32
    %sign3A_11 = arith.extui %sign3A_10 : i1 to i32
    %sign3A_12 = arith.subi %sign3A_8, %sign3A_11 : i32
    %ne3A = arith.cmpi ne, %sign3A_5, %sign3A_12 : i32
    %rem3A = arith.remsi %arg1, %jit3A : i32
    %ne3A_13 = arith.constant 0 : i32
    %ne3A_14 = arith.cmpi ne, %rem3A, %ne3A_13 : i32
    %and3A = arith.andi %ne3A, %ne3A_14 : i1
    %sub3A = arith.constant 1 : i32
    %sub3A_15 = arith.subi %div3A, %sub3A : i32
    %select_n3A = arith.select %and3A, %sub3A_15, %div3A : i32
    %mul3A = arith.constant 2 : i32
    %mul3A_16 = arith.muli %mul3A, %select_n3A : i32
    %sub3A_17 = arith.subi %arg1, %mul3A_16 : i32
    %mul3A_18 = arith.constant 8 : i32
    %mul3A_19 = arith.muli %arg0, %mul3A_18 : i32
    %add3A = arith.addi %mul3A_19, %select_n3A : i32
    %jit3A_20 = arith.constant 2 : i32
    %div3A_21 = arith.divsi %add3A, %jit3A_20 : i32
    %sign3A_22 = arith.constant 0 : i32
    %sign3A_23 = arith.cmpi sgt, %add3A, %sign3A_22 : i32
    %sign3A_24 = arith.extui %sign3A_23 : i1 to i32
    %sign3A_25 = arith.constant 0 : i32
    %sign3A_26 = arith.cmpi slt, %add3A, %sign3A_25 : i32
    %sign3A_27 = arith.extui %sign3A_26 : i1 to i32
    %sign3A_28 = arith.subi %sign3A_24, %sign3A_27 : i32
    %sign3A_29 = arith.constant 0 : i32
    %sign3A_30 = arith.cmpi sgt, %jit3A_20, %sign3A_29 : i32
    %sign3A_31 = arith.extui %sign3A_30 : i1 to i32
    %sign3A_32 = arith.constant 0 : i32
    %sign3A_33 = arith.cmpi slt, %jit3A_20, %sign3A_32 : i32
    %sign3A_34 = arith.extui %sign3A_33 : i1 to i32
    %sign3A_35 = arith.subi %sign3A_31, %sign3A_34 : i32
    %ne3A_36 = arith.cmpi ne, %sign3A_28, %sign3A_35 : i32
    %rem3A_37 = arith.remsi %add3A, %jit3A_20 : i32
    %ne3A_38 = arith.constant 0 : i32
    %ne3A_39 = arith.cmpi ne, %rem3A_37, %ne3A_38 : i32
    %and3A_40 = arith.andi %ne3A_36, %ne3A_39 : i1
    %sub3A_41 = arith.constant 1 : i32
    %sub3A_42 = arith.subi %div3A_21, %sub3A_41 : i32
    %select_n3A_43 = arith.select %and3A_40, %sub3A_42, %div3A_21 : i32
    %mul3A_44 = arith.constant 2 : i32
    %mul3A_45 = arith.muli %mul3A_44, %select_n3A_43 : i32
    %sub3A_46 = arith.subi %add3A, %mul3A_45 : i32
    %mul3A_47 = arith.constant 3072 : i32
    %mul3A_48 = arith.muli %select_n3A_43, %mul3A_47 : i32
    %add3A_49 = arith.addi %mul3A_48, %sub3A_46 : i32
    %iota3A = tpu.iota {dimensions = array<i32: 0>} : vector<16xi32>
    %mul3A_50 = arith.constant 4 : i32
    %mul3A_51 = vector.broadcast %mul3A_50 : i32 to vector<16xi32>
    %mul3A_52 = arith.muli %iota3A, %mul3A_51 : vector<16xi32>
    %broadcast_in_dim3A = arith.constant 1.000000e+00 : f32
    %broadcast_in_dim3A_53 = vector.broadcast %broadcast_in_dim3A : f32 to vector<16xf32>
    %broadcast_in_dim3A_54 = arith.constant 0.000000e+00 : f32
    %broadcast_in_dim3A_55 = vector.broadcast %broadcast_in_dim3A_54 : f32 to vector<16xf32>
    %parallel_loop3A = arith.constant 0 : i32
    %parallel_loop3A_56 = arith.constant 4096 : i32
    %parallel_loop3A_57 = arith.constant 1 : i32
    scf.for %parallel_loop3A_548 = %parallel_loop3A to %parallel_loop3A_56 step %parallel_loop3A_57  : i32 {
      %parallel_loop3A_549 = arith.constant 8 : i32
      %parallel_loop3A_550 = arith.divsi %parallel_loop3A_548, %parallel_loop3A_549 : i32
      %parallel_loop3A_551 = arith.constant 0 : i32
      %parallel_loop3A_552 = arith.cmpi sgt, %parallel_loop3A_548, %parallel_loop3A_551 : i32
      %parallel_loop3A_553 = arith.extui %parallel_loop3A_552 : i1 to i32
      %parallel_loop3A_554 = arith.constant 0 : i32
      %parallel_loop3A_555 = arith.cmpi slt, %parallel_loop3A_548, %parallel_loop3A_554 : i32
      %parallel_loop3A_556 = arith.extui %parallel_loop3A_555 : i1 to i32
      %parallel_loop3A_557 = arith.subi %parallel_loop3A_553, %parallel_loop3A_556 : i32
      %parallel_loop3A_558 = arith.constant 0 : i32
      %parallel_loop3A_559 = arith.cmpi sgt, %parallel_loop3A_549, %parallel_loop3A_558 : i32
      %parallel_loop3A_560 = arith.extui %parallel_loop3A_559 : i1 to i32
      %parallel_loop3A_561 = arith.constant 0 : i32
      %parallel_loop3A_562 = arith.cmpi slt, %parallel_loop3A_549, %parallel_loop3A_561 : i32
      %parallel_loop3A_563 = arith.extui %parallel_loop3A_562 : i1 to i32
      %parallel_loop3A_564 = arith.subi %parallel_loop3A_560, %parallel_loop3A_563 : i32
      %parallel_loop3A_565 = arith.cmpi ne, %parallel_loop3A_557, %parallel_loop3A_564 : i32
      %parallel_loop3A_566 = arith.remsi %parallel_loop3A_548, %parallel_loop3A_549 : i32
      %parallel_loop3A_567 = arith.constant 0 : i32
      %parallel_loop3A_568 = arith.cmpi ne, %parallel_loop3A_566, %parallel_loop3A_567 : i32
      %parallel_loop3A_569 = arith.andi %parallel_loop3A_565, %parallel_loop3A_568 : i1
      %parallel_loop3A_570 = arith.constant 1 : i32
      %parallel_loop3A_571 = arith.subi %parallel_loop3A_550, %parallel_loop3A_570 : i32
      %parallel_loop3A_572 = arith.select %parallel_loop3A_569, %parallel_loop3A_571, %parallel_loop3A_550 : i32
      %parallel_loop3A_573 = arith.constant 8 : i32
      %parallel_loop3A_574 = arith.muli %parallel_loop3A_572, %parallel_loop3A_573 : i32
      %parallel_loop3A_575 = arith.subi %parallel_loop3A_548, %parallel_loop3A_574 : i32
      %parallel_loop3A_576 = arith.constant 16 : i32
      %parallel_loop3A_577 = arith.muli %parallel_loop3A_575, %parallel_loop3A_576 : i32
      %parallel_loop3A_578 = arith.index_cast %parallel_loop3A_572 : i32 to index
      %parallel_loop3A_579 = arith.index_cast %parallel_loop3A_577 : i32 to index
      %parallel_loop3A_580 = tpu.vector_load %arg5[%parallel_loop3A_578, %parallel_loop3A_579] {strides = array<i32>} : memref<512x128xf32, #tpu.memory_space<vmem>>, vector<16xf32>,
      tpu.vector_store %arg5[%parallel_loop3A_578, %parallel_loop3A_579], %broadcast_in_dim3A_55 {strides = array<i32>} : memref<512x128xf32, #tpu.memory_space<vmem>>, vector<16xf32>,
    } {sc.loop_unroll_factor = 8 : i64, sc.parallel_access}
    %add3A_58 = arith.constant 0 : i32
    %add3A_59 = arith.addi %add3A_58, %sub3A_17 : i32
    %add3A_60 = arith.constant 0 : i32
    %add3A_61 = arith.addi %add3A_49, %add3A_60 : i32
    %mul3A_62 = arith.constant 2 : i32
    %mul3A_63 = arith.muli %add3A_59, %mul3A_62 : i32
    %add3A_64 = arith.addi %add3A_61, %mul3A_63 : i32
    %add3A_65 = arith.constant 1024 : i32
    %add3A_66 = arith.addi %add3A_49, %add3A_65 : i32
    %mul3A_67 = arith.constant 2 : i32
    %mul3A_68 = arith.muli %add3A_59, %mul3A_67 : i32
    %add3A_69 = arith.addi %add3A_66, %mul3A_68 : i32
    %add3A_70 = arith.constant 2048 : i32
    %add3A_71 = arith.addi %add3A_49, %add3A_70 : i32
    %mul3A_72 = arith.constant 2 : i32
    %mul3A_73 = arith.muli %add3A_59, %mul3A_72 : i32
    %add3A_74 = arith.addi %add3A_71, %mul3A_73 : i32
    %dma_start3A = arith.constant 0 : i32
    %dma_start3A_75 = arith.constant 0 : i32
    %dma_start3A_76 = arith.constant 0 : i32
    %dma_start3A_77 = tpu.memref_slice %arg4[%dma_start3A, %dma_start3A_75, %dma_start3A_76] : memref<24x8x128xi32, #tpu.memory_space<vmem>> -> memref<1x8x128xi32, #tpu.memory_space<vmem>>
    %dma_start3A_78 = tpu.memref_squeeze %dma_start3A_77 : memref<1x8x128xi32, #tpu.memory_space<vmem>> -> memref<8x128xi32, #tpu.memory_space<vmem>>
    %dma_start3A_79 = arith.constant 0 : i32
    %dma_start3A_80 = arith.constant 0 : i32
    %dma_start3A_81 = tpu.memref_slice %arg2[%add3A_64, %dma_start3A_79, %dma_start3A_80] : memref<24576x8x128xi32, #tpu.memory_space<hbm>> -> memref<1x8x128xi32, #tpu.memory_space<hbm>>
    %dma_start3A_82 = tpu.memref_squeeze %dma_start3A_81 : memref<1x8x128xi32, #tpu.memory_space<hbm>> -> memref<8x128xi32, #tpu.memory_space<hbm>>
    %dma_start3A_83 = arith.constant 0 : i32
    %dma_start3A_84 = arith.constant 0 : i32
    %dma_start3A_85 = tpu.memref_slice %arg4[%dma_start3A, %dma_start3A_83, %dma_start3A_84] : memref<24x8x128xi32, #tpu.memory_space<vmem>> -> memref<1x8x128xi32, #tpu.memory_space<vmem>>
    %dma_start3A_86 = tpu.memref_squeeze %dma_start3A_85 : memref<1x8x128xi32, #tpu.memory_space<vmem>> -> memref<8x128xi32, #tpu.memory_space<vmem>>
    %dma_start3A_87 = arith.constant 0 : i32
    %dma_start3A_88 = arith.constant 0 : i32
    %dma_start3A_89 = tpu.memref_slice %arg2[%add3A_64, %dma_start3A_87, %dma_start3A_88] : memref<24576x8x128xi32, #tpu.memory_space<hbm>> -> memref<1x8x128xi32, #tpu.memory_space<hbm>>
    %dma_start3A_90 = tpu.memref_squeeze %dma_start3A_89 : memref<1x8x128xi32, #tpu.memory_space<hbm>> -> memref<8x128xi32, #tpu.memory_space<hbm>>
    tpu.enqueue_dma source(%dma_start3A_90 : memref<8x128xi32, #tpu.memory_space<hbm>>) target(%dma_start3A_86 : memref<8x128xi32, #tpu.memory_space<vmem>>) target_semaphore(%arg6 : memref<!tpu.dma_semaphore, #tpu.memory_space<semaphore_mem>>)
    %dma_start3A_91 = arith.constant 1 : i32
    %dma_start3A_92 = arith.constant 0 : i32
    %dma_start3A_93 = arith.constant 0 : i32
    %dma_start3A_94 = tpu.memref_slice %arg4[%dma_start3A_91, %dma_start3A_92, %dma_start3A_93] : memref<24x8x128xi32, #tpu.memory_space<vmem>> -> memref<1x8x128xi32, #tpu.memory_space<vmem>>
    %dma_start3A_95 = tpu.memref_squeeze %dma_start3A_94 : memref<1x8x128xi32, #tpu.memory_space<vmem>> -> memref<8x128xi32, #tpu.memory_space<vmem>>
    %dma_start3A_96 = arith.constant 0 : i32
    %dma_start3A_97 = arith.constant 0 : i32
    %dma_start3A_98 = tpu.memref_slice %arg2[%add3A_69, %dma_start3A_96, %dma_start3A_97] : memref<24576x8x128xi32, #tpu.memory_space<hbm>> -> memref<1x8x128xi32, #tpu.memory_space<hbm>>
    %dma_start3A_99 = tpu.memref_squeeze %dma_start3A_98 : memref<1x8x128xi32, #tpu.memory_space<hbm>> -> memref<8x128xi32, #tpu.memory_space<hbm>>
    %dma_start3A_100 = arith.constant 0 : i32
    %dma_start3A_101 = arith.constant 0 : i32
    %dma_start3A_102 = tpu.memref_slice %arg4[%dma_start3A_91, %dma_start3A_100, %dma_start3A_101] : memref<24x8x128xi32, #tpu.memory_space<vmem>> -> memref<1x8x128xi32, #tpu.memory_space<vmem>>
    %dma_start3A_103 = tpu.memref_squeeze %dma_start3A_102 : memref<1x8x128xi32, #tpu.memory_space<vmem>> -> memref<8x128xi32, #tpu.memory_space<vmem>>
    %dma_start3A_104 = arith.constant 0 : i32
    %dma_start3A_105 = arith.constant 0 : i32
    %dma_start3A_106 = tpu.memref_slice %arg2[%add3A_69, %dma_start3A_104, %dma_start3A_105] : memref<24576x8x128xi32, #tpu.memory_space<hbm>> -> memref<1x8x128xi32, #tpu.memory_space<hbm>>
    %dma_start3A_107 = tpu.memref_squeeze %dma_start3A_106 : memref<1x8x128xi32, #tpu.memory_space<hbm>> -> memref<8x128xi32, #tpu.memory_space<hbm>>
    tpu.enqueue_dma source(%dma_start3A_107 : memref<8x128xi32, #tpu.memory_space<hbm>>) target(%dma_start3A_103 : memref<8x128xi32, #tpu.memory_space<vmem>>) target_semaphore(%arg6 : memref<!tpu.dma_semaphore, #tpu.memory_space<semaphore_mem>>)
    %dma_start3A_108 = arith.constant 2 : i32
    %dma_start3A_109 = arith.constant 0 : i32
    %dma_start3A_110 = arith.constant 0 : i32
    %dma_start3A_111 = tpu.memref_slice %arg4[%dma_start3A_108, %dma_start3A_109, %dma_start3A_110] : memref<24x8x128xi32, #tpu.memory_space<vmem>> -> memref<1x8x128xi32, #tpu.memory_space<vmem>>
    %dma_start3A_112 = tpu.memref_squeeze %dma_start3A_111 : memref<1x8x128xi32, #tpu.memory_space<vmem>> -> memref<8x128xi32, #tpu.memory_space<vmem>>
    %dma_start3A_113 = arith.constant 0 : i32
    %dma_start3A_114 = arith.constant 0 : i32
    %dma_start3A_115 = tpu.memref_slice %arg2[%add3A_74, %dma_start3A_113, %dma_start3A_114] : memref<24576x8x128xi32, #tpu.memory_space<hbm>> -> memref<1x8x128xi32, #tpu.memory_space<hbm>>
    %dma_start3A_116 = tpu.memref_squeeze %dma_start3A_115 : memref<1x8x128xi32, #tpu.memory_space<hbm>> -> memref<8x128xi32, #tpu.memory_space<hbm>>
    %dma_start3A_117 = arith.constant 0 : i32
    %dma_start3A_118 = arith.constant 0 : i32
    %dma_start3A_119 = tpu.memref_slice %arg4[%dma_start3A_108, %dma_start3A_117, %dma_start3A_118] : memref<24x8x128xi32, #tpu.memory_space<vmem>> -> memref<1x8x128xi32, #tpu.memory_space<vmem>>
    %dma_start3A_120 = tpu.memref_squeeze %dma_start3A_119 : memref<1x8x128xi32, #tpu.memory_space<vmem>> -> memref<8x128xi32, #tpu.memory_space<vmem>>
    %dma_start3A_121 = arith.constant 0 : i32
    %dma_start3A_122 = arith.constant 0 : i32
    %dma_start3A_123 = tpu.memref_slice %arg2[%add3A_74, %dma_start3A_121, %dma_start3A_122] : memref<24576x8x128xi32, #tpu.memory_space<hbm>> -> memref<1x8x128xi32, #tpu.memory_space<hbm>>
    %dma_start3A_124 = tpu.memref_squeeze %dma_start3A_123 : memref<1x8x128xi32, #tpu.memory_space<hbm>> -> memref<8x128xi32, #tpu.memory_space<hbm>>
    tpu.enqueue_dma source(%dma_start3A_124 : memref<8x128xi32, #tpu.memory_space<hbm>>) target(%dma_start3A_120 : memref<8x128xi32, #tpu.memory_space<vmem>>) target_semaphore(%arg6 : memref<!tpu.dma_semaphore, #tpu.memory_space<semaphore_mem>>)
    %add3A_125 = arith.constant 2 : i32
    %add3A_126 = arith.addi %add3A_125, %sub3A_17 : i32
    %add3A_127 = arith.constant 0 : i32
    %add3A_128 = arith.addi %add3A_49, %add3A_127 : i32
    %mul3A_129 = arith.constant 2 : i32
    %mul3A_130 = arith.muli %add3A_126, %mul3A_129 : i32
    %add3A_131 = arith.addi %add3A_128, %mul3A_130 : i32
    %add3A_132 = arith.constant 1024 : i32
    %add3A_133 = arith.addi %add3A_49, %add3A_132 : i32
    %mul3A_134 = arith.constant 2 : i32
    %mul3A_135 = arith.muli %add3A_126, %mul3A_134 : i32
    %add3A_136 = arith.addi %add3A_133, %mul3A_135 : i32
    %add3A_137 = arith.constant 2048 : i32
    %add3A_138 = arith.addi %add3A_49, %add3A_137 : i32
    %mul3A_139 = arith.constant 2 : i32
    %mul3A_140 = arith.muli %add3A_126, %mul3A_139 : i32
    %add3A_141 = arith.addi %add3A_138, %mul3A_140 : i32
    %dma_start3A_142 = arith.constant 3 : i32
    %dma_start3A_143 = arith.constant 0 : i32
    %dma_start3A_144 = arith.constant 0 : i32
    %dma_start3A_145 = tpu.memref_slice %arg4[%dma_start3A_142, %dma_start3A_143, %dma_start3A_144] : memref<24x8x128xi32, #tpu.memory_space<vmem>> -> memref<1x8x128xi32, #tpu.memory_space<vmem>>
    %dma_start3A_146 = tpu.memref_squeeze %dma_start3A_145 : memref<1x8x128xi32, #tpu.memory_space<vmem>> -> memref<8x128xi32, #tpu.memory_space<vmem>>
    %dma_start3A_147 = arith.constant 0 : i32
    %dma_start3A_148 = arith.constant 0 : i32
    %dma_start3A_149 = tpu.memref_slice %arg2[%add3A_131, %dma_start3A_147, %dma_start3A_148] : memref<24576x8x128xi32, #tpu.memory_space<hbm>> -> memref<1x8x128xi32, #tpu.memory_space<hbm>>
    %dma_start3A_150 = tpu.memref_squeeze %dma_start3A_149 : memref<1x8x128xi32, #tpu.memory_space<hbm>> -> memref<8x128xi32, #tpu.memory_space<hbm>>
    %dma_start3A_151 = arith.constant 0 : i32
    %dma_start3A_152 = arith.constant 0 : i32
    %dma_start3A_153 = tpu.memref_slice %arg4[%dma_start3A_142, %dma_start3A_151, %dma_start3A_152] : memref<24x8x128xi32, #tpu.memory_space<vmem>> -> memref<1x8x128xi32, #tpu.memory_space<vmem>>
    %dma_start3A_154 = tpu.memref_squeeze %dma_start3A_153 : memref<1x8x128xi32, #tpu.memory_space<vmem>> -> memref<8x128xi32, #tpu.memory_space<vmem>>
    %dma_start3A_155 = arith.constant 0 : i32
    %dma_start3A_156 = arith.constant 0 : i32
    %dma_start3A_157 = tpu.memref_slice %arg2[%add3A_131, %dma_start3A_155, %dma_start3A_156] : memref<24576x8x128xi32, #tpu.memory_space<hbm>> -> memref<1x8x128xi32, #tpu.memory_space<hbm>>
    %dma_start3A_158 = tpu.memref_squeeze %dma_start3A_157 : memref<1x8x128xi32, #tpu.memory_space<hbm>> -> memref<8x128xi32, #tpu.memory_space<hbm>>
    tpu.enqueue_dma source(%dma_start3A_158 : memref<8x128xi32, #tpu.memory_space<hbm>>) target(%dma_start3A_154 : memref<8x128xi32, #tpu.memory_space<vmem>>) target_semaphore(%arg7 : memref<!tpu.dma_semaphore, #tpu.memory_space<semaphore_mem>>)
    %dma_start3A_159 = arith.constant 4 : i32
    %dma_start3A_160 = arith.constant 0 : i32
    %dma_start3A_161 = arith.constant 0 : i32
    %dma_start3A_162 = tpu.memref_slice %arg4[%dma_start3A_159, %dma_start3A_160, %dma_start3A_161] : memref<24x8x128xi32, #tpu.memory_space<vmem>> -> memref<1x8x128xi32, #tpu.memory_space<vmem>>
    %dma_start3A_163 = tpu.memref_squeeze %dma_start3A_162 : memref<1x8x128xi32, #tpu.memory_space<vmem>> -> memref<8x128xi32, #tpu.memory_space<vmem>>
    %dma_start3A_164 = arith.constant 0 : i32
    %dma_start3A_165 = arith.constant 0 : i32
    %dma_start3A_166 = tpu.memref_slice %arg2[%add3A_136, %dma_start3A_164, %dma_start3A_165] : memref<24576x8x128xi32, #tpu.memory_space<hbm>> -> memref<1x8x128xi32, #tpu.memory_space<hbm>>
    %dma_start3A_167 = tpu.memref_squeeze %dma_start3A_166 : memref<1x8x128xi32, #tpu.memory_space<hbm>> -> memref<8x128xi32, #tpu.memory_space<hbm>>
    %dma_start3A_168 = arith.constant 0 : i32
    %dma_start3A_169 = arith.constant 0 : i32
    %dma_start3A_170 = tpu.memref_slice %arg4[%dma_start3A_159, %dma_start3A_168, %dma_start3A_169] : memref<24x8x128xi32, #tpu.memory_space<vmem>> -> memref<1x8x128xi32, #tpu.memory_space<vmem>>
    %dma_start3A_171 = tpu.memref_squeeze %dma_start3A_170 : memref<1x8x128xi32, #tpu.memory_space<vmem>> -> memref<8x128xi32, #tpu.memory_space<vmem>>
    %dma_start3A_172 = arith.constant 0 : i32
    %dma_start3A_173 = arith.constant 0 : i32
    %dma_start3A_174 = tpu.memref_slice %arg2[%add3A_136, %dma_start3A_172, %dma_start3A_173] : memref<24576x8x128xi32, #tpu.memory_space<hbm>> -> memref<1x8x128xi32, #tpu.memory_space<hbm>>
    %dma_start3A_175 = tpu.memref_squeeze %dma_start3A_174 : memref<1x8x128xi32, #tpu.memory_space<hbm>> -> memref<8x128xi32, #tpu.memory_space<hbm>>
    tpu.enqueue_dma source(%dma_start3A_175 : memref<8x128xi32, #tpu.memory_space<hbm>>) target(%dma_start3A_171 : memref<8x128xi32, #tpu.memory_space<vmem>>) target_semaphore(%arg7 : memref<!tpu.dma_semaphore, #tpu.memory_space<semaphore_mem>>)
    %dma_start3A_176 = arith.constant 5 : i32
    %dma_start3A_177 = arith.constant 0 : i32
    %dma_start3A_178 = arith.constant 0 : i32
    %dma_start3A_179 = tpu.memref_slice %arg4[%dma_start3A_176, %dma_start3A_177, %dma_start3A_178] : memref<24x8x128xi32, #tpu.memory_space<vmem>> -> memref<1x8x128xi32, #tpu.memory_space<vmem>>
    %dma_start3A_180 = tpu.memref_squeeze %dma_start3A_179 : memref<1x8x128xi32, #tpu.memory_space<vmem>> -> memref<8x128xi32, #tpu.memory_space<vmem>>
    %dma_start3A_181 = arith.constant 0 : i32
    %dma_start3A_182 = arith.constant 0 : i32
    %dma_start3A_183 = tpu.memref_slice %arg2[%add3A_141, %dma_start3A_181, %dma_start3A_182] : memref<24576x8x128xi32, #tpu.memory_space<hbm>> -> memref<1x8x128xi32, #tpu.memory_space<hbm>>
    %dma_start3A_184 = tpu.memref_squeeze %dma_start3A_183 : memref<1x8x128xi32, #tpu.memory_space<hbm>> -> memref<8x128xi32, #tpu.memory_space<hbm>>
    %dma_start3A_185 = arith.constant 0 : i32
    %dma_start3A_186 = arith.constant 0 : i32
    %dma_start3A_187 = tpu.memref_slice %arg4[%dma_start3A_176, %dma_start3A_185, %dma_start3A_186] : memref<24x8x128xi32, #tpu.memory_space<vmem>> -> memref<1x8x128xi32, #tpu.memory_space<vmem>>
    %dma_start3A_188 = tpu.memref_squeeze %dma_start3A_187 : memref<1x8x128xi32, #tpu.memory_space<vmem>> -> memref<8x128xi32, #tpu.memory_space<vmem>>
    %dma_start3A_189 = arith.constant 0 : i32
    %dma_start3A_190 = arith.constant 0 : i32
    %dma_start3A_191 = tpu.memref_slice %arg2[%add3A_141, %dma_start3A_189, %dma_start3A_190] : memref<24576x8x128xi32, #tpu.memory_space<hbm>> -> memref<1x8x128xi32, #tpu.memory_space<hbm>>
    %dma_start3A_192 = tpu.memref_squeeze %dma_start3A_191 : memref<1x8x128xi32, #tpu.memory_space<hbm>> -> memref<8x128xi32, #tpu.memory_space<hbm>>
    tpu.enqueue_dma source(%dma_start3A_192 : memref<8x128xi32, #tpu.memory_space<hbm>>) target(%dma_start3A_188 : memref<8x128xi32, #tpu.memory_space<vmem>>) target_semaphore(%arg7 : memref<!tpu.dma_semaphore, #tpu.memory_space<semaphore_mem>>)
    %add3A_193 = arith.constant 4 : i32
    %add3A_194 = arith.addi %add3A_193, %sub3A_17 : i32
    %add3A_195 = arith.constant 0 : i32
    %add3A_196 = arith.addi %add3A_49, %add3A_195 : i32
    %mul3A_197 = arith.constant 2 : i32
    %mul3A_198 = arith.muli %add3A_194, %mul3A_197 : i32
    %add3A_199 = arith.addi %add3A_196, %mul3A_198 : i32
    %add3A_200 = arith.constant 1024 : i32
    %add3A_201 = arith.addi %add3A_49, %add3A_200 : i32
    %mul3A_202 = arith.constant 2 : i32
    %mul3A_203 = arith.muli %add3A_194, %mul3A_202 : i32
    %add3A_204 = arith.addi %add3A_201, %mul3A_203 : i32
    %add3A_205 = arith.constant 2048 : i32
    %add3A_206 = arith.addi %add3A_49, %add3A_205 : i32
    %mul3A_207 = arith.constant 2 : i32
    %mul3A_208 = arith.muli %add3A_194, %mul3A_207 : i32
    %add3A_209 = arith.addi %add3A_206, %mul3A_208 : i32
    %dma_start3A_210 = arith.constant 6 : i32
    %dma_start3A_211 = arith.constant 0 : i32
    %dma_start3A_212 = arith.constant 0 : i32
    %dma_start3A_213 = tpu.memref_slice %arg4[%dma_start3A_210, %dma_start3A_211, %dma_start3A_212] : memref<24x8x128xi32, #tpu.memory_space<vmem>> -> memref<1x8x128xi32, #tpu.memory_space<vmem>>
    %dma_start3A_214 = tpu.memref_squeeze %dma_start3A_213 : memref<1x8x128xi32, #tpu.memory_space<vmem>> -> memref<8x128xi32, #tpu.memory_space<vmem>>
    %dma_start3A_215 = arith.constant 0 : i32
    %dma_start3A_216 = arith.constant 0 : i32
    %dma_start3A_217 = tpu.memref_slice %arg2[%add3A_199, %dma_start3A_215, %dma_start3A_216] : memref<24576x8x128xi32, #tpu.memory_space<hbm>> -> memref<1x8x128xi32, #tpu.memory_space<hbm>>
    %dma_start3A_218 = tpu.memref_squeeze %dma_start3A_217 : memref<1x8x128xi32, #tpu.memory_space<hbm>> -> memref<8x128xi32, #tpu.memory_space<hbm>>
    %dma_start3A_219 = arith.constant 0 : i32
    %dma_start3A_220 = arith.constant 0 : i32
    %dma_start3A_221 = tpu.memref_slice %arg4[%dma_start3A_210, %dma_start3A_219, %dma_start3A_220] : memref<24x8x128xi32, #tpu.memory_space<vmem>> -> memref<1x8x128xi32, #tpu.memory_space<vmem>>
    %dma_start3A_222 = tpu.memref_squeeze %dma_start3A_221 : memref<1x8x128xi32, #tpu.memory_space<vmem>> -> memref<8x128xi32, #tpu.memory_space<vmem>>
    %dma_start3A_223 = arith.constant 0 : i32
    %dma_start3A_224 = arith.constant 0 : i32
    %dma_start3A_225 = tpu.memref_slice %arg2[%add3A_199, %dma_start3A_223, %dma_start3A_224] : memref<24576x8x128xi32, #tpu.memory_space<hbm>> -> memref<1x8x128xi32, #tpu.memory_space<hbm>>
    %dma_start3A_226 = tpu.memref_squeeze %dma_start3A_225 : memref<1x8x128xi32, #tpu.memory_space<hbm>> -> memref<8x128xi32, #tpu.memory_space<hbm>>
    tpu.enqueue_dma source(%dma_start3A_226 : memref<8x128xi32, #tpu.memory_space<hbm>>) target(%dma_start3A_222 : memref<8x128xi32, #tpu.memory_space<vmem>>) target_semaphore(%arg8 : memref<!tpu.dma_semaphore, #tpu.memory_space<semaphore_mem>>)
    %dma_start3A_227 = arith.constant 7 : i32
    %dma_start3A_228 = arith.constant 0 : i32
    %dma_start3A_229 = arith.constant 0 : i32
    %dma_start3A_230 = tpu.memref_slice %arg4[%dma_start3A_227, %dma_start3A_228, %dma_start3A_229] : memref<24x8x128xi32, #tpu.memory_space<vmem>> -> memref<1x8x128xi32, #tpu.memory_space<vmem>>
    %dma_start3A_231 = tpu.memref_squeeze %dma_start3A_230 : memref<1x8x128xi32, #tpu.memory_space<vmem>> -> memref<8x128xi32, #tpu.memory_space<vmem>>
    %dma_start3A_232 = arith.constant 0 : i32
    %dma_start3A_233 = arith.constant 0 : i32
    %dma_start3A_234 = tpu.memref_slice %arg2[%add3A_204, %dma_start3A_232, %dma_start3A_233] : memref<24576x8x128xi32, #tpu.memory_space<hbm>> -> memref<1x8x128xi32, #tpu.memory_space<hbm>>
    %dma_start3A_235 = tpu.memref_squeeze %dma_start3A_234 : memref<1x8x128xi32, #tpu.memory_space<hbm>> -> memref<8x128xi32, #tpu.memory_space<hbm>>
    %dma_start3A_236 = arith.constant 0 : i32
    %dma_start3A_237 = arith.constant 0 : i32
    %dma_start3A_238 = tpu.memref_slice %arg4[%dma_start3A_227, %dma_start3A_236, %dma_start3A_237] : memref<24x8x128xi32, #tpu.memory_space<vmem>> -> memref<1x8x128xi32, #tpu.memory_space<vmem>>
    %dma_start3A_239 = tpu.memref_squeeze %dma_start3A_238 : memref<1x8x128xi32, #tpu.memory_space<vmem>> -> memref<8x128xi32, #tpu.memory_space<vmem>>
    %dma_start3A_240 = arith.constant 0 : i32
    %dma_start3A_241 = arith.constant 0 : i32
    %dma_start3A_242 = tpu.memref_slice %arg2[%add3A_204, %dma_start3A_240, %dma_start3A_241] : memref<24576x8x128xi32, #tpu.memory_space<hbm>> -> memref<1x8x128xi32, #tpu.memory_space<hbm>>
    %dma_start3A_243 = tpu.memref_squeeze %dma_start3A_242 : memref<1x8x128xi32, #tpu.memory_space<hbm>> -> memref<8x128xi32, #tpu.memory_space<hbm>>
    tpu.enqueue_dma source(%dma_start3A_243 : memref<8x128xi32, #tpu.memory_space<hbm>>) target(%dma_start3A_239 : memref<8x128xi32, #tpu.memory_space<vmem>>) target_semaphore(%arg8 : memref<!tpu.dma_semaphore, #tpu.memory_space<semaphore_mem>>)
    %dma_start3A_244 = arith.constant 8 : i32
    %dma_start3A_245 = arith.constant 0 : i32
    %dma_start3A_246 = arith.constant 0 : i32
    %dma_start3A_247 = tpu.memref_slice %arg4[%dma_start3A_244, %dma_start3A_245, %dma_start3A_246] : memref<24x8x128xi32, #tpu.memory_space<vmem>> -> memref<1x8x128xi32, #tpu.memory_space<vmem>>
    %dma_start3A_248 = tpu.memref_squeeze %dma_start3A_247 : memref<1x8x128xi32, #tpu.memory_space<vmem>> -> memref<8x128xi32, #tpu.memory_space<vmem>>
    %dma_start3A_249 = arith.constant 0 : i32
    %dma_start3A_250 = arith.constant 0 : i32
    %dma_start3A_251 = tpu.memref_slice %arg2[%add3A_209, %dma_start3A_249, %dma_start3A_250] : memref<24576x8x128xi32, #tpu.memory_space<hbm>> -> memref<1x8x128xi32, #tpu.memory_space<hbm>>
    %dma_start3A_252 = tpu.memref_squeeze %dma_start3A_251 : memref<1x8x128xi32, #tpu.memory_space<hbm>> -> memref<8x128xi32, #tpu.memory_space<hbm>>
    %dma_start3A_253 = arith.constant 0 : i32
    %dma_start3A_254 = arith.constant 0 : i32
    %dma_start3A_255 = tpu.memref_slice %arg4[%dma_start3A_244, %dma_start3A_253, %dma_start3A_254] : memref<24x8x128xi32, #tpu.memory_space<vmem>> -> memref<1x8x128xi32, #tpu.memory_space<vmem>>
    %dma_start3A_256 = tpu.memref_squeeze %dma_start3A_255 : memref<1x8x128xi32, #tpu.memory_space<vmem>> -> memref<8x128xi32, #tpu.memory_space<vmem>>
    %dma_start3A_257 = arith.constant 0 : i32
    %dma_start3A_258 = arith.constant 0 : i32
    %dma_start3A_259 = tpu.memref_slice %arg2[%add3A_209, %dma_start3A_257, %dma_start3A_258] : memref<24576x8x128xi32, #tpu.memory_space<hbm>> -> memref<1x8x128xi32, #tpu.memory_space<hbm>>
    %dma_start3A_260 = tpu.memref_squeeze %dma_start3A_259 : memref<1x8x128xi32, #tpu.memory_space<hbm>> -> memref<8x128xi32, #tpu.memory_space<hbm>>
    tpu.enqueue_dma source(%dma_start3A_260 : memref<8x128xi32, #tpu.memory_space<hbm>>) target(%dma_start3A_256 : memref<8x128xi32, #tpu.memory_space<vmem>>) target_semaphore(%arg8 : memref<!tpu.dma_semaphore, #tpu.memory_space<semaphore_mem>>)
    %add3A_261 = arith.constant 6 : i32
    %add3A_262 = arith.addi %add3A_261, %sub3A_17 : i32
    %add3A_263 = arith.constant 0 : i32
    %add3A_264 = arith.addi %add3A_49, %add3A_263 : i32
    %mul3A_265 = arith.constant 2 : i32
    %mul3A_266 = arith.muli %add3A_262, %mul3A_265 : i32
    %add3A_267 = arith.addi %add3A_264, %mul3A_266 : i32
    %add3A_268 = arith.constant 1024 : i32
    %add3A_269 = arith.addi %add3A_49, %add3A_268 : i32
    %mul3A_270 = arith.constant 2 : i32
    %mul3A_271 = arith.muli %add3A_262, %mul3A_270 : i32
    %add3A_272 = arith.addi %add3A_269, %mul3A_271 : i32
    %add3A_273 = arith.constant 2048 : i32
    %add3A_274 = arith.addi %add3A_49, %add3A_273 : i32
    %mul3A_275 = arith.constant 2 : i32
    %mul3A_276 = arith.muli %add3A_262, %mul3A_275 : i32
    %add3A_277 = arith.addi %add3A_274, %mul3A_276 : i32
    %dma_start3A_278 = arith.constant 9 : i32
    %dma_start3A_279 = arith.constant 0 : i32
    %dma_start3A_280 = arith.constant 0 : i32
    %dma_start3A_281 = tpu.memref_slice %arg4[%dma_start3A_278, %dma_start3A_279, %dma_start3A_280] : memref<24x8x128xi32, #tpu.memory_space<vmem>> -> memref<1x8x128xi32, #tpu.memory_space<vmem>>
    %dma_start3A_282 = tpu.memref_squeeze %dma_start3A_281 : memref<1x8x128xi32, #tpu.memory_space<vmem>> -> memref<8x128xi32, #tpu.memory_space<vmem>>
    %dma_start3A_283 = arith.constant 0 : i32
    %dma_start3A_284 = arith.constant 0 : i32
    %dma_start3A_285 = tpu.memref_slice %arg2[%add3A_267, %dma_start3A_283, %dma_start3A_284] : memref<24576x8x128xi32, #tpu.memory_space<hbm>> -> memref<1x8x128xi32, #tpu.memory_space<hbm>>
    %dma_start3A_286 = tpu.memref_squeeze %dma_start3A_285 : memref<1x8x128xi32, #tpu.memory_space<hbm>> -> memref<8x128xi32, #tpu.memory_space<hbm>>
    %dma_start3A_287 = arith.constant 0 : i32
    %dma_start3A_288 = arith.constant 0 : i32
    %dma_start3A_289 = tpu.memref_slice %arg4[%dma_start3A_278, %dma_start3A_287, %dma_start3A_288] : memref<24x8x128xi32, #tpu.memory_space<vmem>> -> memref<1x8x128xi32, #tpu.memory_space<vmem>>
    %dma_start3A_290 = tpu.memref_squeeze %dma_start3A_289 : memref<1x8x128xi32, #tpu.memory_space<vmem>> -> memref<8x128xi32, #tpu.memory_space<vmem>>
    %dma_start3A_291 = arith.constant 0 : i32
    %dma_start3A_292 = arith.constant 0 : i32
    %dma_start3A_293 = tpu.memref_slice %arg2[%add3A_267, %dma_start3A_291, %dma_start3A_292] : memref<24576x8x128xi32, #tpu.memory_space<hbm>> -> memref<1x8x128xi32, #tpu.memory_space<hbm>>
    %dma_start3A_294 = tpu.memref_squeeze %dma_start3A_293 : memref<1x8x128xi32, #tpu.memory_space<hbm>> -> memref<8x128xi32, #tpu.memory_space<hbm>>
    tpu.enqueue_dma source(%dma_start3A_294 : memref<8x128xi32, #tpu.memory_space<hbm>>) target(%dma_start3A_290 : memref<8x128xi32, #tpu.memory_space<vmem>>) target_semaphore(%arg9 : memref<!tpu.dma_semaphore, #tpu.memory_space<semaphore_mem>>)
    %dma_start3A_295 = arith.constant 10 : i32
    %dma_start3A_296 = arith.constant 0 : i32
    %dma_start3A_297 = arith.constant 0 : i32
    %dma_start3A_298 = tpu.memref_slice %arg4[%dma_start3A_295, %dma_start3A_296, %dma_start3A_297] : memref<24x8x128xi32, #tpu.memory_space<vmem>> -> memref<1x8x128xi32, #tpu.memory_space<vmem>>
    %dma_start3A_299 = tpu.memref_squeeze %dma_start3A_298 : memref<1x8x128xi32, #tpu.memory_space<vmem>> -> memref<8x128xi32, #tpu.memory_space<vmem>>
    %dma_start3A_300 = arith.constant 0 : i32
    %dma_start3A_301 = arith.constant 0 : i32
    %dma_start3A_302 = tpu.memref_slice %arg2[%add3A_272, %dma_start3A_300, %dma_start3A_301] : memref<24576x8x128xi32, #tpu.memory_space<hbm>> -> memref<1x8x128xi32, #tpu.memory_space<hbm>>
    %dma_start3A_303 = tpu.memref_squeeze %dma_start3A_302 : memref<1x8x128xi32, #tpu.memory_space<hbm>> -> memref<8x128xi32, #tpu.memory_space<hbm>>
    %dma_start3A_304 = arith.constant 0 : i32
    %dma_start3A_305 = arith.constant 0 : i32
    %dma_start3A_306 = tpu.memref_slice %arg4[%dma_start3A_295, %dma_start3A_304, %dma_start3A_305] : memref<24x8x128xi32, #tpu.memory_space<vmem>> -> memref<1x8x128xi32, #tpu.memory_space<vmem>>
    %dma_start3A_307 = tpu.memref_squeeze %dma_start3A_306 : memref<1x8x128xi32, #tpu.memory_space<vmem>> -> memref<8x128xi32, #tpu.memory_space<vmem>>
    %dma_start3A_308 = arith.constant 0 : i32
    %dma_start3A_309 = arith.constant 0 : i32
    %dma_start3A_310 = tpu.memref_slice %arg2[%add3A_272, %dma_start3A_308, %dma_start3A_309] : memref<24576x8x128xi32, #tpu.memory_space<hbm>> -> memref<1x8x128xi32, #tpu.memory_space<hbm>>
    %dma_start3A_311 = tpu.memref_squeeze %dma_start3A_310 : memref<1x8x128xi32, #tpu.memory_space<hbm>> -> memref<8x128xi32, #tpu.memory_space<hbm>>
    tpu.enqueue_dma source(%dma_start3A_311 : memref<8x128xi32, #tpu.memory_space<hbm>>) target(%dma_start3A_307 : memref<8x128xi32, #tpu.memory_space<vmem>>) target_semaphore(%arg9 : memref<!tpu.dma_semaphore, #tpu.memory_space<semaphore_mem>>)
    %dma_start3A_312 = arith.constant 11 : i32
    %dma_start3A_313 = arith.constant 0 : i32
    %dma_start3A_314 = arith.constant 0 : i32
    %dma_start3A_315 = tpu.memref_slice %arg4[%dma_start3A_312, %dma_start3A_313, %dma_start3A_314] : memref<24x8x128xi32, #tpu.memory_space<vmem>> -> memref<1x8x128xi32, #tpu.memory_space<vmem>>
    %dma_start3A_316 = tpu.memref_squeeze %dma_start3A_315 : memref<1x8x128xi32, #tpu.memory_space<vmem>> -> memref<8x128xi32, #tpu.memory_space<vmem>>
    %dma_start3A_317 = arith.constant 0 : i32
    %dma_start3A_318 = arith.constant 0 : i32
    %dma_start3A_319 = tpu.memref_slice %arg2[%add3A_277, %dma_start3A_317, %dma_start3A_318] : memref<24576x8x128xi32, #tpu.memory_space<hbm>> -> memref<1x8x128xi32, #tpu.memory_space<hbm>>
    %dma_start3A_320 = tpu.memref_squeeze %dma_start3A_319 : memref<1x8x128xi32, #tpu.memory_space<hbm>> -> memref<8x128xi32, #tpu.memory_space<hbm>>
    %dma_start3A_321 = arith.constant 0 : i32
    %dma_start3A_322 = arith.constant 0 : i32
    %dma_start3A_323 = tpu.memref_slice %arg4[%dma_start3A_312, %dma_start3A_321, %dma_start3A_322] : memref<24x8x128xi32, #tpu.memory_space<vmem>> -> memref<1x8x128xi32, #tpu.memory_space<vmem>>
    %dma_start3A_324 = tpu.memref_squeeze %dma_start3A_323 : memref<1x8x128xi32, #tpu.memory_space<vmem>> -> memref<8x128xi32, #tpu.memory_space<vmem>>
    %dma_start3A_325 = arith.constant 0 : i32
    %dma_start3A_326 = arith.constant 0 : i32
    %dma_start3A_327 = tpu.memref_slice %arg2[%add3A_277, %dma_start3A_325, %dma_start3A_326] : memref<24576x8x128xi32, #tpu.memory_space<hbm>> -> memref<1x8x128xi32, #tpu.memory_space<hbm>>
    %dma_start3A_328 = tpu.memref_squeeze %dma_start3A_327 : memref<1x8x128xi32, #tpu.memory_space<hbm>> -> memref<8x128xi32, #tpu.memory_space<hbm>>
    tpu.enqueue_dma source(%dma_start3A_328 : memref<8x128xi32, #tpu.memory_space<hbm>>) target(%dma_start3A_324 : memref<8x128xi32, #tpu.memory_space<vmem>>) target_semaphore(%arg9 : memref<!tpu.dma_semaphore, #tpu.memory_space<semaphore_mem>>)
    %add3A_329 = arith.constant 8 : i32
    %add3A_330 = arith.addi %add3A_329, %sub3A_17 : i32
    %add3A_331 = arith.constant 0 : i32
    %add3A_332 = arith.addi %add3A_49, %add3A_331 : i32
    %mul3A_333 = arith.constant 2 : i32
    %mul3A_334 = arith.muli %add3A_330, %mul3A_333 : i32
    %add3A_335 = arith.addi %add3A_332, %mul3A_334 : i32
    %add3A_336 = arith.constant 1024 : i32
    %add3A_337 = arith.addi %add3A_49, %add3A_336 : i32
    %mul3A_338 = arith.constant 2 : i32
    %mul3A_339 = arith.muli %add3A_330, %mul3A_338 : i32
    %add3A_340 = arith.addi %add3A_337, %mul3A_339 : i32
    %add3A_341 = arith.constant 2048 : i32
    %add3A_342 = arith.addi %add3A_49, %add3A_341 : i32
    %mul3A_343 = arith.constant 2 : i32
    %mul3A_344 = arith.muli %add3A_330, %mul3A_343 : i32
    %add3A_345 = arith.addi %add3A_342, %mul3A_344 : i32
    %dma_start3A_346 = arith.constant 12 : i32
    %dma_start3A_347 = arith.constant 0 : i32
    %dma_start3A_348 = arith.constant 0 : i32
    %dma_start3A_349 = tpu.memref_slice %arg4[%dma_start3A_346, %dma_start3A_347, %dma_start3A_348] : memref<24x8x128xi32, #tpu.memory_space<vmem>> -> memref<1x8x128xi32, #tpu.memory_space<vmem>>
    %dma_start3A_350 = tpu.memref_squeeze %dma_start3A_349 : memref<1x8x128xi32, #tpu.memory_space<vmem>> -> memref<8x128xi32, #tpu.memory_space<vmem>>
    %dma_start3A_351 = arith.constant 0 : i32
    %dma_start3A_352 = arith.constant 0 : i32
    %dma_start3A_353 = tpu.memref_slice %arg2[%add3A_335, %dma_start3A_351, %dma_start3A_352] : memref<24576x8x128xi32, #tpu.memory_space<hbm>> -> memref<1x8x128xi32, #tpu.memory_space<hbm>>
    %dma_start3A_354 = tpu.memref_squeeze %dma_start3A_353 : memref<1x8x128xi32, #tpu.memory_space<hbm>> -> memref<8x128xi32, #tpu.memory_space<hbm>>
    %dma_start3A_355 = arith.constant 0 : i32
    %dma_start3A_356 = arith.constant 0 : i32
    %dma_start3A_357 = tpu.memref_slice %arg4[%dma_start3A_346, %dma_start3A_355, %dma_start3A_356] : memref<24x8x128xi32, #tpu.memory_space<vmem>> -> memref<1x8x128xi32, #tpu.memory_space<vmem>>
    %dma_start3A_358 = tpu.memref_squeeze %dma_start3A_357 : memref<1x8x128xi32, #tpu.memory_space<vmem>> -> memref<8x128xi32, #tpu.memory_space<vmem>>
    %dma_start3A_359 = arith.constant 0 : i32
    %dma_start3A_360 = arith.constant 0 : i32
    %dma_start3A_361 = tpu.memref_slice %arg2[%add3A_335, %dma_start3A_359, %dma_start3A_360] : memref<24576x8x128xi32, #tpu.memory_space<hbm>> -> memref<1x8x128xi32, #tpu.memory_space<hbm>>
    %dma_start3A_362 = tpu.memref_squeeze %dma_start3A_361 : memref<1x8x128xi32, #tpu.memory_space<hbm>> -> memref<8x128xi32, #tpu.memory_space<hbm>>
    tpu.enqueue_dma source(%dma_start3A_362 : memref<8x128xi32, #tpu.memory_space<hbm>>) target(%dma_start3A_358 : memref<8x128xi32, #tpu.memory_space<vmem>>) target_semaphore(%arg10 : memref<!tpu.dma_semaphore, #tpu.memory_space<semaphore_mem>>)
    %dma_start3A_363 = arith.constant 13 : i32
    %dma_start3A_364 = arith.constant 0 : i32
    %dma_start3A_365 = arith.constant 0 : i32
    %dma_start3A_366 = tpu.memref_slice %arg4[%dma_start3A_363, %dma_start3A_364, %dma_start3A_365] : memref<24x8x128xi32, #tpu.memory_space<vmem>> -> memref<1x8x128xi32, #tpu.memory_space<vmem>>
    %dma_start3A_367 = tpu.memref_squeeze %dma_start3A_366 : memref<1x8x128xi32, #tpu.memory_space<vmem>> -> memref<8x128xi32, #tpu.memory_space<vmem>>
    %dma_start3A_368 = arith.constant 0 : i32
    %dma_start3A_369 = arith.constant 0 : i32
    %dma_start3A_370 = tpu.memref_slice %arg2[%add3A_340, %dma_start3A_368, %dma_start3A_369] : memref<24576x8x128xi32, #tpu.memory_space<hbm>> -> memref<1x8x128xi32, #tpu.memory_space<hbm>>
    %dma_start3A_371 = tpu.memref_squeeze %dma_start3A_370 : memref<1x8x128xi32, #tpu.memory_space<hbm>> -> memref<8x128xi32, #tpu.memory_space<hbm>>
    %dma_start3A_372 = arith.constant 0 : i32
    %dma_start3A_373 = arith.constant 0 : i32
    %dma_start3A_374 = tpu.memref_slice %arg4[%dma_start3A_363, %dma_start3A_372, %dma_start3A_373] : memref<24x8x128xi32, #tpu.memory_space<vmem>> -> memref<1x8x128xi32, #tpu.memory_space<vmem>>
    %dma_start3A_375 = tpu.memref_squeeze %dma_start3A_374 : memref<1x8x128xi32, #tpu.memory_space<vmem>> -> memref<8x128xi32, #tpu.memory_space<vmem>>
    %dma_start3A_376 = arith.constant 0 : i32
    %dma_start3A_377 = arith.constant 0 : i32
    %dma_start3A_378 = tpu.memref_slice %arg2[%add3A_340, %dma_start3A_376, %dma_start3A_377] : memref<24576x8x128xi32, #tpu.memory_space<hbm>> -> memref<1x8x128xi32, #tpu.memory_space<hbm>>
    %dma_start3A_379 = tpu.memref_squeeze %dma_start3A_378 : memref<1x8x128xi32, #tpu.memory_space<hbm>> -> memref<8x128xi32, #tpu.memory_space<hbm>>
    tpu.enqueue_dma source(%dma_start3A_379 : memref<8x128xi32, #tpu.memory_space<hbm>>) target(%dma_start3A_375 : memref<8x128xi32, #tpu.memory_space<vmem>>) target_semaphore(%arg10 : memref<!tpu.dma_semaphore, #tpu.memory_space<semaphore_mem>>)
    %dma_start3A_380 = arith.constant 14 : i32
    %dma_start3A_381 = arith.constant 0 : i32
    %dma_start3A_382 = arith.constant 0 : i32
    %dma_start3A_383 = tpu.memref_slice %arg4[%dma_start3A_380, %dma_start3A_381, %dma_start3A_382] : memref<24x8x128xi32, #tpu.memory_space<vmem>> -> memref<1x8x128xi32, #tpu.memory_space<vmem>>
    %dma_start3A_384 = tpu.memref_squeeze %dma_start3A_383 : memref<1x8x128xi32, #tpu.memory_space<vmem>> -> memref<8x128xi32, #tpu.memory_space<vmem>>
    %dma_start3A_385 = arith.constant 0 : i32
    %dma_start3A_386 = arith.constant 0 : i32
    %dma_start3A_387 = tpu.memref_slice %arg2[%add3A_345, %dma_start3A_385, %dma_start3A_386] : memref<24576x8x128xi32, #tpu.memory_space<hbm>> -> memref<1x8x128xi32, #tpu.memory_space<hbm>>
    %dma_start3A_388 = tpu.memref_squeeze %dma_start3A_387 : memref<1x8x128xi32, #tpu.memory_space<hbm>> -> memref<8x128xi32, #tpu.memory_space<hbm>>
    %dma_start3A_389 = arith.constant 0 : i32
    %dma_start3A_390 = arith.constant 0 : i32
    %dma_start3A_391 = tpu.memref_slice %arg4[%dma_start3A_380, %dma_start3A_389, %dma_start3A_390] : memref<24x8x128xi32, #tpu.memory_space<vmem>> -> memref<1x8x128xi32, #tpu.memory_space<vmem>>
    %dma_start3A_392 = tpu.memref_squeeze %dma_start3A_391 : memref<1x8x128xi32, #tpu.memory_space<vmem>> -> memref<8x128xi32, #tpu.memory_space<vmem>>
    %dma_start3A_393 = arith.constant 0 : i32
    %dma_start3A_394 = arith.constant 0 : i32
    %dma_start3A_395 = tpu.memref_slice %arg2[%add3A_345, %dma_start3A_393, %dma_start3A_394] : memref<24576x8x128xi32, #tpu.memory_space<hbm>> -> memref<1x8x128xi32, #tpu.memory_space<hbm>>
    %dma_start3A_396 = tpu.memref_squeeze %dma_start3A_395 : memref<1x8x128xi32, #tpu.memory_space<hbm>> -> memref<8x128xi32, #tpu.memory_space<hbm>>
    tpu.enqueue_dma source(%dma_start3A_396 : memref<8x128xi32, #tpu.memory_space<hbm>>) target(%dma_start3A_392 : memref<8x128xi32, #tpu.memory_space<vmem>>) target_semaphore(%arg10 : memref<!tpu.dma_semaphore, #tpu.memory_space<semaphore_mem>>)
    %add3A_397 = arith.constant 10 : i32
    %add3A_398 = arith.addi %add3A_397, %sub3A_17 : i32
    %add3A_399 = arith.constant 0 : i32
    %add3A_400 = arith.addi %add3A_49, %add3A_399 : i32
    %mul3A_401 = arith.constant 2 : i32
    %mul3A_402 = arith.muli %add3A_398, %mul3A_401 : i32
    %add3A_403 = arith.addi %add3A_400, %mul3A_402 : i32
    %add3A_404 = arith.constant 1024 : i32
    %add3A_405 = arith.addi %add3A_49, %add3A_404 : i32
    %mul3A_406 = arith.constant 2 : i32
    %mul3A_407 = arith.muli %add3A_398, %mul3A_406 : i32
    %add3A_408 = arith.addi %add3A_405, %mul3A_407 : i32
    %add3A_409 = arith.constant 2048 : i32
    %add3A_410 = arith.addi %add3A_49, %add3A_409 : i32
    %mul3A_411 = arith.constant 2 : i32
    %mul3A_412 = arith.muli %add3A_398, %mul3A_411 : i32
    %add3A_413 = arith.addi %add3A_410, %mul3A_412 : i32
    %dma_start3A_414 = arith.constant 15 : i32
    %dma_start3A_415 = arith.constant 0 : i32
    %dma_start3A_416 = arith.constant 0 : i32
    %dma_start3A_417 = tpu.memref_slice %arg4[%dma_start3A_414, %dma_start3A_415, %dma_start3A_416] : memref<24x8x128xi32, #tpu.memory_space<vmem>> -> memref<1x8x128xi32, #tpu.memory_space<vmem>>
    %dma_start3A_418 = tpu.memref_squeeze %dma_start3A_417 : memref<1x8x128xi32, #tpu.memory_space<vmem>> -> memref<8x128xi32, #tpu.memory_space<vmem>>
    %dma_start3A_419 = arith.constant 0 : i32
    %dma_start3A_420 = arith.constant 0 : i32
    %dma_start3A_421 = tpu.memref_slice %arg2[%add3A_403, %dma_start3A_419, %dma_start3A_420] : memref<24576x8x128xi32, #tpu.memory_space<hbm>> -> memref<1x8x128xi32, #tpu.memory_space<hbm>>
    %dma_start3A_422 = tpu.memref_squeeze %dma_start3A_421 : memref<1x8x128xi32, #tpu.memory_space<hbm>> -> memref<8x128xi32, #tpu.memory_space<hbm>>
    %dma_start3A_423 = arith.constant 0 : i32
    %dma_start3A_424 = arith.constant 0 : i32
    %dma_start3A_425 = tpu.memref_slice %arg4[%dma_start3A_414, %dma_start3A_423, %dma_start3A_424] : memref<24x8x128xi32, #tpu.memory_space<vmem>> -> memref<1x8x128xi32, #tpu.memory_space<vmem>>
    %dma_start3A_426 = tpu.memref_squeeze %dma_start3A_425 : memref<1x8x128xi32, #tpu.memory_space<vmem>> -> memref<8x128xi32, #tpu.memory_space<vmem>>
    %dma_start3A_427 = arith.constant 0 : i32
    %dma_start3A_428 = arith.constant 0 : i32
    %dma_start3A_429 = tpu.memref_slice %arg2[%add3A_403, %dma_start3A_427, %dma_start3A_428] : memref<24576x8x128xi32, #tpu.memory_space<hbm>> -> memref<1x8x128xi32, #tpu.memory_space<hbm>>
    %dma_start3A_430 = tpu.memref_squeeze %dma_start3A_429 : memref<1x8x128xi32, #tpu.memory_space<hbm>> -> memref<8x128xi32, #tpu.memory_space<hbm>>
    tpu.enqueue_dma source(%dma_start3A_430 : memref<8x128xi32, #tpu.memory_space<hbm>>) target(%dma_start3A_426 : memref<8x128xi32, #tpu.memory_space<vmem>>) target_semaphore(%arg11 : memref<!tpu.dma_semaphore, #tpu.memory_space<semaphore_mem>>)
    %dma_start3A_431 = arith.constant 16 : i32
    %dma_start3A_432 = arith.constant 0 : i32
    %dma_start3A_433 = arith.constant 0 : i32
    %dma_start3A_434 = tpu.memref_slice %arg4[%dma_start3A_431, %dma_start3A_432, %dma_start3A_433] : memref<24x8x128xi32, #tpu.memory_space<vmem>> -> memref<1x8x128xi32, #tpu.memory_space<vmem>>
    %dma_start3A_435 = tpu.memref_squeeze %dma_start3A_434 : memref<1x8x128xi32, #tpu.memory_space<vmem>> -> memref<8x128xi32, #tpu.memory_space<vmem>>
    %dma_start3A_436 = arith.constant 0 : i32
    %dma_start3A_437 = arith.constant 0 : i32
    %dma_start3A_438 = tpu.memref_slice %arg2[%add3A_408, %dma_start3A_436, %dma_start3A_437] : memref<24576x8x128xi32, #tpu.memory_space<hbm>> -> memref<1x8x128xi32, #tpu.memory_space<hbm>>
    %dma_start3A_439 = tpu.memref_squeeze %dma_start3A_438 : memref<1x8x128xi32, #tpu.memory_space<hbm>> -> memref<8x128xi32, #tpu.memory_space<hbm>>
    %dma_start3A_440 = arith.constant 0 : i32
    %dma_start3A_441 = arith.constant 0 : i32
    %dma_start3A_442 = tpu.memref_slice %arg4[%dma_start3A_431, %dma_start3A_440, %dma_start3A_441] : memref<24x8x128xi32, #tpu.memory_space<vmem>> -> memref<1x8x128xi32, #tpu.memory_space<vmem>>
    %dma_start3A_443 = tpu.memref_squeeze %dma_start3A_442 : memref<1x8x128xi32, #tpu.memory_space<vmem>> -> memref<8x128xi32, #tpu.memory_space<vmem>>
    %dma_start3A_444 = arith.constant 0 : i32
    %dma_start3A_445 = arith.constant 0 : i32
    %dma_start3A_446 = tpu.memref_slice %arg2[%add3A_408, %dma_start3A_444, %dma_start3A_445] : memref<24576x8x128xi32, #tpu.memory_space<hbm>> -> memref<1x8x128xi32, #tpu.memory_space<hbm>>
    %dma_start3A_447 = tpu.memref_squeeze %dma_start3A_446 : memref<1x8x128xi32, #tpu.memory_space<hbm>> -> memref<8x128xi32, #tpu.memory_space<hbm>>
    tpu.enqueue_dma source(%dma_start3A_447 : memref<8x128xi32, #tpu.memory_space<hbm>>) target(%dma_start3A_443 : memref<8x128xi32, #tpu.memory_space<vmem>>) target_semaphore(%arg11 : memref<!tpu.dma_semaphore, #tpu.memory_space<semaphore_mem>>)
    %dma_start3A_448 = arith.constant 17 : i32
    %dma_start3A_449 = arith.constant 0 : i32
    %dma_start3A_450 = arith.constant 0 : i32
    %dma_start3A_451 = tpu.memref_slice %arg4[%dma_start3A_448, %dma_start3A_449, %dma_start3A_450] : memref<24x8x128xi32, #tpu.memory_space<vmem>> -> memref<1x8x128xi32, #tpu.memory_space<vmem>>
    %dma_start3A_452 = tpu.memref_squeeze %dma_start3A_451 : memref<1x8x128xi32, #tpu.memory_space<vmem>> -> memref<8x128xi32, #tpu.memory_space<vmem>>
    %dma_start3A_453 = arith.constant 0 : i32
    %dma_start3A_454 = arith.constant 0 : i32
    %dma_start3A_455 = tpu.memref_slice %arg2[%add3A_413, %dma_start3A_453, %dma_start3A_454] : memref<24576x8x128xi32, #tpu.memory_space<hbm>> -> memref<1x8x128xi32, #tpu.memory_space<hbm>>
    %dma_start3A_456 = tpu.memref_squeeze %dma_start3A_455 : memref<1x8x128xi32, #tpu.memory_space<hbm>> -> memref<8x128xi32, #tpu.memory_space<hbm>>
    %dma_start3A_457 = arith.constant 0 : i32
    %dma_start3A_458 = arith.constant 0 : i32
    %dma_start3A_459 = tpu.memref_slice %arg4[%dma_start3A_448, %dma_start3A_457, %dma_start3A_458] : memref<24x8x128xi32, #tpu.memory_space<vmem>> -> memref<1x8x128xi32, #tpu.memory_space<vmem>>
    %dma_start3A_460 = tpu.memref_squeeze %dma_start3A_459 : memref<1x8x128xi32, #tpu.memory_space<vmem>> -> memref<8x128xi32, #tpu.memory_space<vmem>>
    %dma_start3A_461 = arith.constant 0 : i32
    %dma_start3A_462 = arith.constant 0 : i32
    %dma_start3A_463 = tpu.memref_slice %arg2[%add3A_413, %dma_start3A_461, %dma_start3A_462] : memref<24576x8x128xi32, #tpu.memory_space<hbm>> -> memref<1x8x128xi32, #tpu.memory_space<hbm>>
    %dma_start3A_464 = tpu.memref_squeeze %dma_start3A_463 : memref<1x8x128xi32, #tpu.memory_space<hbm>> -> memref<8x128xi32, #tpu.memory_space<hbm>>
    tpu.enqueue_dma source(%dma_start3A_464 : memref<8x128xi32, #tpu.memory_space<hbm>>) target(%dma_start3A_460 : memref<8x128xi32, #tpu.memory_space<vmem>>) target_semaphore(%arg11 : memref<!tpu.dma_semaphore, #tpu.memory_space<semaphore_mem>>)
    %add3A_465 = arith.constant 12 : i32
    %add3A_466 = arith.addi %add3A_465, %sub3A_17 : i32
    %add3A_467 = arith.constant 0 : i32
    %add3A_468 = arith.addi %add3A_49, %add3A_467 : i32
    %mul3A_469 = arith.constant 2 : i32
    %mul3A_470 = arith.muli %add3A_466, %mul3A_469 : i32
    %add3A_471 = arith.addi %add3A_468, %mul3A_470 : i32
    %add3A_472 = arith.constant 1024 : i32
    %add3A_473 = arith.addi %add3A_49, %add3A_472 : i32
    %mul3A_474 = arith.constant 2 : i32
    %mul3A_475 = arith.muli %add3A_466, %mul3A_474 : i32
    %add3A_476 = arith.addi %add3A_473, %mul3A_475 : i32
    %add3A_477 = arith.constant 2048 : i32
    %add3A_478 = arith.addi %add3A_49, %add3A_477 : i32
    %mul3A_479 = arith.constant 2 : i32
    %mul3A_480 = arith.muli %add3A_466, %mul3A_479 : i32
    %add3A_481 = arith.addi %add3A_478, %mul3A_480 : i32
    %dma_start3A_482 = arith.constant 18 : i32
    %dma_start3A_483 = arith.constant 0 : i32
    %dma_start3A_484 = arith.constant 0 : i32
    %dma_start3A_485 = tpu.memref_slice %arg4[%dma_start3A_482, %dma_start3A_483, %dma_start3A_484] : memref<24x8x128xi32, #tpu.memory_space<vmem>> -> memref<1x8x128xi32, #tpu.memory_space<vmem>>
    %dma_start3A_486 = tpu.memref_squeeze %dma_start3A_485 : memref<1x8x128xi32, #tpu.memory_space<vmem>> -> memref<8x128xi32, #tpu.memory_space<vmem>>
    %dma_start3A_487 = arith.constant 0 : i32
    %dma_start3A_488 = arith.constant 0 : i32
    %dma_start3A_489 = tpu.memref_slice %arg2[%add3A_471, %dma_start3A_487, %dma_start3A_488] : memref<24576x8x128xi32, #tpu.memory_space<hbm>> -> memref<1x8x128xi32, #tpu.memory_space<hbm>>
    %dma_start3A_490 = tpu.memref_squeeze %dma_start3A_489 : memref<1x8x128xi32, #tpu.memory_space<hbm>> -> memref<8x128xi32, #tpu.memory_space<hbm>>
    %dma_start3A_491 = arith.constant 0 : i32
    %dma_start3A_492 = arith.constant 0 : i32
    %dma_start3A_493 = tpu.memref_slice %arg4[%dma_start3A_482, %dma_start3A_491, %dma_start3A_492] : memref<24x8x128xi32, #tpu.memory_space<vmem>> -> memref<1x8x128xi32, #tpu.memory_space<vmem>>
    %dma_start3A_494 = tpu.memref_squeeze %dma_start3A_493 : memref<1x8x128xi32, #tpu.memory_space<vmem>> -> memref<8x128xi32, #tpu.memory_space<vmem>>
    %dma_start3A_495 = arith.constant 0 : i32
    %dma_start3A_496 = arith.constant 0 : i32
    %dma_start3A_497 = tpu.memref_slice %arg2[%add3A_471, %dma_start3A_495, %dma_start3A_496] : memref<24576x8x128xi32, #tpu.memory_space<hbm>> -> memref<1x8x128xi32, #tpu.memory_space<hbm>>
    %dma_start3A_498 = tpu.memref_squeeze %dma_start3A_497 : memref<1x8x128xi32, #tpu.memory_space<hbm>> -> memref<8x128xi32, #tpu.memory_space<hbm>>
    tpu.enqueue_dma source(%dma_start3A_498 : memref<8x128xi32, #tpu.memory_space<hbm>>) target(%dma_start3A_494 : memref<8x128xi32, #tpu.memory_space<vmem>>) target_semaphore(%arg12 : memref<!tpu.dma_semaphore, #tpu.memory_space<semaphore_mem>>)
    %dma_start3A_499 = arith.constant 19 : i32
    %dma_start3A_500 = arith.constant 0 : i32
    %dma_start3A_501 = arith.constant 0 : i32
    %dma_start3A_502 = tpu.memref_slice %arg4[%dma_start3A_499, %dma_start3A_500, %dma_start3A_501] : memref<24x8x128xi32, #tpu.memory_space<vmem>> -> memref<1x8x128xi32, #tpu.memory_space<vmem>>
    %dma_start3A_503 = tpu.memref_squeeze %dma_start3A_502 : memref<1x8x128xi32, #tpu.memory_space<vmem>> -> memref<8x128xi32, #tpu.memory_space<vmem>>
    %dma_start3A_504 = arith.constant 0 : i32
    %dma_start3A_505 = arith.constant 0 : i32
    %dma_start3A_506 = tpu.memref_slice %arg2[%add3A_476, %dma_start3A_504, %dma_start3A_505] : memref<24576x8x128xi32, #tpu.memory_space<hbm>> -> memref<1x8x128xi32, #tpu.memory_space<hbm>>
    %dma_start3A_507 = tpu.memref_squeeze %dma_start3A_506 : memref<1x8x128xi32, #tpu.memory_space<hbm>> -> memref<8x128xi32, #tpu.memory_space<hbm>>
    %dma_start3A_508 = arith.constant 0 : i32
    %dma_start3A_509 = arith.constant 0 : i32
    %dma_start3A_510 = tpu.memref_slice %arg4[%dma_start3A_499, %dma_start3A_508, %dma_start3A_509] : memref<24x8x128xi32, #tpu.memory_space<vmem>> -> memref<1x8x128xi32, #tpu.memory_space<vmem>>
    %dma_start3A_511 = tpu.memref_squeeze %dma_start3A_510 : memref<1x8x128xi32, #tpu.memory_space<vmem>> -> memref<8x128xi32, #tpu.memory_space<vmem>>
    %dma_start3A_512 = arith.constant 0 : i32
    %dma_start3A_513 = arith.constant 0 : i32
    %dma_start3A_514 = tpu.memref_slice %arg2[%add3A_476, %dma_start3A_512, %dma_start3A_513] : memref<24576x8x128xi32, #tpu.memory_space<hbm>> -> memref<1x8x128xi32, #tpu.memory_space<hbm>>
    %dma_start3A_515 = tpu.memref_squeeze %dma_start3A_514 : memref<1x8x128xi32, #tpu.memory_space<hbm>> -> memref<8x128xi32, #tpu.memory_space<hbm>>
    tpu.enqueue_dma source(%dma_start3A_515 : memref<8x128xi32, #tpu.memory_space<hbm>>) target(%dma_start3A_511 : memref<8x128xi32, #tpu.memory_space<vmem>>) target_semaphore(%arg12 : memref<!tpu.dma_semaphore, #tpu.memory_space<semaphore_mem>>)
    %dma_start3A_516 = arith.constant 20 : i32
    %dma_start3A_517 = arith.constant 0 : i32
    %dma_start3A_518 = arith.constant 0 : i32
    %dma_start3A_519 = tpu.memref_slice %arg4[%dma_start3A_516, %dma_start3A_517, %dma_start3A_518] : memref<24x8x128xi32, #tpu.memory_space<vmem>> -> memref<1x8x128xi32, #tpu.memory_space<vmem>>
    %dma_start3A_520 = tpu.memref_squeeze %dma_start3A_519 : memref<1x8x128xi32, #tpu.memory_space<vmem>> -> memref<8x128xi32, #tpu.memory_space<vmem>>
    %dma_start3A_521 = arith.constant 0 : i32
    %dma_start3A_522 = arith.constant 0 : i32
    %dma_start3A_523 = tpu.memref_slice %arg2[%add3A_481, %dma_start3A_521, %dma_start3A_522] : memref<24576x8x128xi32, #tpu.memory_space<hbm>> -> memref<1x8x128xi32, #tpu.memory_space<hbm>>
    %dma_start3A_524 = tpu.memref_squeeze %dma_start3A_523 : memref<1x8x128xi32, #tpu.memory_space<hbm>> -> memref<8x128xi32, #tpu.memory_space<hbm>>
    %dma_start3A_525 = arith.constant 0 : i32
    %dma_start3A_526 = arith.constant 0 : i32
    %dma_start3A_527 = tpu.memref_slice %arg4[%dma_start3A_516, %dma_start3A_525, %dma_start3A_526] : memref<24x8x128xi32, #tpu.memory_space<vmem>> -> memref<1x8x128xi32, #tpu.memory_space<vmem>>
    %dma_start3A_528 = tpu.memref_squeeze %dma_start3A_527 : memref<1x8x128xi32, #tpu.memory_space<vmem>> -> memref<8x128xi32, #tpu.memory_space<vmem>>
    %dma_start3A_529 = arith.constant 0 : i32
    %dma_start3A_530 = arith.constant 0 : i32
    %dma_start3A_531 = tpu.memref_slice %arg2[%add3A_481, %dma_start3A_529, %dma_start3A_530] : memref<24576x8x128xi32, #tpu.memory_space<hbm>> -> memref<1x8x128xi32, #tpu.memory_space<hbm>>
    %dma_start3A_532 = tpu.memref_squeeze %dma_start3A_531 : memref<1x8x128xi32, #tpu.memory_space<hbm>> -> memref<8x128xi32, #tpu.memory_space<hbm>>
    tpu.enqueue_dma source(%dma_start3A_532 : memref<8x128xi32, #tpu.memory_space<hbm>>) target(%dma_start3A_528 : memref<8x128xi32, #tpu.memory_space<vmem>>) target_semaphore(%arg12 : memref<!tpu.dma_semaphore, #tpu.memory_space<semaphore_mem>>)
    %scan3A = arith.constant 0 : i32
    %scan3A_533 = arith.constant 0 : i32
    %scan3A_534 = arith.constant 32 : i32
    %scan3A_535 = arith.addi %scan3A_533, %scan3A_534 : i32
    %scan3A_536 = arith.constant 1 : i32
    scf.for %scan3A_548 = %scan3A_533 to %scan3A_535 step %scan3A_536  : i32 {
      %mul3A_549 = arith.constant 8 : i32
      %mul3A_550 = arith.muli %mul3A_549, %scan3A_548 : i32
      %add3A_551 = arith.constant 7 : i32
      %add3A_552 = arith.addi %mul3A_550, %add3A_551 : i32
      %mul3A_553 = arith.constant 2 : i32
      %mul3A_554 = arith.muli %mul3A_553, %add3A_552 : i32
      %add3A_555 = arith.addi %mul3A_554, %sub3A_17 : i32
      %add3A_556 = arith.constant 0 : i32
      %add3A_557 = arith.addi %add3A_49, %add3A_556 : i32
      %mul3A_558 = arith.constant 2 : i32
      %mul3A_559 = arith.muli %add3A_555, %mul3A_558 : i32
      %add3A_560 = arith.addi %add3A_557, %mul3A_559 : i32
      %add3A_561 = arith.constant 1024 : i32
      %add3A_562 = arith.addi %add3A_49, %add3A_561 : i32
      %mul3A_563 = arith.constant 2 : i32
      %mul3A_564 = arith.muli %add3A_555, %mul3A_563 : i32
      %add3A_565 = arith.addi %add3A_562, %mul3A_564 : i32
      %add3A_566 = arith.constant 2048 : i32
      %add3A_567 = arith.addi %add3A_49, %add3A_566 : i32
      %mul3A_568 = arith.constant 2 : i32
      %mul3A_569 = arith.muli %add3A_555, %mul3A_568 : i32
      %add3A_570 = arith.addi %add3A_567, %mul3A_569 : i32
      %dma_start3A_571 = arith.constant 21 : i32
      %dma_start3A_572 = arith.constant 0 : i32
      %dma_start3A_573 = arith.constant 0 : i32
      %dma_start3A_574 = tpu.memref_slice %arg4[%dma_start3A_571, %dma_start3A_572, %dma_start3A_573] : memref<24x8x128xi32, #tpu.memory_space<vmem>> -> memref<1x8x128xi32, #tpu.memory_space<vmem>>
      %dma_start3A_575 = tpu.memref_squeeze %dma_start3A_574 : memref<1x8x128xi32, #tpu.memory_space<vmem>> -> memref<8x128xi32, #tpu.memory_space<vmem>>
      %dma_start3A_576 = arith.constant 0 : i32
      %dma_start3A_577 = arith.constant 0 : i32
      %dma_start3A_578 = tpu.memref_slice %arg2[%add3A_560, %dma_start3A_576, %dma_start3A_577] : memref<24576x8x128xi32, #tpu.memory_space<hbm>> -> memref<1x8x128xi32, #tpu.memory_space<hbm>>
      %dma_start3A_579 = tpu.memref_squeeze %dma_start3A_578 : memref<1x8x128xi32, #tpu.memory_space<hbm>> -> memref<8x128xi32, #tpu.memory_space<hbm>>
      %dma_start3A_580 = arith.constant 0 : i32
      %dma_start3A_581 = arith.constant 0 : i32
      %dma_start3A_582 = tpu.memref_slice %arg4[%dma_start3A_571, %dma_start3A_580, %dma_start3A_581] : memref<24x8x128xi32, #tpu.memory_space<vmem>> -> memref<1x8x128xi32, #tpu.memory_space<vmem>>
      %dma_start3A_583 = tpu.memref_squeeze %dma_start3A_582 : memref<1x8x128xi32, #tpu.memory_space<vmem>> -> memref<8x128xi32, #tpu.memory_space<vmem>>
      %dma_start3A_584 = arith.constant 0 : i32
      %dma_start3A_585 = arith.constant 0 : i32
      %dma_start3A_586 = tpu.memref_slice %arg2[%add3A_560, %dma_start3A_584, %dma_start3A_585] : memref<24576x8x128xi32, #tpu.memory_space<hbm>> -> memref<1x8x128xi32, #tpu.memory_space<hbm>>
      %dma_start3A_587 = tpu.memref_squeeze %dma_start3A_586 : memref<1x8x128xi32, #tpu.memory_space<hbm>> -> memref<8x128xi32, #tpu.memory_space<hbm>>
      tpu.enqueue_dma source(%dma_start3A_587 : memref<8x128xi32, #tpu.memory_space<hbm>>) target(%dma_start3A_583 : memref<8x128xi32, #tpu.memory_space<vmem>>) target_semaphore(%arg13 : memref<!tpu.dma_semaphore, #tpu.memory_space<semaphore_mem>>)
      %dma_start3A_588 = arith.constant 22 : i32
      %dma_start3A_589 = arith.constant 0 : i32
      %dma_start3A_590 = arith.constant 0 : i32
      %dma_start3A_591 = tpu.memref_slice %arg4[%dma_start3A_588, %dma_start3A_589, %dma_start3A_590] : memref<24x8x128xi32, #tpu.memory_space<vmem>> -> memref<1x8x128xi32, #tpu.memory_space<vmem>>
      %dma_start3A_592 = tpu.memref_squeeze %dma_start3A_591 : memref<1x8x128xi32, #tpu.memory_space<vmem>> -> memref<8x128xi32, #tpu.memory_space<vmem>>
      %dma_start3A_593 = arith.constant 0 : i32
      %dma_start3A_594 = arith.constant 0 : i32
      %dma_start3A_595 = tpu.memref_slice %arg2[%add3A_565, %dma_start3A_593, %dma_start3A_594] : memref<24576x8x128xi32, #tpu.memory_space<hbm>> -> memref<1x8x128xi32, #tpu.memory_space<hbm>>
      %dma_start3A_596 = tpu.memref_squeeze %dma_start3A_595 : memref<1x8x128xi32, #tpu.memory_space<hbm>> -> memref<8x128xi32, #tpu.memory_space<hbm>>
      %dma_start3A_597 = arith.constant 0 : i32
      %dma_start3A_598 = arith.constant 0 : i32
      %dma_start3A_599 = tpu.memref_slice %arg4[%dma_start3A_588, %dma_start3A_597, %dma_start3A_598] : memref<24x8x128xi32, #tpu.memory_space<vmem>> -> memref<1x8x128xi32, #tpu.memory_space<vmem>>
      %dma_start3A_600 = tpu.memref_squeeze %dma_start3A_599 : memref<1x8x128xi32, #tpu.memory_space<vmem>> -> memref<8x128xi32, #tpu.memory_space<vmem>>
      %dma_start3A_601 = arith.constant 0 : i32
      %dma_start3A_602 = arith.constant 0 : i32
      %dma_start3A_603 = tpu.memref_slice %arg2[%add3A_565, %dma_start3A_601, %dma_start3A_602] : memref<24576x8x128xi32, #tpu.memory_space<hbm>> -> memref<1x8x128xi32, #tpu.memory_space<hbm>>
      %dma_start3A_604 = tpu.memref_squeeze %dma_start3A_603 : memref<1x8x128xi32, #tpu.memory_space<hbm>> -> memref<8x128xi32, #tpu.memory_space<hbm>>
      tpu.enqueue_dma source(%dma_start3A_604 : memref<8x128xi32, #tpu.memory_space<hbm>>) target(%dma_start3A_600 : memref<8x128xi32, #tpu.memory_space<vmem>>) target_semaphore(%arg13 : memref<!tpu.dma_semaphore, #tpu.memory_space<semaphore_mem>>)
      %dma_start3A_605 = arith.constant 23 : i32
      %dma_start3A_606 = arith.constant 0 : i32
      %dma_start3A_607 = arith.constant 0 : i32
      %dma_start3A_608 = tpu.memref_slice %arg4[%dma_start3A_605, %dma_start3A_606, %dma_start3A_607] : memref<24x8x128xi32, #tpu.memory_space<vmem>> -> memref<1x8x128xi32, #tpu.memory_space<vmem>>
      %dma_start3A_609 = tpu.memref_squeeze %dma_start3A_608 : memref<1x8x128xi32, #tpu.memory_space<vmem>> -> memref<8x128xi32, #tpu.memory_space<vmem>>
      %dma_start3A_610 = arith.constant 0 : i32
      %dma_start3A_611 = arith.constant 0 : i32
      %dma_start3A_612 = tpu.memref_slice %arg2[%add3A_570, %dma_start3A_610, %dma_start3A_611] : memref<24576x8x128xi32, #tpu.memory_space<hbm>> -> memref<1x8x128xi32, #tpu.memory_space<hbm>>
      %dma_start3A_613 = tpu.memref_squeeze %dma_start3A_612 : memref<1x8x128xi32, #tpu.memory_space<hbm>> -> memref<8x128xi32, #tpu.memory_space<hbm>>
      %dma_start3A_614 = arith.constant 0 : i32
      %dma_start3A_615 = arith.constant 0 : i32
      %dma_start3A_616 = tpu.memref_slice %arg4[%dma_start3A_605, %dma_start3A_614, %dma_start3A_615] : memref<24x8x128xi32, #tpu.memory_space<vmem>> -> memref<1x8x128xi32, #tpu.memory_space<vmem>>
      %dma_start3A_617 = tpu.memref_squeeze %dma_start3A_616 : memref<1x8x128xi32, #tpu.memory_space<vmem>> -> memref<8x128xi32, #tpu.memory_space<vmem>>
      %dma_start3A_618 = arith.constant 0 : i32
      %dma_start3A_619 = arith.constant 0 : i32
      %dma_start3A_620 = tpu.memref_slice %arg2[%add3A_570, %dma_start3A_618, %dma_start3A_619] : memref<24576x8x128xi32, #tpu.memory_space<hbm>> -> memref<1x8x128xi32, #tpu.memory_space<hbm>>
      %dma_start3A_621 = tpu.memref_squeeze %dma_start3A_620 : memref<1x8x128xi32, #tpu.memory_space<hbm>> -> memref<8x128xi32, #tpu.memory_space<hbm>>
      tpu.enqueue_dma source(%dma_start3A_621 : memref<8x128xi32, #tpu.memory_space<hbm>>) target(%dma_start3A_617 : memref<8x128xi32, #tpu.memory_space<vmem>>) target_semaphore(%arg13 : memref<!tpu.dma_semaphore, #tpu.memory_space<semaphore_mem>>)
      %add3A_622 = arith.constant 0 : i32
      %add3A_623 = arith.addi %mul3A_550, %add3A_622 : i32
      %mul3A_624 = arith.constant 2 : i32
      %mul3A_625 = arith.muli %mul3A_624, %add3A_623 : i32
      %add3A_626 = arith.addi %mul3A_625, %sub3A_17 : i32
      %add3A_627 = arith.constant 0 : i32
      %add3A_628 = arith.addi %add3A_49, %add3A_627 : i32
      %mul3A_629 = arith.constant 2 : i32
      %mul3A_630 = arith.muli %add3A_626, %mul3A_629 : i32
      %add3A_631 = arith.addi %add3A_628, %mul3A_630 : i32
      %add3A_632 = arith.constant 1024 : i32
      %add3A_633 = arith.addi %add3A_49, %add3A_632 : i32
      %mul3A_634 = arith.constant 2 : i32
      %mul3A_635 = arith.muli %add3A_626, %mul3A_634 : i32
      %add3A_636 = arith.addi %add3A_633, %mul3A_635 : i32
      %add3A_637 = arith.constant 2048 : i32
      %add3A_638 = arith.addi %add3A_49, %add3A_637 : i32
      %mul3A_639 = arith.constant 2 : i32
      %mul3A_640 = arith.muli %add3A_626, %mul3A_639 : i32
      %add3A_641 = arith.addi %add3A_638, %mul3A_640 : i32
      %dma_wait3A = arith.constant 0 : i32
      %dma_wait3A_642 = arith.constant 0 : i32
      %dma_wait3A_643 = arith.constant 0 : i32
      %dma_wait3A_644 = tpu.memref_slice %arg4[%dma_wait3A, %dma_wait3A_642, %dma_wait3A_643] : memref<24x8x128xi32, #tpu.memory_space<vmem>> -> memref<1x8x128xi32, #tpu.memory_space<vmem>>
      %dma_wait3A_645 = tpu.memref_squeeze %dma_wait3A_644 : memref<1x8x128xi32, #tpu.memory_space<vmem>> -> memref<8x128xi32, #tpu.memory_space<vmem>>
      %dma_wait3A_646 = arith.constant 0 : i32
      %dma_wait3A_647 = arith.constant 0 : i32
      %dma_wait3A_648 = tpu.memref_slice %arg2[%add3A_631, %dma_wait3A_646, %dma_wait3A_647] : memref<24576x8x128xi32, #tpu.memory_space<hbm>> -> memref<1x8x128xi32, #tpu.memory_space<hbm>>
      %dma_wait3A_649 = tpu.memref_squeeze %dma_wait3A_648 : memref<1x8x128xi32, #tpu.memory_space<hbm>> -> memref<8x128xi32, #tpu.memory_space<hbm>>
      %dma_wait3A_650 = arith.constant 0 : i32
      %dma_wait3A_651 = arith.constant 0 : i32
      %dma_wait3A_652 = tpu.memref_slice %arg4[%dma_wait3A, %dma_wait3A_650, %dma_wait3A_651] : memref<24x8x128xi32, #tpu.memory_space<vmem>> -> memref<1x8x128xi32, #tpu.memory_space<vmem>>
      %dma_wait3A_653 = tpu.memref_squeeze %dma_wait3A_652 : memref<1x8x128xi32, #tpu.memory_space<vmem>> -> memref<8x128xi32, #tpu.memory_space<vmem>>
      %dma_wait3A_654 = arith.constant 0 : i32
      %dma_wait3A_655 = arith.constant 0 : i32
      %dma_wait3A_656 = tpu.memref_slice %arg2[%add3A_631, %dma_wait3A_654, %dma_wait3A_655] : memref<24576x8x128xi32, #tpu.memory_space<hbm>> -> memref<1x8x128xi32, #tpu.memory_space<hbm>>
      %dma_wait3A_657 = tpu.memref_squeeze %dma_wait3A_656 : memref<1x8x128xi32, #tpu.memory_space<hbm>> -> memref<8x128xi32, #tpu.memory_space<hbm>>
      tpu.wait_dma2 semaphore(%arg6 : memref<!tpu.dma_semaphore, #tpu.memory_space<semaphore_mem>>) src(%dma_wait3A_657 : memref<8x128xi32, #tpu.memory_space<hbm>>) dst(%dma_wait3A_653 : memref<8x128xi32, #tpu.memory_space<vmem>>)
      %dma_wait3A_658 = arith.constant 1 : i32
      %dma_wait3A_659 = arith.constant 0 : i32
      %dma_wait3A_660 = arith.constant 0 : i32
      %dma_wait3A_661 = tpu.memref_slice %arg4[%dma_wait3A_658, %dma_wait3A_659, %dma_wait3A_660] : memref<24x8x128xi32, #tpu.memory_space<vmem>> -> memref<1x8x128xi32, #tpu.memory_space<vmem>>
      %dma_wait3A_662 = tpu.memref_squeeze %dma_wait3A_661 : memref<1x8x128xi32, #tpu.memory_space<vmem>> -> memref<8x128xi32, #tpu.memory_space<vmem>>
      %dma_wait3A_663 = arith.constant 0 : i32
      %dma_wait3A_664 = arith.constant 0 : i32
      %dma_wait3A_665 = tpu.memref_slice %arg2[%add3A_636, %dma_wait3A_663, %dma_wait3A_664] : memref<24576x8x128xi32, #tpu.memory_space<hbm>> -> memref<1x8x128xi32, #tpu.memory_space<hbm>>
      %dma_wait3A_666 = tpu.memref_squeeze %dma_wait3A_665 : memref<1x8x128xi32, #tpu.memory_space<hbm>> -> memref<8x128xi32, #tpu.memory_space<hbm>>
      %dma_wait3A_667 = arith.constant 0 : i32
      %dma_wait3A_668 = arith.constant 0 : i32
      %dma_wait3A_669 = tpu.memref_slice %arg4[%dma_wait3A_658, %dma_wait3A_667, %dma_wait3A_668] : memref<24x8x128xi32, #tpu.memory_space<vmem>> -> memref<1x8x128xi32, #tpu.memory_space<vmem>>
      %dma_wait3A_670 = tpu.memref_squeeze %dma_wait3A_669 : memref<1x8x128xi32, #tpu.memory_space<vmem>> -> memref<8x128xi32, #tpu.memory_space<vmem>>
      %dma_wait3A_671 = arith.constant 0 : i32
      %dma_wait3A_672 = arith.constant 0 : i32
      %dma_wait3A_673 = tpu.memref_slice %arg2[%add3A_636, %dma_wait3A_671, %dma_wait3A_672] : memref<24576x8x128xi32, #tpu.memory_space<hbm>> -> memref<1x8x128xi32, #tpu.memory_space<hbm>>
      %dma_wait3A_674 = tpu.memref_squeeze %dma_wait3A_673 : memref<1x8x128xi32, #tpu.memory_space<hbm>> -> memref<8x128xi32, #tpu.memory_space<hbm>>
      tpu.wait_dma2 semaphore(%arg6 : memref<!tpu.dma_semaphore, #tpu.memory_space<semaphore_mem>>) src(%dma_wait3A_674 : memref<8x128xi32, #tpu.memory_space<hbm>>) dst(%dma_wait3A_670 : memref<8x128xi32, #tpu.memory_space<vmem>>)
      %dma_wait3A_675 = arith.constant 2 : i32
      %dma_wait3A_676 = arith.constant 0 : i32
      %dma_wait3A_677 = arith.constant 0 : i32
      %dma_wait3A_678 = tpu.memref_slice %arg4[%dma_wait3A_675, %dma_wait3A_676, %dma_wait3A_677] : memref<24x8x128xi32, #tpu.memory_space<vmem>> -> memref<1x8x128xi32, #tpu.memory_space<vmem>>
      %dma_wait3A_679 = tpu.memref_squeeze %dma_wait3A_678 : memref<1x8x128xi32, #tpu.memory_space<vmem>> -> memref<8x128xi32, #tpu.memory_space<vmem>>
      %dma_wait3A_680 = arith.constant 0 : i32
      %dma_wait3A_681 = arith.constant 0 : i32
      %dma_wait3A_682 = tpu.memref_slice %arg2[%add3A_641, %dma_wait3A_680, %dma_wait3A_681] : memref<24576x8x128xi32, #tpu.memory_space<hbm>> -> memref<1x8x128xi32, #tpu.memory_space<hbm>>
      %dma_wait3A_683 = tpu.memref_squeeze %dma_wait3A_682 : memref<1x8x128xi32, #tpu.memory_space<hbm>> -> memref<8x128xi32, #tpu.memory_space<hbm>>
      %dma_wait3A_684 = arith.constant 0 : i32
      %dma_wait3A_685 = arith.constant 0 : i32
      %dma_wait3A_686 = tpu.memref_slice %arg4[%dma_wait3A_675, %dma_wait3A_684, %dma_wait3A_685] : memref<24x8x128xi32, #tpu.memory_space<vmem>> -> memref<1x8x128xi32, #tpu.memory_space<vmem>>
      %dma_wait3A_687 = tpu.memref_squeeze %dma_wait3A_686 : memref<1x8x128xi32, #tpu.memory_space<vmem>> -> memref<8x128xi32, #tpu.memory_space<vmem>>
      %dma_wait3A_688 = arith.constant 0 : i32
      %dma_wait3A_689 = arith.constant 0 : i32
      %dma_wait3A_690 = tpu.memref_slice %arg2[%add3A_641, %dma_wait3A_688, %dma_wait3A_689] : memref<24576x8x128xi32, #tpu.memory_space<hbm>> -> memref<1x8x128xi32, #tpu.memory_space<hbm>>
      %dma_wait3A_691 = tpu.memref_squeeze %dma_wait3A_690 : memref<1x8x128xi32, #tpu.memory_space<hbm>> -> memref<8x128xi32, #tpu.memory_space<hbm>>
      tpu.wait_dma2 semaphore(%arg6 : memref<!tpu.dma_semaphore, #tpu.memory_space<semaphore_mem>>) src(%dma_wait3A_691 : memref<8x128xi32, #tpu.memory_space<hbm>>) dst(%dma_wait3A_687 : memref<8x128xi32, #tpu.memory_space<vmem>>)
      %parallel_loop3A_692 = arith.constant 0 : i32
      %parallel_loop3A_693 = arith.constant 1024 : i32
      %parallel_loop3A_694 = arith.constant 16 : i32
      scf.for %parallel_loop3A_1273 = %parallel_loop3A_692 to %parallel_loop3A_693 step %parallel_loop3A_694  : i32 {
        %parallel_loop3A_1274 = arith.constant 128 : i32
        %parallel_loop3A_1275 = arith.divsi %parallel_loop3A_1273, %parallel_loop3A_1274 : i32
        %parallel_loop3A_1276 = arith.constant 0 : i32
        %parallel_loop3A_1277 = arith.cmpi sgt, %parallel_loop3A_1273, %parallel_loop3A_1276 : i32
        %parallel_loop3A_1278 = arith.extui %parallel_loop3A_1277 : i1 to i32
        %parallel_loop3A_1279 = arith.constant 0 : i32
        %parallel_loop3A_1280 = arith.cmpi slt, %parallel_loop3A_1273, %parallel_loop3A_1279 : i32
        %parallel_loop3A_1281 = arith.extui %parallel_loop3A_1280 : i1 to i32
        %parallel_loop3A_1282 = arith.subi %parallel_loop3A_1278, %parallel_loop3A_1281 : i32
        %parallel_loop3A_1283 = arith.constant 0 : i32
        %parallel_loop3A_1284 = arith.cmpi sgt, %parallel_loop3A_1274, %parallel_loop3A_1283 : i32
        %parallel_loop3A_1285 = arith.extui %parallel_loop3A_1284 : i1 to i32
        %parallel_loop3A_1286 = arith.constant 0 : i32
        %parallel_loop3A_1287 = arith.cmpi slt, %parallel_loop3A_1274, %parallel_loop3A_1286 : i32
        %parallel_loop3A_1288 = arith.extui %parallel_loop3A_1287 : i1 to i32
        %parallel_loop3A_1289 = arith.subi %parallel_loop3A_1285, %parallel_loop3A_1288 : i32
        %parallel_loop3A_1290 = arith.cmpi ne, %parallel_loop3A_1282, %parallel_loop3A_1289 : i32
        %parallel_loop3A_1291 = arith.remsi %parallel_loop3A_1273, %parallel_loop3A_1274 : i32
        %parallel_loop3A_1292 = arith.constant 0 : i32
        %parallel_loop3A_1293 = arith.cmpi ne, %parallel_loop3A_1291, %parallel_loop3A_1292 : i32
        %parallel_loop3A_1294 = arith.andi %parallel_loop3A_1290, %parallel_loop3A_1293 : i1
        %parallel_loop3A_1295 = arith.constant 1 : i32
        %parallel_loop3A_1296 = arith.subi %parallel_loop3A_1275, %parallel_loop3A_1295 : i32
        %parallel_loop3A_1297 = arith.select %parallel_loop3A_1294, %parallel_loop3A_1296, %parallel_loop3A_1275 : i32
        %parallel_loop3A_1298 = arith.constant 128 : i32
        %parallel_loop3A_1299 = arith.muli %parallel_loop3A_1297, %parallel_loop3A_1298 : i32
        %parallel_loop3A_1300 = arith.subi %parallel_loop3A_1273, %parallel_loop3A_1299 : i32
        %parallel_loop3A_1301 = arith.constant 0 : i32
        %parallel_loop3A_1302 = arith.index_cast %parallel_loop3A_1301 : i32 to index
        %parallel_loop3A_1303 = arith.index_cast %parallel_loop3A_1297 : i32 to index
        %parallel_loop3A_1304 = arith.index_cast %parallel_loop3A_1300 : i32 to index
        %parallel_loop3A_1305 = tpu.vector_load %arg4[%parallel_loop3A_1302, %parallel_loop3A_1303, %parallel_loop3A_1304] {strides = array<i32>} : memref<24x8x128xi32, #tpu.memory_space<vmem>>, vector<16xi32>,
        %parallel_loop3A_1306 = arith.constant 1 : i32
        %parallel_loop3A_1307 = arith.index_cast %parallel_loop3A_1306 : i32 to index
        %parallel_loop3A_1308 = arith.index_cast %parallel_loop3A_1297 : i32 to index
        %parallel_loop3A_1309 = arith.index_cast %parallel_loop3A_1300 : i32 to index
        %parallel_loop3A_1310 = tpu.vector_load %arg4[%parallel_loop3A_1307, %parallel_loop3A_1308, %parallel_loop3A_1309] {strides = array<i32>} : memref<24x8x128xi32, #tpu.memory_space<vmem>>, vector<16xi32>,
        %parallel_loop3A_1311 = arith.constant 2 : i32
        %parallel_loop3A_1312 = arith.index_cast %parallel_loop3A_1311 : i32 to index
        %parallel_loop3A_1313 = arith.index_cast %parallel_loop3A_1297 : i32 to index
        %parallel_loop3A_1314 = arith.index_cast %parallel_loop3A_1300 : i32 to index
        %parallel_loop3A_1315 = tpu.vector_load %arg4[%parallel_loop3A_1312, %parallel_loop3A_1313, %parallel_loop3A_1314] {strides = array<i32>} : memref<24x8x128xi32, #tpu.memory_space<vmem>>, vector<16xi32>,
        %parallel_loop3A_1316 = arith.constant 224 : i32
        %parallel_loop3A_1317 = vector.broadcast %parallel_loop3A_1316 : i32 to vector<16xi32>
        %parallel_loop3A_1318 = arith.andi %parallel_loop3A_1305, %parallel_loop3A_1317 : vector<16xi32>
        %parallel_loop3A_1319 = arith.constant 1 : i32
        %parallel_loop3A_1320 = vector.broadcast %parallel_loop3A_1319 : i32 to vector<16xi32>
        %parallel_loop3A_1321 = arith.shli %parallel_loop3A_1318, %parallel_loop3A_1320 : vector<16xi32>
        %parallel_loop3A_1322 = arith.constant 224 : i32
        %parallel_loop3A_1323 = vector.broadcast %parallel_loop3A_1322 : i32 to vector<16xi32>
        %parallel_loop3A_1324 = arith.andi %parallel_loop3A_1310, %parallel_loop3A_1323 : vector<16xi32>
        %parallel_loop3A_1325 = arith.constant 2 : i32
        %parallel_loop3A_1326 = vector.broadcast %parallel_loop3A_1325 : i32 to vector<16xi32>
        %parallel_loop3A_1327 = arith.shrsi %parallel_loop3A_1324, %parallel_loop3A_1326 : vector<16xi32>
        %parallel_loop3A_1328 = arith.ori %parallel_loop3A_1321, %parallel_loop3A_1327 : vector<16xi32>
        %parallel_loop3A_1329 = arith.constant 5 : i32
        %parallel_loop3A_1330 = vector.broadcast %parallel_loop3A_1329 : i32 to vector<16xi32>
        %parallel_loop3A_1331 = arith.shrsi %parallel_loop3A_1315, %parallel_loop3A_1330 : vector<16xi32>
        %parallel_loop3A_1332 = arith.ori %parallel_loop3A_1328, %parallel_loop3A_1331 : vector<16xi32>
        %parallel_loop3A_1333 = arith.constant 4 : i32
        %parallel_loop3A_1334 = arith.muli %parallel_loop3A_1300, %parallel_loop3A_1333 : i32
        %parallel_loop3A_1335 = arith.constant 7 : i32
        %parallel_loop3A_1336 = vector.broadcast %parallel_loop3A_1335 : i32 to vector<16xi32>
        %parallel_loop3A_1337 = arith.shrsi %parallel_loop3A_1332, %parallel_loop3A_1336 : vector<16xi32>
        %parallel_loop3A_1338 = arith.addi %mul3A_52, %parallel_loop3A_1337 : vector<16xi32>
        %parallel_loop3A_1339 = arith.constant 127 : i32
        %parallel_loop3A_1340 = vector.broadcast %parallel_loop3A_1339 : i32 to vector<16xi32>
        %parallel_loop3A_1341 = arith.andi %parallel_loop3A_1332, %parallel_loop3A_1340 : vector<16xi32>
        %parallel_loop3A_1342 = arith.constant 0 : i32
        %parallel_loop3A_1343 = tpu.memref_slice %arg5[%parallel_loop3A_1334, %parallel_loop3A_1342] : memref<512x128xf32, #tpu.memory_space<vmem>> -> memref<64x128xf32, #tpu.memory_space<vmem>>
        tpu.vector_store_idx %parallel_loop3A_1343[%parallel_loop3A_1338, %parallel_loop3A_1341], %broadcast_in_dim3A_53 {add = true} : memref<64x128xf32, #tpu.memory_space<vmem>>[vector<16xi32>, vector<16xi32>], vector<16xf32>,
      } {sc.loop_unroll_factor = 8 : i64, sc.parallel_access}
      %add3A_695 = arith.constant 7 : i32
      %add3A_696 = arith.addi %mul3A_550, %add3A_695 : i32
      %add3A_697 = arith.constant 1 : i32
      %add3A_698 = arith.addi %add3A_696, %add3A_697 : i32
      %lt3A = arith.constant 256 : i32
      %lt3A_699 = arith.cmpi slt, %add3A_698, %lt3A : i32
      %convert_element_type3A = arith.extui %lt3A_699 : i1 to i32
      %cond3A = arith.constant 0 : i32
      %cond3A_700 = arith.cmpi ne, %convert_element_type3A, %cond3A : i32
      scf.if %cond3A_700 {
        %mul3A_1273 = arith.constant 2 : i32
        %mul3A_1274 = arith.muli %mul3A_1273, %add3A_698 : i32
        %add3A_1275 = arith.addi %mul3A_1274, %sub3A_17 : i32
        %add3A_1276 = arith.constant 0 : i32
        %add3A_1277 = arith.addi %add3A_49, %add3A_1276 : i32
        %mul3A_1278 = arith.constant 2 : i32
        %mul3A_1279 = arith.muli %add3A_1275, %mul3A_1278 : i32
        %add3A_1280 = arith.addi %add3A_1277, %mul3A_1279 : i32
        %add3A_1281 = arith.constant 1024 : i32
        %add3A_1282 = arith.addi %add3A_49, %add3A_1281 : i32
        %mul3A_1283 = arith.constant 2 : i32
        %mul3A_1284 = arith.muli %add3A_1275, %mul3A_1283 : i32
        %add3A_1285 = arith.addi %add3A_1282, %mul3A_1284 : i32
        %add3A_1286 = arith.constant 2048 : i32
        %add3A_1287 = arith.addi %add3A_49, %add3A_1286 : i32
        %mul3A_1288 = arith.constant 2 : i32
        %mul3A_1289 = arith.muli %add3A_1275, %mul3A_1288 : i32
        %add3A_1290 = arith.addi %add3A_1287, %mul3A_1289 : i32
        %dma_start3A_1291 = arith.constant 0 : i32
        %dma_start3A_1292 = arith.constant 0 : i32
        %dma_start3A_1293 = arith.constant 0 : i32
        %dma_start3A_1294 = tpu.memref_slice %arg4[%dma_start3A_1291, %dma_start3A_1292, %dma_start3A_1293] : memref<24x8x128xi32, #tpu.memory_space<vmem>> -> memref<1x8x128xi32, #tpu.memory_space<vmem>>
        %dma_start3A_1295 = tpu.memref_squeeze %dma_start3A_1294 : memref<1x8x128xi32, #tpu.memory_space<vmem>> -> memref<8x128xi32, #tpu.memory_space<vmem>>
        %dma_start3A_1296 = arith.constant 0 : i32
        %dma_start3A_1297 = arith.constant 0 : i32
        %dma_start3A_1298 = tpu.memref_slice %arg2[%add3A_1280, %dma_start3A_1296, %dma_start3A_1297] : memref<24576x8x128xi32, #tpu.memory_space<hbm>> -> memref<1x8x128xi32, #tpu.memory_space<hbm>>
        %dma_start3A_1299 = tpu.memref_squeeze %dma_start3A_1298 : memref<1x8x128xi32, #tpu.memory_space<hbm>> -> memref<8x128xi32, #tpu.memory_space<hbm>>
        %dma_start3A_1300 = arith.constant 0 : i32
        %dma_start3A_1301 = arith.constant 0 : i32
        %dma_start3A_1302 = tpu.memref_slice %arg4[%dma_start3A_1291, %dma_start3A_1300, %dma_start3A_1301] : memref<24x8x128xi32, #tpu.memory_space<vmem>> -> memref<1x8x128xi32, #tpu.memory_space<vmem>>
        %dma_start3A_1303 = tpu.memref_squeeze %dma_start3A_1302 : memref<1x8x128xi32, #tpu.memory_space<vmem>> -> memref<8x128xi32, #tpu.memory_space<vmem>>
        %dma_start3A_1304 = arith.constant 0 : i32
        %dma_start3A_1305 = arith.constant 0 : i32
        %dma_start3A_1306 = tpu.memref_slice %arg2[%add3A_1280, %dma_start3A_1304, %dma_start3A_1305] : memref<24576x8x128xi32, #tpu.memory_space<hbm>> -> memref<1x8x128xi32, #tpu.memory_space<hbm>>
        %dma_start3A_1307 = tpu.memref_squeeze %dma_start3A_1306 : memref<1x8x128xi32, #tpu.memory_space<hbm>> -> memref<8x128xi32, #tpu.memory_space<hbm>>
        tpu.enqueue_dma source(%dma_start3A_1307 : memref<8x128xi32, #tpu.memory_space<hbm>>) target(%dma_start3A_1303 : memref<8x128xi32, #tpu.memory_space<vmem>>) target_semaphore(%arg6 : memref<!tpu.dma_semaphore, #tpu.memory_space<semaphore_mem>>)
        %dma_start3A_1308 = arith.constant 1 : i32
        %dma_start3A_1309 = arith.constant 0 : i32
        %dma_start3A_1310 = arith.constant 0 : i32
        %dma_start3A_1311 = tpu.memref_slice %arg4[%dma_start3A_1308, %dma_start3A_1309, %dma_start3A_1310] : memref<24x8x128xi32, #tpu.memory_space<vmem>> -> memref<1x8x128xi32, #tpu.memory_space<vmem>>
        %dma_start3A_1312 = tpu.memref_squeeze %dma_start3A_1311 : memref<1x8x128xi32, #tpu.memory_space<vmem>> -> memref<8x128xi32, #tpu.memory_space<vmem>>
        %dma_start3A_1313 = arith.constant 0 : i32
        %dma_start3A_1314 = arith.constant 0 : i32
        %dma_start3A_1315 = tpu.memref_slice %arg2[%add3A_1285, %dma_start3A_1313, %dma_start3A_1314] : memref<24576x8x128xi32, #tpu.memory_space<hbm>> -> memref<1x8x128xi32, #tpu.memory_space<hbm>>
        %dma_start3A_1316 = tpu.memref_squeeze %dma_start3A_1315 : memref<1x8x128xi32, #tpu.memory_space<hbm>> -> memref<8x128xi32, #tpu.memory_space<hbm>>
        %dma_start3A_1317 = arith.constant 0 : i32
        %dma_start3A_1318 = arith.constant 0 : i32
        %dma_start3A_1319 = tpu.memref_slice %arg4[%dma_start3A_1308, %dma_start3A_1317, %dma_start3A_1318] : memref<24x8x128xi32, #tpu.memory_space<vmem>> -> memref<1x8x128xi32, #tpu.memory_space<vmem>>
        %dma_start3A_1320 = tpu.memref_squeeze %dma_start3A_1319 : memref<1x8x128xi32, #tpu.memory_space<vmem>> -> memref<8x128xi32, #tpu.memory_space<vmem>>
        %dma_start3A_1321 = arith.constant 0 : i32
        %dma_start3A_1322 = arith.constant 0 : i32
        %dma_start3A_1323 = tpu.memref_slice %arg2[%add3A_1285, %dma_start3A_1321, %dma_start3A_1322] : memref<24576x8x128xi32, #tpu.memory_space<hbm>> -> memref<1x8x128xi32, #tpu.memory_space<hbm>>
        %dma_start3A_1324 = tpu.memref_squeeze %dma_start3A_1323 : memref<1x8x128xi32, #tpu.memory_space<hbm>> -> memref<8x128xi32, #tpu.memory_space<hbm>>
        tpu.enqueue_dma source(%dma_start3A_1324 : memref<8x128xi32, #tpu.memory_space<hbm>>) target(%dma_start3A_1320 : memref<8x128xi32, #tpu.memory_space<vmem>>) target_semaphore(%arg6 : memref<!tpu.dma_semaphore, #tpu.memory_space<semaphore_mem>>)
        %dma_start3A_1325 = arith.constant 2 : i32
        %dma_start3A_1326 = arith.constant 0 : i32
        %dma_start3A_1327 = arith.constant 0 : i32
        %dma_start3A_1328 = tpu.memref_slice %arg4[%dma_start3A_1325, %dma_start3A_1326, %dma_start3A_1327] : memref<24x8x128xi32, #tpu.memory_space<vmem>> -> memref<1x8x128xi32, #tpu.memory_space<vmem>>
        %dma_start3A_1329 = tpu.memref_squeeze %dma_start3A_1328 : memref<1x8x128xi32, #tpu.memory_space<vmem>> -> memref<8x128xi32, #tpu.memory_space<vmem>>
        %dma_start3A_1330 = arith.constant 0 : i32
        %dma_start3A_1331 = arith.constant 0 : i32
        %dma_start3A_1332 = tpu.memref_slice %arg2[%add3A_1290, %dma_start3A_1330, %dma_start3A_1331] : memref<24576x8x128xi32, #tpu.memory_space<hbm>> -> memref<1x8x128xi32, #tpu.memory_space<hbm>>
        %dma_start3A_1333 = tpu.memref_squeeze %dma_start3A_1332 : memref<1x8x128xi32, #tpu.memory_space<hbm>> -> memref<8x128xi32, #tpu.memory_space<hbm>>
        %dma_start3A_1334 = arith.constant 0 : i32
        %dma_start3A_1335 = arith.constant 0 : i32
        %dma_start3A_1336 = tpu.memref_slice %arg4[%dma_start3A_1325, %dma_start3A_1334, %dma_start3A_1335] : memref<24x8x128xi32, #tpu.memory_space<vmem>> -> memref<1x8x128xi32, #tpu.memory_space<vmem>>
        %dma_start3A_1337 = tpu.memref_squeeze %dma_start3A_1336 : memref<1x8x128xi32, #tpu.memory_space<vmem>> -> memref<8x128xi32, #tpu.memory_space<vmem>>
        %dma_start3A_1338 = arith.constant 0 : i32
        %dma_start3A_1339 = arith.constant 0 : i32
        %dma_start3A_1340 = tpu.memref_slice %arg2[%add3A_1290, %dma_start3A_1338, %dma_start3A_1339] : memref<24576x8x128xi32, #tpu.memory_space<hbm>> -> memref<1x8x128xi32, #tpu.memory_space<hbm>>
        %dma_start3A_1341 = tpu.memref_squeeze %dma_start3A_1340 : memref<1x8x128xi32, #tpu.memory_space<hbm>> -> memref<8x128xi32, #tpu.memory_space<hbm>>
        tpu.enqueue_dma source(%dma_start3A_1341 : memref<8x128xi32, #tpu.memory_space<hbm>>) target(%dma_start3A_1337 : memref<8x128xi32, #tpu.memory_space<vmem>>) target_semaphore(%arg6 : memref<!tpu.dma_semaphore, #tpu.memory_space<semaphore_mem>>)
      } else {
      }
      %add3A_701 = arith.constant 1 : i32
      %add3A_702 = arith.addi %mul3A_550, %add3A_701 : i32
      %mul3A_703 = arith.constant 2 : i32
      %mul3A_704 = arith.muli %mul3A_703, %add3A_702 : i32
      %add3A_705 = arith.addi %mul3A_704, %sub3A_17 : i32
      %add3A_706 = arith.constant 0 : i32
      %add3A_707 = arith.addi %add3A_49, %add3A_706 : i32
      %mul3A_708 = arith.constant 2 : i32
      %mul3A_709 = arith.muli %add3A_705, %mul3A_708 : i32
      %add3A_710 = arith.addi %add3A_707, %mul3A_709 : i32
      %add3A_711 = arith.constant 1024 : i32
      %add3A_712 = arith.addi %add3A_49, %add3A_711 : i32
      %mul3A_713 = arith.constant 2 : i32
      %mul3A_714 = arith.muli %add3A_705, %mul3A_713 : i32
      %add3A_715 = arith.addi %add3A_712, %mul3A_714 : i32
      %add3A_716 = arith.constant 2048 : i32
      %add3A_717 = arith.addi %add3A_49, %add3A_716 : i32
      %mul3A_718 = arith.constant 2 : i32
      %mul3A_719 = arith.muli %add3A_705, %mul3A_718 : i32
      %add3A_720 = arith.addi %add3A_717, %mul3A_719 : i32
      %dma_wait3A_721 = arith.constant 3 : i32
      %dma_wait3A_722 = arith.constant 0 : i32
      %dma_wait3A_723 = arith.constant 0 : i32
      %dma_wait3A_724 = tpu.memref_slice %arg4[%dma_wait3A_721, %dma_wait3A_722, %dma_wait3A_723] : memref<24x8x128xi32, #tpu.memory_space<vmem>> -> memref<1x8x128xi32, #tpu.memory_space<vmem>>
      %dma_wait3A_725 = tpu.memref_squeeze %dma_wait3A_724 : memref<1x8x128xi32, #tpu.memory_space<vmem>> -> memref<8x128xi32, #tpu.memory_space<vmem>>
      %dma_wait3A_726 = arith.constant 0 : i32
      %dma_wait3A_727 = arith.constant 0 : i32
      %dma_wait3A_728 = tpu.memref_slice %arg2[%add3A_710, %dma_wait3A_726, %dma_wait3A_727] : memref<24576x8x128xi32, #tpu.memory_space<hbm>> -> memref<1x8x128xi32, #tpu.memory_space<hbm>>
      %dma_wait3A_729 = tpu.memref_squeeze %dma_wait3A_728 : memref<1x8x128xi32, #tpu.memory_space<hbm>> -> memref<8x128xi32, #tpu.memory_space<hbm>>
      %dma_wait3A_730 = arith.constant 0 : i32
      %dma_wait3A_731 = arith.constant 0 : i32
      %dma_wait3A_732 = tpu.memref_slice %arg4[%dma_wait3A_721, %dma_wait3A_730, %dma_wait3A_731] : memref<24x8x128xi32, #tpu.memory_space<vmem>> -> memref<1x8x128xi32, #tpu.memory_space<vmem>>
      %dma_wait3A_733 = tpu.memref_squeeze %dma_wait3A_732 : memref<1x8x128xi32, #tpu.memory_space<vmem>> -> memref<8x128xi32, #tpu.memory_space<vmem>>
      %dma_wait3A_734 = arith.constant 0 : i32
      %dma_wait3A_735 = arith.constant 0 : i32
      %dma_wait3A_736 = tpu.memref_slice %arg2[%add3A_710, %dma_wait3A_734, %dma_wait3A_735] : memref<24576x8x128xi32, #tpu.memory_space<hbm>> -> memref<1x8x128xi32, #tpu.memory_space<hbm>>
      %dma_wait3A_737 = tpu.memref_squeeze %dma_wait3A_736 : memref<1x8x128xi32, #tpu.memory_space<hbm>> -> memref<8x128xi32, #tpu.memory_space<hbm>>
      tpu.wait_dma2 semaphore(%arg7 : memref<!tpu.dma_semaphore, #tpu.memory_space<semaphore_mem>>) src(%dma_wait3A_737 : memref<8x128xi32, #tpu.memory_space<hbm>>) dst(%dma_wait3A_733 : memref<8x128xi32, #tpu.memory_space<vmem>>)
      %dma_wait3A_738 = arith.constant 4 : i32
      %dma_wait3A_739 = arith.constant 0 : i32
      %dma_wait3A_740 = arith.constant 0 : i32
      %dma_wait3A_741 = tpu.memref_slice %arg4[%dma_wait3A_738, %dma_wait3A_739, %dma_wait3A_740] : memref<24x8x128xi32, #tpu.memory_space<vmem>> -> memref<1x8x128xi32, #tpu.memory_space<vmem>>
      %dma_wait3A_742 = tpu.memref_squeeze %dma_wait3A_741 : memref<1x8x128xi32, #tpu.memory_space<vmem>> -> memref<8x128xi32, #tpu.memory_space<vmem>>
      %dma_wait3A_743 = arith.constant 0 : i32
      %dma_wait3A_744 = arith.constant 0 : i32
      %dma_wait3A_745 = tpu.memref_slice %arg2[%add3A_715, %dma_wait3A_743, %dma_wait3A_744] : memref<24576x8x128xi32, #tpu.memory_space<hbm>> -> memref<1x8x128xi32, #tpu.memory_space<hbm>>
      %dma_wait3A_746 = tpu.memref_squeeze %dma_wait3A_745 : memref<1x8x128xi32, #tpu.memory_space<hbm>> -> memref<8x128xi32, #tpu.memory_space<hbm>>
      %dma_wait3A_747 = arith.constant 0 : i32
      %dma_wait3A_748 = arith.constant 0 : i32
      %dma_wait3A_749 = tpu.memref_slice %arg4[%dma_wait3A_738, %dma_wait3A_747, %dma_wait3A_748] : memref<24x8x128xi32, #tpu.memory_space<vmem>> -> memref<1x8x128xi32, #tpu.memory_space<vmem>>
      %dma_wait3A_750 = tpu.memref_squeeze %dma_wait3A_749 : memref<1x8x128xi32, #tpu.memory_space<vmem>> -> memref<8x128xi32, #tpu.memory_space<vmem>>
      %dma_wait3A_751 = arith.constant 0 : i32
      %dma_wait3A_752 = arith.constant 0 : i32
      %dma_wait3A_753 = tpu.memref_slice %arg2[%add3A_715, %dma_wait3A_751, %dma_wait3A_752] : memref<24576x8x128xi32, #tpu.memory_space<hbm>> -> memref<1x8x128xi32, #tpu.memory_space<hbm>>
      %dma_wait3A_754 = tpu.memref_squeeze %dma_wait3A_753 : memref<1x8x128xi32, #tpu.memory_space<hbm>> -> memref<8x128xi32, #tpu.memory_space<hbm>>
      tpu.wait_dma2 semaphore(%arg7 : memref<!tpu.dma_semaphore, #tpu.memory_space<semaphore_mem>>) src(%dma_wait3A_754 : memref<8x128xi32, #tpu.memory_space<hbm>>) dst(%dma_wait3A_750 : memref<8x128xi32, #tpu.memory_space<vmem>>)
      %dma_wait3A_755 = arith.constant 5 : i32
      %dma_wait3A_756 = arith.constant 0 : i32
      %dma_wait3A_757 = arith.constant 0 : i32
      %dma_wait3A_758 = tpu.memref_slice %arg4[%dma_wait3A_755, %dma_wait3A_756, %dma_wait3A_757] : memref<24x8x128xi32, #tpu.memory_space<vmem>> -> memref<1x8x128xi32, #tpu.memory_space<vmem>>
      %dma_wait3A_759 = tpu.memref_squeeze %dma_wait3A_758 : memref<1x8x128xi32, #tpu.memory_space<vmem>> -> memref<8x128xi32, #tpu.memory_space<vmem>>
      %dma_wait3A_760 = arith.constant 0 : i32
      %dma_wait3A_761 = arith.constant 0 : i32
      %dma_wait3A_762 = tpu.memref_slice %arg2[%add3A_720, %dma_wait3A_760, %dma_wait3A_761] : memref<24576x8x128xi32, #tpu.memory_space<hbm>> -> memref<1x8x128xi32, #tpu.memory_space<hbm>>
      %dma_wait3A_763 = tpu.memref_squeeze %dma_wait3A_762 : memref<1x8x128xi32, #tpu.memory_space<hbm>> -> memref<8x128xi32, #tpu.memory_space<hbm>>
      %dma_wait3A_764 = arith.constant 0 : i32
      %dma_wait3A_765 = arith.constant 0 : i32
      %dma_wait3A_766 = tpu.memref_slice %arg4[%dma_wait3A_755, %dma_wait3A_764, %dma_wait3A_765] : memref<24x8x128xi32, #tpu.memory_space<vmem>> -> memref<1x8x128xi32, #tpu.memory_space<vmem>>
      %dma_wait3A_767 = tpu.memref_squeeze %dma_wait3A_766 : memref<1x8x128xi32, #tpu.memory_space<vmem>> -> memref<8x128xi32, #tpu.memory_space<vmem>>
      %dma_wait3A_768 = arith.constant 0 : i32
      %dma_wait3A_769 = arith.constant 0 : i32
      %dma_wait3A_770 = tpu.memref_slice %arg2[%add3A_720, %dma_wait3A_768, %dma_wait3A_769] : memref<24576x8x128xi32, #tpu.memory_space<hbm>> -> memref<1x8x128xi32, #tpu.memory_space<hbm>>
      %dma_wait3A_771 = tpu.memref_squeeze %dma_wait3A_770 : memref<1x8x128xi32, #tpu.memory_space<hbm>> -> memref<8x128xi32, #tpu.memory_space<hbm>>
      tpu.wait_dma2 semaphore(%arg7 : memref<!tpu.dma_semaphore, #tpu.memory_space<semaphore_mem>>) src(%dma_wait3A_771 : memref<8x128xi32, #tpu.memory_space<hbm>>) dst(%dma_wait3A_767 : memref<8x128xi32, #tpu.memory_space<vmem>>)
      %parallel_loop3A_772 = arith.constant 0 : i32
      %parallel_loop3A_773 = arith.constant 1024 : i32
      %parallel_loop3A_774 = arith.constant 16 : i32
      scf.for %parallel_loop3A_1273 = %parallel_loop3A_772 to %parallel_loop3A_773 step %parallel_loop3A_774  : i32 {
        %parallel_loop3A_1274 = arith.constant 128 : i32
        %parallel_loop3A_1275 = arith.divsi %parallel_loop3A_1273, %parallel_loop3A_1274 : i32
        %parallel_loop3A_1276 = arith.constant 0 : i32
        %parallel_loop3A_1277 = arith.cmpi sgt, %parallel_loop3A_1273, %parallel_loop3A_1276 : i32
        %parallel_loop3A_1278 = arith.extui %parallel_loop3A_1277 : i1 to i32
        %parallel_loop3A_1279 = arith.constant 0 : i32
        %parallel_loop3A_1280 = arith.cmpi slt, %parallel_loop3A_1273, %parallel_loop3A_1279 : i32
        %parallel_loop3A_1281 = arith.extui %parallel_loop3A_1280 : i1 to i32
        %parallel_loop3A_1282 = arith.subi %parallel_loop3A_1278, %parallel_loop3A_1281 : i32
        %parallel_loop3A_1283 = arith.constant 0 : i32
        %parallel_loop3A_1284 = arith.cmpi sgt, %parallel_loop3A_1274, %parallel_loop3A_1283 : i32
        %parallel_loop3A_1285 = arith.extui %parallel_loop3A_1284 : i1 to i32
        %parallel_loop3A_1286 = arith.constant 0 : i32
        %parallel_loop3A_1287 = arith.cmpi slt, %parallel_loop3A_1274, %parallel_loop3A_1286 : i32
        %parallel_loop3A_1288 = arith.extui %parallel_loop3A_1287 : i1 to i32
        %parallel_loop3A_1289 = arith.subi %parallel_loop3A_1285, %parallel_loop3A_1288 : i32
        %parallel_loop3A_1290 = arith.cmpi ne, %parallel_loop3A_1282, %parallel_loop3A_1289 : i32
        %parallel_loop3A_1291 = arith.remsi %parallel_loop3A_1273, %parallel_loop3A_1274 : i32
        %parallel_loop3A_1292 = arith.constant 0 : i32
        %parallel_loop3A_1293 = arith.cmpi ne, %parallel_loop3A_1291, %parallel_loop3A_1292 : i32
        %parallel_loop3A_1294 = arith.andi %parallel_loop3A_1290, %parallel_loop3A_1293 : i1
        %parallel_loop3A_1295 = arith.constant 1 : i32
        %parallel_loop3A_1296 = arith.subi %parallel_loop3A_1275, %parallel_loop3A_1295 : i32
        %parallel_loop3A_1297 = arith.select %parallel_loop3A_1294, %parallel_loop3A_1296, %parallel_loop3A_1275 : i32
        %parallel_loop3A_1298 = arith.constant 128 : i32
        %parallel_loop3A_1299 = arith.muli %parallel_loop3A_1297, %parallel_loop3A_1298 : i32
        %parallel_loop3A_1300 = arith.subi %parallel_loop3A_1273, %parallel_loop3A_1299 : i32
        %parallel_loop3A_1301 = arith.constant 3 : i32
        %parallel_loop3A_1302 = arith.index_cast %parallel_loop3A_1301 : i32 to index
        %parallel_loop3A_1303 = arith.index_cast %parallel_loop3A_1297 : i32 to index
        %parallel_loop3A_1304 = arith.index_cast %parallel_loop3A_1300 : i32 to index
        %parallel_loop3A_1305 = tpu.vector_load %arg4[%parallel_loop3A_1302, %parallel_loop3A_1303, %parallel_loop3A_1304] {strides = array<i32>} : memref<24x8x128xi32, #tpu.memory_space<vmem>>, vector<16xi32>,
        %parallel_loop3A_1306 = arith.constant 4 : i32
        %parallel_loop3A_1307 = arith.index_cast %parallel_loop3A_1306 : i32 to index
        %parallel_loop3A_1308 = arith.index_cast %parallel_loop3A_1297 : i32 to index
        %parallel_loop3A_1309 = arith.index_cast %parallel_loop3A_1300 : i32 to index
        %parallel_loop3A_1310 = tpu.vector_load %arg4[%parallel_loop3A_1307, %parallel_loop3A_1308, %parallel_loop3A_1309] {strides = array<i32>} : memref<24x8x128xi32, #tpu.memory_space<vmem>>, vector<16xi32>,
        %parallel_loop3A_1311 = arith.constant 5 : i32
        %parallel_loop3A_1312 = arith.index_cast %parallel_loop3A_1311 : i32 to index
        %parallel_loop3A_1313 = arith.index_cast %parallel_loop3A_1297 : i32 to index
        %parallel_loop3A_1314 = arith.index_cast %parallel_loop3A_1300 : i32 to index
        %parallel_loop3A_1315 = tpu.vector_load %arg4[%parallel_loop3A_1312, %parallel_loop3A_1313, %parallel_loop3A_1314] {strides = array<i32>} : memref<24x8x128xi32, #tpu.memory_space<vmem>>, vector<16xi32>,
        %parallel_loop3A_1316 = arith.constant 224 : i32
        %parallel_loop3A_1317 = vector.broadcast %parallel_loop3A_1316 : i32 to vector<16xi32>
        %parallel_loop3A_1318 = arith.andi %parallel_loop3A_1305, %parallel_loop3A_1317 : vector<16xi32>
        %parallel_loop3A_1319 = arith.constant 1 : i32
        %parallel_loop3A_1320 = vector.broadcast %parallel_loop3A_1319 : i32 to vector<16xi32>
        %parallel_loop3A_1321 = arith.shli %parallel_loop3A_1318, %parallel_loop3A_1320 : vector<16xi32>
        %parallel_loop3A_1322 = arith.constant 224 : i32
        %parallel_loop3A_1323 = vector.broadcast %parallel_loop3A_1322 : i32 to vector<16xi32>
        %parallel_loop3A_1324 = arith.andi %parallel_loop3A_1310, %parallel_loop3A_1323 : vector<16xi32>
        %parallel_loop3A_1325 = arith.constant 2 : i32
        %parallel_loop3A_1326 = vector.broadcast %parallel_loop3A_1325 : i32 to vector<16xi32>
        %parallel_loop3A_1327 = arith.shrsi %parallel_loop3A_1324, %parallel_loop3A_1326 : vector<16xi32>
        %parallel_loop3A_1328 = arith.ori %parallel_loop3A_1321, %parallel_loop3A_1327 : vector<16xi32>
        %parallel_loop3A_1329 = arith.constant 5 : i32
        %parallel_loop3A_1330 = vector.broadcast %parallel_loop3A_1329 : i32 to vector<16xi32>
        %parallel_loop3A_1331 = arith.shrsi %parallel_loop3A_1315, %parallel_loop3A_1330 : vector<16xi32>
        %parallel_loop3A_1332 = arith.ori %parallel_loop3A_1328, %parallel_loop3A_1331 : vector<16xi32>
        %parallel_loop3A_1333 = arith.constant 4 : i32
        %parallel_loop3A_1334 = arith.muli %parallel_loop3A_1300, %parallel_loop3A_1333 : i32
        %parallel_loop3A_1335 = arith.constant 7 : i32
        %parallel_loop3A_1336 = vector.broadcast %parallel_loop3A_1335 : i32 to vector<16xi32>
        %parallel_loop3A_1337 = arith.shrsi %parallel_loop3A_1332, %parallel_loop3A_1336 : vector<16xi32>
        %parallel_loop3A_1338 = arith.addi %mul3A_52, %parallel_loop3A_1337 : vector<16xi32>
        %parallel_loop3A_1339 = arith.constant 127 : i32
        %parallel_loop3A_1340 = vector.broadcast %parallel_loop3A_1339 : i32 to vector<16xi32>
        %parallel_loop3A_1341 = arith.andi %parallel_loop3A_1332, %parallel_loop3A_1340 : vector<16xi32>
        %parallel_loop3A_1342 = arith.constant 0 : i32
        %parallel_loop3A_1343 = tpu.memref_slice %arg5[%parallel_loop3A_1334, %parallel_loop3A_1342] : memref<512x128xf32, #tpu.memory_space<vmem>> -> memref<64x128xf32, #tpu.memory_space<vmem>>
        tpu.vector_store_idx %parallel_loop3A_1343[%parallel_loop3A_1338, %parallel_loop3A_1341], %broadcast_in_dim3A_53 {add = true} : memref<64x128xf32, #tpu.memory_space<vmem>>[vector<16xi32>, vector<16xi32>], vector<16xf32>,
      } {sc.loop_unroll_factor = 8 : i64, sc.parallel_access}
      %add3A_775 = arith.constant 7 : i32
      %add3A_776 = arith.addi %mul3A_550, %add3A_775 : i32
      %add3A_777 = arith.constant 2 : i32
      %add3A_778 = arith.addi %add3A_776, %add3A_777 : i32
      %lt3A_779 = arith.constant 256 : i32
      %lt3A_780 = arith.cmpi slt, %add3A_778, %lt3A_779 : i32
      %convert_element_type3A_781 = arith.extui %lt3A_780 : i1 to i32
      %cond3A_782 = arith.constant 0 : i32
      %cond3A_783 = arith.cmpi ne, %convert_element_type3A_781, %cond3A_782 : i32
      scf.if %cond3A_783 {
        %mul3A_1273 = arith.constant 2 : i32
        %mul3A_1274 = arith.muli %mul3A_1273, %add3A_778 : i32
        %add3A_1275 = arith.addi %mul3A_1274, %sub3A_17 : i32
        %add3A_1276 = arith.constant 0 : i32
        %add3A_1277 = arith.addi %add3A_49, %add3A_1276 : i32
        %mul3A_1278 = arith.constant 2 : i32
        %mul3A_1279 = arith.muli %add3A_1275, %mul3A_1278 : i32
        %add3A_1280 = arith.addi %add3A_1277, %mul3A_1279 : i32
        %add3A_1281 = arith.constant 1024 : i32
        %add3A_1282 = arith.addi %add3A_49, %add3A_1281 : i32
        %mul3A_1283 = arith.constant 2 : i32
        %mul3A_1284 = arith.muli %add3A_1275, %mul3A_1283 : i32
        %add3A_1285 = arith.addi %add3A_1282, %mul3A_1284 : i32
        %add3A_1286 = arith.constant 2048 : i32
        %add3A_1287 = arith.addi %add3A_49, %add3A_1286 : i32
        %mul3A_1288 = arith.constant 2 : i32
        %mul3A_1289 = arith.muli %add3A_1275, %mul3A_1288 : i32
        %add3A_1290 = arith.addi %add3A_1287, %mul3A_1289 : i32
        %dma_start3A_1291 = arith.constant 3 : i32
        %dma_start3A_1292 = arith.constant 0 : i32
        %dma_start3A_1293 = arith.constant 0 : i32
        %dma_start3A_1294 = tpu.memref_slice %arg4[%dma_start3A_1291, %dma_start3A_1292, %dma_start3A_1293] : memref<24x8x128xi32, #tpu.memory_space<vmem>> -> memref<1x8x128xi32, #tpu.memory_space<vmem>>
        %dma_start3A_1295 = tpu.memref_squeeze %dma_start3A_1294 : memref<1x8x128xi32, #tpu.memory_space<vmem>> -> memref<8x128xi32, #tpu.memory_space<vmem>>
        %dma_start3A_1296 = arith.constant 0 : i32
        %dma_start3A_1297 = arith.constant 0 : i32
        %dma_start3A_1298 = tpu.memref_slice %arg2[%add3A_1280, %dma_start3A_1296, %dma_start3A_1297] : memref<24576x8x128xi32, #tpu.memory_space<hbm>> -> memref<1x8x128xi32, #tpu.memory_space<hbm>>
        %dma_start3A_1299 = tpu.memref_squeeze %dma_start3A_1298 : memref<1x8x128xi32, #tpu.memory_space<hbm>> -> memref<8x128xi32, #tpu.memory_space<hbm>>
        %dma_start3A_1300 = arith.constant 0 : i32
        %dma_start3A_1301 = arith.constant 0 : i32
        %dma_start3A_1302 = tpu.memref_slice %arg4[%dma_start3A_1291, %dma_start3A_1300, %dma_start3A_1301] : memref<24x8x128xi32, #tpu.memory_space<vmem>> -> memref<1x8x128xi32, #tpu.memory_space<vmem>>
        %dma_start3A_1303 = tpu.memref_squeeze %dma_start3A_1302 : memref<1x8x128xi32, #tpu.memory_space<vmem>> -> memref<8x128xi32, #tpu.memory_space<vmem>>
        %dma_start3A_1304 = arith.constant 0 : i32
        %dma_start3A_1305 = arith.constant 0 : i32
        %dma_start3A_1306 = tpu.memref_slice %arg2[%add3A_1280, %dma_start3A_1304, %dma_start3A_1305] : memref<24576x8x128xi32, #tpu.memory_space<hbm>> -> memref<1x8x128xi32, #tpu.memory_space<hbm>>
        %dma_start3A_1307 = tpu.memref_squeeze %dma_start3A_1306 : memref<1x8x128xi32, #tpu.memory_space<hbm>> -> memref<8x128xi32, #tpu.memory_space<hbm>>
        tpu.enqueue_dma source(%dma_start3A_1307 : memref<8x128xi32, #tpu.memory_space<hbm>>) target(%dma_start3A_1303 : memref<8x128xi32, #tpu.memory_space<vmem>>) target_semaphore(%arg7 : memref<!tpu.dma_semaphore, #tpu.memory_space<semaphore_mem>>)
        %dma_start3A_1308 = arith.constant 4 : i32
        %dma_start3A_1309 = arith.constant 0 : i32
        %dma_start3A_1310 = arith.constant 0 : i32
        %dma_start3A_1311 = tpu.memref_slice %arg4[%dma_start3A_1308, %dma_start3A_1309, %dma_start3A_1310] : memref<24x8x128xi32, #tpu.memory_space<vmem>> -> memref<1x8x128xi32, #tpu.memory_space<vmem>>
        %dma_start3A_1312 = tpu.memref_squeeze %dma_start3A_1311 : memref<1x8x128xi32, #tpu.memory_space<vmem>> -> memref<8x128xi32, #tpu.memory_space<vmem>>
        %dma_start3A_1313 = arith.constant 0 : i32
        %dma_start3A_1314 = arith.constant 0 : i32
        %dma_start3A_1315 = tpu.memref_slice %arg2[%add3A_1285, %dma_start3A_1313, %dma_start3A_1314] : memref<24576x8x128xi32, #tpu.memory_space<hbm>> -> memref<1x8x128xi32, #tpu.memory_space<hbm>>
        %dma_start3A_1316 = tpu.memref_squeeze %dma_start3A_1315 : memref<1x8x128xi32, #tpu.memory_space<hbm>> -> memref<8x128xi32, #tpu.memory_space<hbm>>
        %dma_start3A_1317 = arith.constant 0 : i32
        %dma_start3A_1318 = arith.constant 0 : i32
        %dma_start3A_1319 = tpu.memref_slice %arg4[%dma_start3A_1308, %dma_start3A_1317, %dma_start3A_1318] : memref<24x8x128xi32, #tpu.memory_space<vmem>> -> memref<1x8x128xi32, #tpu.memory_space<vmem>>
        %dma_start3A_1320 = tpu.memref_squeeze %dma_start3A_1319 : memref<1x8x128xi32, #tpu.memory_space<vmem>> -> memref<8x128xi32, #tpu.memory_space<vmem>>
        %dma_start3A_1321 = arith.constant 0 : i32
        %dma_start3A_1322 = arith.constant 0 : i32
        %dma_start3A_1323 = tpu.memref_slice %arg2[%add3A_1285, %dma_start3A_1321, %dma_start3A_1322] : memref<24576x8x128xi32, #tpu.memory_space<hbm>> -> memref<1x8x128xi32, #tpu.memory_space<hbm>>
        %dma_start3A_1324 = tpu.memref_squeeze %dma_start3A_1323 : memref<1x8x128xi32, #tpu.memory_space<hbm>> -> memref<8x128xi32, #tpu.memory_space<hbm>>
        tpu.enqueue_dma source(%dma_start3A_1324 : memref<8x128xi32, #tpu.memory_space<hbm>>) target(%dma_start3A_1320 : memref<8x128xi32, #tpu.memory_space<vmem>>) target_semaphore(%arg7 : memref<!tpu.dma_semaphore, #tpu.memory_space<semaphore_mem>>)
        %dma_start3A_1325 = arith.constant 5 : i32
        %dma_start3A_1326 = arith.constant 0 : i32
        %dma_start3A_1327 = arith.constant 0 : i32
        %dma_start3A_1328 = tpu.memref_slice %arg4[%dma_start3A_1325, %dma_start3A_1326, %dma_start3A_1327] : memref<24x8x128xi32, #tpu.memory_space<vmem>> -> memref<1x8x128xi32, #tpu.memory_space<vmem>>
        %dma_start3A_1329 = tpu.memref_squeeze %dma_start3A_1328 : memref<1x8x128xi32, #tpu.memory_space<vmem>> -> memref<8x128xi32, #tpu.memory_space<vmem>>
        %dma_start3A_1330 = arith.constant 0 : i32
        %dma_start3A_1331 = arith.constant 0 : i32
        %dma_start3A_1332 = tpu.memref_slice %arg2[%add3A_1290, %dma_start3A_1330, %dma_start3A_1331] : memref<24576x8x128xi32, #tpu.memory_space<hbm>> -> memref<1x8x128xi32, #tpu.memory_space<hbm>>
        %dma_start3A_1333 = tpu.memref_squeeze %dma_start3A_1332 : memref<1x8x128xi32, #tpu.memory_space<hbm>> -> memref<8x128xi32, #tpu.memory_space<hbm>>
        %dma_start3A_1334 = arith.constant 0 : i32
        %dma_start3A_1335 = arith.constant 0 : i32
        %dma_start3A_1336 = tpu.memref_slice %arg4[%dma_start3A_1325, %dma_start3A_1334, %dma_start3A_1335] : memref<24x8x128xi32, #tpu.memory_space<vmem>> -> memref<1x8x128xi32, #tpu.memory_space<vmem>>
        %dma_start3A_1337 = tpu.memref_squeeze %dma_start3A_1336 : memref<1x8x128xi32, #tpu.memory_space<vmem>> -> memref<8x128xi32, #tpu.memory_space<vmem>>
        %dma_start3A_1338 = arith.constant 0 : i32
        %dma_start3A_1339 = arith.constant 0 : i32
        %dma_start3A_1340 = tpu.memref_slice %arg2[%add3A_1290, %dma_start3A_1338, %dma_start3A_1339] : memref<24576x8x128xi32, #tpu.memory_space<hbm>> -> memref<1x8x128xi32, #tpu.memory_space<hbm>>
        %dma_start3A_1341 = tpu.memref_squeeze %dma_start3A_1340 : memref<1x8x128xi32, #tpu.memory_space<hbm>> -> memref<8x128xi32, #tpu.memory_space<hbm>>
        tpu.enqueue_dma source(%dma_start3A_1341 : memref<8x128xi32, #tpu.memory_space<hbm>>) target(%dma_start3A_1337 : memref<8x128xi32, #tpu.memory_space<vmem>>) target_semaphore(%arg7 : memref<!tpu.dma_semaphore, #tpu.memory_space<semaphore_mem>>)
      } else {
      }
      %add3A_784 = arith.constant 2 : i32
      %add3A_785 = arith.addi %mul3A_550, %add3A_784 : i32
      %mul3A_786 = arith.constant 2 : i32
      %mul3A_787 = arith.muli %mul3A_786, %add3A_785 : i32
      %add3A_788 = arith.addi %mul3A_787, %sub3A_17 : i32
      %add3A_789 = arith.constant 0 : i32
      %add3A_790 = arith.addi %add3A_49, %add3A_789 : i32
      %mul3A_791 = arith.constant 2 : i32
      %mul3A_792 = arith.muli %add3A_788, %mul3A_791 : i32
      %add3A_793 = arith.addi %add3A_790, %mul3A_792 : i32
      %add3A_794 = arith.constant 1024 : i32
      %add3A_795 = arith.addi %add3A_49, %add3A_794 : i32
      %mul3A_796 = arith.constant 2 : i32
      %mul3A_797 = arith.muli %add3A_788, %mul3A_796 : i32
      %add3A_798 = arith.addi %add3A_795, %mul3A_797 : i32
      %add3A_799 = arith.constant 2048 : i32
      %add3A_800 = arith.addi %add3A_49, %add3A_799 : i32
      %mul3A_801 = arith.constant 2 : i32
      %mul3A_802 = arith.muli %add3A_788, %mul3A_801 : i32
      %add3A_803 = arith.addi %add3A_800, %mul3A_802 : i32
      %dma_wait3A_804 = arith.constant 6 : i32
      %dma_wait3A_805 = arith.constant 0 : i32
      %dma_wait3A_806 = arith.constant 0 : i32
      %dma_wait3A_807 = tpu.memref_slice %arg4[%dma_wait3A_804, %dma_wait3A_805, %dma_wait3A_806] : memref<24x8x128xi32, #tpu.memory_space<vmem>> -> memref<1x8x128xi32, #tpu.memory_space<vmem>>
      %dma_wait3A_808 = tpu.memref_squeeze %dma_wait3A_807 : memref<1x8x128xi32, #tpu.memory_space<vmem>> -> memref<8x128xi32, #tpu.memory_space<vmem>>
      %dma_wait3A_809 = arith.constant 0 : i32
      %dma_wait3A_810 = arith.constant 0 : i32
      %dma_wait3A_811 = tpu.memref_slice %arg2[%add3A_793, %dma_wait3A_809, %dma_wait3A_810] : memref<24576x8x128xi32, #tpu.memory_space<hbm>> -> memref<1x8x128xi32, #tpu.memory_space<hbm>>
      %dma_wait3A_812 = tpu.memref_squeeze %dma_wait3A_811 : memref<1x8x128xi32, #tpu.memory_space<hbm>> -> memref<8x128xi32, #tpu.memory_space<hbm>>
      %dma_wait3A_813 = arith.constant 0 : i32
      %dma_wait3A_814 = arith.constant 0 : i32
      %dma_wait3A_815 = tpu.memref_slice %arg4[%dma_wait3A_804, %dma_wait3A_813, %dma_wait3A_814] : memref<24x8x128xi32, #tpu.memory_space<vmem>> -> memref<1x8x128xi32, #tpu.memory_space<vmem>>
      %dma_wait3A_816 = tpu.memref_squeeze %dma_wait3A_815 : memref<1x8x128xi32, #tpu.memory_space<vmem>> -> memref<8x128xi32, #tpu.memory_space<vmem>>
      %dma_wait3A_817 = arith.constant 0 : i32
      %dma_wait3A_818 = arith.constant 0 : i32
      %dma_wait3A_819 = tpu.memref_slice %arg2[%add3A_793, %dma_wait3A_817, %dma_wait3A_818] : memref<24576x8x128xi32, #tpu.memory_space<hbm>> -> memref<1x8x128xi32, #tpu.memory_space<hbm>>
      %dma_wait3A_820 = tpu.memref_squeeze %dma_wait3A_819 : memref<1x8x128xi32, #tpu.memory_space<hbm>> -> memref<8x128xi32, #tpu.memory_space<hbm>>
      tpu.wait_dma2 semaphore(%arg8 : memref<!tpu.dma_semaphore, #tpu.memory_space<semaphore_mem>>) src(%dma_wait3A_820 : memref<8x128xi32, #tpu.memory_space<hbm>>) dst(%dma_wait3A_816 : memref<8x128xi32, #tpu.memory_space<vmem>>)
      %dma_wait3A_821 = arith.constant 7 : i32
      %dma_wait3A_822 = arith.constant 0 : i32
      %dma_wait3A_823 = arith.constant 0 : i32
      %dma_wait3A_824 = tpu.memref_slice %arg4[%dma_wait3A_821, %dma_wait3A_822, %dma_wait3A_823] : memref<24x8x128xi32, #tpu.memory_space<vmem>> -> memref<1x8x128xi32, #tpu.memory_space<vmem>>
      %dma_wait3A_825 = tpu.memref_squeeze %dma_wait3A_824 : memref<1x8x128xi32, #tpu.memory_space<vmem>> -> memref<8x128xi32, #tpu.memory_space<vmem>>
      %dma_wait3A_826 = arith.constant 0 : i32
      %dma_wait3A_827 = arith.constant 0 : i32
      %dma_wait3A_828 = tpu.memref_slice %arg2[%add3A_798, %dma_wait3A_826, %dma_wait3A_827] : memref<24576x8x128xi32, #tpu.memory_space<hbm>> -> memref<1x8x128xi32, #tpu.memory_space<hbm>>
      %dma_wait3A_829 = tpu.memref_squeeze %dma_wait3A_828 : memref<1x8x128xi32, #tpu.memory_space<hbm>> -> memref<8x128xi32, #tpu.memory_space<hbm>>
      %dma_wait3A_830 = arith.constant 0 : i32
      %dma_wait3A_831 = arith.constant 0 : i32
      %dma_wait3A_832 = tpu.memref_slice %arg4[%dma_wait3A_821, %dma_wait3A_830, %dma_wait3A_831] : memref<24x8x128xi32, #tpu.memory_space<vmem>> -> memref<1x8x128xi32, #tpu.memory_space<vmem>>
      %dma_wait3A_833 = tpu.memref_squeeze %dma_wait3A_832 : memref<1x8x128xi32, #tpu.memory_space<vmem>> -> memref<8x128xi32, #tpu.memory_space<vmem>>
      %dma_wait3A_834 = arith.constant 0 : i32
      %dma_wait3A_835 = arith.constant 0 : i32
      %dma_wait3A_836 = tpu.memref_slice %arg2[%add3A_798, %dma_wait3A_834, %dma_wait3A_835] : memref<24576x8x128xi32, #tpu.memory_space<hbm>> -> memref<1x8x128xi32, #tpu.memory_space<hbm>>
      %dma_wait3A_837 = tpu.memref_squeeze %dma_wait3A_836 : memref<1x8x128xi32, #tpu.memory_space<hbm>> -> memref<8x128xi32, #tpu.memory_space<hbm>>
      tpu.wait_dma2 semaphore(%arg8 : memref<!tpu.dma_semaphore, #tpu.memory_space<semaphore_mem>>) src(%dma_wait3A_837 : memref<8x128xi32, #tpu.memory_space<hbm>>) dst(%dma_wait3A_833 : memref<8x128xi32, #tpu.memory_space<vmem>>)
      %dma_wait3A_838 = arith.constant 8 : i32
      %dma_wait3A_839 = arith.constant 0 : i32
      %dma_wait3A_840 = arith.constant 0 : i32
      %dma_wait3A_841 = tpu.memref_slice %arg4[%dma_wait3A_838, %dma_wait3A_839, %dma_wait3A_840] : memref<24x8x128xi32, #tpu.memory_space<vmem>> -> memref<1x8x128xi32, #tpu.memory_space<vmem>>
      %dma_wait3A_842 = tpu.memref_squeeze %dma_wait3A_841 : memref<1x8x128xi32, #tpu.memory_space<vmem>> -> memref<8x128xi32, #tpu.memory_space<vmem>>
      %dma_wait3A_843 = arith.constant 0 : i32
      %dma_wait3A_844 = arith.constant 0 : i32
      %dma_wait3A_845 = tpu.memref_slice %arg2[%add3A_803, %dma_wait3A_843, %dma_wait3A_844] : memref<24576x8x128xi32, #tpu.memory_space<hbm>> -> memref<1x8x128xi32, #tpu.memory_space<hbm>>
      %dma_wait3A_846 = tpu.memref_squeeze %dma_wait3A_845 : memref<1x8x128xi32, #tpu.memory_space<hbm>> -> memref<8x128xi32, #tpu.memory_space<hbm>>
      %dma_wait3A_847 = arith.constant 0 : i32
      %dma_wait3A_848 = arith.constant 0 : i32
      %dma_wait3A_849 = tpu.memref_slice %arg4[%dma_wait3A_838, %dma_wait3A_847, %dma_wait3A_848] : memref<24x8x128xi32, #tpu.memory_space<vmem>> -> memref<1x8x128xi32, #tpu.memory_space<vmem>>
      %dma_wait3A_850 = tpu.memref_squeeze %dma_wait3A_849 : memref<1x8x128xi32, #tpu.memory_space<vmem>> -> memref<8x128xi32, #tpu.memory_space<vmem>>
      %dma_wait3A_851 = arith.constant 0 : i32
      %dma_wait3A_852 = arith.constant 0 : i32
      %dma_wait3A_853 = tpu.memref_slice %arg2[%add3A_803, %dma_wait3A_851, %dma_wait3A_852] : memref<24576x8x128xi32, #tpu.memory_space<hbm>> -> memref<1x8x128xi32, #tpu.memory_space<hbm>>
      %dma_wait3A_854 = tpu.memref_squeeze %dma_wait3A_853 : memref<1x8x128xi32, #tpu.memory_space<hbm>> -> memref<8x128xi32, #tpu.memory_space<hbm>>
      tpu.wait_dma2 semaphore(%arg8 : memref<!tpu.dma_semaphore, #tpu.memory_space<semaphore_mem>>) src(%dma_wait3A_854 : memref<8x128xi32, #tpu.memory_space<hbm>>) dst(%dma_wait3A_850 : memref<8x128xi32, #tpu.memory_space<vmem>>)
      %parallel_loop3A_855 = arith.constant 0 : i32
      %parallel_loop3A_856 = arith.constant 1024 : i32
      %parallel_loop3A_857 = arith.constant 16 : i32
      scf.for %parallel_loop3A_1273 = %parallel_loop3A_855 to %parallel_loop3A_856 step %parallel_loop3A_857  : i32 {
        %parallel_loop3A_1274 = arith.constant 128 : i32
        %parallel_loop3A_1275 = arith.divsi %parallel_loop3A_1273, %parallel_loop3A_1274 : i32
        %parallel_loop3A_1276 = arith.constant 0 : i32
        %parallel_loop3A_1277 = arith.cmpi sgt, %parallel_loop3A_1273, %parallel_loop3A_1276 : i32
        %parallel_loop3A_1278 = arith.extui %parallel_loop3A_1277 : i1 to i32
        %parallel_loop3A_1279 = arith.constant 0 : i32
        %parallel_loop3A_1280 = arith.cmpi slt, %parallel_loop3A_1273, %parallel_loop3A_1279 : i32
        %parallel_loop3A_1281 = arith.extui %parallel_loop3A_1280 : i1 to i32
        %parallel_loop3A_1282 = arith.subi %parallel_loop3A_1278, %parallel_loop3A_1281 : i32
        %parallel_loop3A_1283 = arith.constant 0 : i32
        %parallel_loop3A_1284 = arith.cmpi sgt, %parallel_loop3A_1274, %parallel_loop3A_1283 : i32
        %parallel_loop3A_1285 = arith.extui %parallel_loop3A_1284 : i1 to i32
        %parallel_loop3A_1286 = arith.constant 0 : i32
        %parallel_loop3A_1287 = arith.cmpi slt, %parallel_loop3A_1274, %parallel_loop3A_1286 : i32
        %parallel_loop3A_1288 = arith.extui %parallel_loop3A_1287 : i1 to i32
        %parallel_loop3A_1289 = arith.subi %parallel_loop3A_1285, %parallel_loop3A_1288 : i32
        %parallel_loop3A_1290 = arith.cmpi ne, %parallel_loop3A_1282, %parallel_loop3A_1289 : i32
        %parallel_loop3A_1291 = arith.remsi %parallel_loop3A_1273, %parallel_loop3A_1274 : i32
        %parallel_loop3A_1292 = arith.constant 0 : i32
        %parallel_loop3A_1293 = arith.cmpi ne, %parallel_loop3A_1291, %parallel_loop3A_1292 : i32
        %parallel_loop3A_1294 = arith.andi %parallel_loop3A_1290, %parallel_loop3A_1293 : i1
        %parallel_loop3A_1295 = arith.constant 1 : i32
        %parallel_loop3A_1296 = arith.subi %parallel_loop3A_1275, %parallel_loop3A_1295 : i32
        %parallel_loop3A_1297 = arith.select %parallel_loop3A_1294, %parallel_loop3A_1296, %parallel_loop3A_1275 : i32
        %parallel_loop3A_1298 = arith.constant 128 : i32
        %parallel_loop3A_1299 = arith.muli %parallel_loop3A_1297, %parallel_loop3A_1298 : i32
        %parallel_loop3A_1300 = arith.subi %parallel_loop3A_1273, %parallel_loop3A_1299 : i32
        %parallel_loop3A_1301 = arith.constant 6 : i32
        %parallel_loop3A_1302 = arith.index_cast %parallel_loop3A_1301 : i32 to index
        %parallel_loop3A_1303 = arith.index_cast %parallel_loop3A_1297 : i32 to index
        %parallel_loop3A_1304 = arith.index_cast %parallel_loop3A_1300 : i32 to index
        %parallel_loop3A_1305 = tpu.vector_load %arg4[%parallel_loop3A_1302, %parallel_loop3A_1303, %parallel_loop3A_1304] {strides = array<i32>} : memref<24x8x128xi32, #tpu.memory_space<vmem>>, vector<16xi32>,
        %parallel_loop3A_1306 = arith.constant 7 : i32
        %parallel_loop3A_1307 = arith.index_cast %parallel_loop3A_1306 : i32 to index
        %parallel_loop3A_1308 = arith.index_cast %parallel_loop3A_1297 : i32 to index
        %parallel_loop3A_1309 = arith.index_cast %parallel_loop3A_1300 : i32 to index
        %parallel_loop3A_1310 = tpu.vector_load %arg4[%parallel_loop3A_1307, %parallel_loop3A_1308, %parallel_loop3A_1309] {strides = array<i32>} : memref<24x8x128xi32, #tpu.memory_space<vmem>>, vector<16xi32>,
        %parallel_loop3A_1311 = arith.constant 8 : i32
        %parallel_loop3A_1312 = arith.index_cast %parallel_loop3A_1311 : i32 to index
        %parallel_loop3A_1313 = arith.index_cast %parallel_loop3A_1297 : i32 to index
        %parallel_loop3A_1314 = arith.index_cast %parallel_loop3A_1300 : i32 to index
        %parallel_loop3A_1315 = tpu.vector_load %arg4[%parallel_loop3A_1312, %parallel_loop3A_1313, %parallel_loop3A_1314] {strides = array<i32>} : memref<24x8x128xi32, #tpu.memory_space<vmem>>, vector<16xi32>,
        %parallel_loop3A_1316 = arith.constant 224 : i32
        %parallel_loop3A_1317 = vector.broadcast %parallel_loop3A_1316 : i32 to vector<16xi32>
        %parallel_loop3A_1318 = arith.andi %parallel_loop3A_1305, %parallel_loop3A_1317 : vector<16xi32>
        %parallel_loop3A_1319 = arith.constant 1 : i32
        %parallel_loop3A_1320 = vector.broadcast %parallel_loop3A_1319 : i32 to vector<16xi32>
        %parallel_loop3A_1321 = arith.shli %parallel_loop3A_1318, %parallel_loop3A_1320 : vector<16xi32>
        %parallel_loop3A_1322 = arith.constant 224 : i32
        %parallel_loop3A_1323 = vector.broadcast %parallel_loop3A_1322 : i32 to vector<16xi32>
        %parallel_loop3A_1324 = arith.andi %parallel_loop3A_1310, %parallel_loop3A_1323 : vector<16xi32>
        %parallel_loop3A_1325 = arith.constant 2 : i32
        %parallel_loop3A_1326 = vector.broadcast %parallel_loop3A_1325 : i32 to vector<16xi32>
        %parallel_loop3A_1327 = arith.shrsi %parallel_loop3A_1324, %parallel_loop3A_1326 : vector<16xi32>
        %parallel_loop3A_1328 = arith.ori %parallel_loop3A_1321, %parallel_loop3A_1327 : vector<16xi32>
        %parallel_loop3A_1329 = arith.constant 5 : i32
        %parallel_loop3A_1330 = vector.broadcast %parallel_loop3A_1329 : i32 to vector<16xi32>
        %parallel_loop3A_1331 = arith.shrsi %parallel_loop3A_1315, %parallel_loop3A_1330 : vector<16xi32>
        %parallel_loop3A_1332 = arith.ori %parallel_loop3A_1328, %parallel_loop3A_1331 : vector<16xi32>
        %parallel_loop3A_1333 = arith.constant 4 : i32
        %parallel_loop3A_1334 = arith.muli %parallel_loop3A_1300, %parallel_loop3A_1333 : i32
        %parallel_loop3A_1335 = arith.constant 7 : i32
        %parallel_loop3A_1336 = vector.broadcast %parallel_loop3A_1335 : i32 to vector<16xi32>
        %parallel_loop3A_1337 = arith.shrsi %parallel_loop3A_1332, %parallel_loop3A_1336 : vector<16xi32>
        %parallel_loop3A_1338 = arith.addi %mul3A_52, %parallel_loop3A_1337 : vector<16xi32>
        %parallel_loop3A_1339 = arith.constant 127 : i32
        %parallel_loop3A_1340 = vector.broadcast %parallel_loop3A_1339 : i32 to vector<16xi32>
        %parallel_loop3A_1341 = arith.andi %parallel_loop3A_1332, %parallel_loop3A_1340 : vector<16xi32>
        %parallel_loop3A_1342 = arith.constant 0 : i32
        %parallel_loop3A_1343 = tpu.memref_slice %arg5[%parallel_loop3A_1334, %parallel_loop3A_1342] : memref<512x128xf32, #tpu.memory_space<vmem>> -> memref<64x128xf32, #tpu.memory_space<vmem>>
        tpu.vector_store_idx %parallel_loop3A_1343[%parallel_loop3A_1338, %parallel_loop3A_1341], %broadcast_in_dim3A_53 {add = true} : memref<64x128xf32, #tpu.memory_space<vmem>>[vector<16xi32>, vector<16xi32>], vector<16xf32>,
      } {sc.loop_unroll_factor = 8 : i64, sc.parallel_access}
      %add3A_858 = arith.constant 7 : i32
      %add3A_859 = arith.addi %mul3A_550, %add3A_858 : i32
      %add3A_860 = arith.constant 3 : i32
      %add3A_861 = arith.addi %add3A_859, %add3A_860 : i32
      %lt3A_862 = arith.constant 256 : i32
      %lt3A_863 = arith.cmpi slt, %add3A_861, %lt3A_862 : i32
      %convert_element_type3A_864 = arith.extui %lt3A_863 : i1 to i32
      %cond3A_865 = arith.constant 0 : i32
      %cond3A_866 = arith.cmpi ne, %convert_element_type3A_864, %cond3A_865 : i32
      scf.if %cond3A_866 {
        %mul3A_1273 = arith.constant 2 : i32
        %mul3A_1274 = arith.muli %mul3A_1273, %add3A_861 : i32
        %add3A_1275 = arith.addi %mul3A_1274, %sub3A_17 : i32
        %add3A_1276 = arith.constant 0 : i32
        %add3A_1277 = arith.addi %add3A_49, %add3A_1276 : i32
        %mul3A_1278 = arith.constant 2 : i32
        %mul3A_1279 = arith.muli %add3A_1275, %mul3A_1278 : i32
        %add3A_1280 = arith.addi %add3A_1277, %mul3A_1279 : i32
        %add3A_1281 = arith.constant 1024 : i32
        %add3A_1282 = arith.addi %add3A_49, %add3A_1281 : i32
        %mul3A_1283 = arith.constant 2 : i32
        %mul3A_1284 = arith.muli %add3A_1275, %mul3A_1283 : i32
        %add3A_1285 = arith.addi %add3A_1282, %mul3A_1284 : i32
        %add3A_1286 = arith.constant 2048 : i32
        %add3A_1287 = arith.addi %add3A_49, %add3A_1286 : i32
        %mul3A_1288 = arith.constant 2 : i32
        %mul3A_1289 = arith.muli %add3A_1275, %mul3A_1288 : i32
        %add3A_1290 = arith.addi %add3A_1287, %mul3A_1289 : i32
        %dma_start3A_1291 = arith.constant 6 : i32
        %dma_start3A_1292 = arith.constant 0 : i32
        %dma_start3A_1293 = arith.constant 0 : i32
        %dma_start3A_1294 = tpu.memref_slice %arg4[%dma_start3A_1291, %dma_start3A_1292, %dma_start3A_1293] : memref<24x8x128xi32, #tpu.memory_space<vmem>> -> memref<1x8x128xi32, #tpu.memory_space<vmem>>
        %dma_start3A_1295 = tpu.memref_squeeze %dma_start3A_1294 : memref<1x8x128xi32, #tpu.memory_space<vmem>> -> memref<8x128xi32, #tpu.memory_space<vmem>>
        %dma_start3A_1296 = arith.constant 0 : i32
        %dma_start3A_1297 = arith.constant 0 : i32
        %dma_start3A_1298 = tpu.memref_slice %arg2[%add3A_1280, %dma_start3A_1296, %dma_start3A_1297] : memref<24576x8x128xi32, #tpu.memory_space<hbm>> -> memref<1x8x128xi32, #tpu.memory_space<hbm>>
        %dma_start3A_1299 = tpu.memref_squeeze %dma_start3A_1298 : memref<1x8x128xi32, #tpu.memory_space<hbm>> -> memref<8x128xi32, #tpu.memory_space<hbm>>
        %dma_start3A_1300 = arith.constant 0 : i32
        %dma_start3A_1301 = arith.constant 0 : i32
        %dma_start3A_1302 = tpu.memref_slice %arg4[%dma_start3A_1291, %dma_start3A_1300, %dma_start3A_1301] : memref<24x8x128xi32, #tpu.memory_space<vmem>> -> memref<1x8x128xi32, #tpu.memory_space<vmem>>
        %dma_start3A_1303 = tpu.memref_squeeze %dma_start3A_1302 : memref<1x8x128xi32, #tpu.memory_space<vmem>> -> memref<8x128xi32, #tpu.memory_space<vmem>>
        %dma_start3A_1304 = arith.constant 0 : i32
        %dma_start3A_1305 = arith.constant 0 : i32
        %dma_start3A_1306 = tpu.memref_slice %arg2[%add3A_1280, %dma_start3A_1304, %dma_start3A_1305] : memref<24576x8x128xi32, #tpu.memory_space<hbm>> -> memref<1x8x128xi32, #tpu.memory_space<hbm>>
        %dma_start3A_1307 = tpu.memref_squeeze %dma_start3A_1306 : memref<1x8x128xi32, #tpu.memory_space<hbm>> -> memref<8x128xi32, #tpu.memory_space<hbm>>
        tpu.enqueue_dma source(%dma_start3A_1307 : memref<8x128xi32, #tpu.memory_space<hbm>>) target(%dma_start3A_1303 : memref<8x128xi32, #tpu.memory_space<vmem>>) target_semaphore(%arg8 : memref<!tpu.dma_semaphore, #tpu.memory_space<semaphore_mem>>)
        %dma_start3A_1308 = arith.constant 7 : i32
        %dma_start3A_1309 = arith.constant 0 : i32
        %dma_start3A_1310 = arith.constant 0 : i32
        %dma_start3A_1311 = tpu.memref_slice %arg4[%dma_start3A_1308, %dma_start3A_1309, %dma_start3A_1310] : memref<24x8x128xi32, #tpu.memory_space<vmem>> -> memref<1x8x128xi32, #tpu.memory_space<vmem>>
        %dma_start3A_1312 = tpu.memref_squeeze %dma_start3A_1311 : memref<1x8x128xi32, #tpu.memory_space<vmem>> -> memref<8x128xi32, #tpu.memory_space<vmem>>
        %dma_start3A_1313 = arith.constant 0 : i32
        %dma_start3A_1314 = arith.constant 0 : i32
        %dma_start3A_1315 = tpu.memref_slice %arg2[%add3A_1285, %dma_start3A_1313, %dma_start3A_1314] : memref<24576x8x128xi32, #tpu.memory_space<hbm>> -> memref<1x8x128xi32, #tpu.memory_space<hbm>>
        %dma_start3A_1316 = tpu.memref_squeeze %dma_start3A_1315 : memref<1x8x128xi32, #tpu.memory_space<hbm>> -> memref<8x128xi32, #tpu.memory_space<hbm>>
        %dma_start3A_1317 = arith.constant 0 : i32
        %dma_start3A_1318 = arith.constant 0 : i32
        %dma_start3A_1319 = tpu.memref_slice %arg4[%dma_start3A_1308, %dma_start3A_1317, %dma_start3A_1318] : memref<24x8x128xi32, #tpu.memory_space<vmem>> -> memref<1x8x128xi32, #tpu.memory_space<vmem>>
        %dma_start3A_1320 = tpu.memref_squeeze %dma_start3A_1319 : memref<1x8x128xi32, #tpu.memory_space<vmem>> -> memref<8x128xi32, #tpu.memory_space<vmem>>
        %dma_start3A_1321 = arith.constant 0 : i32
        %dma_start3A_1322 = arith.constant 0 : i32
        %dma_start3A_1323 = tpu.memref_slice %arg2[%add3A_1285, %dma_start3A_1321, %dma_start3A_1322] : memref<24576x8x128xi32, #tpu.memory_space<hbm>> -> memref<1x8x128xi32, #tpu.memory_space<hbm>>
        %dma_start3A_1324 = tpu.memref_squeeze %dma_start3A_1323 : memref<1x8x128xi32, #tpu.memory_space<hbm>> -> memref<8x128xi32, #tpu.memory_space<hbm>>
        tpu.enqueue_dma source(%dma_start3A_1324 : memref<8x128xi32, #tpu.memory_space<hbm>>) target(%dma_start3A_1320 : memref<8x128xi32, #tpu.memory_space<vmem>>) target_semaphore(%arg8 : memref<!tpu.dma_semaphore, #tpu.memory_space<semaphore_mem>>)
        %dma_start3A_1325 = arith.constant 8 : i32
        %dma_start3A_1326 = arith.constant 0 : i32
        %dma_start3A_1327 = arith.constant 0 : i32
        %dma_start3A_1328 = tpu.memref_slice %arg4[%dma_start3A_1325, %dma_start3A_1326, %dma_start3A_1327] : memref<24x8x128xi32, #tpu.memory_space<vmem>> -> memref<1x8x128xi32, #tpu.memory_space<vmem>>
        %dma_start3A_1329 = tpu.memref_squeeze %dma_start3A_1328 : memref<1x8x128xi32, #tpu.memory_space<vmem>> -> memref<8x128xi32, #tpu.memory_space<vmem>>
        %dma_start3A_1330 = arith.constant 0 : i32
        %dma_start3A_1331 = arith.constant 0 : i32
        %dma_start3A_1332 = tpu.memref_slice %arg2[%add3A_1290, %dma_start3A_1330, %dma_start3A_1331] : memref<24576x8x128xi32, #tpu.memory_space<hbm>> -> memref<1x8x128xi32, #tpu.memory_space<hbm>>
        %dma_start3A_1333 = tpu.memref_squeeze %dma_start3A_1332 : memref<1x8x128xi32, #tpu.memory_space<hbm>> -> memref<8x128xi32, #tpu.memory_space<hbm>>
        %dma_start3A_1334 = arith.constant 0 : i32
        %dma_start3A_1335 = arith.constant 0 : i32
        %dma_start3A_1336 = tpu.memref_slice %arg4[%dma_start3A_1325, %dma_start3A_1334, %dma_start3A_1335] : memref<24x8x128xi32, #tpu.memory_space<vmem>> -> memref<1x8x128xi32, #tpu.memory_space<vmem>>
        %dma_start3A_1337 = tpu.memref_squeeze %dma_start3A_1336 : memref<1x8x128xi32, #tpu.memory_space<vmem>> -> memref<8x128xi32, #tpu.memory_space<vmem>>
        %dma_start3A_1338 = arith.constant 0 : i32
        %dma_start3A_1339 = arith.constant 0 : i32
        %dma_start3A_1340 = tpu.memref_slice %arg2[%add3A_1290, %dma_start3A_1338, %dma_start3A_1339] : memref<24576x8x128xi32, #tpu.memory_space<hbm>> -> memref<1x8x128xi32, #tpu.memory_space<hbm>>
        %dma_start3A_1341 = tpu.memref_squeeze %dma_start3A_1340 : memref<1x8x128xi32, #tpu.memory_space<hbm>> -> memref<8x128xi32, #tpu.memory_space<hbm>>
        tpu.enqueue_dma source(%dma_start3A_1341 : memref<8x128xi32, #tpu.memory_space<hbm>>) target(%dma_start3A_1337 : memref<8x128xi32, #tpu.memory_space<vmem>>) target_semaphore(%arg8 : memref<!tpu.dma_semaphore, #tpu.memory_space<semaphore_mem>>)
      } else {
      }
      %add3A_867 = arith.constant 3 : i32
      %add3A_868 = arith.addi %mul3A_550, %add3A_867 : i32
      %mul3A_869 = arith.constant 2 : i32
      %mul3A_870 = arith.muli %mul3A_869, %add3A_868 : i32
      %add3A_871 = arith.addi %mul3A_870, %sub3A_17 : i32
      %add3A_872 = arith.constant 0 : i32
      %add3A_873 = arith.addi %add3A_49, %add3A_872 : i32
      %mul3A_874 = arith.constant 2 : i32
      %mul3A_875 = arith.muli %add3A_871, %mul3A_874 : i32
      %add3A_876 = arith.addi %add3A_873, %mul3A_875 : i32
      %add3A_877 = arith.constant 1024 : i32
      %add3A_878 = arith.addi %add3A_49, %add3A_877 : i32
      %mul3A_879 = arith.constant 2 : i32
      %mul3A_880 = arith.muli %add3A_871, %mul3A_879 : i32
      %add3A_881 = arith.addi %add3A_878, %mul3A_880 : i32
      %add3A_882 = arith.constant 2048 : i32
      %add3A_883 = arith.addi %add3A_49, %add3A_882 : i32
      %mul3A_884 = arith.constant 2 : i32
      %mul3A_885 = arith.muli %add3A_871, %mul3A_884 : i32
      %add3A_886 = arith.addi %add3A_883, %mul3A_885 : i32
      %dma_wait3A_887 = arith.constant 9 : i32
      %dma_wait3A_888 = arith.constant 0 : i32
      %dma_wait3A_889 = arith.constant 0 : i32
      %dma_wait3A_890 = tpu.memref_slice %arg4[%dma_wait3A_887, %dma_wait3A_888, %dma_wait3A_889] : memref<24x8x128xi32, #tpu.memory_space<vmem>> -> memref<1x8x128xi32, #tpu.memory_space<vmem>>
      %dma_wait3A_891 = tpu.memref_squeeze %dma_wait3A_890 : memref<1x8x128xi32, #tpu.memory_space<vmem>> -> memref<8x128xi32, #tpu.memory_space<vmem>>
      %dma_wait3A_892 = arith.constant 0 : i32
      %dma_wait3A_893 = arith.constant 0 : i32
      %dma_wait3A_894 = tpu.memref_slice %arg2[%add3A_876, %dma_wait3A_892, %dma_wait3A_893] : memref<24576x8x128xi32, #tpu.memory_space<hbm>> -> memref<1x8x128xi32, #tpu.memory_space<hbm>>
      %dma_wait3A_895 = tpu.memref_squeeze %dma_wait3A_894 : memref<1x8x128xi32, #tpu.memory_space<hbm>> -> memref<8x128xi32, #tpu.memory_space<hbm>>
      %dma_wait3A_896 = arith.constant 0 : i32
      %dma_wait3A_897 = arith.constant 0 : i32
      %dma_wait3A_898 = tpu.memref_slice %arg4[%dma_wait3A_887, %dma_wait3A_896, %dma_wait3A_897] : memref<24x8x128xi32, #tpu.memory_space<vmem>> -> memref<1x8x128xi32, #tpu.memory_space<vmem>>
      %dma_wait3A_899 = tpu.memref_squeeze %dma_wait3A_898 : memref<1x8x128xi32, #tpu.memory_space<vmem>> -> memref<8x128xi32, #tpu.memory_space<vmem>>
      %dma_wait3A_900 = arith.constant 0 : i32
      %dma_wait3A_901 = arith.constant 0 : i32
      %dma_wait3A_902 = tpu.memref_slice %arg2[%add3A_876, %dma_wait3A_900, %dma_wait3A_901] : memref<24576x8x128xi32, #tpu.memory_space<hbm>> -> memref<1x8x128xi32, #tpu.memory_space<hbm>>
      %dma_wait3A_903 = tpu.memref_squeeze %dma_wait3A_902 : memref<1x8x128xi32, #tpu.memory_space<hbm>> -> memref<8x128xi32, #tpu.memory_space<hbm>>
      tpu.wait_dma2 semaphore(%arg9 : memref<!tpu.dma_semaphore, #tpu.memory_space<semaphore_mem>>) src(%dma_wait3A_903 : memref<8x128xi32, #tpu.memory_space<hbm>>) dst(%dma_wait3A_899 : memref<8x128xi32, #tpu.memory_space<vmem>>)
      %dma_wait3A_904 = arith.constant 10 : i32
      %dma_wait3A_905 = arith.constant 0 : i32
      %dma_wait3A_906 = arith.constant 0 : i32
      %dma_wait3A_907 = tpu.memref_slice %arg4[%dma_wait3A_904, %dma_wait3A_905, %dma_wait3A_906] : memref<24x8x128xi32, #tpu.memory_space<vmem>> -> memref<1x8x128xi32, #tpu.memory_space<vmem>>
      %dma_wait3A_908 = tpu.memref_squeeze %dma_wait3A_907 : memref<1x8x128xi32, #tpu.memory_space<vmem>> -> memref<8x128xi32, #tpu.memory_space<vmem>>
      %dma_wait3A_909 = arith.constant 0 : i32
      %dma_wait3A_910 = arith.constant 0 : i32
      %dma_wait3A_911 = tpu.memref_slice %arg2[%add3A_881, %dma_wait3A_909, %dma_wait3A_910] : memref<24576x8x128xi32, #tpu.memory_space<hbm>> -> memref<1x8x128xi32, #tpu.memory_space<hbm>>
      %dma_wait3A_912 = tpu.memref_squeeze %dma_wait3A_911 : memref<1x8x128xi32, #tpu.memory_space<hbm>> -> memref<8x128xi32, #tpu.memory_space<hbm>>
      %dma_wait3A_913 = arith.constant 0 : i32
      %dma_wait3A_914 = arith.constant 0 : i32
      %dma_wait3A_915 = tpu.memref_slice %arg4[%dma_wait3A_904, %dma_wait3A_913, %dma_wait3A_914] : memref<24x8x128xi32, #tpu.memory_space<vmem>> -> memref<1x8x128xi32, #tpu.memory_space<vmem>>
      %dma_wait3A_916 = tpu.memref_squeeze %dma_wait3A_915 : memref<1x8x128xi32, #tpu.memory_space<vmem>> -> memref<8x128xi32, #tpu.memory_space<vmem>>
      %dma_wait3A_917 = arith.constant 0 : i32
      %dma_wait3A_918 = arith.constant 0 : i32
      %dma_wait3A_919 = tpu.memref_slice %arg2[%add3A_881, %dma_wait3A_917, %dma_wait3A_918] : memref<24576x8x128xi32, #tpu.memory_space<hbm>> -> memref<1x8x128xi32, #tpu.memory_space<hbm>>
      %dma_wait3A_920 = tpu.memref_squeeze %dma_wait3A_919 : memref<1x8x128xi32, #tpu.memory_space<hbm>> -> memref<8x128xi32, #tpu.memory_space<hbm>>
      tpu.wait_dma2 semaphore(%arg9 : memref<!tpu.dma_semaphore, #tpu.memory_space<semaphore_mem>>) src(%dma_wait3A_920 : memref<8x128xi32, #tpu.memory_space<hbm>>) dst(%dma_wait3A_916 : memref<8x128xi32, #tpu.memory_space<vmem>>)
      %dma_wait3A_921 = arith.constant 11 : i32
      %dma_wait3A_922 = arith.constant 0 : i32
      %dma_wait3A_923 = arith.constant 0 : i32
      %dma_wait3A_924 = tpu.memref_slice %arg4[%dma_wait3A_921, %dma_wait3A_922, %dma_wait3A_923] : memref<24x8x128xi32, #tpu.memory_space<vmem>> -> memref<1x8x128xi32, #tpu.memory_space<vmem>>
      %dma_wait3A_925 = tpu.memref_squeeze %dma_wait3A_924 : memref<1x8x128xi32, #tpu.memory_space<vmem>> -> memref<8x128xi32, #tpu.memory_space<vmem>>
      %dma_wait3A_926 = arith.constant 0 : i32
      %dma_wait3A_927 = arith.constant 0 : i32
      %dma_wait3A_928 = tpu.memref_slice %arg2[%add3A_886, %dma_wait3A_926, %dma_wait3A_927] : memref<24576x8x128xi32, #tpu.memory_space<hbm>> -> memref<1x8x128xi32, #tpu.memory_space<hbm>>
      %dma_wait3A_929 = tpu.memref_squeeze %dma_wait3A_928 : memref<1x8x128xi32, #tpu.memory_space<hbm>> -> memref<8x128xi32, #tpu.memory_space<hbm>>
      %dma_wait3A_930 = arith.constant 0 : i32
      %dma_wait3A_931 = arith.constant 0 : i32
      %dma_wait3A_932 = tpu.memref_slice %arg4[%dma_wait3A_921, %dma_wait3A_930, %dma_wait3A_931] : memref<24x8x128xi32, #tpu.memory_space<vmem>> -> memref<1x8x128xi32, #tpu.memory_space<vmem>>
      %dma_wait3A_933 = tpu.memref_squeeze %dma_wait3A_932 : memref<1x8x128xi32, #tpu.memory_space<vmem>> -> memref<8x128xi32, #tpu.memory_space<vmem>>
      %dma_wait3A_934 = arith.constant 0 : i32
      %dma_wait3A_935 = arith.constant 0 : i32
      %dma_wait3A_936 = tpu.memref_slice %arg2[%add3A_886, %dma_wait3A_934, %dma_wait3A_935] : memref<24576x8x128xi32, #tpu.memory_space<hbm>> -> memref<1x8x128xi32, #tpu.memory_space<hbm>>
      %dma_wait3A_937 = tpu.memref_squeeze %dma_wait3A_936 : memref<1x8x128xi32, #tpu.memory_space<hbm>> -> memref<8x128xi32, #tpu.memory_space<hbm>>
      tpu.wait_dma2 semaphore(%arg9 : memref<!tpu.dma_semaphore, #tpu.memory_space<semaphore_mem>>) src(%dma_wait3A_937 : memref<8x128xi32, #tpu.memory_space<hbm>>) dst(%dma_wait3A_933 : memref<8x128xi32, #tpu.memory_space<vmem>>)
      %parallel_loop3A_938 = arith.constant 0 : i32
      %parallel_loop3A_939 = arith.constant 1024 : i32
      %parallel_loop3A_940 = arith.constant 16 : i32
      scf.for %parallel_loop3A_1273 = %parallel_loop3A_938 to %parallel_loop3A_939 step %parallel_loop3A_940  : i32 {
        %parallel_loop3A_1274 = arith.constant 128 : i32
        %parallel_loop3A_1275 = arith.divsi %parallel_loop3A_1273, %parallel_loop3A_1274 : i32
        %parallel_loop3A_1276 = arith.constant 0 : i32
        %parallel_loop3A_1277 = arith.cmpi sgt, %parallel_loop3A_1273, %parallel_loop3A_1276 : i32
        %parallel_loop3A_1278 = arith.extui %parallel_loop3A_1277 : i1 to i32
        %parallel_loop3A_1279 = arith.constant 0 : i32
        %parallel_loop3A_1280 = arith.cmpi slt, %parallel_loop3A_1273, %parallel_loop3A_1279 : i32
        %parallel_loop3A_1281 = arith.extui %parallel_loop3A_1280 : i1 to i32
        %parallel_loop3A_1282 = arith.subi %parallel_loop3A_1278, %parallel_loop3A_1281 : i32
        %parallel_loop3A_1283 = arith.constant 0 : i32
        %parallel_loop3A_1284 = arith.cmpi sgt, %parallel_loop3A_1274, %parallel_loop3A_1283 : i32
        %parallel_loop3A_1285 = arith.extui %parallel_loop3A_1284 : i1 to i32
        %parallel_loop3A_1286 = arith.constant 0 : i32
        %parallel_loop3A_1287 = arith.cmpi slt, %parallel_loop3A_1274, %parallel_loop3A_1286 : i32
        %parallel_loop3A_1288 = arith.extui %parallel_loop3A_1287 : i1 to i32
        %parallel_loop3A_1289 = arith.subi %parallel_loop3A_1285, %parallel_loop3A_1288 : i32
        %parallel_loop3A_1290 = arith.cmpi ne, %parallel_loop3A_1282, %parallel_loop3A_1289 : i32
        %parallel_loop3A_1291 = arith.remsi %parallel_loop3A_1273, %parallel_loop3A_1274 : i32
        %parallel_loop3A_1292 = arith.constant 0 : i32
        %parallel_loop3A_1293 = arith.cmpi ne, %parallel_loop3A_1291, %parallel_loop3A_1292 : i32
        %parallel_loop3A_1294 = arith.andi %parallel_loop3A_1290, %parallel_loop3A_1293 : i1
        %parallel_loop3A_1295 = arith.constant 1 : i32
        %parallel_loop3A_1296 = arith.subi %parallel_loop3A_1275, %parallel_loop3A_1295 : i32
        %parallel_loop3A_1297 = arith.select %parallel_loop3A_1294, %parallel_loop3A_1296, %parallel_loop3A_1275 : i32
        %parallel_loop3A_1298 = arith.constant 128 : i32
        %parallel_loop3A_1299 = arith.muli %parallel_loop3A_1297, %parallel_loop3A_1298 : i32
        %parallel_loop3A_1300 = arith.subi %parallel_loop3A_1273, %parallel_loop3A_1299 : i32
        %parallel_loop3A_1301 = arith.constant 9 : i32
        %parallel_loop3A_1302 = arith.index_cast %parallel_loop3A_1301 : i32 to index
        %parallel_loop3A_1303 = arith.index_cast %parallel_loop3A_1297 : i32 to index
        %parallel_loop3A_1304 = arith.index_cast %parallel_loop3A_1300 : i32 to index
        %parallel_loop3A_1305 = tpu.vector_load %arg4[%parallel_loop3A_1302, %parallel_loop3A_1303, %parallel_loop3A_1304] {strides = array<i32>} : memref<24x8x128xi32, #tpu.memory_space<vmem>>, vector<16xi32>,
        %parallel_loop3A_1306 = arith.constant 10 : i32
        %parallel_loop3A_1307 = arith.index_cast %parallel_loop3A_1306 : i32 to index
        %parallel_loop3A_1308 = arith.index_cast %parallel_loop3A_1297 : i32 to index
        %parallel_loop3A_1309 = arith.index_cast %parallel_loop3A_1300 : i32 to index
        %parallel_loop3A_1310 = tpu.vector_load %arg4[%parallel_loop3A_1307, %parallel_loop3A_1308, %parallel_loop3A_1309] {strides = array<i32>} : memref<24x8x128xi32, #tpu.memory_space<vmem>>, vector<16xi32>,
        %parallel_loop3A_1311 = arith.constant 11 : i32
        %parallel_loop3A_1312 = arith.index_cast %parallel_loop3A_1311 : i32 to index
        %parallel_loop3A_1313 = arith.index_cast %parallel_loop3A_1297 : i32 to index
        %parallel_loop3A_1314 = arith.index_cast %parallel_loop3A_1300 : i32 to index
        %parallel_loop3A_1315 = tpu.vector_load %arg4[%parallel_loop3A_1312, %parallel_loop3A_1313, %parallel_loop3A_1314] {strides = array<i32>} : memref<24x8x128xi32, #tpu.memory_space<vmem>>, vector<16xi32>,
        %parallel_loop3A_1316 = arith.constant 224 : i32
        %parallel_loop3A_1317 = vector.broadcast %parallel_loop3A_1316 : i32 to vector<16xi32>
        %parallel_loop3A_1318 = arith.andi %parallel_loop3A_1305, %parallel_loop3A_1317 : vector<16xi32>
        %parallel_loop3A_1319 = arith.constant 1 : i32
        %parallel_loop3A_1320 = vector.broadcast %parallel_loop3A_1319 : i32 to vector<16xi32>
        %parallel_loop3A_1321 = arith.shli %parallel_loop3A_1318, %parallel_loop3A_1320 : vector<16xi32>
        %parallel_loop3A_1322 = arith.constant 224 : i32
        %parallel_loop3A_1323 = vector.broadcast %parallel_loop3A_1322 : i32 to vector<16xi32>
        %parallel_loop3A_1324 = arith.andi %parallel_loop3A_1310, %parallel_loop3A_1323 : vector<16xi32>
        %parallel_loop3A_1325 = arith.constant 2 : i32
        %parallel_loop3A_1326 = vector.broadcast %parallel_loop3A_1325 : i32 to vector<16xi32>
        %parallel_loop3A_1327 = arith.shrsi %parallel_loop3A_1324, %parallel_loop3A_1326 : vector<16xi32>
        %parallel_loop3A_1328 = arith.ori %parallel_loop3A_1321, %parallel_loop3A_1327 : vector<16xi32>
        %parallel_loop3A_1329 = arith.constant 5 : i32
        %parallel_loop3A_1330 = vector.broadcast %parallel_loop3A_1329 : i32 to vector<16xi32>
        %parallel_loop3A_1331 = arith.shrsi %parallel_loop3A_1315, %parallel_loop3A_1330 : vector<16xi32>
        %parallel_loop3A_1332 = arith.ori %parallel_loop3A_1328, %parallel_loop3A_1331 : vector<16xi32>
        %parallel_loop3A_1333 = arith.constant 4 : i32
        %parallel_loop3A_1334 = arith.muli %parallel_loop3A_1300, %parallel_loop3A_1333 : i32
        %parallel_loop3A_1335 = arith.constant 7 : i32
        %parallel_loop3A_1336 = vector.broadcast %parallel_loop3A_1335 : i32 to vector<16xi32>
        %parallel_loop3A_1337 = arith.shrsi %parallel_loop3A_1332, %parallel_loop3A_1336 : vector<16xi32>
        %parallel_loop3A_1338 = arith.addi %mul3A_52, %parallel_loop3A_1337 : vector<16xi32>
        %parallel_loop3A_1339 = arith.constant 127 : i32
        %parallel_loop3A_1340 = vector.broadcast %parallel_loop3A_1339 : i32 to vector<16xi32>
        %parallel_loop3A_1341 = arith.andi %parallel_loop3A_1332, %parallel_loop3A_1340 : vector<16xi32>
        %parallel_loop3A_1342 = arith.constant 0 : i32
        %parallel_loop3A_1343 = tpu.memref_slice %arg5[%parallel_loop3A_1334, %parallel_loop3A_1342] : memref<512x128xf32, #tpu.memory_space<vmem>> -> memref<64x128xf32, #tpu.memory_space<vmem>>
        tpu.vector_store_idx %parallel_loop3A_1343[%parallel_loop3A_1338, %parallel_loop3A_1341], %broadcast_in_dim3A_53 {add = true} : memref<64x128xf32, #tpu.memory_space<vmem>>[vector<16xi32>, vector<16xi32>], vector<16xf32>,
      } {sc.loop_unroll_factor = 8 : i64, sc.parallel_access}
      %add3A_941 = arith.constant 7 : i32
      %add3A_942 = arith.addi %mul3A_550, %add3A_941 : i32
      %add3A_943 = arith.constant 4 : i32
      %add3A_944 = arith.addi %add3A_942, %add3A_943 : i32
      %lt3A_945 = arith.constant 256 : i32
      %lt3A_946 = arith.cmpi slt, %add3A_944, %lt3A_945 : i32
      %convert_element_type3A_947 = arith.extui %lt3A_946 : i1 to i32
      %cond3A_948 = arith.constant 0 : i32
      %cond3A_949 = arith.cmpi ne, %convert_element_type3A_947, %cond3A_948 : i32
      scf.if %cond3A_949 {
        %mul3A_1273 = arith.constant 2 : i32
        %mul3A_1274 = arith.muli %mul3A_1273, %add3A_944 : i32
        %add3A_1275 = arith.addi %mul3A_1274, %sub3A_17 : i32
        %add3A_1276 = arith.constant 0 : i32
        %add3A_1277 = arith.addi %add3A_49, %add3A_1276 : i32
        %mul3A_1278 = arith.constant 2 : i32
        %mul3A_1279 = arith.muli %add3A_1275, %mul3A_1278 : i32
        %add3A_1280 = arith.addi %add3A_1277, %mul3A_1279 : i32
        %add3A_1281 = arith.constant 1024 : i32
        %add3A_1282 = arith.addi %add3A_49, %add3A_1281 : i32
        %mul3A_1283 = arith.constant 2 : i32
        %mul3A_1284 = arith.muli %add3A_1275, %mul3A_1283 : i32
        %add3A_1285 = arith.addi %add3A_1282, %mul3A_1284 : i32
        %add3A_1286 = arith.constant 2048 : i32
        %add3A_1287 = arith.addi %add3A_49, %add3A_1286 : i32
        %mul3A_1288 = arith.constant 2 : i32
        %mul3A_1289 = arith.muli %add3A_1275, %mul3A_1288 : i32
        %add3A_1290 = arith.addi %add3A_1287, %mul3A_1289 : i32
        %dma_start3A_1291 = arith.constant 9 : i32
        %dma_start3A_1292 = arith.constant 0 : i32
        %dma_start3A_1293 = arith.constant 0 : i32
        %dma_start3A_1294 = tpu.memref_slice %arg4[%dma_start3A_1291, %dma_start3A_1292, %dma_start3A_1293] : memref<24x8x128xi32, #tpu.memory_space<vmem>> -> memref<1x8x128xi32, #tpu.memory_space<vmem>>
        %dma_start3A_1295 = tpu.memref_squeeze %dma_start3A_1294 : memref<1x8x128xi32, #tpu.memory_space<vmem>> -> memref<8x128xi32, #tpu.memory_space<vmem>>
        %dma_start3A_1296 = arith.constant 0 : i32
        %dma_start3A_1297 = arith.constant 0 : i32
        %dma_start3A_1298 = tpu.memref_slice %arg2[%add3A_1280, %dma_start3A_1296, %dma_start3A_1297] : memref<24576x8x128xi32, #tpu.memory_space<hbm>> -> memref<1x8x128xi32, #tpu.memory_space<hbm>>
        %dma_start3A_1299 = tpu.memref_squeeze %dma_start3A_1298 : memref<1x8x128xi32, #tpu.memory_space<hbm>> -> memref<8x128xi32, #tpu.memory_space<hbm>>
        %dma_start3A_1300 = arith.constant 0 : i32
        %dma_start3A_1301 = arith.constant 0 : i32
        %dma_start3A_1302 = tpu.memref_slice %arg4[%dma_start3A_1291, %dma_start3A_1300, %dma_start3A_1301] : memref<24x8x128xi32, #tpu.memory_space<vmem>> -> memref<1x8x128xi32, #tpu.memory_space<vmem>>
        %dma_start3A_1303 = tpu.memref_squeeze %dma_start3A_1302 : memref<1x8x128xi32, #tpu.memory_space<vmem>> -> memref<8x128xi32, #tpu.memory_space<vmem>>
        %dma_start3A_1304 = arith.constant 0 : i32
        %dma_start3A_1305 = arith.constant 0 : i32
        %dma_start3A_1306 = tpu.memref_slice %arg2[%add3A_1280, %dma_start3A_1304, %dma_start3A_1305] : memref<24576x8x128xi32, #tpu.memory_space<hbm>> -> memref<1x8x128xi32, #tpu.memory_space<hbm>>
        %dma_start3A_1307 = tpu.memref_squeeze %dma_start3A_1306 : memref<1x8x128xi32, #tpu.memory_space<hbm>> -> memref<8x128xi32, #tpu.memory_space<hbm>>
        tpu.enqueue_dma source(%dma_start3A_1307 : memref<8x128xi32, #tpu.memory_space<hbm>>) target(%dma_start3A_1303 : memref<8x128xi32, #tpu.memory_space<vmem>>) target_semaphore(%arg9 : memref<!tpu.dma_semaphore, #tpu.memory_space<semaphore_mem>>)
        %dma_start3A_1308 = arith.constant 10 : i32
        %dma_start3A_1309 = arith.constant 0 : i32
        %dma_start3A_1310 = arith.constant 0 : i32
        %dma_start3A_1311 = tpu.memref_slice %arg4[%dma_start3A_1308, %dma_start3A_1309, %dma_start3A_1310] : memref<24x8x128xi32, #tpu.memory_space<vmem>> -> memref<1x8x128xi32, #tpu.memory_space<vmem>>
        %dma_start3A_1312 = tpu.memref_squeeze %dma_start3A_1311 : memref<1x8x128xi32, #tpu.memory_space<vmem>> -> memref<8x128xi32, #tpu.memory_space<vmem>>
        %dma_start3A_1313 = arith.constant 0 : i32
        %dma_start3A_1314 = arith.constant 0 : i32
        %dma_start3A_1315 = tpu.memref_slice %arg2[%add3A_1285, %dma_start3A_1313, %dma_start3A_1314] : memref<24576x8x128xi32, #tpu.memory_space<hbm>> -> memref<1x8x128xi32, #tpu.memory_space<hbm>>
        %dma_start3A_1316 = tpu.memref_squeeze %dma_start3A_1315 : memref<1x8x128xi32, #tpu.memory_space<hbm>> -> memref<8x128xi32, #tpu.memory_space<hbm>>
        %dma_start3A_1317 = arith.constant 0 : i32
        %dma_start3A_1318 = arith.constant 0 : i32
        %dma_start3A_1319 = tpu.memref_slice %arg4[%dma_start3A_1308, %dma_start3A_1317, %dma_start3A_1318] : memref<24x8x128xi32, #tpu.memory_space<vmem>> -> memref<1x8x128xi32, #tpu.memory_space<vmem>>
        %dma_start3A_1320 = tpu.memref_squeeze %dma_start3A_1319 : memref<1x8x128xi32, #tpu.memory_space<vmem>> -> memref<8x128xi32, #tpu.memory_space<vmem>>
        %dma_start3A_1321 = arith.constant 0 : i32
        %dma_start3A_1322 = arith.constant 0 : i32
        %dma_start3A_1323 = tpu.memref_slice %arg2[%add3A_1285, %dma_start3A_1321, %dma_start3A_1322] : memref<24576x8x128xi32, #tpu.memory_space<hbm>> -> memref<1x8x128xi32, #tpu.memory_space<hbm>>
        %dma_start3A_1324 = tpu.memref_squeeze %dma_start3A_1323 : memref<1x8x128xi32, #tpu.memory_space<hbm>> -> memref<8x128xi32, #tpu.memory_space<hbm>>
        tpu.enqueue_dma source(%dma_start3A_1324 : memref<8x128xi32, #tpu.memory_space<hbm>>) target(%dma_start3A_1320 : memref<8x128xi32, #tpu.memory_space<vmem>>) target_semaphore(%arg9 : memref<!tpu.dma_semaphore, #tpu.memory_space<semaphore_mem>>)
        %dma_start3A_1325 = arith.constant 11 : i32
        %dma_start3A_1326 = arith.constant 0 : i32
        %dma_start3A_1327 = arith.constant 0 : i32
        %dma_start3A_1328 = tpu.memref_slice %arg4[%dma_start3A_1325, %dma_start3A_1326, %dma_start3A_1327] : memref<24x8x128xi32, #tpu.memory_space<vmem>> -> memref<1x8x128xi32, #tpu.memory_space<vmem>>
        %dma_start3A_1329 = tpu.memref_squeeze %dma_start3A_1328 : memref<1x8x128xi32, #tpu.memory_space<vmem>> -> memref<8x128xi32, #tpu.memory_space<vmem>>
        %dma_start3A_1330 = arith.constant 0 : i32
        %dma_start3A_1331 = arith.constant 0 : i32
        %dma_start3A_1332 = tpu.memref_slice %arg2[%add3A_1290, %dma_start3A_1330, %dma_start3A_1331] : memref<24576x8x128xi32, #tpu.memory_space<hbm>> -> memref<1x8x128xi32, #tpu.memory_space<hbm>>
        %dma_start3A_1333 = tpu.memref_squeeze %dma_start3A_1332 : memref<1x8x128xi32, #tpu.memory_space<hbm>> -> memref<8x128xi32, #tpu.memory_space<hbm>>
        %dma_start3A_1334 = arith.constant 0 : i32
        %dma_start3A_1335 = arith.constant 0 : i32
        %dma_start3A_1336 = tpu.memref_slice %arg4[%dma_start3A_1325, %dma_start3A_1334, %dma_start3A_1335] : memref<24x8x128xi32, #tpu.memory_space<vmem>> -> memref<1x8x128xi32, #tpu.memory_space<vmem>>
        %dma_start3A_1337 = tpu.memref_squeeze %dma_start3A_1336 : memref<1x8x128xi32, #tpu.memory_space<vmem>> -> memref<8x128xi32, #tpu.memory_space<vmem>>
        %dma_start3A_1338 = arith.constant 0 : i32
        %dma_start3A_1339 = arith.constant 0 : i32
        %dma_start3A_1340 = tpu.memref_slice %arg2[%add3A_1290, %dma_start3A_1338, %dma_start3A_1339] : memref<24576x8x128xi32, #tpu.memory_space<hbm>> -> memref<1x8x128xi32, #tpu.memory_space<hbm>>
        %dma_start3A_1341 = tpu.memref_squeeze %dma_start3A_1340 : memref<1x8x128xi32, #tpu.memory_space<hbm>> -> memref<8x128xi32, #tpu.memory_space<hbm>>
        tpu.enqueue_dma source(%dma_start3A_1341 : memref<8x128xi32, #tpu.memory_space<hbm>>) target(%dma_start3A_1337 : memref<8x128xi32, #tpu.memory_space<vmem>>) target_semaphore(%arg9 : memref<!tpu.dma_semaphore, #tpu.memory_space<semaphore_mem>>)
      } else {
      }
      %add3A_950 = arith.constant 4 : i32
      %add3A_951 = arith.addi %mul3A_550, %add3A_950 : i32
      %mul3A_952 = arith.constant 2 : i32
      %mul3A_953 = arith.muli %mul3A_952, %add3A_951 : i32
      %add3A_954 = arith.addi %mul3A_953, %sub3A_17 : i32
      %add3A_955 = arith.constant 0 : i32
      %add3A_956 = arith.addi %add3A_49, %add3A_955 : i32
      %mul3A_957 = arith.constant 2 : i32
      %mul3A_958 = arith.muli %add3A_954, %mul3A_957 : i32
      %add3A_959 = arith.addi %add3A_956, %mul3A_958 : i32
      %add3A_960 = arith.constant 1024 : i32
      %add3A_961 = arith.addi %add3A_49, %add3A_960 : i32
      %mul3A_962 = arith.constant 2 : i32
      %mul3A_963 = arith.muli %add3A_954, %mul3A_962 : i32
      %add3A_964 = arith.addi %add3A_961, %mul3A_963 : i32
      %add3A_965 = arith.constant 2048 : i32
      %add3A_966 = arith.addi %add3A_49, %add3A_965 : i32
      %mul3A_967 = arith.constant 2 : i32
      %mul3A_968 = arith.muli %add3A_954, %mul3A_967 : i32
      %add3A_969 = arith.addi %add3A_966, %mul3A_968 : i32
      %dma_wait3A_970 = arith.constant 12 : i32
      %dma_wait3A_971 = arith.constant 0 : i32
      %dma_wait3A_972 = arith.constant 0 : i32
      %dma_wait3A_973 = tpu.memref_slice %arg4[%dma_wait3A_970, %dma_wait3A_971, %dma_wait3A_972] : memref<24x8x128xi32, #tpu.memory_space<vmem>> -> memref<1x8x128xi32, #tpu.memory_space<vmem>>
      %dma_wait3A_974 = tpu.memref_squeeze %dma_wait3A_973 : memref<1x8x128xi32, #tpu.memory_space<vmem>> -> memref<8x128xi32, #tpu.memory_space<vmem>>
      %dma_wait3A_975 = arith.constant 0 : i32
      %dma_wait3A_976 = arith.constant 0 : i32
      %dma_wait3A_977 = tpu.memref_slice %arg2[%add3A_959, %dma_wait3A_975, %dma_wait3A_976] : memref<24576x8x128xi32, #tpu.memory_space<hbm>> -> memref<1x8x128xi32, #tpu.memory_space<hbm>>
      %dma_wait3A_978 = tpu.memref_squeeze %dma_wait3A_977 : memref<1x8x128xi32, #tpu.memory_space<hbm>> -> memref<8x128xi32, #tpu.memory_space<hbm>>
      %dma_wait3A_979 = arith.constant 0 : i32
      %dma_wait3A_980 = arith.constant 0 : i32
      %dma_wait3A_981 = tpu.memref_slice %arg4[%dma_wait3A_970, %dma_wait3A_979, %dma_wait3A_980] : memref<24x8x128xi32, #tpu.memory_space<vmem>> -> memref<1x8x128xi32, #tpu.memory_space<vmem>>
      %dma_wait3A_982 = tpu.memref_squeeze %dma_wait3A_981 : memref<1x8x128xi32, #tpu.memory_space<vmem>> -> memref<8x128xi32, #tpu.memory_space<vmem>>
      %dma_wait3A_983 = arith.constant 0 : i32
      %dma_wait3A_984 = arith.constant 0 : i32
      %dma_wait3A_985 = tpu.memref_slice %arg2[%add3A_959, %dma_wait3A_983, %dma_wait3A_984] : memref<24576x8x128xi32, #tpu.memory_space<hbm>> -> memref<1x8x128xi32, #tpu.memory_space<hbm>>
      %dma_wait3A_986 = tpu.memref_squeeze %dma_wait3A_985 : memref<1x8x128xi32, #tpu.memory_space<hbm>> -> memref<8x128xi32, #tpu.memory_space<hbm>>
      tpu.wait_dma2 semaphore(%arg10 : memref<!tpu.dma_semaphore, #tpu.memory_space<semaphore_mem>>) src(%dma_wait3A_986 : memref<8x128xi32, #tpu.memory_space<hbm>>) dst(%dma_wait3A_982 : memref<8x128xi32, #tpu.memory_space<vmem>>)
      %dma_wait3A_987 = arith.constant 13 : i32
      %dma_wait3A_988 = arith.constant 0 : i32
      %dma_wait3A_989 = arith.constant 0 : i32
      %dma_wait3A_990 = tpu.memref_slice %arg4[%dma_wait3A_987, %dma_wait3A_988, %dma_wait3A_989] : memref<24x8x128xi32, #tpu.memory_space<vmem>> -> memref<1x8x128xi32, #tpu.memory_space<vmem>>
      %dma_wait3A_991 = tpu.memref_squeeze %dma_wait3A_990 : memref<1x8x128xi32, #tpu.memory_space<vmem>> -> memref<8x128xi32, #tpu.memory_space<vmem>>
      %dma_wait3A_992 = arith.constant 0 : i32
      %dma_wait3A_993 = arith.constant 0 : i32
      %dma_wait3A_994 = tpu.memref_slice %arg2[%add3A_964, %dma_wait3A_992, %dma_wait3A_993] : memref<24576x8x128xi32, #tpu.memory_space<hbm>> -> memref<1x8x128xi32, #tpu.memory_space<hbm>>
      %dma_wait3A_995 = tpu.memref_squeeze %dma_wait3A_994 : memref<1x8x128xi32, #tpu.memory_space<hbm>> -> memref<8x128xi32, #tpu.memory_space<hbm>>
      %dma_wait3A_996 = arith.constant 0 : i32
      %dma_wait3A_997 = arith.constant 0 : i32
      %dma_wait3A_998 = tpu.memref_slice %arg4[%dma_wait3A_987, %dma_wait3A_996, %dma_wait3A_997] : memref<24x8x128xi32, #tpu.memory_space<vmem>> -> memref<1x8x128xi32, #tpu.memory_space<vmem>>
      %dma_wait3A_999 = tpu.memref_squeeze %dma_wait3A_998 : memref<1x8x128xi32, #tpu.memory_space<vmem>> -> memref<8x128xi32, #tpu.memory_space<vmem>>
      %dma_wait3A_1000 = arith.constant 0 : i32
      %dma_wait3A_1001 = arith.constant 0 : i32
      %dma_wait3A_1002 = tpu.memref_slice %arg2[%add3A_964, %dma_wait3A_1000, %dma_wait3A_1001] : memref<24576x8x128xi32, #tpu.memory_space<hbm>> -> memref<1x8x128xi32, #tpu.memory_space<hbm>>
      %dma_wait3A_1003 = tpu.memref_squeeze %dma_wait3A_1002 : memref<1x8x128xi32, #tpu.memory_space<hbm>> -> memref<8x128xi32, #tpu.memory_space<hbm>>
      tpu.wait_dma2 semaphore(%arg10 : memref<!tpu.dma_semaphore, #tpu.memory_space<semaphore_mem>>) src(%dma_wait3A_1003 : memref<8x128xi32, #tpu.memory_space<hbm>>) dst(%dma_wait3A_999 : memref<8x128xi32, #tpu.memory_space<vmem>>)
      %dma_wait3A_1004 = arith.constant 14 : i32
      %dma_wait3A_1005 = arith.constant 0 : i32
      %dma_wait3A_1006 = arith.constant 0 : i32
      %dma_wait3A_1007 = tpu.memref_slice %arg4[%dma_wait3A_1004, %dma_wait3A_1005, %dma_wait3A_1006] : memref<24x8x128xi32, #tpu.memory_space<vmem>> -> memref<1x8x128xi32, #tpu.memory_space<vmem>>
      %dma_wait3A_1008 = tpu.memref_squeeze %dma_wait3A_1007 : memref<1x8x128xi32, #tpu.memory_space<vmem>> -> memref<8x128xi32, #tpu.memory_space<vmem>>
      %dma_wait3A_1009 = arith.constant 0 : i32
      %dma_wait3A_1010 = arith.constant 0 : i32
      %dma_wait3A_1011 = tpu.memref_slice %arg2[%add3A_969, %dma_wait3A_1009, %dma_wait3A_1010] : memref<24576x8x128xi32, #tpu.memory_space<hbm>> -> memref<1x8x128xi32, #tpu.memory_space<hbm>>
      %dma_wait3A_1012 = tpu.memref_squeeze %dma_wait3A_1011 : memref<1x8x128xi32, #tpu.memory_space<hbm>> -> memref<8x128xi32, #tpu.memory_space<hbm>>
      %dma_wait3A_1013 = arith.constant 0 : i32
      %dma_wait3A_1014 = arith.constant 0 : i32
      %dma_wait3A_1015 = tpu.memref_slice %arg4[%dma_wait3A_1004, %dma_wait3A_1013, %dma_wait3A_1014] : memref<24x8x128xi32, #tpu.memory_space<vmem>> -> memref<1x8x128xi32, #tpu.memory_space<vmem>>
      %dma_wait3A_1016 = tpu.memref_squeeze %dma_wait3A_1015 : memref<1x8x128xi32, #tpu.memory_space<vmem>> -> memref<8x128xi32, #tpu.memory_space<vmem>>
      %dma_wait3A_1017 = arith.constant 0 : i32
      %dma_wait3A_1018 = arith.constant 0 : i32
      %dma_wait3A_1019 = tpu.memref_slice %arg2[%add3A_969, %dma_wait3A_1017, %dma_wait3A_1018] : memref<24576x8x128xi32, #tpu.memory_space<hbm>> -> memref<1x8x128xi32, #tpu.memory_space<hbm>>
      %dma_wait3A_1020 = tpu.memref_squeeze %dma_wait3A_1019 : memref<1x8x128xi32, #tpu.memory_space<hbm>> -> memref<8x128xi32, #tpu.memory_space<hbm>>
      tpu.wait_dma2 semaphore(%arg10 : memref<!tpu.dma_semaphore, #tpu.memory_space<semaphore_mem>>) src(%dma_wait3A_1020 : memref<8x128xi32, #tpu.memory_space<hbm>>) dst(%dma_wait3A_1016 : memref<8x128xi32, #tpu.memory_space<vmem>>)
      %parallel_loop3A_1021 = arith.constant 0 : i32
      %parallel_loop3A_1022 = arith.constant 1024 : i32
      %parallel_loop3A_1023 = arith.constant 16 : i32
      scf.for %parallel_loop3A_1273 = %parallel_loop3A_1021 to %parallel_loop3A_1022 step %parallel_loop3A_1023  : i32 {
        %parallel_loop3A_1274 = arith.constant 128 : i32
        %parallel_loop3A_1275 = arith.divsi %parallel_loop3A_1273, %parallel_loop3A_1274 : i32
        %parallel_loop3A_1276 = arith.constant 0 : i32
        %parallel_loop3A_1277 = arith.cmpi sgt, %parallel_loop3A_1273, %parallel_loop3A_1276 : i32
        %parallel_loop3A_1278 = arith.extui %parallel_loop3A_1277 : i1 to i32
        %parallel_loop3A_1279 = arith.constant 0 : i32
        %parallel_loop3A_1280 = arith.cmpi slt, %parallel_loop3A_1273, %parallel_loop3A_1279 : i32
        %parallel_loop3A_1281 = arith.extui %parallel_loop3A_1280 : i1 to i32
        %parallel_loop3A_1282 = arith.subi %parallel_loop3A_1278, %parallel_loop3A_1281 : i32
        %parallel_loop3A_1283 = arith.constant 0 : i32
        %parallel_loop3A_1284 = arith.cmpi sgt, %parallel_loop3A_1274, %parallel_loop3A_1283 : i32
        %parallel_loop3A_1285 = arith.extui %parallel_loop3A_1284 : i1 to i32
        %parallel_loop3A_1286 = arith.constant 0 : i32
        %parallel_loop3A_1287 = arith.cmpi slt, %parallel_loop3A_1274, %parallel_loop3A_1286 : i32
        %parallel_loop3A_1288 = arith.extui %parallel_loop3A_1287 : i1 to i32
        %parallel_loop3A_1289 = arith.subi %parallel_loop3A_1285, %parallel_loop3A_1288 : i32
        %parallel_loop3A_1290 = arith.cmpi ne, %parallel_loop3A_1282, %parallel_loop3A_1289 : i32
        %parallel_loop3A_1291 = arith.remsi %parallel_loop3A_1273, %parallel_loop3A_1274 : i32
        %parallel_loop3A_1292 = arith.constant 0 : i32
        %parallel_loop3A_1293 = arith.cmpi ne, %parallel_loop3A_1291, %parallel_loop3A_1292 : i32
        %parallel_loop3A_1294 = arith.andi %parallel_loop3A_1290, %parallel_loop3A_1293 : i1
        %parallel_loop3A_1295 = arith.constant 1 : i32
        %parallel_loop3A_1296 = arith.subi %parallel_loop3A_1275, %parallel_loop3A_1295 : i32
        %parallel_loop3A_1297 = arith.select %parallel_loop3A_1294, %parallel_loop3A_1296, %parallel_loop3A_1275 : i32
        %parallel_loop3A_1298 = arith.constant 128 : i32
        %parallel_loop3A_1299 = arith.muli %parallel_loop3A_1297, %parallel_loop3A_1298 : i32
        %parallel_loop3A_1300 = arith.subi %parallel_loop3A_1273, %parallel_loop3A_1299 : i32
        %parallel_loop3A_1301 = arith.constant 12 : i32
        %parallel_loop3A_1302 = arith.index_cast %parallel_loop3A_1301 : i32 to index
        %parallel_loop3A_1303 = arith.index_cast %parallel_loop3A_1297 : i32 to index
        %parallel_loop3A_1304 = arith.index_cast %parallel_loop3A_1300 : i32 to index
        %parallel_loop3A_1305 = tpu.vector_load %arg4[%parallel_loop3A_1302, %parallel_loop3A_1303, %parallel_loop3A_1304] {strides = array<i32>} : memref<24x8x128xi32, #tpu.memory_space<vmem>>, vector<16xi32>,
        %parallel_loop3A_1306 = arith.constant 13 : i32
        %parallel_loop3A_1307 = arith.index_cast %parallel_loop3A_1306 : i32 to index
        %parallel_loop3A_1308 = arith.index_cast %parallel_loop3A_1297 : i32 to index
        %parallel_loop3A_1309 = arith.index_cast %parallel_loop3A_1300 : i32 to index
        %parallel_loop3A_1310 = tpu.vector_load %arg4[%parallel_loop3A_1307, %parallel_loop3A_1308, %parallel_loop3A_1309] {strides = array<i32>} : memref<24x8x128xi32, #tpu.memory_space<vmem>>, vector<16xi32>,
        %parallel_loop3A_1311 = arith.constant 14 : i32
        %parallel_loop3A_1312 = arith.index_cast %parallel_loop3A_1311 : i32 to index
        %parallel_loop3A_1313 = arith.index_cast %parallel_loop3A_1297 : i32 to index
        %parallel_loop3A_1314 = arith.index_cast %parallel_loop3A_1300 : i32 to index
        %parallel_loop3A_1315 = tpu.vector_load %arg4[%parallel_loop3A_1312, %parallel_loop3A_1313, %parallel_loop3A_1314] {strides = array<i32>} : memref<24x8x128xi32, #tpu.memory_space<vmem>>, vector<16xi32>,
        %parallel_loop3A_1316 = arith.constant 224 : i32
        %parallel_loop3A_1317 = vector.broadcast %parallel_loop3A_1316 : i32 to vector<16xi32>
        %parallel_loop3A_1318 = arith.andi %parallel_loop3A_1305, %parallel_loop3A_1317 : vector<16xi32>
        %parallel_loop3A_1319 = arith.constant 1 : i32
        %parallel_loop3A_1320 = vector.broadcast %parallel_loop3A_1319 : i32 to vector<16xi32>
        %parallel_loop3A_1321 = arith.shli %parallel_loop3A_1318, %parallel_loop3A_1320 : vector<16xi32>
        %parallel_loop3A_1322 = arith.constant 224 : i32
        %parallel_loop3A_1323 = vector.broadcast %parallel_loop3A_1322 : i32 to vector<16xi32>
        %parallel_loop3A_1324 = arith.andi %parallel_loop3A_1310, %parallel_loop3A_1323 : vector<16xi32>
        %parallel_loop3A_1325 = arith.constant 2 : i32
        %parallel_loop3A_1326 = vector.broadcast %parallel_loop3A_1325 : i32 to vector<16xi32>
        %parallel_loop3A_1327 = arith.shrsi %parallel_loop3A_1324, %parallel_loop3A_1326 : vector<16xi32>
        %parallel_loop3A_1328 = arith.ori %parallel_loop3A_1321, %parallel_loop3A_1327 : vector<16xi32>
        %parallel_loop3A_1329 = arith.constant 5 : i32
        %parallel_loop3A_1330 = vector.broadcast %parallel_loop3A_1329 : i32 to vector<16xi32>
        %parallel_loop3A_1331 = arith.shrsi %parallel_loop3A_1315, %parallel_loop3A_1330 : vector<16xi32>
        %parallel_loop3A_1332 = arith.ori %parallel_loop3A_1328, %parallel_loop3A_1331 : vector<16xi32>
        %parallel_loop3A_1333 = arith.constant 4 : i32
        %parallel_loop3A_1334 = arith.muli %parallel_loop3A_1300, %parallel_loop3A_1333 : i32
        %parallel_loop3A_1335 = arith.constant 7 : i32
        %parallel_loop3A_1336 = vector.broadcast %parallel_loop3A_1335 : i32 to vector<16xi32>
        %parallel_loop3A_1337 = arith.shrsi %parallel_loop3A_1332, %parallel_loop3A_1336 : vector<16xi32>
        %parallel_loop3A_1338 = arith.addi %mul3A_52, %parallel_loop3A_1337 : vector<16xi32>
        %parallel_loop3A_1339 = arith.constant 127 : i32
        %parallel_loop3A_1340 = vector.broadcast %parallel_loop3A_1339 : i32 to vector<16xi32>
        %parallel_loop3A_1341 = arith.andi %parallel_loop3A_1332, %parallel_loop3A_1340 : vector<16xi32>
        %parallel_loop3A_1342 = arith.constant 0 : i32
        %parallel_loop3A_1343 = tpu.memref_slice %arg5[%parallel_loop3A_1334, %parallel_loop3A_1342] : memref<512x128xf32, #tpu.memory_space<vmem>> -> memref<64x128xf32, #tpu.memory_space<vmem>>
        tpu.vector_store_idx %parallel_loop3A_1343[%parallel_loop3A_1338, %parallel_loop3A_1341], %broadcast_in_dim3A_53 {add = true} : memref<64x128xf32, #tpu.memory_space<vmem>>[vector<16xi32>, vector<16xi32>], vector<16xf32>,
      } {sc.loop_unroll_factor = 8 : i64, sc.parallel_access}
      %add3A_1024 = arith.constant 7 : i32
      %add3A_1025 = arith.addi %mul3A_550, %add3A_1024 : i32
      %add3A_1026 = arith.constant 5 : i32
      %add3A_1027 = arith.addi %add3A_1025, %add3A_1026 : i32
      %lt3A_1028 = arith.constant 256 : i32
      %lt3A_1029 = arith.cmpi slt, %add3A_1027, %lt3A_1028 : i32
      %convert_element_type3A_1030 = arith.extui %lt3A_1029 : i1 to i32
      %cond3A_1031 = arith.constant 0 : i32
      %cond3A_1032 = arith.cmpi ne, %convert_element_type3A_1030, %cond3A_1031 : i32
      scf.if %cond3A_1032 {
        %mul3A_1273 = arith.constant 2 : i32
        %mul3A_1274 = arith.muli %mul3A_1273, %add3A_1027 : i32
        %add3A_1275 = arith.addi %mul3A_1274, %sub3A_17 : i32
        %add3A_1276 = arith.constant 0 : i32
        %add3A_1277 = arith.addi %add3A_49, %add3A_1276 : i32
        %mul3A_1278 = arith.constant 2 : i32
        %mul3A_1279 = arith.muli %add3A_1275, %mul3A_1278 : i32
        %add3A_1280 = arith.addi %add3A_1277, %mul3A_1279 : i32
        %add3A_1281 = arith.constant 1024 : i32
        %add3A_1282 = arith.addi %add3A_49, %add3A_1281 : i32
        %mul3A_1283 = arith.constant 2 : i32
        %mul3A_1284 = arith.muli %add3A_1275, %mul3A_1283 : i32
        %add3A_1285 = arith.addi %add3A_1282, %mul3A_1284 : i32
        %add3A_1286 = arith.constant 2048 : i32
        %add3A_1287 = arith.addi %add3A_49, %add3A_1286 : i32
        %mul3A_1288 = arith.constant 2 : i32
        %mul3A_1289 = arith.muli %add3A_1275, %mul3A_1288 : i32
        %add3A_1290 = arith.addi %add3A_1287, %mul3A_1289 : i32
        %dma_start3A_1291 = arith.constant 12 : i32
        %dma_start3A_1292 = arith.constant 0 : i32
        %dma_start3A_1293 = arith.constant 0 : i32
        %dma_start3A_1294 = tpu.memref_slice %arg4[%dma_start3A_1291, %dma_start3A_1292, %dma_start3A_1293] : memref<24x8x128xi32, #tpu.memory_space<vmem>> -> memref<1x8x128xi32, #tpu.memory_space<vmem>>
        %dma_start3A_1295 = tpu.memref_squeeze %dma_start3A_1294 : memref<1x8x128xi32, #tpu.memory_space<vmem>> -> memref<8x128xi32, #tpu.memory_space<vmem>>
        %dma_start3A_1296 = arith.constant 0 : i32
        %dma_start3A_1297 = arith.constant 0 : i32
        %dma_start3A_1298 = tpu.memref_slice %arg2[%add3A_1280, %dma_start3A_1296, %dma_start3A_1297] : memref<24576x8x128xi32, #tpu.memory_space<hbm>> -> memref<1x8x128xi32, #tpu.memory_space<hbm>>
        %dma_start3A_1299 = tpu.memref_squeeze %dma_start3A_1298 : memref<1x8x128xi32, #tpu.memory_space<hbm>> -> memref<8x128xi32, #tpu.memory_space<hbm>>
        %dma_start3A_1300 = arith.constant 0 : i32
        %dma_start3A_1301 = arith.constant 0 : i32
        %dma_start3A_1302 = tpu.memref_slice %arg4[%dma_start3A_1291, %dma_start3A_1300, %dma_start3A_1301] : memref<24x8x128xi32, #tpu.memory_space<vmem>> -> memref<1x8x128xi32, #tpu.memory_space<vmem>>
        %dma_start3A_1303 = tpu.memref_squeeze %dma_start3A_1302 : memref<1x8x128xi32, #tpu.memory_space<vmem>> -> memref<8x128xi32, #tpu.memory_space<vmem>>
        %dma_start3A_1304 = arith.constant 0 : i32
        %dma_start3A_1305 = arith.constant 0 : i32
        %dma_start3A_1306 = tpu.memref_slice %arg2[%add3A_1280, %dma_start3A_1304, %dma_start3A_1305] : memref<24576x8x128xi32, #tpu.memory_space<hbm>> -> memref<1x8x128xi32, #tpu.memory_space<hbm>>
        %dma_start3A_1307 = tpu.memref_squeeze %dma_start3A_1306 : memref<1x8x128xi32, #tpu.memory_space<hbm>> -> memref<8x128xi32, #tpu.memory_space<hbm>>
        tpu.enqueue_dma source(%dma_start3A_1307 : memref<8x128xi32, #tpu.memory_space<hbm>>) target(%dma_start3A_1303 : memref<8x128xi32, #tpu.memory_space<vmem>>) target_semaphore(%arg10 : memref<!tpu.dma_semaphore, #tpu.memory_space<semaphore_mem>>)
        %dma_start3A_1308 = arith.constant 13 : i32
        %dma_start3A_1309 = arith.constant 0 : i32
        %dma_start3A_1310 = arith.constant 0 : i32
        %dma_start3A_1311 = tpu.memref_slice %arg4[%dma_start3A_1308, %dma_start3A_1309, %dma_start3A_1310] : memref<24x8x128xi32, #tpu.memory_space<vmem>> -> memref<1x8x128xi32, #tpu.memory_space<vmem>>
        %dma_start3A_1312 = tpu.memref_squeeze %dma_start3A_1311 : memref<1x8x128xi32, #tpu.memory_space<vmem>> -> memref<8x128xi32, #tpu.memory_space<vmem>>
        %dma_start3A_1313 = arith.constant 0 : i32
        %dma_start3A_1314 = arith.constant 0 : i32
        %dma_start3A_1315 = tpu.memref_slice %arg2[%add3A_1285, %dma_start3A_1313, %dma_start3A_1314] : memref<24576x8x128xi32, #tpu.memory_space<hbm>> -> memref<1x8x128xi32, #tpu.memory_space<hbm>>
        %dma_start3A_1316 = tpu.memref_squeeze %dma_start3A_1315 : memref<1x8x128xi32, #tpu.memory_space<hbm>> -> memref<8x128xi32, #tpu.memory_space<hbm>>
        %dma_start3A_1317 = arith.constant 0 : i32
        %dma_start3A_1318 = arith.constant 0 : i32
        %dma_start3A_1319 = tpu.memref_slice %arg4[%dma_start3A_1308, %dma_start3A_1317, %dma_start3A_1318] : memref<24x8x128xi32, #tpu.memory_space<vmem>> -> memref<1x8x128xi32, #tpu.memory_space<vmem>>
        %dma_start3A_1320 = tpu.memref_squeeze %dma_start3A_1319 : memref<1x8x128xi32, #tpu.memory_space<vmem>> -> memref<8x128xi32, #tpu.memory_space<vmem>>
        %dma_start3A_1321 = arith.constant 0 : i32
        %dma_start3A_1322 = arith.constant 0 : i32
        %dma_start3A_1323 = tpu.memref_slice %arg2[%add3A_1285, %dma_start3A_1321, %dma_start3A_1322] : memref<24576x8x128xi32, #tpu.memory_space<hbm>> -> memref<1x8x128xi32, #tpu.memory_space<hbm>>
        %dma_start3A_1324 = tpu.memref_squeeze %dma_start3A_1323 : memref<1x8x128xi32, #tpu.memory_space<hbm>> -> memref<8x128xi32, #tpu.memory_space<hbm>>
        tpu.enqueue_dma source(%dma_start3A_1324 : memref<8x128xi32, #tpu.memory_space<hbm>>) target(%dma_start3A_1320 : memref<8x128xi32, #tpu.memory_space<vmem>>) target_semaphore(%arg10 : memref<!tpu.dma_semaphore, #tpu.memory_space<semaphore_mem>>)
        %dma_start3A_1325 = arith.constant 14 : i32
        %dma_start3A_1326 = arith.constant 0 : i32
        %dma_start3A_1327 = arith.constant 0 : i32
        %dma_start3A_1328 = tpu.memref_slice %arg4[%dma_start3A_1325, %dma_start3A_1326, %dma_start3A_1327] : memref<24x8x128xi32, #tpu.memory_space<vmem>> -> memref<1x8x128xi32, #tpu.memory_space<vmem>>
        %dma_start3A_1329 = tpu.memref_squeeze %dma_start3A_1328 : memref<1x8x128xi32, #tpu.memory_space<vmem>> -> memref<8x128xi32, #tpu.memory_space<vmem>>
        %dma_start3A_1330 = arith.constant 0 : i32
        %dma_start3A_1331 = arith.constant 0 : i32
        %dma_start3A_1332 = tpu.memref_slice %arg2[%add3A_1290, %dma_start3A_1330, %dma_start3A_1331] : memref<24576x8x128xi32, #tpu.memory_space<hbm>> -> memref<1x8x128xi32, #tpu.memory_space<hbm>>
        %dma_start3A_1333 = tpu.memref_squeeze %dma_start3A_1332 : memref<1x8x128xi32, #tpu.memory_space<hbm>> -> memref<8x128xi32, #tpu.memory_space<hbm>>
        %dma_start3A_1334 = arith.constant 0 : i32
        %dma_start3A_1335 = arith.constant 0 : i32
        %dma_start3A_1336 = tpu.memref_slice %arg4[%dma_start3A_1325, %dma_start3A_1334, %dma_start3A_1335] : memref<24x8x128xi32, #tpu.memory_space<vmem>> -> memref<1x8x128xi32, #tpu.memory_space<vmem>>
        %dma_start3A_1337 = tpu.memref_squeeze %dma_start3A_1336 : memref<1x8x128xi32, #tpu.memory_space<vmem>> -> memref<8x128xi32, #tpu.memory_space<vmem>>
        %dma_start3A_1338 = arith.constant 0 : i32
        %dma_start3A_1339 = arith.constant 0 : i32
        %dma_start3A_1340 = tpu.memref_slice %arg2[%add3A_1290, %dma_start3A_1338, %dma_start3A_1339] : memref<24576x8x128xi32, #tpu.memory_space<hbm>> -> memref<1x8x128xi32, #tpu.memory_space<hbm>>
        %dma_start3A_1341 = tpu.memref_squeeze %dma_start3A_1340 : memref<1x8x128xi32, #tpu.memory_space<hbm>> -> memref<8x128xi32, #tpu.memory_space<hbm>>
        tpu.enqueue_dma source(%dma_start3A_1341 : memref<8x128xi32, #tpu.memory_space<hbm>>) target(%dma_start3A_1337 : memref<8x128xi32, #tpu.memory_space<vmem>>) target_semaphore(%arg10 : memref<!tpu.dma_semaphore, #tpu.memory_space<semaphore_mem>>)
      } else {
      }
      %add3A_1033 = arith.constant 5 : i32
      %add3A_1034 = arith.addi %mul3A_550, %add3A_1033 : i32
      %mul3A_1035 = arith.constant 2 : i32
      %mul3A_1036 = arith.muli %mul3A_1035, %add3A_1034 : i32
      %add3A_1037 = arith.addi %mul3A_1036, %sub3A_17 : i32
      %add3A_1038 = arith.constant 0 : i32
      %add3A_1039 = arith.addi %add3A_49, %add3A_1038 : i32
      %mul3A_1040 = arith.constant 2 : i32
      %mul3A_1041 = arith.muli %add3A_1037, %mul3A_1040 : i32
      %add3A_1042 = arith.addi %add3A_1039, %mul3A_1041 : i32
      %add3A_1043 = arith.constant 1024 : i32
      %add3A_1044 = arith.addi %add3A_49, %add3A_1043 : i32
      %mul3A_1045 = arith.constant 2 : i32
      %mul3A_1046 = arith.muli %add3A_1037, %mul3A_1045 : i32
      %add3A_1047 = arith.addi %add3A_1044, %mul3A_1046 : i32
      %add3A_1048 = arith.constant 2048 : i32
      %add3A_1049 = arith.addi %add3A_49, %add3A_1048 : i32
      %mul3A_1050 = arith.constant 2 : i32
      %mul3A_1051 = arith.muli %add3A_1037, %mul3A_1050 : i32
      %add3A_1052 = arith.addi %add3A_1049, %mul3A_1051 : i32
      %dma_wait3A_1053 = arith.constant 15 : i32
      %dma_wait3A_1054 = arith.constant 0 : i32
      %dma_wait3A_1055 = arith.constant 0 : i32
      %dma_wait3A_1056 = tpu.memref_slice %arg4[%dma_wait3A_1053, %dma_wait3A_1054, %dma_wait3A_1055] : memref<24x8x128xi32, #tpu.memory_space<vmem>> -> memref<1x8x128xi32, #tpu.memory_space<vmem>>
      %dma_wait3A_1057 = tpu.memref_squeeze %dma_wait3A_1056 : memref<1x8x128xi32, #tpu.memory_space<vmem>> -> memref<8x128xi32, #tpu.memory_space<vmem>>
      %dma_wait3A_1058 = arith.constant 0 : i32
      %dma_wait3A_1059 = arith.constant 0 : i32
      %dma_wait3A_1060 = tpu.memref_slice %arg2[%add3A_1042, %dma_wait3A_1058, %dma_wait3A_1059] : memref<24576x8x128xi32, #tpu.memory_space<hbm>> -> memref<1x8x128xi32, #tpu.memory_space<hbm>>
      %dma_wait3A_1061 = tpu.memref_squeeze %dma_wait3A_1060 : memref<1x8x128xi32, #tpu.memory_space<hbm>> -> memref<8x128xi32, #tpu.memory_space<hbm>>
      %dma_wait3A_1062 = arith.constant 0 : i32
      %dma_wait3A_1063 = arith.constant 0 : i32
      %dma_wait3A_1064 = tpu.memref_slice %arg4[%dma_wait3A_1053, %dma_wait3A_1062, %dma_wait3A_1063] : memref<24x8x128xi32, #tpu.memory_space<vmem>> -> memref<1x8x128xi32, #tpu.memory_space<vmem>>
      %dma_wait3A_1065 = tpu.memref_squeeze %dma_wait3A_1064 : memref<1x8x128xi32, #tpu.memory_space<vmem>> -> memref<8x128xi32, #tpu.memory_space<vmem>>
      %dma_wait3A_1066 = arith.constant 0 : i32
      %dma_wait3A_1067 = arith.constant 0 : i32
      %dma_wait3A_1068 = tpu.memref_slice %arg2[%add3A_1042, %dma_wait3A_1066, %dma_wait3A_1067] : memref<24576x8x128xi32, #tpu.memory_space<hbm>> -> memref<1x8x128xi32, #tpu.memory_space<hbm>>
      %dma_wait3A_1069 = tpu.memref_squeeze %dma_wait3A_1068 : memref<1x8x128xi32, #tpu.memory_space<hbm>> -> memref<8x128xi32, #tpu.memory_space<hbm>>
      tpu.wait_dma2 semaphore(%arg11 : memref<!tpu.dma_semaphore, #tpu.memory_space<semaphore_mem>>) src(%dma_wait3A_1069 : memref<8x128xi32, #tpu.memory_space<hbm>>) dst(%dma_wait3A_1065 : memref<8x128xi32, #tpu.memory_space<vmem>>)
      %dma_wait3A_1070 = arith.constant 16 : i32
      %dma_wait3A_1071 = arith.constant 0 : i32
      %dma_wait3A_1072 = arith.constant 0 : i32
      %dma_wait3A_1073 = tpu.memref_slice %arg4[%dma_wait3A_1070, %dma_wait3A_1071, %dma_wait3A_1072] : memref<24x8x128xi32, #tpu.memory_space<vmem>> -> memref<1x8x128xi32, #tpu.memory_space<vmem>>
      %dma_wait3A_1074 = tpu.memref_squeeze %dma_wait3A_1073 : memref<1x8x128xi32, #tpu.memory_space<vmem>> -> memref<8x128xi32, #tpu.memory_space<vmem>>
      %dma_wait3A_1075 = arith.constant 0 : i32
      %dma_wait3A_1076 = arith.constant 0 : i32
      %dma_wait3A_1077 = tpu.memref_slice %arg2[%add3A_1047, %dma_wait3A_1075, %dma_wait3A_1076] : memref<24576x8x128xi32, #tpu.memory_space<hbm>> -> memref<1x8x128xi32, #tpu.memory_space<hbm>>
      %dma_wait3A_1078 = tpu.memref_squeeze %dma_wait3A_1077 : memref<1x8x128xi32, #tpu.memory_space<hbm>> -> memref<8x128xi32, #tpu.memory_space<hbm>>
      %dma_wait3A_1079 = arith.constant 0 : i32
      %dma_wait3A_1080 = arith.constant 0 : i32
      %dma_wait3A_1081 = tpu.memref_slice %arg4[%dma_wait3A_1070, %dma_wait3A_1079, %dma_wait3A_1080] : memref<24x8x128xi32, #tpu.memory_space<vmem>> -> memref<1x8x128xi32, #tpu.memory_space<vmem>>
      %dma_wait3A_1082 = tpu.memref_squeeze %dma_wait3A_1081 : memref<1x8x128xi32, #tpu.memory_space<vmem>> -> memref<8x128xi32, #tpu.memory_space<vmem>>
      %dma_wait3A_1083 = arith.constant 0 : i32
      %dma_wait3A_1084 = arith.constant 0 : i32
      %dma_wait3A_1085 = tpu.memref_slice %arg2[%add3A_1047, %dma_wait3A_1083, %dma_wait3A_1084] : memref<24576x8x128xi32, #tpu.memory_space<hbm>> -> memref<1x8x128xi32, #tpu.memory_space<hbm>>
      %dma_wait3A_1086 = tpu.memref_squeeze %dma_wait3A_1085 : memref<1x8x128xi32, #tpu.memory_space<hbm>> -> memref<8x128xi32, #tpu.memory_space<hbm>>
      tpu.wait_dma2 semaphore(%arg11 : memref<!tpu.dma_semaphore, #tpu.memory_space<semaphore_mem>>) src(%dma_wait3A_1086 : memref<8x128xi32, #tpu.memory_space<hbm>>) dst(%dma_wait3A_1082 : memref<8x128xi32, #tpu.memory_space<vmem>>)
      %dma_wait3A_1087 = arith.constant 17 : i32
      %dma_wait3A_1088 = arith.constant 0 : i32
      %dma_wait3A_1089 = arith.constant 0 : i32
      %dma_wait3A_1090 = tpu.memref_slice %arg4[%dma_wait3A_1087, %dma_wait3A_1088, %dma_wait3A_1089] : memref<24x8x128xi32, #tpu.memory_space<vmem>> -> memref<1x8x128xi32, #tpu.memory_space<vmem>>
      %dma_wait3A_1091 = tpu.memref_squeeze %dma_wait3A_1090 : memref<1x8x128xi32, #tpu.memory_space<vmem>> -> memref<8x128xi32, #tpu.memory_space<vmem>>
      %dma_wait3A_1092 = arith.constant 0 : i32
      %dma_wait3A_1093 = arith.constant 0 : i32
      %dma_wait3A_1094 = tpu.memref_slice %arg2[%add3A_1052, %dma_wait3A_1092, %dma_wait3A_1093] : memref<24576x8x128xi32, #tpu.memory_space<hbm>> -> memref<1x8x128xi32, #tpu.memory_space<hbm>>
      %dma_wait3A_1095 = tpu.memref_squeeze %dma_wait3A_1094 : memref<1x8x128xi32, #tpu.memory_space<hbm>> -> memref<8x128xi32, #tpu.memory_space<hbm>>
      %dma_wait3A_1096 = arith.constant 0 : i32
      %dma_wait3A_1097 = arith.constant 0 : i32
      %dma_wait3A_1098 = tpu.memref_slice %arg4[%dma_wait3A_1087, %dma_wait3A_1096, %dma_wait3A_1097] : memref<24x8x128xi32, #tpu.memory_space<vmem>> -> memref<1x8x128xi32, #tpu.memory_space<vmem>>
      %dma_wait3A_1099 = tpu.memref_squeeze %dma_wait3A_1098 : memref<1x8x128xi32, #tpu.memory_space<vmem>> -> memref<8x128xi32, #tpu.memory_space<vmem>>
      %dma_wait3A_1100 = arith.constant 0 : i32
      %dma_wait3A_1101 = arith.constant 0 : i32
      %dma_wait3A_1102 = tpu.memref_slice %arg2[%add3A_1052, %dma_wait3A_1100, %dma_wait3A_1101] : memref<24576x8x128xi32, #tpu.memory_space<hbm>> -> memref<1x8x128xi32, #tpu.memory_space<hbm>>
      %dma_wait3A_1103 = tpu.memref_squeeze %dma_wait3A_1102 : memref<1x8x128xi32, #tpu.memory_space<hbm>> -> memref<8x128xi32, #tpu.memory_space<hbm>>
      tpu.wait_dma2 semaphore(%arg11 : memref<!tpu.dma_semaphore, #tpu.memory_space<semaphore_mem>>) src(%dma_wait3A_1103 : memref<8x128xi32, #tpu.memory_space<hbm>>) dst(%dma_wait3A_1099 : memref<8x128xi32, #tpu.memory_space<vmem>>)
      %parallel_loop3A_1104 = arith.constant 0 : i32
      %parallel_loop3A_1105 = arith.constant 1024 : i32
      %parallel_loop3A_1106 = arith.constant 16 : i32
      scf.for %parallel_loop3A_1273 = %parallel_loop3A_1104 to %parallel_loop3A_1105 step %parallel_loop3A_1106  : i32 {
        %parallel_loop3A_1274 = arith.constant 128 : i32
        %parallel_loop3A_1275 = arith.divsi %parallel_loop3A_1273, %parallel_loop3A_1274 : i32
        %parallel_loop3A_1276 = arith.constant 0 : i32
        %parallel_loop3A_1277 = arith.cmpi sgt, %parallel_loop3A_1273, %parallel_loop3A_1276 : i32
        %parallel_loop3A_1278 = arith.extui %parallel_loop3A_1277 : i1 to i32
        %parallel_loop3A_1279 = arith.constant 0 : i32
        %parallel_loop3A_1280 = arith.cmpi slt, %parallel_loop3A_1273, %parallel_loop3A_1279 : i32
        %parallel_loop3A_1281 = arith.extui %parallel_loop3A_1280 : i1 to i32
        %parallel_loop3A_1282 = arith.subi %parallel_loop3A_1278, %parallel_loop3A_1281 : i32
        %parallel_loop3A_1283 = arith.constant 0 : i32
        %parallel_loop3A_1284 = arith.cmpi sgt, %parallel_loop3A_1274, %parallel_loop3A_1283 : i32
        %parallel_loop3A_1285 = arith.extui %parallel_loop3A_1284 : i1 to i32
        %parallel_loop3A_1286 = arith.constant 0 : i32
        %parallel_loop3A_1287 = arith.cmpi slt, %parallel_loop3A_1274, %parallel_loop3A_1286 : i32
        %parallel_loop3A_1288 = arith.extui %parallel_loop3A_1287 : i1 to i32
        %parallel_loop3A_1289 = arith.subi %parallel_loop3A_1285, %parallel_loop3A_1288 : i32
        %parallel_loop3A_1290 = arith.cmpi ne, %parallel_loop3A_1282, %parallel_loop3A_1289 : i32
        %parallel_loop3A_1291 = arith.remsi %parallel_loop3A_1273, %parallel_loop3A_1274 : i32
        %parallel_loop3A_1292 = arith.constant 0 : i32
        %parallel_loop3A_1293 = arith.cmpi ne, %parallel_loop3A_1291, %parallel_loop3A_1292 : i32
        %parallel_loop3A_1294 = arith.andi %parallel_loop3A_1290, %parallel_loop3A_1293 : i1
        %parallel_loop3A_1295 = arith.constant 1 : i32
        %parallel_loop3A_1296 = arith.subi %parallel_loop3A_1275, %parallel_loop3A_1295 : i32
        %parallel_loop3A_1297 = arith.select %parallel_loop3A_1294, %parallel_loop3A_1296, %parallel_loop3A_1275 : i32
        %parallel_loop3A_1298 = arith.constant 128 : i32
        %parallel_loop3A_1299 = arith.muli %parallel_loop3A_1297, %parallel_loop3A_1298 : i32
        %parallel_loop3A_1300 = arith.subi %parallel_loop3A_1273, %parallel_loop3A_1299 : i32
        %parallel_loop3A_1301 = arith.constant 15 : i32
        %parallel_loop3A_1302 = arith.index_cast %parallel_loop3A_1301 : i32 to index
        %parallel_loop3A_1303 = arith.index_cast %parallel_loop3A_1297 : i32 to index
        %parallel_loop3A_1304 = arith.index_cast %parallel_loop3A_1300 : i32 to index
        %parallel_loop3A_1305 = tpu.vector_load %arg4[%parallel_loop3A_1302, %parallel_loop3A_1303, %parallel_loop3A_1304] {strides = array<i32>} : memref<24x8x128xi32, #tpu.memory_space<vmem>>, vector<16xi32>,
        %parallel_loop3A_1306 = arith.constant 16 : i32
        %parallel_loop3A_1307 = arith.index_cast %parallel_loop3A_1306 : i32 to index
        %parallel_loop3A_1308 = arith.index_cast %parallel_loop3A_1297 : i32 to index
        %parallel_loop3A_1309 = arith.index_cast %parallel_loop3A_1300 : i32 to index
        %parallel_loop3A_1310 = tpu.vector_load %arg4[%parallel_loop3A_1307, %parallel_loop3A_1308, %parallel_loop3A_1309] {strides = array<i32>} : memref<24x8x128xi32, #tpu.memory_space<vmem>>, vector<16xi32>,
        %parallel_loop3A_1311 = arith.constant 17 : i32
        %parallel_loop3A_1312 = arith.index_cast %parallel_loop3A_1311 : i32 to index
        %parallel_loop3A_1313 = arith.index_cast %parallel_loop3A_1297 : i32 to index
        %parallel_loop3A_1314 = arith.index_cast %parallel_loop3A_1300 : i32 to index
        %parallel_loop3A_1315 = tpu.vector_load %arg4[%parallel_loop3A_1312, %parallel_loop3A_1313, %parallel_loop3A_1314] {strides = array<i32>} : memref<24x8x128xi32, #tpu.memory_space<vmem>>, vector<16xi32>,
        %parallel_loop3A_1316 = arith.constant 224 : i32
        %parallel_loop3A_1317 = vector.broadcast %parallel_loop3A_1316 : i32 to vector<16xi32>
        %parallel_loop3A_1318 = arith.andi %parallel_loop3A_1305, %parallel_loop3A_1317 : vector<16xi32>
        %parallel_loop3A_1319 = arith.constant 1 : i32
        %parallel_loop3A_1320 = vector.broadcast %parallel_loop3A_1319 : i32 to vector<16xi32>
        %parallel_loop3A_1321 = arith.shli %parallel_loop3A_1318, %parallel_loop3A_1320 : vector<16xi32>
        %parallel_loop3A_1322 = arith.constant 224 : i32
        %parallel_loop3A_1323 = vector.broadcast %parallel_loop3A_1322 : i32 to vector<16xi32>
        %parallel_loop3A_1324 = arith.andi %parallel_loop3A_1310, %parallel_loop3A_1323 : vector<16xi32>
        %parallel_loop3A_1325 = arith.constant 2 : i32
        %parallel_loop3A_1326 = vector.broadcast %parallel_loop3A_1325 : i32 to vector<16xi32>
        %parallel_loop3A_1327 = arith.shrsi %parallel_loop3A_1324, %parallel_loop3A_1326 : vector<16xi32>
        %parallel_loop3A_1328 = arith.ori %parallel_loop3A_1321, %parallel_loop3A_1327 : vector<16xi32>
        %parallel_loop3A_1329 = arith.constant 5 : i32
        %parallel_loop3A_1330 = vector.broadcast %parallel_loop3A_1329 : i32 to vector<16xi32>
        %parallel_loop3A_1331 = arith.shrsi %parallel_loop3A_1315, %parallel_loop3A_1330 : vector<16xi32>
        %parallel_loop3A_1332 = arith.ori %parallel_loop3A_1328, %parallel_loop3A_1331 : vector<16xi32>
        %parallel_loop3A_1333 = arith.constant 4 : i32
        %parallel_loop3A_1334 = arith.muli %parallel_loop3A_1300, %parallel_loop3A_1333 : i32
        %parallel_loop3A_1335 = arith.constant 7 : i32
        %parallel_loop3A_1336 = vector.broadcast %parallel_loop3A_1335 : i32 to vector<16xi32>
        %parallel_loop3A_1337 = arith.shrsi %parallel_loop3A_1332, %parallel_loop3A_1336 : vector<16xi32>
        %parallel_loop3A_1338 = arith.addi %mul3A_52, %parallel_loop3A_1337 : vector<16xi32>
        %parallel_loop3A_1339 = arith.constant 127 : i32
        %parallel_loop3A_1340 = vector.broadcast %parallel_loop3A_1339 : i32 to vector<16xi32>
        %parallel_loop3A_1341 = arith.andi %parallel_loop3A_1332, %parallel_loop3A_1340 : vector<16xi32>
        %parallel_loop3A_1342 = arith.constant 0 : i32
        %parallel_loop3A_1343 = tpu.memref_slice %arg5[%parallel_loop3A_1334, %parallel_loop3A_1342] : memref<512x128xf32, #tpu.memory_space<vmem>> -> memref<64x128xf32, #tpu.memory_space<vmem>>
        tpu.vector_store_idx %parallel_loop3A_1343[%parallel_loop3A_1338, %parallel_loop3A_1341], %broadcast_in_dim3A_53 {add = true} : memref<64x128xf32, #tpu.memory_space<vmem>>[vector<16xi32>, vector<16xi32>], vector<16xf32>,
      } {sc.loop_unroll_factor = 8 : i64, sc.parallel_access}
      %add3A_1107 = arith.constant 7 : i32
      %add3A_1108 = arith.addi %mul3A_550, %add3A_1107 : i32
      %add3A_1109 = arith.constant 6 : i32
      %add3A_1110 = arith.addi %add3A_1108, %add3A_1109 : i32
      %lt3A_1111 = arith.constant 256 : i32
      %lt3A_1112 = arith.cmpi slt, %add3A_1110, %lt3A_1111 : i32
      %convert_element_type3A_1113 = arith.extui %lt3A_1112 : i1 to i32
      %cond3A_1114 = arith.constant 0 : i32
      %cond3A_1115 = arith.cmpi ne, %convert_element_type3A_1113, %cond3A_1114 : i32
      scf.if %cond3A_1115 {
        %mul3A_1273 = arith.constant 2 : i32
        %mul3A_1274 = arith.muli %mul3A_1273, %add3A_1110 : i32
        %add3A_1275 = arith.addi %mul3A_1274, %sub3A_17 : i32
        %add3A_1276 = arith.constant 0 : i32
        %add3A_1277 = arith.addi %add3A_49, %add3A_1276 : i32
        %mul3A_1278 = arith.constant 2 : i32
        %mul3A_1279 = arith.muli %add3A_1275, %mul3A_1278 : i32
        %add3A_1280 = arith.addi %add3A_1277, %mul3A_1279 : i32
        %add3A_1281 = arith.constant 1024 : i32
        %add3A_1282 = arith.addi %add3A_49, %add3A_1281 : i32
        %mul3A_1283 = arith.constant 2 : i32
        %mul3A_1284 = arith.muli %add3A_1275, %mul3A_1283 : i32
        %add3A_1285 = arith.addi %add3A_1282, %mul3A_1284 : i32
        %add3A_1286 = arith.constant 2048 : i32
        %add3A_1287 = arith.addi %add3A_49, %add3A_1286 : i32
        %mul3A_1288 = arith.constant 2 : i32
        %mul3A_1289 = arith.muli %add3A_1275, %mul3A_1288 : i32
        %add3A_1290 = arith.addi %add3A_1287, %mul3A_1289 : i32
        %dma_start3A_1291 = arith.constant 15 : i32
        %dma_start3A_1292 = arith.constant 0 : i32
        %dma_start3A_1293 = arith.constant 0 : i32
        %dma_start3A_1294 = tpu.memref_slice %arg4[%dma_start3A_1291, %dma_start3A_1292, %dma_start3A_1293] : memref<24x8x128xi32, #tpu.memory_space<vmem>> -> memref<1x8x128xi32, #tpu.memory_space<vmem>>
        %dma_start3A_1295 = tpu.memref_squeeze %dma_start3A_1294 : memref<1x8x128xi32, #tpu.memory_space<vmem>> -> memref<8x128xi32, #tpu.memory_space<vmem>>
        %dma_start3A_1296 = arith.constant 0 : i32
        %dma_start3A_1297 = arith.constant 0 : i32
        %dma_start3A_1298 = tpu.memref_slice %arg2[%add3A_1280, %dma_start3A_1296, %dma_start3A_1297] : memref<24576x8x128xi32, #tpu.memory_space<hbm>> -> memref<1x8x128xi32, #tpu.memory_space<hbm>>
        %dma_start3A_1299 = tpu.memref_squeeze %dma_start3A_1298 : memref<1x8x128xi32, #tpu.memory_space<hbm>> -> memref<8x128xi32, #tpu.memory_space<hbm>>
        %dma_start3A_1300 = arith.constant 0 : i32
        %dma_start3A_1301 = arith.constant 0 : i32
        %dma_start3A_1302 = tpu.memref_slice %arg4[%dma_start3A_1291, %dma_start3A_1300, %dma_start3A_1301] : memref<24x8x128xi32, #tpu.memory_space<vmem>> -> memref<1x8x128xi32, #tpu.memory_space<vmem>>
        %dma_start3A_1303 = tpu.memref_squeeze %dma_start3A_1302 : memref<1x8x128xi32, #tpu.memory_space<vmem>> -> memref<8x128xi32, #tpu.memory_space<vmem>>
        %dma_start3A_1304 = arith.constant 0 : i32
        %dma_start3A_1305 = arith.constant 0 : i32
        %dma_start3A_1306 = tpu.memref_slice %arg2[%add3A_1280, %dma_start3A_1304, %dma_start3A_1305] : memref<24576x8x128xi32, #tpu.memory_space<hbm>> -> memref<1x8x128xi32, #tpu.memory_space<hbm>>
        %dma_start3A_1307 = tpu.memref_squeeze %dma_start3A_1306 : memref<1x8x128xi32, #tpu.memory_space<hbm>> -> memref<8x128xi32, #tpu.memory_space<hbm>>
        tpu.enqueue_dma source(%dma_start3A_1307 : memref<8x128xi32, #tpu.memory_space<hbm>>) target(%dma_start3A_1303 : memref<8x128xi32, #tpu.memory_space<vmem>>) target_semaphore(%arg11 : memref<!tpu.dma_semaphore, #tpu.memory_space<semaphore_mem>>)
        %dma_start3A_1308 = arith.constant 16 : i32
        %dma_start3A_1309 = arith.constant 0 : i32
        %dma_start3A_1310 = arith.constant 0 : i32
        %dma_start3A_1311 = tpu.memref_slice %arg4[%dma_start3A_1308, %dma_start3A_1309, %dma_start3A_1310] : memref<24x8x128xi32, #tpu.memory_space<vmem>> -> memref<1x8x128xi32, #tpu.memory_space<vmem>>
        %dma_start3A_1312 = tpu.memref_squeeze %dma_start3A_1311 : memref<1x8x128xi32, #tpu.memory_space<vmem>> -> memref<8x128xi32, #tpu.memory_space<vmem>>
        %dma_start3A_1313 = arith.constant 0 : i32
        %dma_start3A_1314 = arith.constant 0 : i32
        %dma_start3A_1315 = tpu.memref_slice %arg2[%add3A_1285, %dma_start3A_1313, %dma_start3A_1314] : memref<24576x8x128xi32, #tpu.memory_space<hbm>> -> memref<1x8x128xi32, #tpu.memory_space<hbm>>
        %dma_start3A_1316 = tpu.memref_squeeze %dma_start3A_1315 : memref<1x8x128xi32, #tpu.memory_space<hbm>> -> memref<8x128xi32, #tpu.memory_space<hbm>>
        %dma_start3A_1317 = arith.constant 0 : i32
        %dma_start3A_1318 = arith.constant 0 : i32
        %dma_start3A_1319 = tpu.memref_slice %arg4[%dma_start3A_1308, %dma_start3A_1317, %dma_start3A_1318] : memref<24x8x128xi32, #tpu.memory_space<vmem>> -> memref<1x8x128xi32, #tpu.memory_space<vmem>>
        %dma_start3A_1320 = tpu.memref_squeeze %dma_start3A_1319 : memref<1x8x128xi32, #tpu.memory_space<vmem>> -> memref<8x128xi32, #tpu.memory_space<vmem>>
        %dma_start3A_1321 = arith.constant 0 : i32
        %dma_start3A_1322 = arith.constant 0 : i32
        %dma_start3A_1323 = tpu.memref_slice %arg2[%add3A_1285, %dma_start3A_1321, %dma_start3A_1322] : memref<24576x8x128xi32, #tpu.memory_space<hbm>> -> memref<1x8x128xi32, #tpu.memory_space<hbm>>
        %dma_start3A_1324 = tpu.memref_squeeze %dma_start3A_1323 : memref<1x8x128xi32, #tpu.memory_space<hbm>> -> memref<8x128xi32, #tpu.memory_space<hbm>>
        tpu.enqueue_dma source(%dma_start3A_1324 : memref<8x128xi32, #tpu.memory_space<hbm>>) target(%dma_start3A_1320 : memref<8x128xi32, #tpu.memory_space<vmem>>) target_semaphore(%arg11 : memref<!tpu.dma_semaphore, #tpu.memory_space<semaphore_mem>>)
        %dma_start3A_1325 = arith.constant 17 : i32
        %dma_start3A_1326 = arith.constant 0 : i32
        %dma_start3A_1327 = arith.constant 0 : i32
        %dma_start3A_1328 = tpu.memref_slice %arg4[%dma_start3A_1325, %dma_start3A_1326, %dma_start3A_1327] : memref<24x8x128xi32, #tpu.memory_space<vmem>> -> memref<1x8x128xi32, #tpu.memory_space<vmem>>
        %dma_start3A_1329 = tpu.memref_squeeze %dma_start3A_1328 : memref<1x8x128xi32, #tpu.memory_space<vmem>> -> memref<8x128xi32, #tpu.memory_space<vmem>>
        %dma_start3A_1330 = arith.constant 0 : i32
        %dma_start3A_1331 = arith.constant 0 : i32
        %dma_start3A_1332 = tpu.memref_slice %arg2[%add3A_1290, %dma_start3A_1330, %dma_start3A_1331] : memref<24576x8x128xi32, #tpu.memory_space<hbm>> -> memref<1x8x128xi32, #tpu.memory_space<hbm>>
        %dma_start3A_1333 = tpu.memref_squeeze %dma_start3A_1332 : memref<1x8x128xi32, #tpu.memory_space<hbm>> -> memref<8x128xi32, #tpu.memory_space<hbm>>
        %dma_start3A_1334 = arith.constant 0 : i32
        %dma_start3A_1335 = arith.constant 0 : i32
        %dma_start3A_1336 = tpu.memref_slice %arg4[%dma_start3A_1325, %dma_start3A_1334, %dma_start3A_1335] : memref<24x8x128xi32, #tpu.memory_space<vmem>> -> memref<1x8x128xi32, #tpu.memory_space<vmem>>
        %dma_start3A_1337 = tpu.memref_squeeze %dma_start3A_1336 : memref<1x8x128xi32, #tpu.memory_space<vmem>> -> memref<8x128xi32, #tpu.memory_space<vmem>>
        %dma_start3A_1338 = arith.constant 0 : i32
        %dma_start3A_1339 = arith.constant 0 : i32
        %dma_start3A_1340 = tpu.memref_slice %arg2[%add3A_1290, %dma_start3A_1338, %dma_start3A_1339] : memref<24576x8x128xi32, #tpu.memory_space<hbm>> -> memref<1x8x128xi32, #tpu.memory_space<hbm>>
        %dma_start3A_1341 = tpu.memref_squeeze %dma_start3A_1340 : memref<1x8x128xi32, #tpu.memory_space<hbm>> -> memref<8x128xi32, #tpu.memory_space<hbm>>
        tpu.enqueue_dma source(%dma_start3A_1341 : memref<8x128xi32, #tpu.memory_space<hbm>>) target(%dma_start3A_1337 : memref<8x128xi32, #tpu.memory_space<vmem>>) target_semaphore(%arg11 : memref<!tpu.dma_semaphore, #tpu.memory_space<semaphore_mem>>)
      } else {
      }
      %add3A_1116 = arith.constant 6 : i32
      %add3A_1117 = arith.addi %mul3A_550, %add3A_1116 : i32
      %mul3A_1118 = arith.constant 2 : i32
      %mul3A_1119 = arith.muli %mul3A_1118, %add3A_1117 : i32
      %add3A_1120 = arith.addi %mul3A_1119, %sub3A_17 : i32
      %add3A_1121 = arith.constant 0 : i32
      %add3A_1122 = arith.addi %add3A_49, %add3A_1121 : i32
      %mul3A_1123 = arith.constant 2 : i32
      %mul3A_1124 = arith.muli %add3A_1120, %mul3A_1123 : i32
      %add3A_1125 = arith.addi %add3A_1122, %mul3A_1124 : i32
      %add3A_1126 = arith.constant 1024 : i32
      %add3A_1127 = arith.addi %add3A_49, %add3A_1126 : i32
      %mul3A_1128 = arith.constant 2 : i32
      %mul3A_1129 = arith.muli %add3A_1120, %mul3A_1128 : i32
      %add3A_1130 = arith.addi %add3A_1127, %mul3A_1129 : i32
      %add3A_1131 = arith.constant 2048 : i32
      %add3A_1132 = arith.addi %add3A_49, %add3A_1131 : i32
      %mul3A_1133 = arith.constant 2 : i32
      %mul3A_1134 = arith.muli %add3A_1120, %mul3A_1133 : i32
      %add3A_1135 = arith.addi %add3A_1132, %mul3A_1134 : i32
      %dma_wait3A_1136 = arith.constant 18 : i32
      %dma_wait3A_1137 = arith.constant 0 : i32
      %dma_wait3A_1138 = arith.constant 0 : i32
      %dma_wait3A_1139 = tpu.memref_slice %arg4[%dma_wait3A_1136, %dma_wait3A_1137, %dma_wait3A_1138] : memref<24x8x128xi32, #tpu.memory_space<vmem>> -> memref<1x8x128xi32, #tpu.memory_space<vmem>>
      %dma_wait3A_1140 = tpu.memref_squeeze %dma_wait3A_1139 : memref<1x8x128xi32, #tpu.memory_space<vmem>> -> memref<8x128xi32, #tpu.memory_space<vmem>>
      %dma_wait3A_1141 = arith.constant 0 : i32
      %dma_wait3A_1142 = arith.constant 0 : i32
      %dma_wait3A_1143 = tpu.memref_slice %arg2[%add3A_1125, %dma_wait3A_1141, %dma_wait3A_1142] : memref<24576x8x128xi32, #tpu.memory_space<hbm>> -> memref<1x8x128xi32, #tpu.memory_space<hbm>>
      %dma_wait3A_1144 = tpu.memref_squeeze %dma_wait3A_1143 : memref<1x8x128xi32, #tpu.memory_space<hbm>> -> memref<8x128xi32, #tpu.memory_space<hbm>>
      %dma_wait3A_1145 = arith.constant 0 : i32
      %dma_wait3A_1146 = arith.constant 0 : i32
      %dma_wait3A_1147 = tpu.memref_slice %arg4[%dma_wait3A_1136, %dma_wait3A_1145, %dma_wait3A_1146] : memref<24x8x128xi32, #tpu.memory_space<vmem>> -> memref<1x8x128xi32, #tpu.memory_space<vmem>>
      %dma_wait3A_1148 = tpu.memref_squeeze %dma_wait3A_1147 : memref<1x8x128xi32, #tpu.memory_space<vmem>> -> memref<8x128xi32, #tpu.memory_space<vmem>>
      %dma_wait3A_1149 = arith.constant 0 : i32
      %dma_wait3A_1150 = arith.constant 0 : i32
      %dma_wait3A_1151 = tpu.memref_slice %arg2[%add3A_1125, %dma_wait3A_1149, %dma_wait3A_1150] : memref<24576x8x128xi32, #tpu.memory_space<hbm>> -> memref<1x8x128xi32, #tpu.memory_space<hbm>>
      %dma_wait3A_1152 = tpu.memref_squeeze %dma_wait3A_1151 : memref<1x8x128xi32, #tpu.memory_space<hbm>> -> memref<8x128xi32, #tpu.memory_space<hbm>>
      tpu.wait_dma2 semaphore(%arg12 : memref<!tpu.dma_semaphore, #tpu.memory_space<semaphore_mem>>) src(%dma_wait3A_1152 : memref<8x128xi32, #tpu.memory_space<hbm>>) dst(%dma_wait3A_1148 : memref<8x128xi32, #tpu.memory_space<vmem>>)
      %dma_wait3A_1153 = arith.constant 19 : i32
      %dma_wait3A_1154 = arith.constant 0 : i32
      %dma_wait3A_1155 = arith.constant 0 : i32
      %dma_wait3A_1156 = tpu.memref_slice %arg4[%dma_wait3A_1153, %dma_wait3A_1154, %dma_wait3A_1155] : memref<24x8x128xi32, #tpu.memory_space<vmem>> -> memref<1x8x128xi32, #tpu.memory_space<vmem>>
      %dma_wait3A_1157 = tpu.memref_squeeze %dma_wait3A_1156 : memref<1x8x128xi32, #tpu.memory_space<vmem>> -> memref<8x128xi32, #tpu.memory_space<vmem>>
      %dma_wait3A_1158 = arith.constant 0 : i32
      %dma_wait3A_1159 = arith.constant 0 : i32
      %dma_wait3A_1160 = tpu.memref_slice %arg2[%add3A_1130, %dma_wait3A_1158, %dma_wait3A_1159] : memref<24576x8x128xi32, #tpu.memory_space<hbm>> -> memref<1x8x128xi32, #tpu.memory_space<hbm>>
      %dma_wait3A_1161 = tpu.memref_squeeze %dma_wait3A_1160 : memref<1x8x128xi32, #tpu.memory_space<hbm>> -> memref<8x128xi32, #tpu.memory_space<hbm>>
      %dma_wait3A_1162 = arith.constant 0 : i32
      %dma_wait3A_1163 = arith.constant 0 : i32
      %dma_wait3A_1164 = tpu.memref_slice %arg4[%dma_wait3A_1153, %dma_wait3A_1162, %dma_wait3A_1163] : memref<24x8x128xi32, #tpu.memory_space<vmem>> -> memref<1x8x128xi32, #tpu.memory_space<vmem>>
      %dma_wait3A_1165 = tpu.memref_squeeze %dma_wait3A_1164 : memref<1x8x128xi32, #tpu.memory_space<vmem>> -> memref<8x128xi32, #tpu.memory_space<vmem>>
      %dma_wait3A_1166 = arith.constant 0 : i32
      %dma_wait3A_1167 = arith.constant 0 : i32
      %dma_wait3A_1168 = tpu.memref_slice %arg2[%add3A_1130, %dma_wait3A_1166, %dma_wait3A_1167] : memref<24576x8x128xi32, #tpu.memory_space<hbm>> -> memref<1x8x128xi32, #tpu.memory_space<hbm>>
      %dma_wait3A_1169 = tpu.memref_squeeze %dma_wait3A_1168 : memref<1x8x128xi32, #tpu.memory_space<hbm>> -> memref<8x128xi32, #tpu.memory_space<hbm>>
      tpu.wait_dma2 semaphore(%arg12 : memref<!tpu.dma_semaphore, #tpu.memory_space<semaphore_mem>>) src(%dma_wait3A_1169 : memref<8x128xi32, #tpu.memory_space<hbm>>) dst(%dma_wait3A_1165 : memref<8x128xi32, #tpu.memory_space<vmem>>)
      %dma_wait3A_1170 = arith.constant 20 : i32
      %dma_wait3A_1171 = arith.constant 0 : i32
      %dma_wait3A_1172 = arith.constant 0 : i32
      %dma_wait3A_1173 = tpu.memref_slice %arg4[%dma_wait3A_1170, %dma_wait3A_1171, %dma_wait3A_1172] : memref<24x8x128xi32, #tpu.memory_space<vmem>> -> memref<1x8x128xi32, #tpu.memory_space<vmem>>
      %dma_wait3A_1174 = tpu.memref_squeeze %dma_wait3A_1173 : memref<1x8x128xi32, #tpu.memory_space<vmem>> -> memref<8x128xi32, #tpu.memory_space<vmem>>
      %dma_wait3A_1175 = arith.constant 0 : i32
      %dma_wait3A_1176 = arith.constant 0 : i32
      %dma_wait3A_1177 = tpu.memref_slice %arg2[%add3A_1135, %dma_wait3A_1175, %dma_wait3A_1176] : memref<24576x8x128xi32, #tpu.memory_space<hbm>> -> memref<1x8x128xi32, #tpu.memory_space<hbm>>
      %dma_wait3A_1178 = tpu.memref_squeeze %dma_wait3A_1177 : memref<1x8x128xi32, #tpu.memory_space<hbm>> -> memref<8x128xi32, #tpu.memory_space<hbm>>
      %dma_wait3A_1179 = arith.constant 0 : i32
      %dma_wait3A_1180 = arith.constant 0 : i32
      %dma_wait3A_1181 = tpu.memref_slice %arg4[%dma_wait3A_1170, %dma_wait3A_1179, %dma_wait3A_1180] : memref<24x8x128xi32, #tpu.memory_space<vmem>> -> memref<1x8x128xi32, #tpu.memory_space<vmem>>
      %dma_wait3A_1182 = tpu.memref_squeeze %dma_wait3A_1181 : memref<1x8x128xi32, #tpu.memory_space<vmem>> -> memref<8x128xi32, #tpu.memory_space<vmem>>
      %dma_wait3A_1183 = arith.constant 0 : i32
      %dma_wait3A_1184 = arith.constant 0 : i32
      %dma_wait3A_1185 = tpu.memref_slice %arg2[%add3A_1135, %dma_wait3A_1183, %dma_wait3A_1184] : memref<24576x8x128xi32, #tpu.memory_space<hbm>> -> memref<1x8x128xi32, #tpu.memory_space<hbm>>
      %dma_wait3A_1186 = tpu.memref_squeeze %dma_wait3A_1185 : memref<1x8x128xi32, #tpu.memory_space<hbm>> -> memref<8x128xi32, #tpu.memory_space<hbm>>
      tpu.wait_dma2 semaphore(%arg12 : memref<!tpu.dma_semaphore, #tpu.memory_space<semaphore_mem>>) src(%dma_wait3A_1186 : memref<8x128xi32, #tpu.memory_space<hbm>>) dst(%dma_wait3A_1182 : memref<8x128xi32, #tpu.memory_space<vmem>>)
      %parallel_loop3A_1187 = arith.constant 0 : i32
      %parallel_loop3A_1188 = arith.constant 1024 : i32
      %parallel_loop3A_1189 = arith.constant 16 : i32
      scf.for %parallel_loop3A_1273 = %parallel_loop3A_1187 to %parallel_loop3A_1188 step %parallel_loop3A_1189  : i32 {
        %parallel_loop3A_1274 = arith.constant 128 : i32
        %parallel_loop3A_1275 = arith.divsi %parallel_loop3A_1273, %parallel_loop3A_1274 : i32
        %parallel_loop3A_1276 = arith.constant 0 : i32
        %parallel_loop3A_1277 = arith.cmpi sgt, %parallel_loop3A_1273, %parallel_loop3A_1276 : i32
        %parallel_loop3A_1278 = arith.extui %parallel_loop3A_1277 : i1 to i32
        %parallel_loop3A_1279 = arith.constant 0 : i32
        %parallel_loop3A_1280 = arith.cmpi slt, %parallel_loop3A_1273, %parallel_loop3A_1279 : i32
        %parallel_loop3A_1281 = arith.extui %parallel_loop3A_1280 : i1 to i32
        %parallel_loop3A_1282 = arith.subi %parallel_loop3A_1278, %parallel_loop3A_1281 : i32
        %parallel_loop3A_1283 = arith.constant 0 : i32
        %parallel_loop3A_1284 = arith.cmpi sgt, %parallel_loop3A_1274, %parallel_loop3A_1283 : i32
        %parallel_loop3A_1285 = arith.extui %parallel_loop3A_1284 : i1 to i32
        %parallel_loop3A_1286 = arith.constant 0 : i32
        %parallel_loop3A_1287 = arith.cmpi slt, %parallel_loop3A_1274, %parallel_loop3A_1286 : i32
        %parallel_loop3A_1288 = arith.extui %parallel_loop3A_1287 : i1 to i32
        %parallel_loop3A_1289 = arith.subi %parallel_loop3A_1285, %parallel_loop3A_1288 : i32
        %parallel_loop3A_1290 = arith.cmpi ne, %parallel_loop3A_1282, %parallel_loop3A_1289 : i32
        %parallel_loop3A_1291 = arith.remsi %parallel_loop3A_1273, %parallel_loop3A_1274 : i32
        %parallel_loop3A_1292 = arith.constant 0 : i32
        %parallel_loop3A_1293 = arith.cmpi ne, %parallel_loop3A_1291, %parallel_loop3A_1292 : i32
        %parallel_loop3A_1294 = arith.andi %parallel_loop3A_1290, %parallel_loop3A_1293 : i1
        %parallel_loop3A_1295 = arith.constant 1 : i32
        %parallel_loop3A_1296 = arith.subi %parallel_loop3A_1275, %parallel_loop3A_1295 : i32
        %parallel_loop3A_1297 = arith.select %parallel_loop3A_1294, %parallel_loop3A_1296, %parallel_loop3A_1275 : i32
        %parallel_loop3A_1298 = arith.constant 128 : i32
        %parallel_loop3A_1299 = arith.muli %parallel_loop3A_1297, %parallel_loop3A_1298 : i32
        %parallel_loop3A_1300 = arith.subi %parallel_loop3A_1273, %parallel_loop3A_1299 : i32
        %parallel_loop3A_1301 = arith.constant 18 : i32
        %parallel_loop3A_1302 = arith.index_cast %parallel_loop3A_1301 : i32 to index
        %parallel_loop3A_1303 = arith.index_cast %parallel_loop3A_1297 : i32 to index
        %parallel_loop3A_1304 = arith.index_cast %parallel_loop3A_1300 : i32 to index
        %parallel_loop3A_1305 = tpu.vector_load %arg4[%parallel_loop3A_1302, %parallel_loop3A_1303, %parallel_loop3A_1304] {strides = array<i32>} : memref<24x8x128xi32, #tpu.memory_space<vmem>>, vector<16xi32>,
        %parallel_loop3A_1306 = arith.constant 19 : i32
        %parallel_loop3A_1307 = arith.index_cast %parallel_loop3A_1306 : i32 to index
        %parallel_loop3A_1308 = arith.index_cast %parallel_loop3A_1297 : i32 to index
        %parallel_loop3A_1309 = arith.index_cast %parallel_loop3A_1300 : i32 to index
        %parallel_loop3A_1310 = tpu.vector_load %arg4[%parallel_loop3A_1307, %parallel_loop3A_1308, %parallel_loop3A_1309] {strides = array<i32>} : memref<24x8x128xi32, #tpu.memory_space<vmem>>, vector<16xi32>,
        %parallel_loop3A_1311 = arith.constant 20 : i32
        %parallel_loop3A_1312 = arith.index_cast %parallel_loop3A_1311 : i32 to index
        %parallel_loop3A_1313 = arith.index_cast %parallel_loop3A_1297 : i32 to index
        %parallel_loop3A_1314 = arith.index_cast %parallel_loop3A_1300 : i32 to index
        %parallel_loop3A_1315 = tpu.vector_load %arg4[%parallel_loop3A_1312, %parallel_loop3A_1313, %parallel_loop3A_1314] {strides = array<i32>} : memref<24x8x128xi32, #tpu.memory_space<vmem>>, vector<16xi32>,
        %parallel_loop3A_1316 = arith.constant 224 : i32
        %parallel_loop3A_1317 = vector.broadcast %parallel_loop3A_1316 : i32 to vector<16xi32>
        %parallel_loop3A_1318 = arith.andi %parallel_loop3A_1305, %parallel_loop3A_1317 : vector<16xi32>
        %parallel_loop3A_1319 = arith.constant 1 : i32
        %parallel_loop3A_1320 = vector.broadcast %parallel_loop3A_1319 : i32 to vector<16xi32>
        %parallel_loop3A_1321 = arith.shli %parallel_loop3A_1318, %parallel_loop3A_1320 : vector<16xi32>
        %parallel_loop3A_1322 = arith.constant 224 : i32
        %parallel_loop3A_1323 = vector.broadcast %parallel_loop3A_1322 : i32 to vector<16xi32>
        %parallel_loop3A_1324 = arith.andi %parallel_loop3A_1310, %parallel_loop3A_1323 : vector<16xi32>
        %parallel_loop3A_1325 = arith.constant 2 : i32
        %parallel_loop3A_1326 = vector.broadcast %parallel_loop3A_1325 : i32 to vector<16xi32>
        %parallel_loop3A_1327 = arith.shrsi %parallel_loop3A_1324, %parallel_loop3A_1326 : vector<16xi32>
        %parallel_loop3A_1328 = arith.ori %parallel_loop3A_1321, %parallel_loop3A_1327 : vector<16xi32>
        %parallel_loop3A_1329 = arith.constant 5 : i32
        %parallel_loop3A_1330 = vector.broadcast %parallel_loop3A_1329 : i32 to vector<16xi32>
        %parallel_loop3A_1331 = arith.shrsi %parallel_loop3A_1315, %parallel_loop3A_1330 : vector<16xi32>
        %parallel_loop3A_1332 = arith.ori %parallel_loop3A_1328, %parallel_loop3A_1331 : vector<16xi32>
        %parallel_loop3A_1333 = arith.constant 4 : i32
        %parallel_loop3A_1334 = arith.muli %parallel_loop3A_1300, %parallel_loop3A_1333 : i32
        %parallel_loop3A_1335 = arith.constant 7 : i32
        %parallel_loop3A_1336 = vector.broadcast %parallel_loop3A_1335 : i32 to vector<16xi32>
        %parallel_loop3A_1337 = arith.shrsi %parallel_loop3A_1332, %parallel_loop3A_1336 : vector<16xi32>
        %parallel_loop3A_1338 = arith.addi %mul3A_52, %parallel_loop3A_1337 : vector<16xi32>
        %parallel_loop3A_1339 = arith.constant 127 : i32
        %parallel_loop3A_1340 = vector.broadcast %parallel_loop3A_1339 : i32 to vector<16xi32>
        %parallel_loop3A_1341 = arith.andi %parallel_loop3A_1332, %parallel_loop3A_1340 : vector<16xi32>
        %parallel_loop3A_1342 = arith.constant 0 : i32
        %parallel_loop3A_1343 = tpu.memref_slice %arg5[%parallel_loop3A_1334, %parallel_loop3A_1342] : memref<512x128xf32, #tpu.memory_space<vmem>> -> memref<64x128xf32, #tpu.memory_space<vmem>>
        tpu.vector_store_idx %parallel_loop3A_1343[%parallel_loop3A_1338, %parallel_loop3A_1341], %broadcast_in_dim3A_53 {add = true} : memref<64x128xf32, #tpu.memory_space<vmem>>[vector<16xi32>, vector<16xi32>], vector<16xf32>,
      } {sc.loop_unroll_factor = 8 : i64, sc.parallel_access}
      %add3A_1190 = arith.constant 7 : i32
      %add3A_1191 = arith.addi %mul3A_550, %add3A_1190 : i32
      %add3A_1192 = arith.constant 7 : i32
      %add3A_1193 = arith.addi %add3A_1191, %add3A_1192 : i32
      %lt3A_1194 = arith.constant 256 : i32
      %lt3A_1195 = arith.cmpi slt, %add3A_1193, %lt3A_1194 : i32
      %convert_element_type3A_1196 = arith.extui %lt3A_1195 : i1 to i32
      %cond3A_1197 = arith.constant 0 : i32
      %cond3A_1198 = arith.cmpi ne, %convert_element_type3A_1196, %cond3A_1197 : i32
      scf.if %cond3A_1198 {
        %mul3A_1273 = arith.constant 2 : i32
        %mul3A_1274 = arith.muli %mul3A_1273, %add3A_1193 : i32
        %add3A_1275 = arith.addi %mul3A_1274, %sub3A_17 : i32
        %add3A_1276 = arith.constant 0 : i32
        %add3A_1277 = arith.addi %add3A_49, %add3A_1276 : i32
        %mul3A_1278 = arith.constant 2 : i32
        %mul3A_1279 = arith.muli %add3A_1275, %mul3A_1278 : i32
        %add3A_1280 = arith.addi %add3A_1277, %mul3A_1279 : i32
        %add3A_1281 = arith.constant 1024 : i32
        %add3A_1282 = arith.addi %add3A_49, %add3A_1281 : i32
        %mul3A_1283 = arith.constant 2 : i32
        %mul3A_1284 = arith.muli %add3A_1275, %mul3A_1283 : i32
        %add3A_1285 = arith.addi %add3A_1282, %mul3A_1284 : i32
        %add3A_1286 = arith.constant 2048 : i32
        %add3A_1287 = arith.addi %add3A_49, %add3A_1286 : i32
        %mul3A_1288 = arith.constant 2 : i32
        %mul3A_1289 = arith.muli %add3A_1275, %mul3A_1288 : i32
        %add3A_1290 = arith.addi %add3A_1287, %mul3A_1289 : i32
        %dma_start3A_1291 = arith.constant 18 : i32
        %dma_start3A_1292 = arith.constant 0 : i32
        %dma_start3A_1293 = arith.constant 0 : i32
        %dma_start3A_1294 = tpu.memref_slice %arg4[%dma_start3A_1291, %dma_start3A_1292, %dma_start3A_1293] : memref<24x8x128xi32, #tpu.memory_space<vmem>> -> memref<1x8x128xi32, #tpu.memory_space<vmem>>
        %dma_start3A_1295 = tpu.memref_squeeze %dma_start3A_1294 : memref<1x8x128xi32, #tpu.memory_space<vmem>> -> memref<8x128xi32, #tpu.memory_space<vmem>>
        %dma_start3A_1296 = arith.constant 0 : i32
        %dma_start3A_1297 = arith.constant 0 : i32
        %dma_start3A_1298 = tpu.memref_slice %arg2[%add3A_1280, %dma_start3A_1296, %dma_start3A_1297] : memref<24576x8x128xi32, #tpu.memory_space<hbm>> -> memref<1x8x128xi32, #tpu.memory_space<hbm>>
        %dma_start3A_1299 = tpu.memref_squeeze %dma_start3A_1298 : memref<1x8x128xi32, #tpu.memory_space<hbm>> -> memref<8x128xi32, #tpu.memory_space<hbm>>
        %dma_start3A_1300 = arith.constant 0 : i32
        %dma_start3A_1301 = arith.constant 0 : i32
        %dma_start3A_1302 = tpu.memref_slice %arg4[%dma_start3A_1291, %dma_start3A_1300, %dma_start3A_1301] : memref<24x8x128xi32, #tpu.memory_space<vmem>> -> memref<1x8x128xi32, #tpu.memory_space<vmem>>
        %dma_start3A_1303 = tpu.memref_squeeze %dma_start3A_1302 : memref<1x8x128xi32, #tpu.memory_space<vmem>> -> memref<8x128xi32, #tpu.memory_space<vmem>>
        %dma_start3A_1304 = arith.constant 0 : i32
        %dma_start3A_1305 = arith.constant 0 : i32
        %dma_start3A_1306 = tpu.memref_slice %arg2[%add3A_1280, %dma_start3A_1304, %dma_start3A_1305] : memref<24576x8x128xi32, #tpu.memory_space<hbm>> -> memref<1x8x128xi32, #tpu.memory_space<hbm>>
        %dma_start3A_1307 = tpu.memref_squeeze %dma_start3A_1306 : memref<1x8x128xi32, #tpu.memory_space<hbm>> -> memref<8x128xi32, #tpu.memory_space<hbm>>
        tpu.enqueue_dma source(%dma_start3A_1307 : memref<8x128xi32, #tpu.memory_space<hbm>>) target(%dma_start3A_1303 : memref<8x128xi32, #tpu.memory_space<vmem>>) target_semaphore(%arg12 : memref<!tpu.dma_semaphore, #tpu.memory_space<semaphore_mem>>)
        %dma_start3A_1308 = arith.constant 19 : i32
        %dma_start3A_1309 = arith.constant 0 : i32
        %dma_start3A_1310 = arith.constant 0 : i32
        %dma_start3A_1311 = tpu.memref_slice %arg4[%dma_start3A_1308, %dma_start3A_1309, %dma_start3A_1310] : memref<24x8x128xi32, #tpu.memory_space<vmem>> -> memref<1x8x128xi32, #tpu.memory_space<vmem>>
        %dma_start3A_1312 = tpu.memref_squeeze %dma_start3A_1311 : memref<1x8x128xi32, #tpu.memory_space<vmem>> -> memref<8x128xi32, #tpu.memory_space<vmem>>
        %dma_start3A_1313 = arith.constant 0 : i32
        %dma_start3A_1314 = arith.constant 0 : i32
        %dma_start3A_1315 = tpu.memref_slice %arg2[%add3A_1285, %dma_start3A_1313, %dma_start3A_1314] : memref<24576x8x128xi32, #tpu.memory_space<hbm>> -> memref<1x8x128xi32, #tpu.memory_space<hbm>>
        %dma_start3A_1316 = tpu.memref_squeeze %dma_start3A_1315 : memref<1x8x128xi32, #tpu.memory_space<hbm>> -> memref<8x128xi32, #tpu.memory_space<hbm>>
        %dma_start3A_1317 = arith.constant 0 : i32
        %dma_start3A_1318 = arith.constant 0 : i32
        %dma_start3A_1319 = tpu.memref_slice %arg4[%dma_start3A_1308, %dma_start3A_1317, %dma_start3A_1318] : memref<24x8x128xi32, #tpu.memory_space<vmem>> -> memref<1x8x128xi32, #tpu.memory_space<vmem>>
        %dma_start3A_1320 = tpu.memref_squeeze %dma_start3A_1319 : memref<1x8x128xi32, #tpu.memory_space<vmem>> -> memref<8x128xi32, #tpu.memory_space<vmem>>
        %dma_start3A_1321 = arith.constant 0 : i32
        %dma_start3A_1322 = arith.constant 0 : i32
        %dma_start3A_1323 = tpu.memref_slice %arg2[%add3A_1285, %dma_start3A_1321, %dma_start3A_1322] : memref<24576x8x128xi32, #tpu.memory_space<hbm>> -> memref<1x8x128xi32, #tpu.memory_space<hbm>>
        %dma_start3A_1324 = tpu.memref_squeeze %dma_start3A_1323 : memref<1x8x128xi32, #tpu.memory_space<hbm>> -> memref<8x128xi32, #tpu.memory_space<hbm>>
        tpu.enqueue_dma source(%dma_start3A_1324 : memref<8x128xi32, #tpu.memory_space<hbm>>) target(%dma_start3A_1320 : memref<8x128xi32, #tpu.memory_space<vmem>>) target_semaphore(%arg12 : memref<!tpu.dma_semaphore, #tpu.memory_space<semaphore_mem>>)
        %dma_start3A_1325 = arith.constant 20 : i32
        %dma_start3A_1326 = arith.constant 0 : i32
        %dma_start3A_1327 = arith.constant 0 : i32
        %dma_start3A_1328 = tpu.memref_slice %arg4[%dma_start3A_1325, %dma_start3A_1326, %dma_start3A_1327] : memref<24x8x128xi32, #tpu.memory_space<vmem>> -> memref<1x8x128xi32, #tpu.memory_space<vmem>>
        %dma_start3A_1329 = tpu.memref_squeeze %dma_start3A_1328 : memref<1x8x128xi32, #tpu.memory_space<vmem>> -> memref<8x128xi32, #tpu.memory_space<vmem>>
        %dma_start3A_1330 = arith.constant 0 : i32
        %dma_start3A_1331 = arith.constant 0 : i32
        %dma_start3A_1332 = tpu.memref_slice %arg2[%add3A_1290, %dma_start3A_1330, %dma_start3A_1331] : memref<24576x8x128xi32, #tpu.memory_space<hbm>> -> memref<1x8x128xi32, #tpu.memory_space<hbm>>
        %dma_start3A_1333 = tpu.memref_squeeze %dma_start3A_1332 : memref<1x8x128xi32, #tpu.memory_space<hbm>> -> memref<8x128xi32, #tpu.memory_space<hbm>>
        %dma_start3A_1334 = arith.constant 0 : i32
        %dma_start3A_1335 = arith.constant 0 : i32
        %dma_start3A_1336 = tpu.memref_slice %arg4[%dma_start3A_1325, %dma_start3A_1334, %dma_start3A_1335] : memref<24x8x128xi32, #tpu.memory_space<vmem>> -> memref<1x8x128xi32, #tpu.memory_space<vmem>>
        %dma_start3A_1337 = tpu.memref_squeeze %dma_start3A_1336 : memref<1x8x128xi32, #tpu.memory_space<vmem>> -> memref<8x128xi32, #tpu.memory_space<vmem>>
        %dma_start3A_1338 = arith.constant 0 : i32
        %dma_start3A_1339 = arith.constant 0 : i32
        %dma_start3A_1340 = tpu.memref_slice %arg2[%add3A_1290, %dma_start3A_1338, %dma_start3A_1339] : memref<24576x8x128xi32, #tpu.memory_space<hbm>> -> memref<1x8x128xi32, #tpu.memory_space<hbm>>
        %dma_start3A_1341 = tpu.memref_squeeze %dma_start3A_1340 : memref<1x8x128xi32, #tpu.memory_space<hbm>> -> memref<8x128xi32, #tpu.memory_space<hbm>>
        tpu.enqueue_dma source(%dma_start3A_1341 : memref<8x128xi32, #tpu.memory_space<hbm>>) target(%dma_start3A_1337 : memref<8x128xi32, #tpu.memory_space<vmem>>) target_semaphore(%arg12 : memref<!tpu.dma_semaphore, #tpu.memory_space<semaphore_mem>>)
      } else {
      }
      %add3A_1199 = arith.constant 7 : i32
      %add3A_1200 = arith.addi %mul3A_550, %add3A_1199 : i32
      %mul3A_1201 = arith.constant 2 : i32
      %mul3A_1202 = arith.muli %mul3A_1201, %add3A_1200 : i32
      %add3A_1203 = arith.addi %mul3A_1202, %sub3A_17 : i32
      %add3A_1204 = arith.constant 0 : i32
      %add3A_1205 = arith.addi %add3A_49, %add3A_1204 : i32
      %mul3A_1206 = arith.constant 2 : i32
      %mul3A_1207 = arith.muli %add3A_1203, %mul3A_1206 : i32
      %add3A_1208 = arith.addi %add3A_1205, %mul3A_1207 : i32
      %add3A_1209 = arith.constant 1024 : i32
      %add3A_1210 = arith.addi %add3A_49, %add3A_1209 : i32
      %mul3A_1211 = arith.constant 2 : i32
      %mul3A_1212 = arith.muli %add3A_1203, %mul3A_1211 : i32
      %add3A_1213 = arith.addi %add3A_1210, %mul3A_1212 : i32
      %add3A_1214 = arith.constant 2048 : i32
      %add3A_1215 = arith.addi %add3A_49, %add3A_1214 : i32
      %mul3A_1216 = arith.constant 2 : i32
      %mul3A_1217 = arith.muli %add3A_1203, %mul3A_1216 : i32
      %add3A_1218 = arith.addi %add3A_1215, %mul3A_1217 : i32
      %dma_wait3A_1219 = arith.constant 21 : i32
      %dma_wait3A_1220 = arith.constant 0 : i32
      %dma_wait3A_1221 = arith.constant 0 : i32
      %dma_wait3A_1222 = tpu.memref_slice %arg4[%dma_wait3A_1219, %dma_wait3A_1220, %dma_wait3A_1221] : memref<24x8x128xi32, #tpu.memory_space<vmem>> -> memref<1x8x128xi32, #tpu.memory_space<vmem>>
      %dma_wait3A_1223 = tpu.memref_squeeze %dma_wait3A_1222 : memref<1x8x128xi32, #tpu.memory_space<vmem>> -> memref<8x128xi32, #tpu.memory_space<vmem>>
      %dma_wait3A_1224 = arith.constant 0 : i32
      %dma_wait3A_1225 = arith.constant 0 : i32
      %dma_wait3A_1226 = tpu.memref_slice %arg2[%add3A_1208, %dma_wait3A_1224, %dma_wait3A_1225] : memref<24576x8x128xi32, #tpu.memory_space<hbm>> -> memref<1x8x128xi32, #tpu.memory_space<hbm>>
      %dma_wait3A_1227 = tpu.memref_squeeze %dma_wait3A_1226 : memref<1x8x128xi32, #tpu.memory_space<hbm>> -> memref<8x128xi32, #tpu.memory_space<hbm>>
      %dma_wait3A_1228 = arith.constant 0 : i32
      %dma_wait3A_1229 = arith.constant 0 : i32
      %dma_wait3A_1230 = tpu.memref_slice %arg4[%dma_wait3A_1219, %dma_wait3A_1228, %dma_wait3A_1229] : memref<24x8x128xi32, #tpu.memory_space<vmem>> -> memref<1x8x128xi32, #tpu.memory_space<vmem>>
      %dma_wait3A_1231 = tpu.memref_squeeze %dma_wait3A_1230 : memref<1x8x128xi32, #tpu.memory_space<vmem>> -> memref<8x128xi32, #tpu.memory_space<vmem>>
      %dma_wait3A_1232 = arith.constant 0 : i32
      %dma_wait3A_1233 = arith.constant 0 : i32
      %dma_wait3A_1234 = tpu.memref_slice %arg2[%add3A_1208, %dma_wait3A_1232, %dma_wait3A_1233] : memref<24576x8x128xi32, #tpu.memory_space<hbm>> -> memref<1x8x128xi32, #tpu.memory_space<hbm>>
      %dma_wait3A_1235 = tpu.memref_squeeze %dma_wait3A_1234 : memref<1x8x128xi32, #tpu.memory_space<hbm>> -> memref<8x128xi32, #tpu.memory_space<hbm>>
      tpu.wait_dma2 semaphore(%arg13 : memref<!tpu.dma_semaphore, #tpu.memory_space<semaphore_mem>>) src(%dma_wait3A_1235 : memref<8x128xi32, #tpu.memory_space<hbm>>) dst(%dma_wait3A_1231 : memref<8x128xi32, #tpu.memory_space<vmem>>)
      %dma_wait3A_1236 = arith.constant 22 : i32
      %dma_wait3A_1237 = arith.constant 0 : i32
      %dma_wait3A_1238 = arith.constant 0 : i32
      %dma_wait3A_1239 = tpu.memref_slice %arg4[%dma_wait3A_1236, %dma_wait3A_1237, %dma_wait3A_1238] : memref<24x8x128xi32, #tpu.memory_space<vmem>> -> memref<1x8x128xi32, #tpu.memory_space<vmem>>
      %dma_wait3A_1240 = tpu.memref_squeeze %dma_wait3A_1239 : memref<1x8x128xi32, #tpu.memory_space<vmem>> -> memref<8x128xi32, #tpu.memory_space<vmem>>
      %dma_wait3A_1241 = arith.constant 0 : i32
      %dma_wait3A_1242 = arith.constant 0 : i32
      %dma_wait3A_1243 = tpu.memref_slice %arg2[%add3A_1213, %dma_wait3A_1241, %dma_wait3A_1242] : memref<24576x8x128xi32, #tpu.memory_space<hbm>> -> memref<1x8x128xi32, #tpu.memory_space<hbm>>
      %dma_wait3A_1244 = tpu.memref_squeeze %dma_wait3A_1243 : memref<1x8x128xi32, #tpu.memory_space<hbm>> -> memref<8x128xi32, #tpu.memory_space<hbm>>
      %dma_wait3A_1245 = arith.constant 0 : i32
      %dma_wait3A_1246 = arith.constant 0 : i32
      %dma_wait3A_1247 = tpu.memref_slice %arg4[%dma_wait3A_1236, %dma_wait3A_1245, %dma_wait3A_1246] : memref<24x8x128xi32, #tpu.memory_space<vmem>> -> memref<1x8x128xi32, #tpu.memory_space<vmem>>
      %dma_wait3A_1248 = tpu.memref_squeeze %dma_wait3A_1247 : memref<1x8x128xi32, #tpu.memory_space<vmem>> -> memref<8x128xi32, #tpu.memory_space<vmem>>
      %dma_wait3A_1249 = arith.constant 0 : i32
      %dma_wait3A_1250 = arith.constant 0 : i32
      %dma_wait3A_1251 = tpu.memref_slice %arg2[%add3A_1213, %dma_wait3A_1249, %dma_wait3A_1250] : memref<24576x8x128xi32, #tpu.memory_space<hbm>> -> memref<1x8x128xi32, #tpu.memory_space<hbm>>
      %dma_wait3A_1252 = tpu.memref_squeeze %dma_wait3A_1251 : memref<1x8x128xi32, #tpu.memory_space<hbm>> -> memref<8x128xi32, #tpu.memory_space<hbm>>
      tpu.wait_dma2 semaphore(%arg13 : memref<!tpu.dma_semaphore, #tpu.memory_space<semaphore_mem>>) src(%dma_wait3A_1252 : memref<8x128xi32, #tpu.memory_space<hbm>>) dst(%dma_wait3A_1248 : memref<8x128xi32, #tpu.memory_space<vmem>>)
      %dma_wait3A_1253 = arith.constant 23 : i32
      %dma_wait3A_1254 = arith.constant 0 : i32
      %dma_wait3A_1255 = arith.constant 0 : i32
      %dma_wait3A_1256 = tpu.memref_slice %arg4[%dma_wait3A_1253, %dma_wait3A_1254, %dma_wait3A_1255] : memref<24x8x128xi32, #tpu.memory_space<vmem>> -> memref<1x8x128xi32, #tpu.memory_space<vmem>>
      %dma_wait3A_1257 = tpu.memref_squeeze %dma_wait3A_1256 : memref<1x8x128xi32, #tpu.memory_space<vmem>> -> memref<8x128xi32, #tpu.memory_space<vmem>>
      %dma_wait3A_1258 = arith.constant 0 : i32
      %dma_wait3A_1259 = arith.constant 0 : i32
      %dma_wait3A_1260 = tpu.memref_slice %arg2[%add3A_1218, %dma_wait3A_1258, %dma_wait3A_1259] : memref<24576x8x128xi32, #tpu.memory_space<hbm>> -> memref<1x8x128xi32, #tpu.memory_space<hbm>>
      %dma_wait3A_1261 = tpu.memref_squeeze %dma_wait3A_1260 : memref<1x8x128xi32, #tpu.memory_space<hbm>> -> memref<8x128xi32, #tpu.memory_space<hbm>>
      %dma_wait3A_1262 = arith.constant 0 : i32
      %dma_wait3A_1263 = arith.constant 0 : i32
      %dma_wait3A_1264 = tpu.memref_slice %arg4[%dma_wait3A_1253, %dma_wait3A_1262, %dma_wait3A_1263] : memref<24x8x128xi32, #tpu.memory_space<vmem>> -> memref<1x8x128xi32, #tpu.memory_space<vmem>>
      %dma_wait3A_1265 = tpu.memref_squeeze %dma_wait3A_1264 : memref<1x8x128xi32, #tpu.memory_space<vmem>> -> memref<8x128xi32, #tpu.memory_space<vmem>>
      %dma_wait3A_1266 = arith.constant 0 : i32
      %dma_wait3A_1267 = arith.constant 0 : i32
      %dma_wait3A_1268 = tpu.memref_slice %arg2[%add3A_1218, %dma_wait3A_1266, %dma_wait3A_1267] : memref<24576x8x128xi32, #tpu.memory_space<hbm>> -> memref<1x8x128xi32, #tpu.memory_space<hbm>>
      %dma_wait3A_1269 = tpu.memref_squeeze %dma_wait3A_1268 : memref<1x8x128xi32, #tpu.memory_space<hbm>> -> memref<8x128xi32, #tpu.memory_space<hbm>>
      tpu.wait_dma2 semaphore(%arg13 : memref<!tpu.dma_semaphore, #tpu.memory_space<semaphore_mem>>) src(%dma_wait3A_1269 : memref<8x128xi32, #tpu.memory_space<hbm>>) dst(%dma_wait3A_1265 : memref<8x128xi32, #tpu.memory_space<vmem>>)
      %parallel_loop3A_1270 = arith.constant 0 : i32
      %parallel_loop3A_1271 = arith.constant 1024 : i32
      %parallel_loop3A_1272 = arith.constant 16 : i32
      scf.for %parallel_loop3A_1273 = %parallel_loop3A_1270 to %parallel_loop3A_1271 step %parallel_loop3A_1272  : i32 {
        %parallel_loop3A_1274 = arith.constant 128 : i32
        %parallel_loop3A_1275 = arith.divsi %parallel_loop3A_1273, %parallel_loop3A_1274 : i32
        %parallel_loop3A_1276 = arith.constant 0 : i32
        %parallel_loop3A_1277 = arith.cmpi sgt, %parallel_loop3A_1273, %parallel_loop3A_1276 : i32
        %parallel_loop3A_1278 = arith.extui %parallel_loop3A_1277 : i1 to i32
        %parallel_loop3A_1279 = arith.constant 0 : i32
        %parallel_loop3A_1280 = arith.cmpi slt, %parallel_loop3A_1273, %parallel_loop3A_1279 : i32
        %parallel_loop3A_1281 = arith.extui %parallel_loop3A_1280 : i1 to i32
        %parallel_loop3A_1282 = arith.subi %parallel_loop3A_1278, %parallel_loop3A_1281 : i32
        %parallel_loop3A_1283 = arith.constant 0 : i32
        %parallel_loop3A_1284 = arith.cmpi sgt, %parallel_loop3A_1274, %parallel_loop3A_1283 : i32
        %parallel_loop3A_1285 = arith.extui %parallel_loop3A_1284 : i1 to i32
        %parallel_loop3A_1286 = arith.constant 0 : i32
        %parallel_loop3A_1287 = arith.cmpi slt, %parallel_loop3A_1274, %parallel_loop3A_1286 : i32
        %parallel_loop3A_1288 = arith.extui %parallel_loop3A_1287 : i1 to i32
        %parallel_loop3A_1289 = arith.subi %parallel_loop3A_1285, %parallel_loop3A_1288 : i32
        %parallel_loop3A_1290 = arith.cmpi ne, %parallel_loop3A_1282, %parallel_loop3A_1289 : i32
        %parallel_loop3A_1291 = arith.remsi %parallel_loop3A_1273, %parallel_loop3A_1274 : i32
        %parallel_loop3A_1292 = arith.constant 0 : i32
        %parallel_loop3A_1293 = arith.cmpi ne, %parallel_loop3A_1291, %parallel_loop3A_1292 : i32
        %parallel_loop3A_1294 = arith.andi %parallel_loop3A_1290, %parallel_loop3A_1293 : i1
        %parallel_loop3A_1295 = arith.constant 1 : i32
        %parallel_loop3A_1296 = arith.subi %parallel_loop3A_1275, %parallel_loop3A_1295 : i32
        %parallel_loop3A_1297 = arith.select %parallel_loop3A_1294, %parallel_loop3A_1296, %parallel_loop3A_1275 : i32
        %parallel_loop3A_1298 = arith.constant 128 : i32
        %parallel_loop3A_1299 = arith.muli %parallel_loop3A_1297, %parallel_loop3A_1298 : i32
        %parallel_loop3A_1300 = arith.subi %parallel_loop3A_1273, %parallel_loop3A_1299 : i32
        %parallel_loop3A_1301 = arith.constant 21 : i32
        %parallel_loop3A_1302 = arith.index_cast %parallel_loop3A_1301 : i32 to index
        %parallel_loop3A_1303 = arith.index_cast %parallel_loop3A_1297 : i32 to index
        %parallel_loop3A_1304 = arith.index_cast %parallel_loop3A_1300 : i32 to index
        %parallel_loop3A_1305 = tpu.vector_load %arg4[%parallel_loop3A_1302, %parallel_loop3A_1303, %parallel_loop3A_1304] {strides = array<i32>} : memref<24x8x128xi32, #tpu.memory_space<vmem>>, vector<16xi32>,
        %parallel_loop3A_1306 = arith.constant 22 : i32
        %parallel_loop3A_1307 = arith.index_cast %parallel_loop3A_1306 : i32 to index
        %parallel_loop3A_1308 = arith.index_cast %parallel_loop3A_1297 : i32 to index
        %parallel_loop3A_1309 = arith.index_cast %parallel_loop3A_1300 : i32 to index
        %parallel_loop3A_1310 = tpu.vector_load %arg4[%parallel_loop3A_1307, %parallel_loop3A_1308, %parallel_loop3A_1309] {strides = array<i32>} : memref<24x8x128xi32, #tpu.memory_space<vmem>>, vector<16xi32>,
        %parallel_loop3A_1311 = arith.constant 23 : i32
        %parallel_loop3A_1312 = arith.index_cast %parallel_loop3A_1311 : i32 to index
        %parallel_loop3A_1313 = arith.index_cast %parallel_loop3A_1297 : i32 to index
        %parallel_loop3A_1314 = arith.index_cast %parallel_loop3A_1300 : i32 to index
        %parallel_loop3A_1315 = tpu.vector_load %arg4[%parallel_loop3A_1312, %parallel_loop3A_1313, %parallel_loop3A_1314] {strides = array<i32>} : memref<24x8x128xi32, #tpu.memory_space<vmem>>, vector<16xi32>,
        %parallel_loop3A_1316 = arith.constant 224 : i32
        %parallel_loop3A_1317 = vector.broadcast %parallel_loop3A_1316 : i32 to vector<16xi32>
        %parallel_loop3A_1318 = arith.andi %parallel_loop3A_1305, %parallel_loop3A_1317 : vector<16xi32>
        %parallel_loop3A_1319 = arith.constant 1 : i32
        %parallel_loop3A_1320 = vector.broadcast %parallel_loop3A_1319 : i32 to vector<16xi32>
        %parallel_loop3A_1321 = arith.shli %parallel_loop3A_1318, %parallel_loop3A_1320 : vector<16xi32>
        %parallel_loop3A_1322 = arith.constant 224 : i32
        %parallel_loop3A_1323 = vector.broadcast %parallel_loop3A_1322 : i32 to vector<16xi32>
        %parallel_loop3A_1324 = arith.andi %parallel_loop3A_1310, %parallel_loop3A_1323 : vector<16xi32>
        %parallel_loop3A_1325 = arith.constant 2 : i32
        %parallel_loop3A_1326 = vector.broadcast %parallel_loop3A_1325 : i32 to vector<16xi32>
        %parallel_loop3A_1327 = arith.shrsi %parallel_loop3A_1324, %parallel_loop3A_1326 : vector<16xi32>
        %parallel_loop3A_1328 = arith.ori %parallel_loop3A_1321, %parallel_loop3A_1327 : vector<16xi32>
        %parallel_loop3A_1329 = arith.constant 5 : i32
        %parallel_loop3A_1330 = vector.broadcast %parallel_loop3A_1329 : i32 to vector<16xi32>
        %parallel_loop3A_1331 = arith.shrsi %parallel_loop3A_1315, %parallel_loop3A_1330 : vector<16xi32>
        %parallel_loop3A_1332 = arith.ori %parallel_loop3A_1328, %parallel_loop3A_1331 : vector<16xi32>
        %parallel_loop3A_1333 = arith.constant 4 : i32
        %parallel_loop3A_1334 = arith.muli %parallel_loop3A_1300, %parallel_loop3A_1333 : i32
        %parallel_loop3A_1335 = arith.constant 7 : i32
        %parallel_loop3A_1336 = vector.broadcast %parallel_loop3A_1335 : i32 to vector<16xi32>
        %parallel_loop3A_1337 = arith.shrsi %parallel_loop3A_1332, %parallel_loop3A_1336 : vector<16xi32>
        %parallel_loop3A_1338 = arith.addi %mul3A_52, %parallel_loop3A_1337 : vector<16xi32>
        %parallel_loop3A_1339 = arith.constant 127 : i32
        %parallel_loop3A_1340 = vector.broadcast %parallel_loop3A_1339 : i32 to vector<16xi32>
        %parallel_loop3A_1341 = arith.andi %parallel_loop3A_1332, %parallel_loop3A_1340 : vector<16xi32>
        %parallel_loop3A_1342 = arith.constant 0 : i32
        %parallel_loop3A_1343 = tpu.memref_slice %arg5[%parallel_loop3A_1334, %parallel_loop3A_1342] : memref<512x128xf32, #tpu.memory_space<vmem>> -> memref<64x128xf32, #tpu.memory_space<vmem>>
        tpu.vector_store_idx %parallel_loop3A_1343[%parallel_loop3A_1338, %parallel_loop3A_1341], %broadcast_in_dim3A_53 {add = true} : memref<64x128xf32, #tpu.memory_space<vmem>>[vector<16xi32>, vector<16xi32>], vector<16xf32>,
      } {sc.loop_unroll_factor = 8 : i64, sc.parallel_access}
    }
    %scan3A_537 = arith.constant 32 : i32
    %mul3A_538 = arith.constant 2048 : i32
    %mul3A_539 = arith.muli %sub3A_17, %mul3A_538 : i32
    %mul3A_540 = arith.constant 256 : i32
    %mul3A_541 = arith.muli %select_n3A_43, %mul3A_540 : i32
    %add3A_542 = arith.addi %mul3A_539, %mul3A_541 : i32
    %mul3A_543 = arith.constant 128 : i32
    %mul3A_544 = arith.muli %sub3A_46, %mul3A_543 : i32
    %add3A_545 = arith.addi %add3A_542, %mul3A_544 : i32
    %mul3A_546 = arith.constant 4 : i32
    %mul3A_547 = arith.muli %add3A_545, %mul3A_546 : i32
    "tpu.region"() ({
      %run_scoped3A = tpu.sem_alloc : memref<!tpu.dma_semaphore, #tpu.memory_space<semaphore_mem>>
      %dma_start3A_548 = arith.constant 0 : i32
      %dma_start3A_549 = tpu.memref_slice %arg3[%mul3A_547, %dma_start3A_548] : memref<16384x128xf32, #tpu.memory_space<hbm>> -> memref<512x128xf32, #tpu.memory_space<hbm>>
      %dma_start3A_550 = arith.constant 0 : i32
      %dma_start3A_551 = tpu.memref_slice %arg3[%mul3A_547, %dma_start3A_550] : memref<16384x128xf32, #tpu.memory_space<hbm>> -> memref<512x128xf32, #tpu.memory_space<hbm>>
      tpu.enqueue_dma source(%arg5 : memref<512x128xf32, #tpu.memory_space<vmem>>) target(%dma_start3A_551 : memref<512x128xf32, #tpu.memory_space<hbm>>) target_semaphore(%run_scoped3A : memref<!tpu.dma_semaphore, #tpu.memory_space<semaphore_mem>>)
      %dma_wait3A = arith.constant 0 : i32
      %dma_wait3A_552 = tpu.memref_slice %arg3[%mul3A_547, %dma_wait3A] : memref<16384x128xf32, #tpu.memory_space<hbm>> -> memref<512x128xf32, #tpu.memory_space<hbm>>
      %dma_wait3A_553 = arith.constant 0 : i32
      %dma_wait3A_554 = tpu.memref_slice %arg3[%mul3A_547, %dma_wait3A_553] : memref<16384x128xf32, #tpu.memory_space<hbm>> -> memref<512x128xf32, #tpu.memory_space<hbm>>
      tpu.wait_dma2 semaphore(%run_scoped3A : memref<!tpu.dma_semaphore, #tpu.memory_space<semaphore_mem>>) src(%arg5 : memref<512x128xf32, #tpu.memory_space<vmem>>) dst(%dma_wait3A_554 : memref<512x128xf32, #tpu.memory_space<hbm>>)
      tpu.yield
    }) : () -> ()
    return
  }
}

module attributes {stable_mosaic.version = 14 : i64} {
  func.func @body(%arg0: i32, %arg1: memref<1024x128xf32, #tpu.memory_space<vmem>>, %arg2: memref<1024x128xf32, #tpu.memory_space<vmem>>, %arg3: memref<128x128xf32, #tpu.memory_space<vmem>>, %arg4: memref<1x128xf32, #tpu.memory_space<vmem>>, %arg5: memref<1x256x128xf32, #tpu.memory_space<vmem>>, %arg6: memref<256x384xf32, #tpu.memory_space<vmem>>) attributes {dimension_semantics = [#tpu.dimension_semantics<arbitrary>], iteration_bounds = array<i64: 8>, scalar_prefetch = 0 : i64, scratch_operands = 1 : i64, tpu.core_type = #tpu.core_type<tc>, window_params = [{transform_indices = @transform_0, window_bounds = array<i64: 1024, 128>}, {transform_indices = @transform_1, window_bounds = array<i64: 1024, 128>}, {pipeline_mode = #tpu.pipeline_mode<synchronous>, transform_indices = @transform_2, window_bounds = array<i64: 128, 128>}, {pipeline_mode = #tpu.pipeline_mode<synchronous>, transform_indices = @transform_3, window_bounds = array<i64: 1, 128>}, {transform_indices = @transform_4, window_bounds = array<i64: 1, 256, 128>}]} {
    %get3A = arith.constant 0 : index
    %get3A_0 = arith.constant 0 : index
    %get3A_1 = vector.load %arg1[%get3A, %get3A_0] : memref<1024x128xf32, #tpu.memory_space<vmem>>, vector<1024x128xf32>
    %get3A_2 = arith.constant 0 : index
    %get3A_3 = arith.constant 0 : index
    %get3A_4 = vector.load %arg2[%get3A_2, %get3A_3] : memref<1024x128xf32, #tpu.memory_space<vmem>>, vector<1024x128xf32>
    %add3A = arith.addf %get3A_1, %get3A_4 : vector<1024x128xf32>
    %reshape3A = vector.shape_cast %add3A : vector<1024x128xf32> to vector<256x4x128xf32>
    %slice3A = vector.extract_strided_slice %reshape3A {offsets = [0, 0, 0], sizes = [256, 1, 128], strides = [1, 1, 1]} : vector<256x4x128xf32> to vector<256x1x128xf32>
    %squeeze3A = vector.shape_cast %slice3A : vector<256x1x128xf32> to vector<256x128xf32>
    %slice3A_5 = vector.extract_strided_slice %reshape3A {offsets = [0, 1, 0], sizes = [256, 1, 128], strides = [1, 1, 1]} : vector<256x4x128xf32> to vector<256x1x128xf32>
    %squeeze3A_6 = vector.shape_cast %slice3A_5 : vector<256x1x128xf32> to vector<256x128xf32>
    %slice3A_7 = vector.extract_strided_slice %reshape3A {offsets = [0, 2, 0], sizes = [256, 1, 128], strides = [1, 1, 1]} : vector<256x4x128xf32> to vector<256x1x128xf32>
    %squeeze3A_8 = vector.shape_cast %slice3A_7 : vector<256x1x128xf32> to vector<256x128xf32>
    %slice3A_9 = vector.extract_strided_slice %reshape3A {offsets = [0, 3, 0], sizes = [256, 1, 128], strides = [1, 1, 1]} : vector<256x4x128xf32> to vector<256x1x128xf32>
    %squeeze3A_10 = vector.shape_cast %slice3A_9 : vector<256x1x128xf32> to vector<256x128xf32>
    %concatenate3A = tpu.concatenate %squeeze3A, %squeeze3A_6, %squeeze3A_8, %squeeze3A_10 in 1 : vector<256x128xf32>, vector<256x128xf32>, vector<256x128xf32>, vector<256x128xf32> -> vector<256x512xf32>
    %mul3A = arith.mulf %concatenate3A, %concatenate3A : vector<256x512xf32>
    %reduce_sum3A = arith.constant dense<0.000000e+00> : vector<256xf32>
    %reduce_sum3A_11 = vector.multi_reduction <add>, %mul3A, %reduce_sum3A [1] : vector<256x512xf32> to vector<256xf32>
    %broadcast_in_dim3A = vector.shape_cast %reduce_sum3A_11 : vector<256xf32> to vector<256x1xf32>
    %sqrt3A = math.sqrt %broadcast_in_dim3A : vector<256x1xf32>
    %div3A = arith.constant 1.000000e+00 : f32
    %div3A_12 = vector.broadcast %div3A : f32 to vector<256x1xf32>
    %div3A_13 = arith.divf %div3A_12, %sqrt3A : vector<256x1xf32>
    %mul3A_14 = vector.broadcast %div3A_13 : vector<256x1xf32> to vector<256x512xf32>
    %mul3A_15 = arith.mulf %concatenate3A, %mul3A_14 : vector<256x512xf32>
    %dot_general3A = arith.constant dense<0.000000e+00> : vector<256x256xf32>
    %dot_general3A_16 = tpu.matmul %mul3A_15, %mul3A_15, %dot_general3A {dimension_numbers = #tpu.dot_dimension_numbers<[1], [1], [0], [0], [0, 0, 1, 0], [], []>, transpose_lhs_hint = false} : vector<256x512xf32>, vector<256x512xf32>, vector<256x256xf32> -> vector<256x256xf32>
    %broadcast_in_dim3A_17 = arith.constant 0.000000e+00 : f32
    %broadcast_in_dim3A_18 = vector.broadcast %broadcast_in_dim3A_17 : f32 to vector<256x384xf32>
    %swap3A = arith.constant 0 : index
    %swap3A_19 = arith.constant 0 : index
    %swap3A_20 = vector.load %arg6[%swap3A, %swap3A_19] : memref<256x384xf32, #tpu.memory_space<vmem>>, vector<256x384xf32>
    tpu.vector_store %arg6[%swap3A, %swap3A_19], %broadcast_in_dim3A_18 {strides = array<i32>} : memref<256x384xf32, #tpu.memory_space<vmem>>, vector<256x384xf32>,
    %swap3A_21 = arith.constant 0 : index
    %swap3A_22 = arith.constant 50 : index
    %swap3A_23 = vector.load %arg6[%swap3A_21, %swap3A_22] : memref<256x384xf32, #tpu.memory_space<vmem>>, vector<256x256xf32>
    tpu.vector_store %arg6[%swap3A_21, %swap3A_22], %dot_general3A_16 {strides = array<i32>} : memref<256x384xf32, #tpu.memory_space<vmem>>, vector<256x256xf32>,
    %get3A_24 = arith.constant 0 : index
    %get3A_25 = arith.constant 0 : index
    %get3A_26 = vector.load %arg6[%get3A_24, %get3A_25] : memref<256x384xf32, #tpu.memory_space<vmem>>, vector<256x384xf32>
    %iota3A = tpu.iota {dimensions = array<i32: 0>} : vector<256x384xi32>
    %slice3A_27 = vector.extract_strided_slice %get3A_26 {offsets = [0, 1], sizes = [256, 383], strides = [1, 1]} : vector<256x384xf32> to vector<256x383xf32>
    %slice3A_28 = vector.extract_strided_slice %get3A_26 {offsets = [0, 0], sizes = [256, 1], strides = [1, 1]} : vector<256x384xf32> to vector<256x1xf32>
    %concatenate3A_29 = tpu.concatenate %slice3A_27, %slice3A_28 in 1 : vector<256x383xf32>, vector<256x1xf32> -> vector<256x384xf32>
    %and3A = arith.constant 1 : i32
    %and3A_30 = vector.broadcast %and3A : i32 to vector<256x384xi32>
    %and3A_31 = arith.andi %iota3A, %and3A_30 : vector<256x384xi32>
    %ne3A = arith.constant 0 : i32
    %ne3A_32 = vector.broadcast %ne3A : i32 to vector<256x384xi32>
    %ne3A_33 = arith.cmpi ne, %and3A_31, %ne3A_32 : vector<256x384xi32>
    %select_n3A = arith.select %ne3A_33, %concatenate3A_29, %get3A_26 : vector<256x384xi1>, vector<256x384xf32>
    %slice3A_34 = vector.extract_strided_slice %select_n3A {offsets = [0, 2], sizes = [256, 382], strides = [1, 1]} : vector<256x384xf32> to vector<256x382xf32>
    %slice3A_35 = vector.extract_strided_slice %select_n3A {offsets = [0, 0], sizes = [256, 2], strides = [1, 1]} : vector<256x384xf32> to vector<256x2xf32>
    %concatenate3A_36 = tpu.concatenate %slice3A_34, %slice3A_35 in 1 : vector<256x382xf32>, vector<256x2xf32> -> vector<256x384xf32>
    %and3A_37 = arith.constant 2 : i32
    %and3A_38 = vector.broadcast %and3A_37 : i32 to vector<256x384xi32>
    %and3A_39 = arith.andi %iota3A, %and3A_38 : vector<256x384xi32>
    %ne3A_40 = arith.constant 0 : i32
    %ne3A_41 = vector.broadcast %ne3A_40 : i32 to vector<256x384xi32>
    %ne3A_42 = arith.cmpi ne, %and3A_39, %ne3A_41 : vector<256x384xi32>
    %select_n3A_43 = arith.select %ne3A_42, %concatenate3A_36, %select_n3A : vector<256x384xi1>, vector<256x384xf32>
    %slice3A_44 = vector.extract_strided_slice %select_n3A_43 {offsets = [0, 4], sizes = [256, 380], strides = [1, 1]} : vector<256x384xf32> to vector<256x380xf32>
    %slice3A_45 = vector.extract_strided_slice %select_n3A_43 {offsets = [0, 0], sizes = [256, 4], strides = [1, 1]} : vector<256x384xf32> to vector<256x4xf32>
    %concatenate3A_46 = tpu.concatenate %slice3A_44, %slice3A_45 in 1 : vector<256x380xf32>, vector<256x4xf32> -> vector<256x384xf32>
    %and3A_47 = arith.constant 4 : i32
    %and3A_48 = vector.broadcast %and3A_47 : i32 to vector<256x384xi32>
    %and3A_49 = arith.andi %iota3A, %and3A_48 : vector<256x384xi32>
    %ne3A_50 = arith.constant 0 : i32
    %ne3A_51 = vector.broadcast %ne3A_50 : i32 to vector<256x384xi32>
    %ne3A_52 = arith.cmpi ne, %and3A_49, %ne3A_51 : vector<256x384xi32>
    %select_n3A_53 = arith.select %ne3A_52, %concatenate3A_46, %select_n3A_43 : vector<256x384xi1>, vector<256x384xf32>
    %slice3A_54 = vector.extract_strided_slice %select_n3A_53 {offsets = [0, 8], sizes = [256, 376], strides = [1, 1]} : vector<256x384xf32> to vector<256x376xf32>
    %slice3A_55 = vector.extract_strided_slice %select_n3A_53 {offsets = [0, 0], sizes = [256, 8], strides = [1, 1]} : vector<256x384xf32> to vector<256x8xf32>
    %concatenate3A_56 = tpu.concatenate %slice3A_54, %slice3A_55 in 1 : vector<256x376xf32>, vector<256x8xf32> -> vector<256x384xf32>
    %and3A_57 = arith.constant 8 : i32
    %and3A_58 = vector.broadcast %and3A_57 : i32 to vector<256x384xi32>
    %and3A_59 = arith.andi %iota3A, %and3A_58 : vector<256x384xi32>
    %ne3A_60 = arith.constant 0 : i32
    %ne3A_61 = vector.broadcast %ne3A_60 : i32 to vector<256x384xi32>
    %ne3A_62 = arith.cmpi ne, %and3A_59, %ne3A_61 : vector<256x384xi32>
    %select_n3A_63 = arith.select %ne3A_62, %concatenate3A_56, %select_n3A_53 : vector<256x384xi1>, vector<256x384xf32>
    %slice3A_64 = vector.extract_strided_slice %select_n3A_63 {offsets = [0, 16], sizes = [256, 368], strides = [1, 1]} : vector<256x384xf32> to vector<256x368xf32>
    %slice3A_65 = vector.extract_strided_slice %select_n3A_63 {offsets = [0, 0], sizes = [256, 16], strides = [1, 1]} : vector<256x384xf32> to vector<256x16xf32>
    %concatenate3A_66 = tpu.concatenate %slice3A_64, %slice3A_65 in 1 : vector<256x368xf32>, vector<256x16xf32> -> vector<256x384xf32>
    %and3A_67 = arith.constant 16 : i32
    %and3A_68 = vector.broadcast %and3A_67 : i32 to vector<256x384xi32>
    %and3A_69 = arith.andi %iota3A, %and3A_68 : vector<256x384xi32>
    %ne3A_70 = arith.constant 0 : i32
    %ne3A_71 = vector.broadcast %ne3A_70 : i32 to vector<256x384xi32>
    %ne3A_72 = arith.cmpi ne, %and3A_69, %ne3A_71 : vector<256x384xi32>
    %select_n3A_73 = arith.select %ne3A_72, %concatenate3A_66, %select_n3A_63 : vector<256x384xi1>, vector<256x384xf32>
    %slice3A_74 = vector.extract_strided_slice %select_n3A_73 {offsets = [0, 32], sizes = [256, 352], strides = [1, 1]} : vector<256x384xf32> to vector<256x352xf32>
    %slice3A_75 = vector.extract_strided_slice %select_n3A_73 {offsets = [0, 0], sizes = [256, 32], strides = [1, 1]} : vector<256x384xf32> to vector<256x32xf32>
    %concatenate3A_76 = tpu.concatenate %slice3A_74, %slice3A_75 in 1 : vector<256x352xf32>, vector<256x32xf32> -> vector<256x384xf32>
    %and3A_77 = arith.constant 32 : i32
    %and3A_78 = vector.broadcast %and3A_77 : i32 to vector<256x384xi32>
    %and3A_79 = arith.andi %iota3A, %and3A_78 : vector<256x384xi32>
    %ne3A_80 = arith.constant 0 : i32
    %ne3A_81 = vector.broadcast %ne3A_80 : i32 to vector<256x384xi32>
    %ne3A_82 = arith.cmpi ne, %and3A_79, %ne3A_81 : vector<256x384xi32>
    %select_n3A_83 = arith.select %ne3A_82, %concatenate3A_76, %select_n3A_73 : vector<256x384xi1>, vector<256x384xf32>
    %slice3A_84 = vector.extract_strided_slice %select_n3A_83 {offsets = [0, 64], sizes = [256, 320], strides = [1, 1]} : vector<256x384xf32> to vector<256x320xf32>
    %slice3A_85 = vector.extract_strided_slice %select_n3A_83 {offsets = [0, 0], sizes = [256, 64], strides = [1, 1]} : vector<256x384xf32> to vector<256x64xf32>
    %concatenate3A_86 = tpu.concatenate %slice3A_84, %slice3A_85 in 1 : vector<256x320xf32>, vector<256x64xf32> -> vector<256x384xf32>
    %and3A_87 = arith.constant 64 : i32
    %and3A_88 = vector.broadcast %and3A_87 : i32 to vector<256x384xi32>
    %and3A_89 = arith.andi %iota3A, %and3A_88 : vector<256x384xi32>
    %ne3A_90 = arith.constant 0 : i32
    %ne3A_91 = vector.broadcast %ne3A_90 : i32 to vector<256x384xi32>
    %ne3A_92 = arith.cmpi ne, %and3A_89, %ne3A_91 : vector<256x384xi32>
    %select_n3A_93 = arith.select %ne3A_92, %concatenate3A_86, %select_n3A_83 : vector<256x384xi1>, vector<256x384xf32>
    %slice3A_94 = vector.extract_strided_slice %select_n3A_93 {offsets = [0, 128], sizes = [256, 256], strides = [1, 1]} : vector<256x384xf32> to vector<256x256xf32>
    %slice3A_95 = vector.extract_strided_slice %select_n3A_93 {offsets = [0, 0], sizes = [256, 128], strides = [1, 1]} : vector<256x384xf32> to vector<256x128xf32>
    %concatenate3A_96 = tpu.concatenate %slice3A_94, %slice3A_95 in 1 : vector<256x256xf32>, vector<256x128xf32> -> vector<256x384xf32>
    %and3A_97 = arith.constant 128 : i32
    %and3A_98 = vector.broadcast %and3A_97 : i32 to vector<256x384xi32>
    %and3A_99 = arith.andi %iota3A, %and3A_98 : vector<256x384xi32>
    %ne3A_100 = arith.constant 0 : i32
    %ne3A_101 = vector.broadcast %ne3A_100 : i32 to vector<256x384xi32>
    %ne3A_102 = arith.cmpi ne, %and3A_99, %ne3A_101 : vector<256x384xi32>
    %select_n3A_103 = arith.select %ne3A_102, %concatenate3A_96, %select_n3A_93 : vector<256x384xi1>, vector<256x384xf32>
    %slice3A_104 = vector.extract_strided_slice %select_n3A_103 {offsets = [0, 0], sizes = [256, 128], strides = [1, 1]} : vector<256x384xf32> to vector<256x128xf32>
    %get3A_105 = arith.constant 0 : index
    %get3A_106 = arith.constant 0 : index
    %get3A_107 = vector.load %arg3[%get3A_105, %get3A_106] : memref<128x128xf32, #tpu.memory_space<vmem>>, vector<128x128xf32>
    %dot_general3A_108 = arith.constant dense<0.000000e+00> : vector<256x128xf32>
    %dot_general3A_109 = tpu.matmul %slice3A_104, %get3A_107, %dot_general3A_108 {dimension_numbers = #tpu.dot_dimension_numbers<[1], [0], [0], [1], [0, 0, 1, 1], [], []>, transpose_lhs_hint = false} : vector<256x128xf32>, vector<128x128xf32>, vector<256x128xf32> -> vector<256x128xf32>
    %get3A_110 = arith.constant 0 : index
    %get3A_111 = arith.constant 0 : index
    %get3A_112 = vector.load %arg4[%get3A_110, %get3A_111] : memref<1x128xf32, #tpu.memory_space<vmem>>, vector<1x128xf32>
    %add3A_113 = vector.broadcast %get3A_112 : vector<1x128xf32> to vector<256x128xf32>
    %add3A_114 = arith.addf %dot_general3A_109, %add3A_113 : vector<256x128xf32>
    %max3A = arith.constant 0.000000e+00 : f32
    %max3A_115 = vector.broadcast %max3A : f32 to vector<256x128xf32>
    %max3A_116 = arith.maximumf %add3A_114, %max3A_115 : vector<256x128xf32>
    %swap3A_117 = arith.constant 0 : index
    %swap3A_118 = arith.constant 0 : index
    %swap3A_119 = arith.constant 0 : index
    %swap3A_120 = vector.load %arg5[%swap3A_117, %swap3A_118, %swap3A_119] : memref<1x256x128xf32, #tpu.memory_space<vmem>>, vector<1x256x128xf32>
    %swap3A_121 = vector.shape_cast %swap3A_120 : vector<1x256x128xf32> to vector<256x128xf32>
    %swap3A_122 = vector.shape_cast %max3A_116 : vector<256x128xf32> to vector<1x256x128xf32>
    tpu.vector_store %arg5[%swap3A_117, %swap3A_118, %swap3A_119], %swap3A_122 {strides = array<i32>} : memref<1x256x128xf32, #tpu.memory_space<vmem>>, vector<1x256x128xf32>,
    return
  }
  func.func @transform_0(%arg0: i32) -> (i32, i32) {
    %c0_i32 = arith.constant 0 : i32
    %c0_i32_0 = arith.constant 0 : i32
    return %arg0, %c0_i32 : i32, i32
  }
  func.func @transform_1(%arg0: i32) -> (i32, i32) {
    %add3A = arith.constant 8 : i32
    %add3A_0 = arith.addi %add3A, %arg0 : i32
    %c0_i32 = arith.constant 0 : i32
    %c0_i32_1 = arith.constant 0 : i32
    return %add3A_0, %c0_i32 : i32, i32
  }
  func.func @transform_2(%arg0: i32) -> (i32, i32) {
    %c0_i32 = arith.constant 0 : i32
    %c0_i32_0 = arith.constant 0 : i32
    %c0_i32_1 = arith.constant 0 : i32
    return %c0_i32, %c0_i32_0 : i32, i32
  }
  func.func @transform_3(%arg0: i32) -> (i32, i32) {
    %c0_i32 = arith.constant 0 : i32
    %c0_i32_0 = arith.constant 0 : i32
    %c0_i32_1 = arith.constant 0 : i32
    return %c0_i32, %c0_i32_0 : i32, i32
  }
  func.func @transform_4(%arg0: i32) -> (i32, i32, i32) {
    %c0_i32 = arith.constant 0 : i32
    %c0_i32_0 = arith.constant 0 : i32
    %c0_i32_1 = arith.constant 0 : i32
    return %arg0, %c0_i32, %c0_i32_0 : i32, i32, i32
  }
}

</mosaic_0001>

<sc_bundles>
// kernel: kernel.4.cloned.1.call-start
scs
__scs_entry_jumppad:
0x0: {  	(pc) =	sbr.rel $0x88, $3  }
0x1: {  	(tag) =	ssettag $0x0;
	lr =	simm.s32 $0x1  }
0x2: {  	[smem:$0x3F9E] =	sst lr;
	_ =	strace $0xD0000000  }
0x3: {  	_ = 	snop  }
0x4: {  	_ = 	snop  }
0x5: {  	_ = 	snop  }
0x6: {  	_ = 	snop  }
0x7: {  	_ = 	snop  }
__scs_overlays_trampoline_lowered:
0x8: {  	[smem:$0x3FAD] =	sst s0  }
0x9: {  	[smem:$0x3FAE] =	sst s1  }
0xa: {  	[smem:$0x3FAF] =	sst s2  }
0xb: {  	[smem:$0x3FB0] =	sst s3  }
0xc: {  	[smem:$0x3FB1] =	sst s4  }
0xd: {  	[smem:$0x3FB2] =	sst s5  }
0xe: {  	[smem:$0x3FB3] =	sst s6  }
0xf: {  	[smem:$0x3FB4] =	sst s7  }
0x10: {  	[smem:$0x3FB5] =	sst s8  }
0x11: {  	[smem:$0x3FB6] =	sst s9;
	s0 =	simm.s32 @!p0 $0x0  }
0x12: {  	s1 =	sld [smem:$0x3F9C];
	s0 =	simm.s32 @p0 $0x1  }
0x13: {  	[smem:$0x3FB7] =	sst s0;
	s0 =	simm.s32 @!p1 $0x0  }
0x14: {  	s2 =	sld [smem:$0x3F9B];
	s0 =	simm.s32 @p1 $0x1  }
0x15: {  	[smem:$0x3FB8] =	sst s0;
	s0 =	simm.s32 @!p2 $0x0  }
0x16: {  	s3 =	sld [smem:$0x3FDB];
	s0 =	simm.s32 @p2 $0x1  }
0x17: {  	s4 =	simm.s32 $0x1BF5;
	[smem:$0x3FBA] =	sst s0  }
0x18: {  	s0 =	sld [smem:$0x3F9D];
	_ =	swait.ge [sflag:s4], $0x0  }
0x19: {  	s7 =	sld [smem:$0x3F9E]  }
0x1a: {  	s8 =	sadd.s32 $0xFFFFE003, lr  }
0x1b: {  	s9 =	sadd.s32 $0xFFFFFEF7, lr;
	s5 =	simm.s32 $0xFFFFFFFF;
	p2 =	slt.u32 s8, $0xFFFFF086  }
0x1c: {  	p1 =	slt.u32 s9, $0xF7A;
	s5 =	simm.s32 @!p2 $0x0  }
0x1d: {  	s5 =	simm.s32 @p1 $0x1;
	p0 =	seq.s32 s7, s2  }
0x1e: {  	s7 =	smul.u32 @!p0 $0xF7A, s2;
	p2 =	seq.s32 @!p0 s5, $0x0  }
0x1f: {  	s9 =	smul.u32 $0xF7A, s1;
	s8 =	simm.s32 @!p0 $0x1BF5;
	p2 =	por !p2, p0  }
0x20: {  	[sflag:s8] =	ssyncset.s32 @!p0 $0xFFFFF086;
	s6 =	sadd.s32 @!p0 s3, s7;
	s7 =	simm.s32 @!p0 $0x108  }
0x21: {  	s3 =	sadd.s32 s3, s9;
	s6 =	sadd.s32 @!p0 $0x88, s6;
	s7 =	simm.s32 @p2 $0x1082  }
0x22: {  	[simem:s7], [sflag:s8] =	dma.local @!p0 [hbm:s6], $0xF7A  }
0x23: {  	s9 =	sor.u32 $0xD0000000, s2;
	s6 =	simm.s32 $0x108;
	_ =	swait.ge @!p0 [sflag:s8], $0x0  }
0x24: {  	s3 =	sadd.s32 $0x88, s3;
	s6 =	simm.s32 @!p1 $0x1082;
	[sflag:s4] =	ssyncset.s32 $0xFFFFF086  }
0x25: {  	[simem:s6], [sflag:s4] =	dma.local [hbm:s3], $0xF7A  }
0x26: {  	[smem:$0x3F9E] =	sst s1;
	(tag) =	ssettag s2;
	_ =	strace s9  }
0x27: {  	s1 =	sld [smem:$0x3FAE]  }
0x28: {  	s2 =	sld [smem:$0x3FAF]  }
0x29: {  	s4 =	sld [smem:$0x3FB1]  }
0x2a: {  	p0 =	seq.s32 s5, $0x0;
	s5 =	sld [smem:$0x3FB2]  }
0x2b: {  	s6 =	sld [smem:$0x3FB3]  }
0x2c: {  	s7 =	sld [smem:$0x3FB4]  }
0x2d: {  	s3 =	simm.s32 $0x108;
	s8 =	sld [smem:$0x3FB5]  }
0x2e: {  	s3 =	simm.s32 @!p0 $0x1082;
	s9 =	sld [smem:$0x3FB6]  }
0x2f: {  	lr =	sadd.s32 s0, s3;
	s0 =	sld [smem:$0x3FAD]  }
0x30: {  	s3 =	sld [smem:$0x3FB0]  }
0x31: {  	[smem:$0x3FB9] =	sst s10  }
0x32: {  	s10 =	sld [smem:$0x3FB7];
	_ =	sdelay $0x3  }
0x33: {  	p0 =	seq.s32 s10, $0x1;
	s10 =	sld [smem:$0x3FB9];
	_ =	sdelay $0x3  }
0x34: {  	[smem:$0x3FB9] =	sst s10  }
0x35: {  	s10 =	sld [smem:$0x3FB8];
	_ =	sdelay $0x3  }
0x36: {  	p1 =	seq.s32 s10, $0x1;
	s10 =	sld [smem:$0x3FB9];
	_ =	sdelay $0x3  }
0x37: {  	[smem:$0x3FB9] =	sst s10  }
0x38: {  	s10 =	sld [smem:$0x3FBA]  }
0x39: {  	_ = 	snop;
	(pc) =	sbr.ind lr, $3  }
0x3a: {  	_ = 	snop  }
0x3b: {  	_ = 	snop  }
0x3c: {  	p2 =	seq.s32 s10, $0x1;
	s10 =	sld [smem:$0x3FB9]  }
0x3d: {  	_ =	shalt  }
0x3e: {  	_ =	shalt  }
0x3f: {  	_ =	shalt  }
0x40: {  	_ =	shalt  }
0x41: {  	_ =	shalt  }
0x42: {  	_ =	shalt  }
0x43: {  	_ =	shalt  }
0x44: {  	_ =	shalt  }
0x45: {  	_ =	shalt  }
0x46: {  	_ =	shalt  }
0x47: {  	_ =	shalt  }
0x48: {  	_ =	shalt  }
0x49: {  	_ =	shalt  }
0x4a: {  	_ =	shalt  }
0x4b: {  	_ =	shalt  }
0x4c: {  	_ =	shalt  }
0x4d: {  	_ =	shalt  }
0x4e: {  	_ =	shalt  }
0x4f: {  	_ =	shalt  }
0x50: {  	_ =	shalt  }
0x51: {  	_ =	shalt  }
0x52: {  	_ =	shalt  }
0x53: {  	_ =	shalt  }
0x54: {  	_ =	shalt  }
0x55: {  	_ =	shalt  }
0x56: {  	_ =	shalt  }
0x57: {  	_ =	shalt  }
0x58: {  	_ =	shalt  }
0x59: {  	_ =	shalt  }
0x5a: {  	_ =	shalt  }
0x5b: {  	_ =	shalt  }
0x5c: {  	_ =	shalt  }
0x5d: {  	_ =	shalt  }
0x5e: {  	_ =	shalt  }
0x5f: {  	_ =	shalt  }
0x60: {  	_ =	shalt  }
0x61: {  	_ =	shalt  }
0x62: {  	_ =	shalt  }
0x63: {  	_ =	shalt  }
0x64: {  	_ =	shalt  }
0x65: {  	_ =	shalt  }
0x66: {  	_ =	shalt  }
0x67: {  	_ =	shalt  }
0x68: {  	_ =	shalt  }
0x69: {  	_ =	shalt  }
0x6a: {  	_ =	shalt  }
0x6b: {  	_ =	shalt  }
0x6c: {  	_ =	shalt  }
0x6d: {  	_ =	shalt  }
0x6e: {  	_ =	shalt  }
0x6f: {  	_ =	shalt  }
0x70: {  	_ =	shalt  }
0x71: {  	_ =	shalt  }
0x72: {  	_ =	shalt  }
0x73: {  	_ =	shalt  }
0x74: {  	_ =	shalt  }
0x75: {  	_ =	shalt  }
0x76: {  	_ =	shalt  }
0x77: {  	_ =	shalt  }
0x78: {  	_ =	shalt  }
0x79: {  	_ =	shalt  }
0x7a: {  	_ =	shalt  }
0x7b: {  	_ =	shalt  }
0x7c: {  	_ =	shalt  }
0x7d: {  	_ =	shalt  }
0x7e: {  	_ =	shalt  }
0x7f: {  	_ =	shalt  }
0x80: {  	_ =	shalt  }
0x81: {  	_ =	shalt  }
0x82: {  	_ =	shalt  }
0x83: {  	_ =	shalt  }
0x84: {  	_ =	shalt  }
0x85: {  	_ =	shalt  }
0x86: {  	_ =	shalt  }
0x87: {  	_ =	shalt  }
.Lfunc_end0:
.L_simem_size_0:
called_computation_lowered:
.L_overlay_start_0:
0x88: {  	s2 =	sld [smem:$0x3FD9]  }
0x89: {  	s3 =	sld [smem:$0x3FFE];
	_ =	sdelay $0x1  }
0x8a: {  	s1 =	srdreg.scid  }
0x8b: {  	s0 =	sand.u32 $0x1, s1  }
0x8c: {  	s17 =	sshll.u32 s0, $0xA;
	s2 =	sadd.s32 s3, s2  }
0x8d: {  	s2 =	sadd.s32 s2, s17  }
0x8e: {  	[smem:$0x3FC5] =	sst s2  }
0x8f: {  	_ = 	snop  }
0x90: {  	s2 =	sld [smem:$0x3FC9];
	(tm) =	ssettm $0x1  }
0x91: {  	s18 =	sld [smem:$0x3FFB];
	_ =	sdelay $0x3  }
0x92: {  	_ =	strace s18  }
0x93: {  	s3 =	sld [smem:$0x3FFC];
	_ =	sdelay $0x3  }
0x94: {  	_ =	strace s3  }
0x95: {  	s3 =	sld [smem:$0x3FFD];
	_ =	sdelay $0x3  }
0x96: {  	_ =	strace s3  }
0x97: {  	_ =	strace $0x8FFFFFFF  }
0x98: {  	s19 =	sld [smem:$0x3FDB];
	_ =	sdelay $0x1  }
0x99: {  	s4 =	simm.s32 $_scs_section_size  }
0x9a: {  	s5 =	simm.s32 $_size__tile_overlayer_lowered;
	s6 =	simm.s32 $_tile_overlayer_lowered  }
0x9b: {  	s22 =	simm.s32 $0x1BFF;
	s21 =	sshll.u32 s6, $0x1;
	s3 =	sadd.s32 s4, s19  }
0x9c: {  	s7 =	simm.s32 $0x0;
	s20 =	sshll.u32 s5, $0x1;
	s5 =	sadd.s32 s21, s3  }
0x9d: {  	[timem:s7], [sflag:s22] =	dma.local [hbm:s5], s20  }
0x9e: {  	_ =	swait.ge [sflag:s22], s20  }
0x9f: {  	s4 =	ssub.s32 $0x0, s20;
	[sflag:s22] =	ssyncset.done $0x0  }
0xa0: {  	[sflag:s22] =	ssyncadd.s32 s4;
	_ =	sdelay $0x1  }
0xa1: {  	s23 =	simm.s32 $0x1B8B  }
0xa2: {  	_ =	swait.ge [sflag:s23], $0x1  }
0xa3: {  	[sflag:s23] =	ssyncset.done $0x0  }
0xa4: {  	s25 =	simm.s32 $0x1B8E;
	s24 =	sld [smem:$0x3FFE];
	[sflag:s23] =	ssyncadd.s32 $0xFFFFFFFF  }
0xa5: {  	s26 =	simm.s32 $execute0_lowered;
	[smem:$0x3FD2] =	sst s25  }
0xa6: {  	s5 =	sshll.u32 s26, $0x1;
	_ =	strace $0x80000046;
	[dreg:$0x1] =	wrdreg $0xFFFFFFFF  }
0xa7: {  	s28 =	simm.s32 $_size_execute0_lowered;
	s3 =	sadd.s32 s3, s5;
	[dreg:$0x0] =	wrdreg $0x0  }
0xa8: {  	s5 =	sshll.u32 s28, $0x1;
	[dreg:$0x2] =	wrdreg s3  }
0xa9: {  	[dreg:$0x3] =	wrdreg s5  }
0xaa: {  	[dreg:$0x4] =	wrdreg $0xC0  }
0xab: {  	_ =	task [dreg:s7], $0x5FFFF  }
0xac: {  	[dreg:$0x1] =	wrdreg $0xFFFFFFFF  }
0xad: {  	[dreg:$0x0] =	wrdreg $0x60  }
0xae: {  	[dreg:$0x2] =	wrdreg s2  }
0xaf: {  	[dreg:$0x3] =	wrdreg s24  }
0xb0: {  	[dreg:$0x4] =	wrdreg $0x9  }
0xb1: {  	_ =	task.clear_ibuf [dreg:s7], $0x5FFFF;
	_ =	strace $0x90000046  }
0xb2: {  	s29 =	simm.s32 $0x9;
	_ =	strace $0x80000048  }
0xb3: {  	_ =	swait.ge [sflag:s29], $0x1  }
0xb4: {  	[sflag:s29] =	ssyncadd.s32 $0xFFFFFFFF  }
0xb5: {  	_ =	strace $0x90000048  }
0xb6: {  	_ =	sfence  }
0xb7: {  	s30 =	sld [smem:$0x0];
	_ =	sdelay $0x2  }
0xb8: {  	s31 =	sshll.u32 s1, $0xD;
	s1 =	sshrl.u32 s1, $0x2  }
0xb9: {  	s3 =	sand.u32 $0x4000, s31;
	s1 =	sadd.s32 s1, s30  }
0xba: {  	s0 =	sor.u32 s3, s0;
	s1 =	sshll.u32 s1, $0x11  }
0xbb: {  	s0 =	sor.u32 s1, s0  }
0xbc: {  	s0 =	sadd.s32 $0x8F2B, s0  }
0xbd: {  	[sflag:s0] =	ssyncadd.remote.s32 $0x1  }
0xbe: {  	_ =	sfence.sel $0xFFFF  }
0xbf: {  	[dreg:$0x0] =	wrdreg $0xFFFFFFFF;
	(pc) =	sbr.abs _section_cstart, $3  }
0xc0: {  	[dreg:$0x1] =	wrdreg $0xFFFFFFFF  }
0xc1: {  	_ =	task.clear_ibuf [dreg:s7], $0x2FFFF;
	_ =	strace $0x9FFFFFFF  }
0xc2: {  	(tm) =	ssettm $0x7FFFFFFF  }
0xc3: {  	_ =	shalt  }
tec
execute0_lowered:
.L_overlay_start_1:
0x0: {  	(tag) =	ssettag $0x1  }
0x1: {  	s0 =	srdreg.scid  }
0x2: {  	s12 =	stileid.u32;
	s0 =	sand.u32 $0x1, s0  }
0x3: {  	s1 =	sshrl.u32 s12, $0x1;
	s2 =	sshll.u32 s0, $0x3  }
0x4: {  	s3 =	sor.u32 s1, s2;
	s1 =	sand.u32 $0x1, s1  }
0x5: {  	s5 =	rddreg [dreg:$0x1];
	p0 =	seq.s32 s3, $0x0;
	p1 =	seq.s32 s1, $0x1  }
0x6: {  	s28 =	simm.s32 $0x5;
	s6 =	sand.u32 $0x1, s12;
	p0 =	por !p0, !p1  }
0x7: {  	s7 =	sshll.u32 s6, $0x14;
	s1 =	simm.s32 $0x1;
	p0 =	por !p0, !p0  }
0x8: {  	s0 =	ssub.s32 $0x2, s0;
	s4 =	sshrl.u32 s3, $0x1;
	s1 =	simm.s32 @!p0 $0x0  }
0x9: {  	s2 =	rddreg [dreg:$0x0];
	s19 =	sshrl.u32 s0, $0x1;
	s1 =	ssub.s32 s4, s1  }
0xa: {  	s10 =	ssub.s32 s0, s19;
	s4 =	sshll.u32 s1, $0x1;
	s8 =	sshll.u32 s1, $0x11  }
0xb: {  	s1 =	smul.u32 $0xC00, s1;
	s4 =	ssub.s32 s3, s4;
	s3 =	simm.s32 $0x0  }
0xc: {  	s7 =	sadd.s32 s7, s8;
	s8 =	sshll.u32 s6, $0x1;
	s18 =	sshll.u32 s4, $0x10  }
0xd: {  	[smem:$0x7FF] =	sst s3;
	s4 =	sadd.s32 s1, s4;
	s23 =	sor.u32 $0x4, s8  }
0xe: {  	s30 =	sor.u32 $0x8, s8;
	s15 =	sor.u32 $0xC, s8;
	s7 =	sadd.s32 s18, s7  }
0xf: {  	_ =	strace $0x80000047;
	s6 =	sadd.s32 s8, s4;
	s11 =	sadd.s32 s23, s4  }
0x10: {  	s31 =	sadd.s32 s30, s4;
	s16 =	sadd.s32 s15, s4;
	s7 =	sshrl.u32 s7, $0x3  }
0x11: {  	s20 =	sshll.u32 s6, $0x7;
	s6 =	sadd.s32 $0x800, s4;
	s11 =	sshll.u32 s11, $0x7  }
0x12: {  	s18 =	sshll.u32 s16, $0x7;
	s9 =	sadd.s32 s7, s5;
	s5 =	sadd.s32 $0x400, s4  }
0x13: {  	s0 =	sand.u32 $0x1FFFFF80, s20;
	s22 =	sadd.s32 s8, s6;
	s25 =	sand.u32 $0x1FFFFF80, s11  }
0x14: {  	s11 =	sshll.u32 s31, $0x7;
	s20 =	sor.u32 $0x10, s8;
	s21 =	sadd.s32 s8, s5  }
0x15: {  	s0 =	sadd.s32 s2, s0;
	s7 =	sshll.u32 s22, $0x7;
	s26 =	sadd.s32 s23, s5  }
0x16: {  	s13 =	sadd.s32 s30, s5;
	s19 =	sadd.s32 s15, s5;
	[dreg:$0x3] =	wrdreg s0  }
0x17: {  	s1 =	sshll.u32 s21, $0x7;
	s7 =	sand.u32 $0x1FFFFF80, s7;
	s0 =	sadd.s32 s23, s6  }
0x18: {  	s29 =	sshll.u32 s26, $0x7;
	s14 =	sshll.u32 s13, $0x7;
	s21 =	sadd.s32 s20, s4  }
0x19: {  	s1 =	sand.u32 $0x1FFFFF80, s1;
	s24 =	sadd.s32 s2, s7;
	s0 =	sshll.u32 s0, $0x7  }
0x1a: {  	s7 =	sadd.s32 s30, s6;
	s1 =	sadd.s32 s2, s1;
	[dreg:$0x5] =	wrdreg s24  }
0x1b: {  	s0 =	sand.u32 $0x1FFFFF80, s0;
	s7 =	sshll.u32 s7, $0x7;
	s24 =	sadd.s32 s20, s5  }
0x1c: {  	[dreg:$0x4] =	wrdreg s1;
	s1 =	sadd.s32 s2, s25;
	s0 =	sadd.s32 s2, s0  }
0x1d: {  	s17 =	sand.u32 $0x1FFFFF80, s7;
	s7 =	sand.u32 $0x1FFFFF80, s18;
	s25 =	sshll.u32 s24, $0x7  }
0x1e: {  	s24 =	sor.u32 $0x28, s8;
	[dreg:$0x6] =	wrdreg s1;
	s1 =	sand.u32 $0x1FFFFF80, s29  }
0x1f: {  	[dreg:$0x8] =	wrdreg s0;
	s0 =	sand.u32 $0x1FFFFF80, s11;
	s7 =	sadd.s32 s2, s7  }
0x20: {  	s11 =	sshll.u32 s21, $0x7;
	s29 =	sor.u32 $0x14, s8;
	[dreg:$0x1a] =	wrdreg s24  }
0x21: {  	s24 =	simm.s32 $0x2;
	s1 =	sadd.s32 s2, s1;
	s0 =	sadd.s32 s2, s0  }
0x22: {  	[dreg:$0xc] =	wrdreg s7;
	s23 =	sand.u32 $0x1FFFFF80, s11;
	s7 =	sadd.s32 s20, s6  }
0x23: {  	s30 =	sadd.s32 s29, s4;
	s11 =	sadd.s32 s29, s5;
	[dreg:$0x7] =	wrdreg s1  }
0x24: {  	[dreg:$0x9] =	wrdreg s0;
	s0 =	sand.u32 $0x1FFFFF80, s14;
	s1 =	sadd.s32 s15, s6  }
0x25: {  	s26 =	sshll.u32 s7, $0x7;
	s7 =	sadd.s32 s29, s6;
	s13 =	sshll.u32 s11, $0x7  }
0x26: {  	s15 =	sor.u32 $0x18, s8;
	s29 =	sadd.s32 $0xA00, s9;
	s9 =	simm.s32 $0x6  }
0x27: {  	s0 =	sadd.s32 s2, s0;
	s1 =	sshll.u32 s1, $0x7;
	s14 =	sshll.u32 s7, $0x7  }
0x28: {  	s18 =	sadd.s32 s15, s5;
	s7 =	sadd.s32 s15, s6;
	[dreg:$0x1d] =	wrdreg s29  }
0x29: {  	[dreg:$0xa] =	wrdreg s0;
	s0 =	sadd.s32 s2, s17;
	s1 =	sand.u32 $0x1FFFFF80, s1  }
0x2a: {  	s17 =	sadd.s32 s15, s4;
	s7 =	sshll.u32 s7, $0x7;
	[dreg:$0xb] =	wrdreg s0  }
0x2b: {  	s0 =	sshll.u32 s19, $0x7;
	s22 =	sadd.s32 s2, s1;
	s1 =	sand.u32 $0x1FFFFF80, s26  }
0x2c: {  	s20 =	sand.u32 $0x1FFFFF80, s7;
	s26 =	sor.u32 $0x30, s8;
	s7 =	sor.u32 $0x34, s8  }
0x2d: {  	s0 =	sand.u32 $0x1FFFFF80, s0;
	[dreg:$0xe] =	wrdreg s22;
	s31 =	sadd.s32 s2, s1  }
0x2e: {  	s1 =	sshll.u32 s30, $0x7;
	s21 =	sadd.s32 s2, s20;
	[dreg:$0x1c] =	wrdreg s26  }
0x2f: {  	s22 =	sor.u32 $0x20, s8;
	s30 =	smax.u32 s10, $0x1;
	[dreg:$0x11] =	wrdreg s31  }
0x30: {  	s20 =	simm.s32 $0xE000;
	s26 =	simm.s32 $0x4;
	[dreg:$0x17] =	wrdreg s21  }
0x31: {  	s10 =	simm.s32 $0x7;
	s0 =	sadd.s32 s2, s0;
	[dreg:$0x18] =	wrdreg s22  }
0x32: {  	[dreg:$0x1e] =	wrdreg s30;
	s31 =	sshll.u32 s12, $0x1;
	s12 =	simm.s32 $0x1  }
0x33: {  	s21 =	simm.s32 $0x10000;
	[dreg:$0xd] =	wrdreg s0;
	s0 =	sadd.s32 s2, s23  }
0x34: {  	s22 =	simm.s32 $0x12000;
	s23 =	sor.u32 $0x24, s8;
	[dreg:$0xf] =	wrdreg s0  }
0x35: {  	s11 =	sor.u32 $0x1C, s31;
	s0 =	sand.u32 $0x1FFFFF80, s25;
	[dreg:$0x19] =	wrdreg s23  }
0x36: {  	s25 =	sor.u32 $0x2C, s8;
	s8 =	sor.u32 $0x38, s8;
	s0 =	sadd.s32 s2, s0  }
0x37: {  	s23 =	simm.s32 $0x14000;
	[dreg:$0x10] =	wrdreg s0;
	s0 =	sand.u32 $0x1FFFFF80, s1  }
0x38: {  	[dreg:$0x1b] =	wrdreg s25;
	s25 =	simm.s32 $0x3;
	s0 =	sadd.s32 s2, s0  }
0x39: {  	s1 =	sand.u32 $0x1FFFFF80, s14;
	[dreg:$0x12] =	wrdreg s0;
	s0 =	sand.u32 $0x1FFFFF80, s13  }
0x3a: {  	s14 =	simm.s32 $0x0;
	s16 =	sadd.s32 s2, s1;
	s0 =	sadd.s32 s2, s0  }
0x3b: {  	s1 =	sshll.u32 s18, $0x7;
	[dreg:$0x13] =	wrdreg s0;
	s0 =	sshll.u32 s17, $0x7  }
0x3c: {  	s18 =	simm.s32 $0xA000;
	[dreg:$0x14] =	wrdreg s16;
	s0 =	sand.u32 $0x1FFFFF80, s0  }
0x3d: {  	v1 =	vlaneseq.u32;
	s19 =	sand.u32 $0x1FFFFF80, s1;
	s16 =	simm.s32 $0x6000;
	s0 =	sadd.s32 s2, s0  }
0x3e: {  	v1 =	vmul.u32 $0x200, v1;
	s13 =	simm.s32 $0x8;
	[dreg:$0x15] =	wrdreg s0;
	s0 =	sadd.s32 s2, s19  }
0x3f: {  	v0 =	vimm.f32 $0.0e+00;
	v2 =	vimm.f32 $1.000000000e+00;
	s17 =	simm.s32 $0x8000;
	s19 =	simm.s32 $0xC000;
	[dreg:$0x16] =	wrdreg s0  }
.LBB2_1:
0x40: {  	[dreg:$0x1f] =	wrdreg s14;
	s14 =	simm.s32 $0x6040  }
0x41: {  	[tilespmem:s14+$0xFFFFFFC0] =	vst v0  }
0x42: {  	[tilespmem:s14+$0x30] =	vst v0  }
0x43: {  	[tilespmem:s14+$0x20] =	vst v0  }
0x44: {  	[tilespmem:s14+$0x10] =	vst v0  }
0x45: {  	[tilespmem:s14+$0x0] =	vst v0  }
0x46: {  	[tilespmem:s14+$0xFFFFFFF0] =	vst v0  }
0x47: {  	s15 =	simm.s32 $0x0;
	[tilespmem:s14+$0xFFFFFFE0] =	vst v0  }
.LBB2_2:
0x48: {  	s15 =	sadd.s32 $0x8, s15;
	[tilespmem:s14+$0xFFFFFFD0] =	vst v0;
	s14 =	sadd.s32 $0x80, s14  }
0x49: {  	[tilespmem:s14+$0xFFFFFFC0] =	vst v0;
	p0 =	slt.u32 s15, $0xFF8  }
0x4a: {  	[tilespmem:s14+$0x30] =	vst v0  }
.Ltmp0:
0x4b: {  	[tilespmem:s14+$0x20] =	vst v0;
	(pc) =	sbr.rel @p0 .LBB2_2-.Ltmp0, $4  }
0x4c: {  	[tilespmem:s14+$0x10] =	vst v0  }
0x4d: {  	[tilespmem:s14+$0x0] =	vst v0  }
0x4e: {  	[tilespmem:s14+$0xFFFFFFF0] =	vst v0  }
0x4f: {  	[tilespmem:s14+$0xFFFFFFE0] =	vst v0  }
0x50: {  	[tilespmem:s14+$0xFFFFFFD0] =	vst v0  }
0x51: {  	s14 =	simm.s32 $0x0;
	s0 =	rddreg [dreg:$0x3]  }
0x52: {  	[tilespmem:s14], [sflag:$0x1] =	stream.linear.gather [hbm4b:s0+s14], $0x400, $0x38;
	[tilespmem:$0x16000] =	vst v63  }
0x53: {  	s1 =	simm.s32 $0x400;
	s29 =	rddreg [dreg:$0x4]  }
0x54: {  	[tilespmem:s1], [sflag:$0x1] =	stream.linear.gather [hbm4b:s29+s14], $0x400, $0x38;
	[tilespmem:$0x16000] =	vst v63  }
0x55: {  	s31 =	simm.s32 $0x800;
	s30 =	rddreg [dreg:$0x5]  }
0x56: {  	[tilespmem:s31], [sflag:$0x1] =	stream.linear.gather [hbm4b:s30+s14], $0x400, $0x38;
	[tilespmem:$0x16000] =	vst v63  }
0x57: {  	s15 =	rddreg [dreg:$0x6];
	s29 =	simm.s32 $0xC00  }
0x58: {  	[tilespmem:s29], [sflag:$0x2] =	stream.linear.gather [hbm4b:s15+s14], $0x400, $0x38;
	[tilespmem:$0x16000] =	vst v63  }
0x59: {  	s30 =	rddreg [dreg:$0x7];
	s31 =	simm.s32 $0x1000  }
0x5a: {  	[tilespmem:s31], [sflag:$0x2] =	stream.linear.gather [hbm4b:s30+s14], $0x400, $0x38;
	[tilespmem:$0x16000] =	vst v63  }
0x5b: {  	s15 =	rddreg [dreg:$0x8];
	s29 =	simm.s32 $0x1400  }
0x5c: {  	[tilespmem:s29], [sflag:$0x2] =	stream.linear.gather [hbm4b:s15+s14], $0x400, $0x38;
	[tilespmem:$0x16000] =	vst v63  }
0x5d: {  	s30 =	rddreg [dreg:$0x9];
	s31 =	simm.s32 $0x1800  }
0x5e: {  	[tilespmem:s31], [sflag:$0x3] =	stream.linear.gather [hbm4b:s30+s14], $0x400, $0x38;
	[tilespmem:$0x16000] =	vst v63  }
0x5f: {  	s15 =	rddreg [dreg:$0xa];
	s29 =	simm.s32 $0x1C00  }
0x60: {  	[tilespmem:s29], [sflag:$0x3] =	stream.linear.gather [hbm4b:s15+s14], $0x400, $0x38;
	[tilespmem:$0x16000] =	vst v63  }
0x61: {  	s30 =	rddreg [dreg:$0xb];
	s31 =	simm.s32 $0x2000  }
0x62: {  	[tilespmem:s31], [sflag:$0x3] =	stream.linear.gather [hbm4b:s30+s14], $0x400, $0x38;
	[tilespmem:$0x16000] =	vst v63  }
0x63: {  	s15 =	rddreg [dreg:$0xc];
	s29 =	simm.s32 $0x2400  }
0x64: {  	[tilespmem:s29], [sflag:$0x4] =	stream.linear.gather [hbm4b:s15+s14], $0x400, $0x38;
	[tilespmem:$0x16000] =	vst v63  }
0x65: {  	s30 =	rddreg [dreg:$0xd];
	s31 =	simm.s32 $0x2800  }
0x66: {  	[tilespmem:s31], [sflag:$0x4] =	stream.linear.gather [hbm4b:s30+s14], $0x400, $0x38;
	[tilespmem:$0x16000] =	vst v63  }
0x67: {  	s15 =	rddreg [dreg:$0xe];
	s29 =	simm.s32 $0x2C00  }
0x68: {  	[tilespmem:s29], [sflag:$0x4] =	stream.linear.gather [hbm4b:s15+s14], $0x400, $0x38;
	[tilespmem:$0x16000] =	vst v63  }
0x69: {  	s30 =	rddreg [dreg:$0xf];
	s31 =	simm.s32 $0x3000  }
0x6a: {  	[tilespmem:s31], [sflag:$0x5] =	stream.linear.gather [hbm4b:s30+s14], $0x400, $0x38;
	[tilespmem:$0x16000] =	vst v63  }
0x6b: {  	s15 =	rddreg [dreg:$0x10];
	s29 =	simm.s32 $0x3400  }
0x6c: {  	[tilespmem:s29], [sflag:$0x5] =	stream.linear.gather [hbm4b:s15+s14], $0x400, $0x38;
	[tilespmem:$0x16000] =	vst v63  }
0x6d: {  	s30 =	rddreg [dreg:$0x11];
	s31 =	simm.s32 $0x3800  }
0x6e: {  	[tilespmem:s31], [sflag:$0x5] =	stream.linear.gather [hbm4b:s30+s14], $0x400, $0x38;
	[tilespmem:$0x16000] =	vst v63  }
0x6f: {  	s15 =	rddreg [dreg:$0x12];
	s29 =	simm.s32 $0x3C00  }
0x70: {  	[tilespmem:s29], [sflag:$0x6] =	stream.linear.gather [hbm4b:s15+s14], $0x400, $0x38;
	[tilespmem:$0x16000] =	vst v63  }
0x71: {  	s30 =	rddreg [dreg:$0x13];
	s31 =	simm.s32 $0x4000  }
0x72: {  	[tilespmem:s31], [sflag:$0x6] =	stream.linear.gather [hbm4b:s30+s14], $0x400, $0x38;
	[tilespmem:$0x16000] =	vst v63  }
0x73: {  	s15 =	rddreg [dreg:$0x14];
	s29 =	simm.s32 $0x4400  }
0x74: {  	[tilespmem:s29], [sflag:$0x6] =	stream.linear.gather [hbm4b:s15+s14], $0x400, $0x38;
	[tilespmem:$0x16000] =	vst v63  }
0x75: {  	s30 =	rddreg [dreg:$0x15];
	s31 =	simm.s32 $0x4800  }
0x76: {  	[tilespmem:s31], [sflag:$0x7] =	stream.linear.gather [hbm4b:s30+s14], $0x400, $0x38;
	[tilespmem:$0x16000] =	vst v63  }
0x77: {  	s15 =	rddreg [dreg:$0x16];
	s29 =	simm.s32 $0x4C00  }
0x78: {  	[tilespmem:s29], [sflag:$0x7] =	stream.linear.gather [hbm4b:s15+s14], $0x400, $0x38;
	[tilespmem:$0x16000] =	vst v63  }
0x79: {  	s30 =	rddreg [dreg:$0x17];
	s31 =	simm.s32 $0x5000  }
0x7a: {  	[tilespmem:s31], [sflag:$0x7] =	stream.linear.gather [hbm4b:s30+s14], $0x400, $0x38;
	[tilespmem:$0x16000] =	vst v63  }
.LBB2_4:
0x7b: {  	s15 =	sshll.u32 s14, $0x5  }
0x7c: {  	s29 =	sor.u32 s11, s15  }
0x7d: {  	s30 =	sadd.s32 s4, s29  }
0x7e: {  	s30 =	sshll.u32 s30, $0x7  }
0x7f: {  	s30 =	sand.u32 $0x1FFFFF80, s30  }
0x80: {  	s0 =	simm.s32 $0x5400;
	s31 =	sadd.s32 s5, s29;
	s30 =	sadd.s32 s2, s30  }
0x81: {  	[tilespmem:s0], [sflag:$0x8] =	stream.linear.gather [hbm4b:s30+s3], $0x400, $0x38;
	[tilespmem:$0x16000] =	vst v63  }
0x82: {  	s29 =	sadd.s32 s6, s29;
	s30 =	sshll.u32 s31, $0x7  }
0x83: {  	s29 =	sshll.u32 s29, $0x7;
	s30 =	sand.u32 $0x1FFFFF80, s30  }
0x84: {  	s1 =	simm.s32 $0x5800;
	s29 =	sand.u32 $0x1FFFFF80, s29;
	s30 =	sadd.s32 s2, s30  }
0x85: {  	[tilespmem:s1], [sflag:$0x8] =	stream.linear.gather [hbm4b:s30+s3], $0x400, $0x38;
	[tilespmem:$0x16000] =	vst v63  }
0x86: {  	s29 =	sadd.s32 s2, s29;
	s31 =	simm.s32 $0x5C00  }
0x87: {  	[tilespmem:s31], [sflag:$0x8] =	stream.linear.gather [hbm4b:s29+s3], $0x400, $0x38;
	[tilespmem:$0x16000] =	vst v63  }
0x88: {  	_ =	swait.ge [sflag:s12], $0x400  }
0x89: {  	[sflag:s12] =	ssyncset.done $0x0  }
0x8a: {  	[sflag:s12] =	ssyncadd.s32 $0xFFFFFC00  }
0x8b: {  	_ =	swait.ge [sflag:s12], $0x400  }
0x8c: {  	[sflag:s12] =	ssyncset.done $0x0  }
0x8d: {  	[sflag:s12] =	ssyncadd.s32 $0xFFFFFC00  }
0x8e: {  	_ =	swait.ge [sflag:s12], $0x400  }
0x8f: {  	[sflag:s12] =	ssyncset.done $0x0  }
0x90: {  	s30 =	simm.s32 $0x440;
	[sflag:s12] =	ssyncadd.s32 $0xFFFFFC00  }
0x91: {  	v3 =	vld [tilespmem:s30+$0xFFFFFBC0]  }
0x92: {  	v4 =	vld [tilespmem:s30+$0xFFFFFFF0]  }
0x93: {  	v5 =	vld [tilespmem:s30+$0xFFFFFC10]  }
0x94: {  	v6 =	vld [tilespmem:s30+$0xFFFFFFC0]  }
0x95: {  	v7 =	vld [tilespmem:s30+$0xFFFFFBE0]  }
0x96: {  	v8 =	vld [tilespmem:s30+$0xFFFFFFD0]  }
0x97: {  	v9 =	vld [tilespmem:s30+$0xFFFFFFE0]  }
0x98: {  	v10 =	vld [tilespmem:s30+$0xFFFFFBF0]  }
0x99: {  	v11 =	vld [tilespmem:s30+$0xFFFFFC00]  }
0x9a: {  	v12 =	vld [tilespmem:s30+$0xFFFFFBD0]  }
0x9b: {  	v13 =	vld [tilespmem:s30+$0x0]  }
0x9c: {  	v15 =	vld [tilespmem:s30+$0x10]  }
0x9d: {  	v4 =	vshrl.u32 v4, $0x2;
	v3 =	vshll.u32 v3, $0x1  }
0x9e: {  	v9 =	vshrl.u32 v9, $0x2;
	v7 =	vshll.u32 v7, $0x1;
	v10 =	vshll.u32 v10, $0x1  }
0x9f: {  	v14 =	vld [tilespmem:s30+$0x3D0];
	v5 =	vshll.u32 v5, $0x1;
	v8 =	vshrl.u32 v8, $0x2;
	v11 =	vshll.u32 v11, $0x1  }
0xa0: {  	v16 =	vld [tilespmem:s30+$0x3C0];
	v12 =	vshll.u32 v12, $0x1;
	v6 =	vshrl.u32 v6, $0x2;
	v13 =	vshrl.u32 v13, $0x2  }
0xa1: {  	v17 =	vld [tilespmem:s30+$0x3F0];
	v15 =	vshrl.u32 v15, $0x2;
	v3 =	vand.u32 $0x1C0, v3;
	v4 =	vand.u32 $0x38, v4  }
0xa2: {  	v18 =	vld [tilespmem:s30+$0x3E0];
	v7 =	vand.u32 $0x1C0, v7;
	v8 =	vand.u32 $0x38, v8;
	v10 =	vand.u32 $0x1C0, v10  }
0xa3: {  	v20 =	vld [tilespmem:s30+$0x410];
	v12 =	vand.u32 $0x1C0, v12;
	v6 =	vand.u32 $0x38, v6;
	v19 =	vand.u32 $0x1C0, v5  }
0xa4: {  	v9 =	vand.u32 $0x38, v9;
	v8 =	vor.u32 v12, v8;
	v12 =	vld [tilespmem:s30+$0x400];
	v5 =	vor.u32 v3, v6  }
0xa5: {  	v21 =	vld [tilespmem:s30+$0x30];
	v3 =	vshra.s32 v14, $0x5;
	v6 =	vshra.s32 v16, $0x5;
	v16 =	vand.u32 $0x1C0, v11  }
0xa6: {  	v10 =	vor.u32 v10, v4;
	v11 =	vshra.s32 v17, $0x5;
	v4 =	vor.u32 v7, v9;
	v7 =	vld [tilespmem:s30+$0xFFFFFC30]  }
0xa7: {  	v9 =	vshra.s32 v18, $0x5;
	v17 =	vand.u32 $0x38, v13;
	v13 =	vld [tilespmem:s30+$0x20];
	v3 =	vor.u32 v3, v8  }
0xa8: {  	v8 =	vld [tilespmem:s30+$0xFFFFFC20];
	v4 =	vor.u32 v9, v4;
	v9 =	vand.u32 $0x38, v15;
	v15 =	vshra.s32 v20, $0x5  }
0xa9: {  	v16 =	vor.u32 v16, v17;
	v14 =	vshra.s32 v12, $0x5;
	v12 =	vor.u32 v19, v9;
	v9 =	vld [tilespmem:s30+$0x430]  }
0xaa: {  	s29 =	simm.s32 $0x0;
	v3 =	vadd.s32 v1, v3;
	v17 =	vor.u32 v15, v12;
	v12 =	vld [tilespmem:s30+$0x420];
	v15 =	vshrl.u32 v21, $0x2;
	s30 =	simm.s32 $0x4C0  }
.LBB2_5:
0xab: {  	v18 =	vld [tilespmem:s30+$0xFFFFFBC0];
	s29 =	sadd.s32 $0x80, s29;
	v10 =	vor.u32 v11, v10;
	v11 =	vor.u32 v14, v16;
	v14 =	vadd.s32 v1, v17  }
0xac: {  	v5 =	vor.u32 v6, v5;
	v16 =	vld [tilespmem:s30+$0x3C0];
	p0 =	slt.u32 s29, $0x380;
	v6 =	vadd.s32 v1, v11  }
0xad: {  	v8 =	vshll.u32 v8, $0x1;
	v17 =	vld [tilespmem:s30+$0x3E0];
	v11 =	vshrl.u32 v13, $0x2;
	v13 =	vand.u32 $0x38, v15  }
0xae: {  	v8 =	vand.u32 $0x1C0, v8;
	v7 =	vshll.u32 v7, $0x1;
	v15 =	vld [tilespmem:s30+$0xFFFFFFF0];
	v11 =	vand.u32 $0x38, v11  }
0xaf: {  	v7 =	vand.u32 $0x1C0, v7;
	v19 =	vld [tilespmem:s30+$0xFFFFFC10];
	v8 =	vor.u32 v8, v11;
	v11 =	vshra.s32 v12, $0x5  }
0xb0: {  	v7 =	vor.u32 v7, v13;
	v9 =	vshra.s32 v9, $0x5;
	[tilespmem:v14+s21+$0x0] =	vst.idx.add.f32.msk $0xffff, v2;
	v8 =	vor.u32 v11, v8  }
0xb1: {  	v7 =	vor.u32 v9, v7;
	[tilespmem:v6+s20+$0x0] =	vst.idx.add.f32.msk $0xffff, v2;
	v6 =	vadd.s32 v1, v8  }
0xb2: {  	v7 =	vadd.s32 v1, v7;
	v8 =	vld [tilespmem:s30+$0x3D0]  }
0xb3: {  	v4 =	vadd.s32 v1, v4;
	v9 =	vld [tilespmem:s30+$0xFFFFFFC0];
	v11 =	vshrl.u32 v15, $0x2  }
0xb4: {  	v12 =	vld [tilespmem:s30+$0xFFFFFBD0]  }
0xb5: {  	v5 =	vadd.s32 v1, v5;
	v13 =	vld [tilespmem:s30+$0xFFFFFBE0]  }
0xb6: {  	v14 =	vld [tilespmem:s30+$0xFFFFFFD0]  }
0xb7: {  	v10 =	vadd.s32 v1, v10;
	v15 =	vld [tilespmem:s30+$0x3F0]  }
0xb8: {  	[tilespmem:v3+s17+$0x0] =	vst.idx.add.f32.msk $0xffff, v2  }
0xb9: {  	v3 =	vld [tilespmem:s30+$0xFFFFFFE0]  }
0xba: {  	v20 =	vld [tilespmem:s30+$0xFFFFFBF0]  }
0xbb: {  	v21 =	vld [tilespmem:s30+$0xFFFFFC00]  }
0xbc: {  	[tilespmem:v10+s19+$0x0] =	vst.idx.add.f32.msk $0xffff, v2  }
0xbd: {  	v10 =	vshll.u32 v18, $0x1;
	v18 =	vld [tilespmem:s30+$0x0]  }
0xbe: {  	v11 =	vand.u32 $0x38, v11;
	v10 =	vand.u32 $0x1C0, v10;
	v3 =	vshrl.u32 v3, $0x2;
	v22 =	vld [tilespmem:s30+$0x10]  }
0xbf: {  	v19 =	vshll.u32 v19, $0x1;
	v13 =	vshll.u32 v13, $0x1;
	v20 =	vshll.u32 v20, $0x1;
	[tilespmem:v5+s16+$0x0] =	vst.idx.add.f32.msk $0xffff, v2  }
0xc0: {  	v13 =	vand.u32 $0x1C0, v13;
	v5 =	vshrl.u32 v14, $0x2;
	v14 =	vshll.u32 v21, $0x1;
	[tilespmem:v7+s23+$0x0] =	vst.idx.add.f32.msk $0xffff, v2  }
0xc1: {  	v7 =	vshll.u32 v12, $0x1;
	v5 =	vand.u32 $0x38, v5;
	v12 =	vand.u32 $0x1C0, v20;
	[tilespmem:v6+s22+$0x0] =	vst.idx.add.f32.msk $0xffff, v2  }
0xc2: {  	v6 =	vshrl.u32 v9, $0x2;
	v7 =	vand.u32 $0x1C0, v7;
	v9 =	vshrl.u32 v18, $0x2;
	[tilespmem:v4+s18+$0x0] =	vst.idx.add.f32.msk $0xffff, v2  }
0xc3: {  	v19 =	vand.u32 $0x1C0, v19;
	v4 =	vand.u32 $0x38, v6;
	v7 =	vor.u32 v7, v5;
	v18 =	vld [tilespmem:s30+$0x400]  }
0xc4: {  	v5 =	vor.u32 v10, v4;
	v4 =	vshra.s32 v8, $0x5;
	v21 =	vshrl.u32 v22, $0x2;
	v20 =	vld [tilespmem:s30+$0x410]  }
0xc5: {  	v3 =	vand.u32 $0x38, v3;
	v6 =	vshra.s32 v16, $0x5;
	v16 =	vand.u32 $0x1C0, v14;
	v22 =	vld [tilespmem:s30+$0x30]  }
.Ltmp1:
0xc6: {  	v10 =	vor.u32 v12, v11;
	v11 =	vshra.s32 v15, $0x5;
	v23 =	vor.u32 v4, v7;
	v8 =	vld [tilespmem:s30+$0xFFFFFC20];
	(pc) =	sbr.rel @p0 .LBB2_5-.Ltmp1, $4  }
0xc7: {  	v3 =	vor.u32 v13, v3;
	v12 =	vand.u32 $0x38, v9;
	v4 =	vshra.s32 v17, $0x5;
	v7 =	vld [tilespmem:s30+$0xFFFFFC30]  }
0xc8: {  	v9 =	vand.u32 $0x38, v21;
	v4 =	vor.u32 v4, v3;
	v14 =	vshra.s32 v18, $0x5;
	v13 =	vld [tilespmem:s30+$0x20]  }
0xc9: {  	v3 =	vadd.s32 v1, v23;
	v15 =	vor.u32 v19, v9;
	v17 =	vshra.s32 v20, $0x5;
	v9 =	vld [tilespmem:s30+$0x430]  }
0xca: {  	v16 =	vor.u32 v16, v12;
	v17 =	vor.u32 v17, v15;
	v12 =	vld [tilespmem:s30+$0x420];
	v15 =	vshrl.u32 v22, $0x2;
	s30 =	sadd.s32 $0x80, s30  }
0xcb: {  	v10 =	vor.u32 v11, v10;
	v11 =	vor.u32 v14, v16;
	v14 =	vadd.s32 v1, v17  }
0xcc: {  	v5 =	vor.u32 v6, v5;
	v6 =	vadd.s32 v1, v11  }
0xcd: {  	v8 =	vshll.u32 v8, $0x1;
	v4 =	vadd.s32 v1, v4;
	v10 =	vadd.s32 v1, v10  }
0xce: {  	v8 =	vand.u32 $0x1C0, v8;
	v7 =	vshll.u32 v7, $0x1;
	v5 =	vadd.s32 v1, v5  }
0xcf: {  	[tilespmem:v3+s17+$0x0] =	vst.idx.add.f32.msk $0xffff, v2;
	v11 =	vshrl.u32 v13, $0x2;
	v13 =	vand.u32 $0x38, v15;
	v7 =	vand.u32 $0x1C0, v7  }
0xd0: {  	v11 =	vand.u32 $0x38, v11;
	v7 =	vor.u32 v7, v13;
	v9 =	vshra.s32 v9, $0x5;
	[tilespmem:v14+s21+$0x0] =	vst.idx.add.f32.msk $0xffff, v2  }
0xd1: {  	v8 =	vor.u32 v8, v11;
	v11 =	vshra.s32 v12, $0x5;
	v7 =	vor.u32 v9, v7;
	[tilespmem:v6+s20+$0x0] =	vst.idx.add.f32.msk $0xffff, v2  }
0xd2: {  	v8 =	vor.u32 v11, v8;
	v7 =	vadd.s32 v1, v7;
	[tilespmem:v10+s19+$0x0] =	vst.idx.add.f32.msk $0xffff, v2  }
0xd3: {  	p0 =	seq.s32 s14, $0x1F;
	v6 =	vadd.s32 v1, v8;
	s0 =	rddreg [dreg:$0x18]  }
0xd4: {  	s29 =	sadd.s32 @!p0 s0, s15  }
0xd5: {  	[tilespmem:v5+s16+$0x0] =	vst.idx.add.f32.msk $0xffff, v2;
	s30 =	sadd.s32 @!p0 s4, s29  }
0xd6: {  	[tilespmem:v4+s18+$0x0] =	vst.idx.add.f32.msk $0xffff, v2;
	s30 =	sshll.u32 @!p0 s30, $0x7  }
0xd7: {  	[tilespmem:v7+s23+$0x0] =	vst.idx.add.f32.msk $0xffff, v2;
	s30 =	sand.u32 @!p0 $0x1FFFFF80, s30  }
0xd8: {  	s1 =	simm.s32 @!p0 $0x0;
	s31 =	sadd.s32 @!p0 s5, s29;
	[tilespmem:v6+s22+$0x0] =	vst.idx.add.f32.msk $0xffff, v2;
	s30 =	sadd.s32 @!p0 s2, s30  }
0xd9: {  	[tilespmem:s1], [sflag:$0x1] =	stream.linear.gather @!p0 [hbm4b:s30+s1], $0x400, $0x38;
	[tilespmem:$0x16000] =	vst v63  }
0xda: {  	s29 =	sadd.s32 @!p0 s6, s29;
	s30 =	sshll.u32 @!p0 s31, $0x7  }
0xdb: {  	s29 =	sshll.u32 @!p0 s29, $0x7;
	s30 =	sand.u32 @!p0 $0x1FFFFF80, s30  }
0xdc: {  	s29 =	sand.u32 @!p0 $0x1FFFFF80, s29;
	s31 =	simm.s32 @!p0 $0x400;
	s30 =	sadd.s32 @!p0 s2, s30  }
0xdd: {  	[tilespmem:s31], [sflag:$0x1] =	stream.linear.gather @!p0 [hbm4b:s30+s1], $0x400, $0x38;
	[tilespmem:$0x16000] =	vst v63  }
0xde: {  	s29 =	sadd.s32 @!p0 s2, s29;
	s30 =	simm.s32 @!p0 $0x800  }
0xdf: {  	[tilespmem:s30], [sflag:$0x1] =	stream.linear.gather @!p0 [hbm4b:s29+s1], $0x400, $0x38;
	[tilespmem:$0x16000] =	vst v63  }
0xe0: {  	_ =	swait.ge [sflag:s24], $0x400  }
0xe1: {  	[sflag:s24] =	ssyncset.done $0x0  }
0xe2: {  	[sflag:s24] =	ssyncadd.s32 $0xFFFFFC00  }
0xe3: {  	_ =	swait.ge [sflag:s24], $0x400  }
0xe4: {  	[sflag:s24] =	ssyncset.done $0x0  }
0xe5: {  	[sflag:s24] =	ssyncadd.s32 $0xFFFFFC00  }
0xe6: {  	_ =	swait.ge [sflag:s24], $0x400  }
0xe7: {  	[sflag:s24] =	ssyncset.done $0x0  }
0xe8: {  	s30 =	simm.s32 $0x1470;
	[sflag:s24] =	ssyncadd.s32 $0xFFFFFC00  }
0xe9: {  	v3 =	vld [tilespmem:s30+$0xFFFFF790]  }
0xea: {  	v4 =	vld [tilespmem:s30+$0xFFFFFBC0]  }
0xeb: {  	v5 =	vld [tilespmem:s30+$0xFFFFF7E0]  }
0xec: {  	v6 =	vld [tilespmem:s30+$0xFFFFFB90]  }
0xed: {  	v7 =	vld [tilespmem:s30+$0xFFFFF7B0]  }
0xee: {  	v8 =	vld [tilespmem:s30+$0xFFFFFBA0]  }
0xef: {  	v9 =	vld [tilespmem:s30+$0xFFFFFBB0]  }
0xf0: {  	v10 =	vld [tilespmem:s30+$0xFFFFF7C0]  }
0xf1: {  	v11 =	vld [tilespmem:s30+$0xFFFFF7D0]  }
0xf2: {  	v12 =	vld [tilespmem:s30+$0xFFFFF7A0]  }
0xf3: {  	v13 =	vld [tilespmem:s30+$0xFFFFFBD0]  }
0xf4: {  	v15 =	vld [tilespmem:s30+$0xFFFFFBE0]  }
0xf5: {  	v4 =	vshrl.u32 v4, $0x2;
	v3 =	vshll.u32 v3, $0x1  }
0xf6: {  	v9 =	vshrl.u32 v9, $0x2;
	v7 =	vshll.u32 v7, $0x1;
	v10 =	vshll.u32 v10, $0x1  }
0xf7: {  	v14 =	vld [tilespmem:s30+$0xFFFFFFA0];
	v5 =	vshll.u32 v5, $0x1;
	v8 =	vshrl.u32 v8, $0x2;
	v11 =	vshll.u32 v11, $0x1  }
0xf8: {  	v16 =	vld [tilespmem:s30+$0xFFFFFF90];
	v12 =	vshll.u32 v12, $0x1;
	v6 =	vshrl.u32 v6, $0x2;
	v13 =	vshrl.u32 v13, $0x2  }
0xf9: {  	v17 =	vld [tilespmem:s30+$0xFFFFFFC0];
	v15 =	vshrl.u32 v15, $0x2;
	v3 =	vand.u32 $0x1C0, v3;
	v4 =	vand.u32 $0x38, v4  }
0xfa: {  	v18 =	vld [tilespmem:s30+$0xFFFFFFB0];
	v7 =	vand.u32 $0x1C0, v7;
	v8 =	vand.u32 $0x38, v8;
	v10 =	vand.u32 $0x1C0, v10  }
0xfb: {  	v20 =	vld [tilespmem:s30+$0xFFFFFFE0];
	v12 =	vand.u32 $0x1C0, v12;
	v6 =	vand.u32 $0x38, v6;
	v19 =	vand.u32 $0x1C0, v5  }
0xfc: {  	v9 =	vand.u32 $0x38, v9;
	v8 =	vor.u32 v12, v8;
	v12 =	vld [tilespmem:s30+$0xFFFFFFD0];
	v5 =	vor.u32 v3, v6  }
0xfd: {  	v21 =	vld [tilespmem:s30+$0xFFFFFC00];
	v3 =	vshra.s32 v14, $0x5;
	v6 =	vshra.s32 v16, $0x5;
	v16 =	vand.u32 $0x1C0, v11  }
0xfe: {  	v10 =	vor.u32 v10, v4;
	v11 =	vshra.s32 v17, $0x5;
	v4 =	vor.u32 v7, v9;
	v7 =	vld [tilespmem:s30+$0xFFFFF800]  }
0xff: {  	v9 =	vshra.s32 v18, $0x5;
	v17 =	vand.u32 $0x38, v13;
	v13 =	vld [tilespmem:s30+$0xFFFFFBF0];
	v3 =	vor.u32 v3, v8  }
0x100: {  	v8 =	vld [tilespmem:s30+$0xFFFFF7F0];
	v4 =	vor.u32 v9, v4;
	v9 =	vand.u32 $0x38, v15;
	v15 =	vshra.s32 v20, $0x5  }
0x101: {  	v16 =	vor.u32 v16, v17;
	v14 =	vshra.s32 v12, $0x5;
	v12 =	vor.u32 v19, v9;
	v9 =	vld [tilespmem:s30+$0x0]  }
0x102: {  	s29 =	simm.s32 $0x0;
	v3 =	vadd.s32 v1, v3;
	v17 =	vor.u32 v15, v12;
	v12 =	vld [tilespmem:s30+$0xFFFFFFF0];
	v15 =	vshrl.u32 v21, $0x2;
	s30 =	simm.s32 $0x14F0  }
.LBB2_7:
0x103: {  	v18 =	vld [tilespmem:s30+$0xFFFFF790];
	s29 =	sadd.s32 $0x80, s29;
	v10 =	vor.u32 v11, v10;
	v11 =	vor.u32 v14, v16;
	v14 =	vadd.s32 v1, v17  }
0x104: {  	v5 =	vor.u32 v6, v5;
	v16 =	vld [tilespmem:s30+$0xFFFFFF90];
	p1 =	slt.u32 s29, $0x380;
	v6 =	vadd.s32 v1, v11  }
0x105: {  	v8 =	vshll.u32 v8, $0x1;
	v17 =	vld [tilespmem:s30+$0xFFFFFFB0];
	v11 =	vshrl.u32 v13, $0x2;
	v13 =	vand.u32 $0x38, v15  }
0x106: {  	v8 =	vand.u32 $0x1C0, v8;
	v7 =	vshll.u32 v7, $0x1;
	v15 =	vld [tilespmem:s30+$0xFFFFFBC0];
	v11 =	vand.u32 $0x38, v11  }
0x107: {  	v7 =	vand.u32 $0x1C0, v7;
	v19 =	vld [tilespmem:s30+$0xFFFFF7E0];
	v8 =	vor.u32 v8, v11;
	v11 =	vshra.s32 v12, $0x5  }
0x108: {  	v7 =	vor.u32 v7, v13;
	v9 =	vshra.s32 v9, $0x5;
	[tilespmem:v14+s21+$0x0] =	vst.idx.add.f32.msk $0xffff, v2;
	v8 =	vor.u32 v11, v8  }
0x109: {  	v7 =	vor.u32 v9, v7;
	[tilespmem:v6+s20+$0x0] =	vst.idx.add.f32.msk $0xffff, v2;
	v6 =	vadd.s32 v1, v8  }
0x10a: {  	v7 =	vadd.s32 v1, v7;
	v8 =	vld [tilespmem:s30+$0xFFFFFFA0]  }
0x10b: {  	v4 =	vadd.s32 v1, v4;
	v9 =	vld [tilespmem:s30+$0xFFFFFB90];
	v11 =	vshrl.u32 v15, $0x2  }
0x10c: {  	v12 =	vld [tilespmem:s30+$0xFFFFF7A0]  }
0x10d: {  	v5 =	vadd.s32 v1, v5;
	v13 =	vld [tilespmem:s30+$0xFFFFF7B0]  }
0x10e: {  	v14 =	vld [tilespmem:s30+$0xFFFFFBA0]  }
0x10f: {  	v10 =	vadd.s32 v1, v10;
	v15 =	vld [tilespmem:s30+$0xFFFFFFC0]  }
0x110: {  	[tilespmem:v3+s17+$0x0] =	vst.idx.add.f32.msk $0xffff, v2  }
0x111: {  	v3 =	vld [tilespmem:s30+$0xFFFFFBB0]  }
0x112: {  	v20 =	vld [tilespmem:s30+$0xFFFFF7C0]  }
0x113: {  	v21 =	vld [tilespmem:s30+$0xFFFFF7D0]  }
0x114: {  	[tilespmem:v10+s19+$0x0] =	vst.idx.add.f32.msk $0xffff, v2  }
0x115: {  	v10 =	vshll.u32 v18, $0x1;
	v18 =	vld [tilespmem:s30+$0xFFFFFBD0]  }
0x116: {  	v11 =	vand.u32 $0x38, v11;
	v10 =	vand.u32 $0x1C0, v10;
	v3 =	vshrl.u32 v3, $0x2;
	v22 =	vld [tilespmem:s30+$0xFFFFFBE0]  }
0x117: {  	v19 =	vshll.u32 v19, $0x1;
	v13 =	vshll.u32 v13, $0x1;
	v20 =	vshll.u32 v20, $0x1;
	[tilespmem:v5+s16+$0x0] =	vst.idx.add.f32.msk $0xffff, v2  }
0x118: {  	v13 =	vand.u32 $0x1C0, v13;
	v5 =	vshrl.u32 v14, $0x2;
	v14 =	vshll.u32 v21, $0x1;
	[tilespmem:v7+s23+$0x0] =	vst.idx.add.f32.msk $0xffff, v2  }
0x119: {  	v7 =	vshll.u32 v12, $0x1;
	v5 =	vand.u32 $0x38, v5;
	v12 =	vand.u32 $0x1C0, v20;
	[tilespmem:v6+s22+$0x0] =	vst.idx.add.f32.msk $0xffff, v2  }
0x11a: {  	v6 =	vshrl.u32 v9, $0x2;
	v7 =	vand.u32 $0x1C0, v7;
	v9 =	vshrl.u32 v18, $0x2;
	[tilespmem:v4+s18+$0x0] =	vst.idx.add.f32.msk $0xffff, v2  }
0x11b: {  	v19 =	vand.u32 $0x1C0, v19;
	v4 =	vand.u32 $0x38, v6;
	v7 =	vor.u32 v7, v5;
	v18 =	vld [tilespmem:s30+$0xFFFFFFD0]  }
0x11c: {  	v5 =	vor.u32 v10, v4;
	v4 =	vshra.s32 v8, $0x5;
	v21 =	vshrl.u32 v22, $0x2;
	v20 =	vld [tilespmem:s30+$0xFFFFFFE0]  }
0x11d: {  	v3 =	vand.u32 $0x38, v3;
	v6 =	vshra.s32 v16, $0x5;
	v16 =	vand.u32 $0x1C0, v14;
	v22 =	vld [tilespmem:s30+$0xFFFFFC00]  }
.Ltmp2:
0x11e: {  	v10 =	vor.u32 v12, v11;
	v11 =	vshra.s32 v15, $0x5;
	v23 =	vor.u32 v4, v7;
	v8 =	vld [tilespmem:s30+$0xFFFFF7F0];
	(pc) =	sbr.rel @p1 .LBB2_7-.Ltmp2, $4  }
0x11f: {  	v3 =	vor.u32 v13, v3;
	v12 =	vand.u32 $0x38, v9;
	v4 =	vshra.s32 v17, $0x5;
	v7 =	vld [tilespmem:s30+$0xFFFFF800]  }
0x120: {  	v9 =	vand.u32 $0x38, v21;
	v4 =	vor.u32 v4, v3;
	v14 =	vshra.s32 v18, $0x5;
	v13 =	vld [tilespmem:s30+$0xFFFFFBF0]  }
0x121: {  	v3 =	vadd.s32 v1, v23;
	v15 =	vor.u32 v19, v9;
	v17 =	vshra.s32 v20, $0x5;
	v9 =	vld [tilespmem:s30+$0x0]  }
0x122: {  	v16 =	vor.u32 v16, v12;
	v17 =	vor.u32 v17, v15;
	v12 =	vld [tilespmem:s30+$0xFFFFFFF0];
	v15 =	vshrl.u32 v22, $0x2;
	s30 =	sadd.s32 $0x80, s30  }
0x123: {  	v10 =	vor.u32 v11, v10;
	v11 =	vor.u32 v14, v16;
	v14 =	vadd.s32 v1, v17  }
0x124: {  	v5 =	vor.u32 v6, v5;
	v6 =	vadd.s32 v1, v11  }
0x125: {  	v8 =	vshll.u32 v8, $0x1;
	v4 =	vadd.s32 v1, v4;
	v10 =	vadd.s32 v1, v10  }
0x126: {  	v8 =	vand.u32 $0x1C0, v8;
	v7 =	vshll.u32 v7, $0x1;
	v5 =	vadd.s32 v1, v5  }
0x127: {  	[tilespmem:v3+s17+$0x0] =	vst.idx.add.f32.msk $0xffff, v2;
	v11 =	vshrl.u32 v13, $0x2;
	v13 =	vand.u32 $0x38, v15;
	v7 =	vand.u32 $0x1C0, v7  }
0x128: {  	v11 =	vand.u32 $0x38, v11;
	v7 =	vor.u32 v7, v13;
	v9 =	vshra.s32 v9, $0x5;
	[tilespmem:v14+s21+$0x0] =	vst.idx.add.f32.msk $0xffff, v2  }
0x129: {  	v8 =	vor.u32 v8, v11;
	v11 =	vshra.s32 v12, $0x5;
	v7 =	vor.u32 v9, v7;
	[tilespmem:v6+s20+$0x0] =	vst.idx.add.f32.msk $0xffff, v2  }
0x12a: {  	v8 =	vor.u32 v11, v8;
	v7 =	vadd.s32 v1, v7;
	[tilespmem:v10+s19+$0x0] =	vst.idx.add.f32.msk $0xffff, v2  }
0x12b: {  	v6 =	vadd.s32 v1, v8;
	s0 =	rddreg [dreg:$0x19]  }
0x12c: {  	s1 =	sadd.s32 @!p0 s0, s15  }
0x12d: {  	[tilespmem:v5+s16+$0x0] =	vst.idx.add.f32.msk $0xffff, v2;
	s29 =	sadd.s32 @!p0 s4, s1  }
0x12e: {  	[tilespmem:v4+s18+$0x0] =	vst.idx.add.f32.msk $0xffff, v2;
	s29 =	sshll.u32 @!p0 s29, $0x7  }
0x12f: {  	s31 =	simm.s32 @!p0 $0x0;
	[tilespmem:v7+s23+$0x0] =	vst.idx.add.f32.msk $0xffff, v2;
	s29 =	sand.u32 @!p0 $0x1FFFFF80, s29  }
0x130: {  	s0 =	simm.s32 @!p0 $0xC00;
	s30 =	sadd.s32 @!p0 s5, s1;
	[tilespmem:v6+s22+$0x0] =	vst.idx.add.f32.msk $0xffff, v2;
	s29 =	sadd.s32 @!p0 s2, s29  }
0x131: {  	[tilespmem:s0], [sflag:$0x2] =	stream.linear.gather @!p0 [hbm4b:s29+s31], $0x400, $0x38;
	[tilespmem:$0x16000] =	vst v63  }
0x132: {  	s0 =	sshll.u32 @!p0 s30, $0x7  }
0x133: {  	s0 =	sand.u32 @!p0 $0x1FFFFF80, s0  }
0x134: {  	s1 =	sadd.s32 @!p0 s6, s1;
	s29 =	simm.s32 @!p0 $0x1000;
	s0 =	sadd.s32 @!p0 s2, s0  }
0x135: {  	[tilespmem:s29], [sflag:$0x2] =	stream.linear.gather @!p0 [hbm4b:s0+s31], $0x400, $0x38;
	[tilespmem:$0x16000] =	vst v63  }
0x136: {  	s0 =	sshll.u32 @!p0 s1, $0x7  }
0x137: {  	s0 =	sand.u32 @!p0 $0x1FFFFF80, s0  }
0x138: {  	s1 =	simm.s32 @!p0 $0x1400;
	s0 =	sadd.s32 @!p0 s2, s0  }
0x139: {  	[tilespmem:s1], [sflag:$0x2] =	stream.linear.gather @!p0 [hbm4b:s0+s31], $0x400, $0x38;
	[tilespmem:$0x16000] =	vst v63  }
0x13a: {  	_ =	swait.ge [sflag:s25], $0x400  }
0x13b: {  	[sflag:s25] =	ssyncset.done $0x0  }
0x13c: {  	[sflag:s25] =	ssyncadd.s32 $0xFFFFFC00  }
0x13d: {  	_ =	swait.ge [sflag:s25], $0x400  }
0x13e: {  	[sflag:s25] =	ssyncset.done $0x0  }
0x13f: {  	[sflag:s25] =	ssyncadd.s32 $0xFFFFFC00  }
0x140: {  	_ =	swait.ge [sflag:s25], $0x400  }
0x141: {  	[sflag:s25] =	ssyncset.done $0x0  }
0x142: {  	s30 =	simm.s32 $0x2070;
	[sflag:s25] =	ssyncadd.s32 $0xFFFFFC00  }
0x143: {  	v3 =	vld [tilespmem:s30+$0xFFFFF790]  }
0x144: {  	v4 =	vld [tilespmem:s30+$0xFFFFFBC0]  }
0x145: {  	v5 =	vld [tilespmem:s30+$0xFFFFF7E0]  }
0x146: {  	v6 =	vld [tilespmem:s30+$0xFFFFFB90]  }
0x147: {  	v7 =	vld [tilespmem:s30+$0xFFFFF7B0]  }
0x148: {  	v8 =	vld [tilespmem:s30+$0xFFFFFBA0]  }
0x149: {  	v9 =	vld [tilespmem:s30+$0xFFFFFBB0]  }
0x14a: {  	v10 =	vld [tilespmem:s30+$0xFFFFF7C0]  }
0x14b: {  	v11 =	vld [tilespmem:s30+$0xFFFFF7D0]  }
0x14c: {  	v12 =	vld [tilespmem:s30+$0xFFFFF7A0]  }
0x14d: {  	v13 =	vld [tilespmem:s30+$0xFFFFFBD0]  }
0x14e: {  	v15 =	vld [tilespmem:s30+$0xFFFFFBE0]  }
0x14f: {  	v4 =	vshrl.u32 v4, $0x2;
	v3 =	vshll.u32 v3, $0x1  }
0x150: {  	v9 =	vshrl.u32 v9, $0x2;
	v7 =	vshll.u32 v7, $0x1;
	v10 =	vshll.u32 v10, $0x1  }
0x151: {  	v14 =	vld [tilespmem:s30+$0xFFFFFFA0];
	v5 =	vshll.u32 v5, $0x1;
	v8 =	vshrl.u32 v8, $0x2;
	v11 =	vshll.u32 v11, $0x1  }
0x152: {  	v16 =	vld [tilespmem:s30+$0xFFFFFF90];
	v12 =	vshll.u32 v12, $0x1;
	v6 =	vshrl.u32 v6, $0x2;
	v13 =	vshrl.u32 v13, $0x2  }
0x153: {  	v17 =	vld [tilespmem:s30+$0xFFFFFFC0];
	v15 =	vshrl.u32 v15, $0x2;
	v3 =	vand.u32 $0x1C0, v3;
	v4 =	vand.u32 $0x38, v4  }
0x154: {  	v18 =	vld [tilespmem:s30+$0xFFFFFFB0];
	v7 =	vand.u32 $0x1C0, v7;
	v8 =	vand.u32 $0x38, v8;
	v10 =	vand.u32 $0x1C0, v10  }
0x155: {  	v20 =	vld [tilespmem:s30+$0xFFFFFFE0];
	v12 =	vand.u32 $0x1C0, v12;
	v6 =	vand.u32 $0x38, v6;
	v19 =	vand.u32 $0x1C0, v5  }
0x156: {  	v9 =	vand.u32 $0x38, v9;
	v8 =	vor.u32 v12, v8;
	v12 =	vld [tilespmem:s30+$0xFFFFFFD0];
	v5 =	vor.u32 v3, v6  }
0x157: {  	v21 =	vld [tilespmem:s30+$0xFFFFFC00];
	v3 =	vshra.s32 v14, $0x5;
	v6 =	vshra.s32 v16, $0x5;
	v16 =	vand.u32 $0x1C0, v11  }
0x158: {  	v10 =	vor.u32 v10, v4;
	v11 =	vshra.s32 v17, $0x5;
	v4 =	vor.u32 v7, v9;
	v7 =	vld [tilespmem:s30+$0xFFFFF800]  }
0x159: {  	v9 =	vshra.s32 v18, $0x5;
	v17 =	vand.u32 $0x38, v13;
	v13 =	vld [tilespmem:s30+$0xFFFFFBF0];
	v3 =	vor.u32 v3, v8  }
0x15a: {  	v8 =	vld [tilespmem:s30+$0xFFFFF7F0];
	v4 =	vor.u32 v9, v4;
	v9 =	vand.u32 $0x38, v15;
	v15 =	vshra.s32 v20, $0x5  }
0x15b: {  	v16 =	vor.u32 v16, v17;
	v14 =	vshra.s32 v12, $0x5;
	v12 =	vor.u32 v19, v9;
	v9 =	vld [tilespmem:s30+$0x0]  }
0x15c: {  	s29 =	simm.s32 $0x0;
	v3 =	vadd.s32 v1, v3;
	v17 =	vor.u32 v15, v12;
	v12 =	vld [tilespmem:s30+$0xFFFFFFF0];
	v15 =	vshrl.u32 v21, $0x2;
	s30 =	simm.s32 $0x20F0  }
.LBB2_9:
0x15d: {  	v18 =	vld [tilespmem:s30+$0xFFFFF790];
	s29 =	sadd.s32 $0x80, s29;
	v10 =	vor.u32 v11, v10;
	v11 =	vor.u32 v14, v16;
	v14 =	vadd.s32 v1, v17  }
0x15e: {  	v5 =	vor.u32 v6, v5;
	v16 =	vld [tilespmem:s30+$0xFFFFFF90];
	p1 =	slt.u32 s29, $0x380;
	v6 =	vadd.s32 v1, v11  }
0x15f: {  	v8 =	vshll.u32 v8, $0x1;
	v17 =	vld [tilespmem:s30+$0xFFFFFFB0];
	v11 =	vshrl.u32 v13, $0x2;
	v13 =	vand.u32 $0x38, v15  }
0x160: {  	v8 =	vand.u32 $0x1C0, v8;
	v7 =	vshll.u32 v7, $0x1;
	v15 =	vld [tilespmem:s30+$0xFFFFFBC0];
	v11 =	vand.u32 $0x38, v11  }
0x161: {  	v7 =	vand.u32 $0x1C0, v7;
	v19 =	vld [tilespmem:s30+$0xFFFFF7E0];
	v8 =	vor.u32 v8, v11;
	v11 =	vshra.s32 v12, $0x5  }
0x162: {  	v7 =	vor.u32 v7, v13;
	v9 =	vshra.s32 v9, $0x5;
	[tilespmem:v14+s21+$0x0] =	vst.idx.add.f32.msk $0xffff, v2;
	v8 =	vor.u32 v11, v8  }
0x163: {  	v7 =	vor.u32 v9, v7;
	[tilespmem:v6+s20+$0x0] =	vst.idx.add.f32.msk $0xffff, v2;
	v6 =	vadd.s32 v1, v8  }
0x164: {  	v7 =	vadd.s32 v1, v7;
	v8 =	vld [tilespmem:s30+$0xFFFFFFA0]  }
0x165: {  	v4 =	vadd.s32 v1, v4;
	v9 =	vld [tilespmem:s30+$0xFFFFFB90];
	v11 =	vshrl.u32 v15, $0x2  }
0x166: {  	v12 =	vld [tilespmem:s30+$0xFFFFF7A0]  }
0x167: {  	v5 =	vadd.s32 v1, v5;
	v13 =	vld [tilespmem:s30+$0xFFFFF7B0]  }
0x168: {  	v14 =	vld [tilespmem:s30+$0xFFFFFBA0]  }
0x169: {  	v10 =	vadd.s32 v1, v10;
	v15 =	vld [tilespmem:s30+$0xFFFFFFC0]  }
0x16a: {  	[tilespmem:v3+s17+$0x0] =	vst.idx.add.f32.msk $0xffff, v2  }
0x16b: {  	v3 =	vld [tilespmem:s30+$0xFFFFFBB0]  }
0x16c: {  	v20 =	vld [tilespmem:s30+$0xFFFFF7C0]  }
0x16d: {  	v21 =	vld [tilespmem:s30+$0xFFFFF7D0]  }
0x16e: {  	[tilespmem:v10+s19+$0x0] =	vst.idx.add.f32.msk $0xffff, v2  }
0x16f: {  	v10 =	vshll.u32 v18, $0x1;
	v18 =	vld [tilespmem:s30+$0xFFFFFBD0]  }
0x170: {  	v11 =	vand.u32 $0x38, v11;
	v10 =	vand.u32 $0x1C0, v10;
	v3 =	vshrl.u32 v3, $0x2;
	v22 =	vld [tilespmem:s30+$0xFFFFFBE0]  }
0x171: {  	v19 =	vshll.u32 v19, $0x1;
	v13 =	vshll.u32 v13, $0x1;
	v20 =	vshll.u32 v20, $0x1;
	[tilespmem:v5+s16+$0x0] =	vst.idx.add.f32.msk $0xffff, v2  }
0x172: {  	v13 =	vand.u32 $0x1C0, v13;
	v5 =	vshrl.u32 v14, $0x2;
	v14 =	vshll.u32 v21, $0x1;
	[tilespmem:v7+s23+$0x0] =	vst.idx.add.f32.msk $0xffff, v2  }
0x173: {  	v7 =	vshll.u32 v12, $0x1;
	v5 =	vand.u32 $0x38, v5;
	v12 =	vand.u32 $0x1C0, v20;
	[tilespmem:v6+s22+$0x0] =	vst.idx.add.f32.msk $0xffff, v2  }
0x174: {  	v6 =	vshrl.u32 v9, $0x2;
	v7 =	vand.u32 $0x1C0, v7;
	v9 =	vshrl.u32 v18, $0x2;
	[tilespmem:v4+s18+$0x0] =	vst.idx.add.f32.msk $0xffff, v2  }
0x175: {  	v19 =	vand.u32 $0x1C0, v19;
	v4 =	vand.u32 $0x38, v6;
	v7 =	vor.u32 v7, v5;
	v18 =	vld [tilespmem:s30+$0xFFFFFFD0]  }
0x176: {  	v5 =	vor.u32 v10, v4;
	v4 =	vshra.s32 v8, $0x5;
	v21 =	vshrl.u32 v22, $0x2;
	v20 =	vld [tilespmem:s30+$0xFFFFFFE0]  }
0x177: {  	v3 =	vand.u32 $0x38, v3;
	v6 =	vshra.s32 v16, $0x5;
	v16 =	vand.u32 $0x1C0, v14;
	v22 =	vld [tilespmem:s30+$0xFFFFFC00]  }
.Ltmp3:
0x178: {  	v10 =	vor.u32 v12, v11;
	v11 =	vshra.s32 v15, $0x5;
	v23 =	vor.u32 v4, v7;
	v8 =	vld [tilespmem:s30+$0xFFFFF7F0];
	(pc) =	sbr.rel @p1 .LBB2_9-.Ltmp3, $4  }
0x179: {  	v3 =	vor.u32 v13, v3;
	v12 =	vand.u32 $0x38, v9;
	v4 =	vshra.s32 v17, $0x5;
	v7 =	vld [tilespmem:s30+$0xFFFFF800]  }
0x17a: {  	v9 =	vand.u32 $0x38, v21;
	v4 =	vor.u32 v4, v3;
	v14 =	vshra.s32 v18, $0x5;
	v13 =	vld [tilespmem:s30+$0xFFFFFBF0]  }
0x17b: {  	v3 =	vadd.s32 v1, v23;
	v15 =	vor.u32 v19, v9;
	v17 =	vshra.s32 v20, $0x5;
	v9 =	vld [tilespmem:s30+$0x0]  }
0x17c: {  	v16 =	vor.u32 v16, v12;
	v17 =	vor.u32 v17, v15;
	v12 =	vld [tilespmem:s30+$0xFFFFFFF0];
	v15 =	vshrl.u32 v22, $0x2;
	s30 =	sadd.s32 $0x80, s30  }
0x17d: {  	v10 =	vor.u32 v11, v10;
	v11 =	vor.u32 v14, v16;
	v14 =	vadd.s32 v1, v17  }
0x17e: {  	v5 =	vor.u32 v6, v5;
	v6 =	vadd.s32 v1, v11  }
0x17f: {  	v8 =	vshll.u32 v8, $0x1;
	v4 =	vadd.s32 v1, v4;
	v10 =	vadd.s32 v1, v10  }
0x180: {  	v8 =	vand.u32 $0x1C0, v8;
	v7 =	vshll.u32 v7, $0x1;
	v5 =	vadd.s32 v1, v5  }
0x181: {  	[tilespmem:v3+s17+$0x0] =	vst.idx.add.f32.msk $0xffff, v2;
	v11 =	vshrl.u32 v13, $0x2;
	v13 =	vand.u32 $0x38, v15;
	v7 =	vand.u32 $0x1C0, v7  }
0x182: {  	v11 =	vand.u32 $0x38, v11;
	v7 =	vor.u32 v7, v13;
	v9 =	vshra.s32 v9, $0x5;
	[tilespmem:v14+s21+$0x0] =	vst.idx.add.f32.msk $0xffff, v2  }
0x183: {  	v8 =	vor.u32 v8, v11;
	v11 =	vshra.s32 v12, $0x5;
	v7 =	vor.u32 v9, v7;
	[tilespmem:v6+s20+$0x0] =	vst.idx.add.f32.msk $0xffff, v2  }
0x184: {  	v8 =	vor.u32 v11, v8;
	v7 =	vadd.s32 v1, v7;
	[tilespmem:v10+s19+$0x0] =	vst.idx.add.f32.msk $0xffff, v2  }
0x185: {  	v6 =	vadd.s32 v1, v8;
	s0 =	rddreg [dreg:$0x1a]  }
0x186: {  	s0 =	sadd.s32 @!p0 s0, s15  }
0x187: {  	[tilespmem:v5+s16+$0x0] =	vst.idx.add.f32.msk $0xffff, v2;
	s1 =	sadd.s32 @!p0 s4, s0  }
0x188: {  	[tilespmem:v4+s18+$0x0] =	vst.idx.add.f32.msk $0xffff, v2;
	s1 =	sshll.u32 @!p0 s1, $0x7  }
0x189: {  	s30 =	simm.s32 @!p0 $0x0;
	[tilespmem:v7+s23+$0x0] =	vst.idx.add.f32.msk $0xffff, v2;
	s1 =	sand.u32 @!p0 $0x1FFFFF80, s1  }
0x18a: {  	s31 =	simm.s32 @!p0 $0x1800;
	s29 =	sadd.s32 @!p0 s5, s0;
	[tilespmem:v6+s22+$0x0] =	vst.idx.add.f32.msk $0xffff, v2;
	s1 =	sadd.s32 @!p0 s2, s1  }
0x18b: {  	[tilespmem:s31], [sflag:$0x3] =	stream.linear.gather @!p0 [hbm4b:s1+s30], $0x400, $0x38;
	[tilespmem:$0x16000] =	vst v63  }
0x18c: {  	s0 =	sadd.s32 @!p0 s6, s0;
	s1 =	sshll.u32 @!p0 s29, $0x7  }
0x18d: {  	s0 =	sshll.u32 @!p0 s0, $0x7;
	s1 =	sand.u32 @!p0 $0x1FFFFF80, s1  }
0x18e: {  	s0 =	sand.u32 @!p0 $0x1FFFFF80, s0;
	s29 =	simm.s32 @!p0 $0x1C00;
	s1 =	sadd.s32 @!p0 s2, s1  }
0x18f: {  	[tilespmem:s29], [sflag:$0x3] =	stream.linear.gather @!p0 [hbm4b:s1+s30], $0x400, $0x38;
	[tilespmem:$0x16000] =	vst v63  }
0x190: {  	s0 =	sadd.s32 @!p0 s2, s0;
	s1 =	simm.s32 @!p0 $0x2000  }
0x191: {  	[tilespmem:s1], [sflag:$0x3] =	stream.linear.gather @!p0 [hbm4b:s0+s30], $0x400, $0x38;
	[tilespmem:$0x16000] =	vst v63  }
0x192: {  	_ =	swait.ge [sflag:s26], $0x400  }
0x193: {  	[sflag:s26] =	ssyncset.done $0x0  }
0x194: {  	[sflag:s26] =	ssyncadd.s32 $0xFFFFFC00  }
0x195: {  	_ =	swait.ge [sflag:s26], $0x400  }
0x196: {  	[sflag:s26] =	ssyncset.done $0x0  }
0x197: {  	[sflag:s26] =	ssyncadd.s32 $0xFFFFFC00  }
0x198: {  	_ =	swait.ge [sflag:s26], $0x400  }
0x199: {  	[sflag:s26] =	ssyncset.done $0x0  }
0x19a: {  	s30 =	simm.s32 $0x2C70;
	[sflag:s26] =	ssyncadd.s32 $0xFFFFFC00  }
0x19b: {  	v3 =	vld [tilespmem:s30+$0xFFFFF790]  }
0x19c: {  	v4 =	vld [tilespmem:s30+$0xFFFFFBC0]  }
0x19d: {  	v5 =	vld [tilespmem:s30+$0xFFFFF7E0]  }
0x19e: {  	v6 =	vld [tilespmem:s30+$0xFFFFFB90]  }
0x19f: {  	v7 =	vld [tilespmem:s30+$0xFFFFF7B0]  }
0x1a0: {  	v8 =	vld [tilespmem:s30+$0xFFFFFBA0]  }
0x1a1: {  	v9 =	vld [tilespmem:s30+$0xFFFFFBB0]  }
0x1a2: {  	v10 =	vld [tilespmem:s30+$0xFFFFF7C0]  }
0x1a3: {  	v11 =	vld [tilespmem:s30+$0xFFFFF7D0]  }
0x1a4: {  	v12 =	vld [tilespmem:s30+$0xFFFFF7A0]  }
0x1a5: {  	v13 =	vld [tilespmem:s30+$0xFFFFFBD0]  }
0x1a6: {  	v15 =	vld [tilespmem:s30+$0xFFFFFBE0]  }
0x1a7: {  	v4 =	vshrl.u32 v4, $0x2;
	v3 =	vshll.u32 v3, $0x1  }
0x1a8: {  	v9 =	vshrl.u32 v9, $0x2;
	v7 =	vshll.u32 v7, $0x1;
	v10 =	vshll.u32 v10, $0x1  }
0x1a9: {  	v14 =	vld [tilespmem:s30+$0xFFFFFFA0];
	v5 =	vshll.u32 v5, $0x1;
	v8 =	vshrl.u32 v8, $0x2;
	v11 =	vshll.u32 v11, $0x1  }
0x1aa: {  	v16 =	vld [tilespmem:s30+$0xFFFFFF90];
	v12 =	vshll.u32 v12, $0x1;
	v6 =	vshrl.u32 v6, $0x2;
	v13 =	vshrl.u32 v13, $0x2  }
0x1ab: {  	v17 =	vld [tilespmem:s30+$0xFFFFFFC0];
	v15 =	vshrl.u32 v15, $0x2;
	v3 =	vand.u32 $0x1C0, v3;
	v4 =	vand.u32 $0x38, v4  }
0x1ac: {  	v18 =	vld [tilespmem:s30+$0xFFFFFFB0];
	v7 =	vand.u32 $0x1C0, v7;
	v8 =	vand.u32 $0x38, v8;
	v10 =	vand.u32 $0x1C0, v10  }
0x1ad: {  	v20 =	vld [tilespmem:s30+$0xFFFFFFE0];
	v12 =	vand.u32 $0x1C0, v12;
	v6 =	vand.u32 $0x38, v6;
	v19 =	vand.u32 $0x1C0, v5  }
0x1ae: {  	v9 =	vand.u32 $0x38, v9;
	v8 =	vor.u32 v12, v8;
	v12 =	vld [tilespmem:s30+$0xFFFFFFD0];
	v5 =	vor.u32 v3, v6  }
0x1af: {  	v21 =	vld [tilespmem:s30+$0xFFFFFC00];
	v3 =	vshra.s32 v14, $0x5;
	v6 =	vshra.s32 v16, $0x5;
	v16 =	vand.u32 $0x1C0, v11  }
0x1b0: {  	v10 =	vor.u32 v10, v4;
	v11 =	vshra.s32 v17, $0x5;
	v4 =	vor.u32 v7, v9;
	v7 =	vld [tilespmem:s30+$0xFFFFF800]  }
0x1b1: {  	v9 =	vshra.s32 v18, $0x5;
	v17 =	vand.u32 $0x38, v13;
	v13 =	vld [tilespmem:s30+$0xFFFFFBF0];
	v3 =	vor.u32 v3, v8  }
0x1b2: {  	v8 =	vld [tilespmem:s30+$0xFFFFF7F0];
	v4 =	vor.u32 v9, v4;
	v9 =	vand.u32 $0x38, v15;
	v15 =	vshra.s32 v20, $0x5  }
0x1b3: {  	v16 =	vor.u32 v16, v17;
	v14 =	vshra.s32 v12, $0x5;
	v12 =	vor.u32 v19, v9;
	v9 =	vld [tilespmem:s30+$0x0]  }
0x1b4: {  	s29 =	simm.s32 $0x0;
	v3 =	vadd.s32 v1, v3;
	v17 =	vor.u32 v15, v12;
	v12 =	vld [tilespmem:s30+$0xFFFFFFF0];
	v15 =	vshrl.u32 v21, $0x2;
	s30 =	simm.s32 $0x2CF0  }
.LBB2_11:
0x1b5: {  	v18 =	vld [tilespmem:s30+$0xFFFFF790];
	s29 =	sadd.s32 $0x80, s29;
	v10 =	vor.u32 v11, v10;
	v11 =	vor.u32 v14, v16;
	v14 =	vadd.s32 v1, v17  }
0x1b6: {  	v5 =	vor.u32 v6, v5;
	v16 =	vld [tilespmem:s30+$0xFFFFFF90];
	p1 =	slt.u32 s29, $0x380;
	v6 =	vadd.s32 v1, v11  }
0x1b7: {  	v8 =	vshll.u32 v8, $0x1;
	v17 =	vld [tilespmem:s30+$0xFFFFFFB0];
	v11 =	vshrl.u32 v13, $0x2;
	v13 =	vand.u32 $0x38, v15  }
0x1b8: {  	v8 =	vand.u32 $0x1C0, v8;
	v7 =	vshll.u32 v7, $0x1;
	v15 =	vld [tilespmem:s30+$0xFFFFFBC0];
	v11 =	vand.u32 $0x38, v11  }
0x1b9: {  	v7 =	vand.u32 $0x1C0, v7;
	v19 =	vld [tilespmem:s30+$0xFFFFF7E0];
	v8 =	vor.u32 v8, v11;
	v11 =	vshra.s32 v12, $0x5  }
0x1ba: {  	v7 =	vor.u32 v7, v13;
	v9 =	vshra.s32 v9, $0x5;
	[tilespmem:v14+s21+$0x0] =	vst.idx.add.f32.msk $0xffff, v2;
	v8 =	vor.u32 v11, v8  }
0x1bb: {  	v7 =	vor.u32 v9, v7;
	[tilespmem:v6+s20+$0x0] =	vst.idx.add.f32.msk $0xffff, v2;
	v6 =	vadd.s32 v1, v8  }
0x1bc: {  	v7 =	vadd.s32 v1, v7;
	v8 =	vld [tilespmem:s30+$0xFFFFFFA0]  }
0x1bd: {  	v4 =	vadd.s32 v1, v4;
	v9 =	vld [tilespmem:s30+$0xFFFFFB90];
	v11 =	vshrl.u32 v15, $0x2  }
0x1be: {  	v12 =	vld [tilespmem:s30+$0xFFFFF7A0]  }
0x1bf: {  	v5 =	vadd.s32 v1, v5;
	v13 =	vld [tilespmem:s30+$0xFFFFF7B0]  }
0x1c0: {  	v14 =	vld [tilespmem:s30+$0xFFFFFBA0]  }
0x1c1: {  	v10 =	vadd.s32 v1, v10;
	v15 =	vld [tilespmem:s30+$0xFFFFFFC0]  }
0x1c2: {  	[tilespmem:v3+s17+$0x0] =	vst.idx.add.f32.msk $0xffff, v2  }
0x1c3: {  	v3 =	vld [tilespmem:s30+$0xFFFFFBB0]  }
0x1c4: {  	v20 =	vld [tilespmem:s30+$0xFFFFF7C0]  }
0x1c5: {  	v21 =	vld [tilespmem:s30+$0xFFFFF7D0]  }
0x1c6: {  	[tilespmem:v10+s19+$0x0] =	vst.idx.add.f32.msk $0xffff, v2  }
0x1c7: {  	v10 =	vshll.u32 v18, $0x1;
	v18 =	vld [tilespmem:s30+$0xFFFFFBD0]  }
0x1c8: {  	v11 =	vand.u32 $0x38, v11;
	v10 =	vand.u32 $0x1C0, v10;
	v3 =	vshrl.u32 v3, $0x2;
	v22 =	vld [tilespmem:s30+$0xFFFFFBE0]  }
0x1c9: {  	v19 =	vshll.u32 v19, $0x1;
	v13 =	vshll.u32 v13, $0x1;
	v20 =	vshll.u32 v20, $0x1;
	[tilespmem:v5+s16+$0x0] =	vst.idx.add.f32.msk $0xffff, v2  }
0x1ca: {  	v13 =	vand.u32 $0x1C0, v13;
	v5 =	vshrl.u32 v14, $0x2;
	v14 =	vshll.u32 v21, $0x1;
	[tilespmem:v7+s23+$0x0] =	vst.idx.add.f32.msk $0xffff, v2  }
0x1cb: {  	v7 =	vshll.u32 v12, $0x1;
	v5 =	vand.u32 $0x38, v5;
	v12 =	vand.u32 $0x1C0, v20;
	[tilespmem:v6+s22+$0x0] =	vst.idx.add.f32.msk $0xffff, v2  }
0x1cc: {  	v6 =	vshrl.u32 v9, $0x2;
	v7 =	vand.u32 $0x1C0, v7;
	v9 =	vshrl.u32 v18, $0x2;
	[tilespmem:v4+s18+$0x0] =	vst.idx.add.f32.msk $0xffff, v2  }
0x1cd: {  	v19 =	vand.u32 $0x1C0, v19;
	v4 =	vand.u32 $0x38, v6;
	v7 =	vor.u32 v7, v5;
	v18 =	vld [tilespmem:s30+$0xFFFFFFD0]  }
0x1ce: {  	v5 =	vor.u32 v10, v4;
	v4 =	vshra.s32 v8, $0x5;
	v21 =	vshrl.u32 v22, $0x2;
	v20 =	vld [tilespmem:s30+$0xFFFFFFE0]  }
0x1cf: {  	v3 =	vand.u32 $0x38, v3;
	v6 =	vshra.s32 v16, $0x5;
	v16 =	vand.u32 $0x1C0, v14;
	v22 =	vld [tilespmem:s30+$0xFFFFFC00]  }
.Ltmp4:
0x1d0: {  	v10 =	vor.u32 v12, v11;
	v11 =	vshra.s32 v15, $0x5;
	v23 =	vor.u32 v4, v7;
	v8 =	vld [tilespmem:s30+$0xFFFFF7F0];
	(pc) =	sbr.rel @p1 .LBB2_11-.Ltmp4, $4  }
0x1d1: {  	v3 =	vor.u32 v13, v3;
	v12 =	vand.u32 $0x38, v9;
	v4 =	vshra.s32 v17, $0x5;
	v7 =	vld [tilespmem:s30+$0xFFFFF800]  }
0x1d2: {  	v9 =	vand.u32 $0x38, v21;
	v4 =	vor.u32 v4, v3;
	v14 =	vshra.s32 v18, $0x5;
	v13 =	vld [tilespmem:s30+$0xFFFFFBF0]  }
0x1d3: {  	v3 =	vadd.s32 v1, v23;
	v15 =	vor.u32 v19, v9;
	v17 =	vshra.s32 v20, $0x5;
	v9 =	vld [tilespmem:s30+$0x0]  }
0x1d4: {  	v16 =	vor.u32 v16, v12;
	v17 =	vor.u32 v17, v15;
	v12 =	vld [tilespmem:s30+$0xFFFFFFF0];
	v15 =	vshrl.u32 v22, $0x2;
	s30 =	sadd.s32 $0x80, s30  }
0x1d5: {  	v10 =	vor.u32 v11, v10;
	v11 =	vor.u32 v14, v16;
	v14 =	vadd.s32 v1, v17  }
0x1d6: {  	v5 =	vor.u32 v6, v5;
	v6 =	vadd.s32 v1, v11  }
0x1d7: {  	v8 =	vshll.u32 v8, $0x1;
	v4 =	vadd.s32 v1, v4;
	v10 =	vadd.s32 v1, v10  }
0x1d8: {  	v8 =	vand.u32 $0x1C0, v8;
	v7 =	vshll.u32 v7, $0x1;
	v5 =	vadd.s32 v1, v5  }
0x1d9: {  	[tilespmem:v3+s17+$0x0] =	vst.idx.add.f32.msk $0xffff, v2;
	v11 =	vshrl.u32 v13, $0x2;
	v13 =	vand.u32 $0x38, v15;
	v7 =	vand.u32 $0x1C0, v7  }
0x1da: {  	v11 =	vand.u32 $0x38, v11;
	v7 =	vor.u32 v7, v13;
	v9 =	vshra.s32 v9, $0x5;
	[tilespmem:v14+s21+$0x0] =	vst.idx.add.f32.msk $0xffff, v2  }
0x1db: {  	v8 =	vor.u32 v8, v11;
	v11 =	vshra.s32 v12, $0x5;
	v7 =	vor.u32 v9, v7;
	[tilespmem:v6+s20+$0x0] =	vst.idx.add.f32.msk $0xffff, v2  }
0x1dc: {  	v8 =	vor.u32 v11, v8;
	v7 =	vadd.s32 v1, v7;
	[tilespmem:v10+s19+$0x0] =	vst.idx.add.f32.msk $0xffff, v2  }
0x1dd: {  	v6 =	vadd.s32 v1, v8;
	s0 =	rddreg [dreg:$0x1b]  }
0x1de: {  	s0 =	sadd.s32 @!p0 s0, s15  }
0x1df: {  	[tilespmem:v5+s16+$0x0] =	vst.idx.add.f32.msk $0xffff, v2;
	s1 =	sadd.s32 @!p0 s4, s0  }
0x1e0: {  	[tilespmem:v4+s18+$0x0] =	vst.idx.add.f32.msk $0xffff, v2;
	s1 =	sshll.u32 @!p0 s1, $0x7  }
0x1e1: {  	s30 =	simm.s32 @!p0 $0x0;
	[tilespmem:v7+s23+$0x0] =	vst.idx.add.f32.msk $0xffff, v2;
	s1 =	sand.u32 @!p0 $0x1FFFFF80, s1  }
0x1e2: {  	s31 =	simm.s32 @!p0 $0x2400;
	s29 =	sadd.s32 @!p0 s5, s0;
	[tilespmem:v6+s22+$0x0] =	vst.idx.add.f32.msk $0xffff, v2;
	s1 =	sadd.s32 @!p0 s2, s1  }
0x1e3: {  	[tilespmem:s31], [sflag:$0x4] =	stream.linear.gather @!p0 [hbm4b:s1+s30], $0x400, $0x38;
	[tilespmem:$0x16000] =	vst v63  }
0x1e4: {  	s0 =	sadd.s32 @!p0 s6, s0;
	s1 =	sshll.u32 @!p0 s29, $0x7  }
0x1e5: {  	s0 =	sshll.u32 @!p0 s0, $0x7;
	s1 =	sand.u32 @!p0 $0x1FFFFF80, s1  }
0x1e6: {  	s0 =	sand.u32 @!p0 $0x1FFFFF80, s0;
	s29 =	simm.s32 @!p0 $0x2800;
	s1 =	sadd.s32 @!p0 s2, s1  }
0x1e7: {  	[tilespmem:s29], [sflag:$0x4] =	stream.linear.gather @!p0 [hbm4b:s1+s30], $0x400, $0x38;
	[tilespmem:$0x16000] =	vst v63  }
0x1e8: {  	s0 =	sadd.s32 @!p0 s2, s0;
	s1 =	simm.s32 @!p0 $0x2C00  }
0x1e9: {  	[tilespmem:s1], [sflag:$0x4] =	stream.linear.gather @!p0 [hbm4b:s0+s30], $0x400, $0x38;
	[tilespmem:$0x16000] =	vst v63  }
0x1ea: {  	_ =	swait.ge [sflag:s28], $0x400  }
0x1eb: {  	[sflag:s28] =	ssyncset.done $0x0  }
0x1ec: {  	[sflag:s28] =	ssyncadd.s32 $0xFFFFFC00  }
0x1ed: {  	_ =	swait.ge [sflag:s28], $0x400  }
0x1ee: {  	[sflag:s28] =	ssyncset.done $0x0  }
0x1ef: {  	[sflag:s28] =	ssyncadd.s32 $0xFFFFFC00  }
0x1f0: {  	_ =	swait.ge [sflag:s28], $0x400  }
0x1f1: {  	[sflag:s28] =	ssyncset.done $0x0  }
0x1f2: {  	s30 =	simm.s32 $0x3870;
	[sflag:s28] =	ssyncadd.s32 $0xFFFFFC00  }
0x1f3: {  	v3 =	vld [tilespmem:s30+$0xFFFFF790]  }
0x1f4: {  	v4 =	vld [tilespmem:s30+$0xFFFFFBC0]  }
0x1f5: {  	v5 =	vld [tilespmem:s30+$0xFFFFF7E0]  }
0x1f6: {  	v6 =	vld [tilespmem:s30+$0xFFFFFB90]  }
0x1f7: {  	v7 =	vld [tilespmem:s30+$0xFFFFF7B0]  }
0x1f8: {  	v8 =	vld [tilespmem:s30+$0xFFFFFBA0]  }
0x1f9: {  	v9 =	vld [tilespmem:s30+$0xFFFFFBB0]  }
0x1fa: {  	v10 =	vld [tilespmem:s30+$0xFFFFF7C0]  }
0x1fb: {  	v11 =	vld [tilespmem:s30+$0xFFFFF7D0]  }
0x1fc: {  	v12 =	vld [tilespmem:s30+$0xFFFFF7A0]  }
0x1fd: {  	v13 =	vld [tilespmem:s30+$0xFFFFFBD0]  }
0x1fe: {  	v15 =	vld [tilespmem:s30+$0xFFFFFBE0]  }
0x1ff: {  	v4 =	vshrl.u32 v4, $0x2;
	v3 =	vshll.u32 v3, $0x1  }
0x200: {  	v9 =	vshrl.u32 v9, $0x2;
	v7 =	vshll.u32 v7, $0x1;
	v10 =	vshll.u32 v10, $0x1  }
0x201: {  	v14 =	vld [tilespmem:s30+$0xFFFFFFA0];
	v5 =	vshll.u32 v5, $0x1;
	v8 =	vshrl.u32 v8, $0x2;
	v11 =	vshll.u32 v11, $0x1  }
0x202: {  	v16 =	vld [tilespmem:s30+$0xFFFFFF90];
	v12 =	vshll.u32 v12, $0x1;
	v6 =	vshrl.u32 v6, $0x2;
	v13 =	vshrl.u32 v13, $0x2  }
0x203: {  	v17 =	vld [tilespmem:s30+$0xFFFFFFC0];
	v15 =	vshrl.u32 v15, $0x2;
	v3 =	vand.u32 $0x1C0, v3;
	v4 =	vand.u32 $0x38, v4  }
0x204: {  	v18 =	vld [tilespmem:s30+$0xFFFFFFB0];
	v7 =	vand.u32 $0x1C0, v7;
	v8 =	vand.u32 $0x38, v8;
	v10 =	vand.u32 $0x1C0, v10  }
0x205: {  	v20 =	vld [tilespmem:s30+$0xFFFFFFE0];
	v12 =	vand.u32 $0x1C0, v12;
	v6 =	vand.u32 $0x38, v6;
	v19 =	vand.u32 $0x1C0, v5  }
0x206: {  	v9 =	vand.u32 $0x38, v9;
	v8 =	vor.u32 v12, v8;
	v12 =	vld [tilespmem:s30+$0xFFFFFFD0];
	v5 =	vor.u32 v3, v6  }
0x207: {  	v21 =	vld [tilespmem:s30+$0xFFFFFC00];
	v3 =	vshra.s32 v14, $0x5;
	v6 =	vshra.s32 v16, $0x5;
	v16 =	vand.u32 $0x1C0, v11  }
0x208: {  	v10 =	vor.u32 v10, v4;
	v11 =	vshra.s32 v17, $0x5;
	v4 =	vor.u32 v7, v9;
	v7 =	vld [tilespmem:s30+$0xFFFFF800]  }
0x209: {  	v9 =	vshra.s32 v18, $0x5;
	v17 =	vand.u32 $0x38, v13;
	v13 =	vld [tilespmem:s30+$0xFFFFFBF0];
	v3 =	vor.u32 v3, v8  }
0x20a: {  	v8 =	vld [tilespmem:s30+$0xFFFFF7F0];
	v4 =	vor.u32 v9, v4;
	v9 =	vand.u32 $0x38, v15;
	v15 =	vshra.s32 v20, $0x5  }
0x20b: {  	v16 =	vor.u32 v16, v17;
	v14 =	vshra.s32 v12, $0x5;
	v12 =	vor.u32 v19, v9;
	v9 =	vld [tilespmem:s30+$0x0]  }
0x20c: {  	s29 =	simm.s32 $0x0;
	v3 =	vadd.s32 v1, v3;
	v17 =	vor.u32 v15, v12;
	v12 =	vld [tilespmem:s30+$0xFFFFFFF0];
	v15 =	vshrl.u32 v21, $0x2;
	s30 =	simm.s32 $0x38F0  }
.LBB2_13:
0x20d: {  	v18 =	vld [tilespmem:s30+$0xFFFFF790];
	s29 =	sadd.s32 $0x80, s29;
	v10 =	vor.u32 v11, v10;
	v11 =	vor.u32 v14, v16;
	v14 =	vadd.s32 v1, v17  }
0x20e: {  	v5 =	vor.u32 v6, v5;
	v16 =	vld [tilespmem:s30+$0xFFFFFF90];
	p1 =	slt.u32 s29, $0x380;
	v6 =	vadd.s32 v1, v11  }
0x20f: {  	v8 =	vshll.u32 v8, $0x1;
	v17 =	vld [tilespmem:s30+$0xFFFFFFB0];
	v11 =	vshrl.u32 v13, $0x2;
	v13 =	vand.u32 $0x38, v15  }
0x210: {  	v8 =	vand.u32 $0x1C0, v8;
	v7 =	vshll.u32 v7, $0x1;
	v15 =	vld [tilespmem:s30+$0xFFFFFBC0];
	v11 =	vand.u32 $0x38, v11  }
0x211: {  	v7 =	vand.u32 $0x1C0, v7;
	v19 =	vld [tilespmem:s30+$0xFFFFF7E0];
	v8 =	vor.u32 v8, v11;
	v11 =	vshra.s32 v12, $0x5  }
0x212: {  	v7 =	vor.u32 v7, v13;
	v9 =	vshra.s32 v9, $0x5;
	[tilespmem:v14+s21+$0x0] =	vst.idx.add.f32.msk $0xffff, v2;
	v8 =	vor.u32 v11, v8  }
0x213: {  	v7 =	vor.u32 v9, v7;
	[tilespmem:v6+s20+$0x0] =	vst.idx.add.f32.msk $0xffff, v2;
	v6 =	vadd.s32 v1, v8  }
0x214: {  	v7 =	vadd.s32 v1, v7;
	v8 =	vld [tilespmem:s30+$0xFFFFFFA0]  }
0x215: {  	v4 =	vadd.s32 v1, v4;
	v9 =	vld [tilespmem:s30+$0xFFFFFB90];
	v11 =	vshrl.u32 v15, $0x2  }
0x216: {  	v12 =	vld [tilespmem:s30+$0xFFFFF7A0]  }
0x217: {  	v5 =	vadd.s32 v1, v5;
	v13 =	vld [tilespmem:s30+$0xFFFFF7B0]  }
0x218: {  	v14 =	vld [tilespmem:s30+$0xFFFFFBA0]  }
0x219: {  	v10 =	vadd.s32 v1, v10;
	v15 =	vld [tilespmem:s30+$0xFFFFFFC0]  }
0x21a: {  	[tilespmem:v3+s17+$0x0] =	vst.idx.add.f32.msk $0xffff, v2  }
0x21b: {  	v3 =	vld [tilespmem:s30+$0xFFFFFBB0]  }
0x21c: {  	v20 =	vld [tilespmem:s30+$0xFFFFF7C0]  }
0x21d: {  	v21 =	vld [tilespmem:s30+$0xFFFFF7D0]  }
0x21e: {  	[tilespmem:v10+s19+$0x0] =	vst.idx.add.f32.msk $0xffff, v2  }
0x21f: {  	v10 =	vshll.u32 v18, $0x1;
	v18 =	vld [tilespmem:s30+$0xFFFFFBD0]  }
0x220: {  	v11 =	vand.u32 $0x38, v11;
	v10 =	vand.u32 $0x1C0, v10;
	v3 =	vshrl.u32 v3, $0x2;
	v22 =	vld [tilespmem:s30+$0xFFFFFBE0]  }
0x221: {  	v19 =	vshll.u32 v19, $0x1;
	v13 =	vshll.u32 v13, $0x1;
	v20 =	vshll.u32 v20, $0x1;
	[tilespmem:v5+s16+$0x0] =	vst.idx.add.f32.msk $0xffff, v2  }
0x222: {  	v13 =	vand.u32 $0x1C0, v13;
	v5 =	vshrl.u32 v14, $0x2;
	v14 =	vshll.u32 v21, $0x1;
	[tilespmem:v7+s23+$0x0] =	vst.idx.add.f32.msk $0xffff, v2  }
0x223: {  	v7 =	vshll.u32 v12, $0x1;
	v5 =	vand.u32 $0x38, v5;
	v12 =	vand.u32 $0x1C0, v20;
	[tilespmem:v6+s22+$0x0] =	vst.idx.add.f32.msk $0xffff, v2  }
0x224: {  	v6 =	vshrl.u32 v9, $0x2;
	v7 =	vand.u32 $0x1C0, v7;
	v9 =	vshrl.u32 v18, $0x2;
	[tilespmem:v4+s18+$0x0] =	vst.idx.add.f32.msk $0xffff, v2  }
0x225: {  	v19 =	vand.u32 $0x1C0, v19;
	v4 =	vand.u32 $0x38, v6;
	v7 =	vor.u32 v7, v5;
	v18 =	vld [tilespmem:s30+$0xFFFFFFD0]  }
0x226: {  	v5 =	vor.u32 v10, v4;
	v4 =	vshra.s32 v8, $0x5;
	v21 =	vshrl.u32 v22, $0x2;
	v20 =	vld [tilespmem:s30+$0xFFFFFFE0]  }
0x227: {  	v3 =	vand.u32 $0x38, v3;
	v6 =	vshra.s32 v16, $0x5;
	v16 =	vand.u32 $0x1C0, v14;
	v22 =	vld [tilespmem:s30+$0xFFFFFC00]  }
.Ltmp5:
0x228: {  	v10 =	vor.u32 v12, v11;
	v11 =	vshra.s32 v15, $0x5;
	v23 =	vor.u32 v4, v7;
	v8 =	vld [tilespmem:s30+$0xFFFFF7F0];
	(pc) =	sbr.rel @p1 .LBB2_13-.Ltmp5, $4  }
0x229: {  	v3 =	vor.u32 v13, v3;
	v12 =	vand.u32 $0x38, v9;
	v4 =	vshra.s32 v17, $0x5;
	v7 =	vld [tilespmem:s30+$0xFFFFF800]  }
0x22a: {  	v9 =	vand.u32 $0x38, v21;
	v4 =	vor.u32 v4, v3;
	v14 =	vshra.s32 v18, $0x5;
	v13 =	vld [tilespmem:s30+$0xFFFFFBF0]  }
0x22b: {  	v3 =	vadd.s32 v1, v23;
	v15 =	vor.u32 v19, v9;
	v17 =	vshra.s32 v20, $0x5;
	v9 =	vld [tilespmem:s30+$0x0]  }
0x22c: {  	v16 =	vor.u32 v16, v12;
	v17 =	vor.u32 v17, v15;
	v12 =	vld [tilespmem:s30+$0xFFFFFFF0];
	v15 =	vshrl.u32 v22, $0x2;
	s30 =	sadd.s32 $0x80, s30  }
0x22d: {  	v10 =	vor.u32 v11, v10;
	v11 =	vor.u32 v14, v16;
	v14 =	vadd.s32 v1, v17  }
0x22e: {  	v5 =	vor.u32 v6, v5;
	v6 =	vadd.s32 v1, v11  }
0x22f: {  	v8 =	vshll.u32 v8, $0x1;
	v4 =	vadd.s32 v1, v4;
	v10 =	vadd.s32 v1, v10  }
0x230: {  	v8 =	vand.u32 $0x1C0, v8;
	v7 =	vshll.u32 v7, $0x1;
	v5 =	vadd.s32 v1, v5  }
0x231: {  	[tilespmem:v3+s17+$0x0] =	vst.idx.add.f32.msk $0xffff, v2;
	v11 =	vshrl.u32 v13, $0x2;
	v13 =	vand.u32 $0x38, v15;
	v7 =	vand.u32 $0x1C0, v7  }
0x232: {  	v11 =	vand.u32 $0x38, v11;
	v7 =	vor.u32 v7, v13;
	v9 =	vshra.s32 v9, $0x5;
	[tilespmem:v14+s21+$0x0] =	vst.idx.add.f32.msk $0xffff, v2  }
0x233: {  	v8 =	vor.u32 v8, v11;
	v11 =	vshra.s32 v12, $0x5;
	v7 =	vor.u32 v9, v7;
	[tilespmem:v6+s20+$0x0] =	vst.idx.add.f32.msk $0xffff, v2  }
0x234: {  	v8 =	vor.u32 v11, v8;
	v7 =	vadd.s32 v1, v7;
	[tilespmem:v10+s19+$0x0] =	vst.idx.add.f32.msk $0xffff, v2  }
0x235: {  	v6 =	vadd.s32 v1, v8;
	s0 =	rddreg [dreg:$0x1c]  }
0x236: {  	s0 =	sadd.s32 @!p0 s0, s15  }
0x237: {  	[tilespmem:v5+s16+$0x0] =	vst.idx.add.f32.msk $0xffff, v2;
	s1 =	sadd.s32 @!p0 s4, s0  }
0x238: {  	[tilespmem:v4+s18+$0x0] =	vst.idx.add.f32.msk $0xffff, v2;
	s1 =	sshll.u32 @!p0 s1, $0x7  }
0x239: {  	s30 =	simm.s32 @!p0 $0x0;
	[tilespmem:v7+s23+$0x0] =	vst.idx.add.f32.msk $0xffff, v2;
	s1 =	sand.u32 @!p0 $0x1FFFFF80, s1  }
0x23a: {  	s31 =	simm.s32 @!p0 $0x3000;
	s29 =	sadd.s32 @!p0 s5, s0;
	[tilespmem:v6+s22+$0x0] =	vst.idx.add.f32.msk $0xffff, v2;
	s1 =	sadd.s32 @!p0 s2, s1  }
0x23b: {  	[tilespmem:s31], [sflag:$0x5] =	stream.linear.gather @!p0 [hbm4b:s1+s30], $0x400, $0x38;
	[tilespmem:$0x16000] =	vst v63  }
0x23c: {  	s0 =	sadd.s32 @!p0 s6, s0;
	s1 =	sshll.u32 @!p0 s29, $0x7  }
0x23d: {  	s0 =	sshll.u32 @!p0 s0, $0x7;
	s1 =	sand.u32 @!p0 $0x1FFFFF80, s1  }
0x23e: {  	s0 =	sand.u32 @!p0 $0x1FFFFF80, s0;
	s29 =	simm.s32 @!p0 $0x3400;
	s1 =	sadd.s32 @!p0 s2, s1  }
0x23f: {  	[tilespmem:s29], [sflag:$0x5] =	stream.linear.gather @!p0 [hbm4b:s1+s30], $0x400, $0x38;
	[tilespmem:$0x16000] =	vst v63  }
0x240: {  	s0 =	sadd.s32 @!p0 s2, s0;
	s1 =	simm.s32 @!p0 $0x3800  }
0x241: {  	[tilespmem:s1], [sflag:$0x5] =	stream.linear.gather @!p0 [hbm4b:s0+s30], $0x400, $0x38;
	[tilespmem:$0x16000] =	vst v63  }
0x242: {  	_ =	swait.ge [sflag:s9], $0x400  }
0x243: {  	[sflag:s9] =	ssyncset.done $0x0  }
0x244: {  	[sflag:s9] =	ssyncadd.s32 $0xFFFFFC00  }
0x245: {  	_ =	swait.ge [sflag:s9], $0x400  }
0x246: {  	[sflag:s9] =	ssyncset.done $0x0  }
0x247: {  	[sflag:s9] =	ssyncadd.s32 $0xFFFFFC00  }
0x248: {  	_ =	swait.ge [sflag:s9], $0x400  }
0x249: {  	[sflag:s9] =	ssyncset.done $0x0  }
0x24a: {  	s30 =	simm.s32 $0x4470;
	[sflag:s9] =	ssyncadd.s32 $0xFFFFFC00  }
0x24b: {  	v3 =	vld [tilespmem:s30+$0xFFFFF790]  }
0x24c: {  	v4 =	vld [tilespmem:s30+$0xFFFFFBC0]  }
0x24d: {  	v5 =	vld [tilespmem:s30+$0xFFFFF7E0]  }
0x24e: {  	v6 =	vld [tilespmem:s30+$0xFFFFFB90]  }
0x24f: {  	v7 =	vld [tilespmem:s30+$0xFFFFF7B0]  }
0x250: {  	v8 =	vld [tilespmem:s30+$0xFFFFFBA0]  }
0x251: {  	v9 =	vld [tilespmem:s30+$0xFFFFFBB0]  }
0x252: {  	v10 =	vld [tilespmem:s30+$0xFFFFF7C0]  }
0x253: {  	v11 =	vld [tilespmem:s30+$0xFFFFF7D0]  }
0x254: {  	v12 =	vld [tilespmem:s30+$0xFFFFF7A0]  }
0x255: {  	v13 =	vld [tilespmem:s30+$0xFFFFFBD0]  }
0x256: {  	v15 =	vld [tilespmem:s30+$0xFFFFFBE0]  }
0x257: {  	v4 =	vshrl.u32 v4, $0x2;
	v3 =	vshll.u32 v3, $0x1  }
0x258: {  	v9 =	vshrl.u32 v9, $0x2;
	v7 =	vshll.u32 v7, $0x1;
	v10 =	vshll.u32 v10, $0x1  }
0x259: {  	v14 =	vld [tilespmem:s30+$0xFFFFFFA0];
	v5 =	vshll.u32 v5, $0x1;
	v8 =	vshrl.u32 v8, $0x2;
	v11 =	vshll.u32 v11, $0x1  }
0x25a: {  	v16 =	vld [tilespmem:s30+$0xFFFFFF90];
	v12 =	vshll.u32 v12, $0x1;
	v6 =	vshrl.u32 v6, $0x2;
	v13 =	vshrl.u32 v13, $0x2  }
0x25b: {  	v17 =	vld [tilespmem:s30+$0xFFFFFFC0];
	v15 =	vshrl.u32 v15, $0x2;
	v3 =	vand.u32 $0x1C0, v3;
	v4 =	vand.u32 $0x38, v4  }
0x25c: {  	v18 =	vld [tilespmem:s30+$0xFFFFFFB0];
	v7 =	vand.u32 $0x1C0, v7;
	v8 =	vand.u32 $0x38, v8;
	v10 =	vand.u32 $0x1C0, v10  }
0x25d: {  	v20 =	vld [tilespmem:s30+$0xFFFFFFE0];
	v12 =	vand.u32 $0x1C0, v12;
	v6 =	vand.u32 $0x38, v6;
	v19 =	vand.u32 $0x1C0, v5  }
0x25e: {  	v9 =	vand.u32 $0x38, v9;
	v8 =	vor.u32 v12, v8;
	v12 =	vld [tilespmem:s30+$0xFFFFFFD0];
	v5 =	vor.u32 v3, v6  }
0x25f: {  	v21 =	vld [tilespmem:s30+$0xFFFFFC00];
	v3 =	vshra.s32 v14, $0x5;
	v6 =	vshra.s32 v16, $0x5;
	v16 =	vand.u32 $0x1C0, v11  }
0x260: {  	v10 =	vor.u32 v10, v4;
	v11 =	vshra.s32 v17, $0x5;
	v4 =	vor.u32 v7, v9;
	v7 =	vld [tilespmem:s30+$0xFFFFF800]  }
0x261: {  	v9 =	vshra.s32 v18, $0x5;
	v17 =	vand.u32 $0x38, v13;
	v13 =	vld [tilespmem:s30+$0xFFFFFBF0];
	v3 =	vor.u32 v3, v8  }
0x262: {  	v8 =	vld [tilespmem:s30+$0xFFFFF7F0];
	v4 =	vor.u32 v9, v4;
	v9 =	vand.u32 $0x38, v15;
	v15 =	vshra.s32 v20, $0x5  }
0x263: {  	v16 =	vor.u32 v16, v17;
	v14 =	vshra.s32 v12, $0x5;
	v12 =	vor.u32 v19, v9;
	v9 =	vld [tilespmem:s30+$0x0]  }
0x264: {  	s29 =	simm.s32 $0x0;
	v3 =	vadd.s32 v1, v3;
	v17 =	vor.u32 v15, v12;
	v12 =	vld [tilespmem:s30+$0xFFFFFFF0];
	v15 =	vshrl.u32 v21, $0x2;
	s30 =	simm.s32 $0x44F0  }
.LBB2_15:
0x265: {  	v18 =	vld [tilespmem:s30+$0xFFFFF790];
	s29 =	sadd.s32 $0x80, s29;
	v10 =	vor.u32 v11, v10;
	v11 =	vor.u32 v14, v16;
	v14 =	vadd.s32 v1, v17  }
0x266: {  	v5 =	vor.u32 v6, v5;
	v16 =	vld [tilespmem:s30+$0xFFFFFF90];
	p1 =	slt.u32 s29, $0x380;
	v6 =	vadd.s32 v1, v11  }
0x267: {  	v8 =	vshll.u32 v8, $0x1;
	v17 =	vld [tilespmem:s30+$0xFFFFFFB0];
	v11 =	vshrl.u32 v13, $0x2;
	v13 =	vand.u32 $0x38, v15  }
0x268: {  	v8 =	vand.u32 $0x1C0, v8;
	v7 =	vshll.u32 v7, $0x1;
	v15 =	vld [tilespmem:s30+$0xFFFFFBC0];
	v11 =	vand.u32 $0x38, v11  }
0x269: {  	v7 =	vand.u32 $0x1C0, v7;
	v19 =	vld [tilespmem:s30+$0xFFFFF7E0];
	v8 =	vor.u32 v8, v11;
	v11 =	vshra.s32 v12, $0x5  }
0x26a: {  	v7 =	vor.u32 v7, v13;
	v9 =	vshra.s32 v9, $0x5;
	[tilespmem:v14+s21+$0x0] =	vst.idx.add.f32.msk $0xffff, v2;
	v8 =	vor.u32 v11, v8  }
0x26b: {  	v7 =	vor.u32 v9, v7;
	[tilespmem:v6+s20+$0x0] =	vst.idx.add.f32.msk $0xffff, v2;
	v6 =	vadd.s32 v1, v8  }
0x26c: {  	v7 =	vadd.s32 v1, v7;
	v8 =	vld [tilespmem:s30+$0xFFFFFFA0]  }
0x26d: {  	v4 =	vadd.s32 v1, v4;
	v9 =	vld [tilespmem:s30+$0xFFFFFB90];
	v11 =	vshrl.u32 v15, $0x2  }
0x26e: {  	v12 =	vld [tilespmem:s30+$0xFFFFF7A0]  }
0x26f: {  	v5 =	vadd.s32 v1, v5;
	v13 =	vld [tilespmem:s30+$0xFFFFF7B0]  }
0x270: {  	v14 =	vld [tilespmem:s30+$0xFFFFFBA0]  }
0x271: {  	v10 =	vadd.s32 v1, v10;
	v15 =	vld [tilespmem:s30+$0xFFFFFFC0]  }
0x272: {  	[tilespmem:v3+s17+$0x0] =	vst.idx.add.f32.msk $0xffff, v2  }
0x273: {  	v3 =	vld [tilespmem:s30+$0xFFFFFBB0]  }
0x274: {  	v20 =	vld [tilespmem:s30+$0xFFFFF7C0]  }
0x275: {  	v21 =	vld [tilespmem:s30+$0xFFFFF7D0]  }
0x276: {  	[tilespmem:v10+s19+$0x0] =	vst.idx.add.f32.msk $0xffff, v2  }
0x277: {  	v10 =	vshll.u32 v18, $0x1;
	v18 =	vld [tilespmem:s30+$0xFFFFFBD0]  }
0x278: {  	v11 =	vand.u32 $0x38, v11;
	v10 =	vand.u32 $0x1C0, v10;
	v3 =	vshrl.u32 v3, $0x2;
	v22 =	vld [tilespmem:s30+$0xFFFFFBE0]  }
0x279: {  	v19 =	vshll.u32 v19, $0x1;
	v13 =	vshll.u32 v13, $0x1;
	v20 =	vshll.u32 v20, $0x1;
	[tilespmem:v5+s16+$0x0] =	vst.idx.add.f32.msk $0xffff, v2  }
0x27a: {  	v13 =	vand.u32 $0x1C0, v13;
	v5 =	vshrl.u32 v14, $0x2;
	v14 =	vshll.u32 v21, $0x1;
	[tilespmem:v7+s23+$0x0] =	vst.idx.add.f32.msk $0xffff, v2  }
0x27b: {  	v7 =	vshll.u32 v12, $0x1;
	v5 =	vand.u32 $0x38, v5;
	v12 =	vand.u32 $0x1C0, v20;
	[tilespmem:v6+s22+$0x0] =	vst.idx.add.f32.msk $0xffff, v2  }
0x27c: {  	v6 =	vshrl.u32 v9, $0x2;
	v7 =	vand.u32 $0x1C0, v7;
	v9 =	vshrl.u32 v18, $0x2;
	[tilespmem:v4+s18+$0x0] =	vst.idx.add.f32.msk $0xffff, v2  }
0x27d: {  	v19 =	vand.u32 $0x1C0, v19;
	v4 =	vand.u32 $0x38, v6;
	v7 =	vor.u32 v7, v5;
	v18 =	vld [tilespmem:s30+$0xFFFFFFD0]  }
0x27e: {  	v5 =	vor.u32 v10, v4;
	v4 =	vshra.s32 v8, $0x5;
	v21 =	vshrl.u32 v22, $0x2;
	v20 =	vld [tilespmem:s30+$0xFFFFFFE0]  }
0x27f: {  	v3 =	vand.u32 $0x38, v3;
	v6 =	vshra.s32 v16, $0x5;
	v16 =	vand.u32 $0x1C0, v14;
	v22 =	vld [tilespmem:s30+$0xFFFFFC00]  }
.Ltmp6:
0x280: {  	v10 =	vor.u32 v12, v11;
	v11 =	vshra.s32 v15, $0x5;
	v23 =	vor.u32 v4, v7;
	v8 =	vld [tilespmem:s30+$0xFFFFF7F0];
	(pc) =	sbr.rel @p1 .LBB2_15-.Ltmp6, $4  }
0x281: {  	v3 =	vor.u32 v13, v3;
	v12 =	vand.u32 $0x38, v9;
	v4 =	vshra.s32 v17, $0x5;
	v7 =	vld [tilespmem:s30+$0xFFFFF800]  }
0x282: {  	v9 =	vand.u32 $0x38, v21;
	v4 =	vor.u32 v4, v3;
	v14 =	vshra.s32 v18, $0x5;
	v13 =	vld [tilespmem:s30+$0xFFFFFBF0]  }
0x283: {  	v3 =	vadd.s32 v1, v23;
	v15 =	vor.u32 v19, v9;
	v17 =	vshra.s32 v20, $0x5;
	v9 =	vld [tilespmem:s30+$0x0]  }
0x284: {  	v16 =	vor.u32 v16, v12;
	v17 =	vor.u32 v17, v15;
	v12 =	vld [tilespmem:s30+$0xFFFFFFF0];
	v15 =	vshrl.u32 v22, $0x2;
	s30 =	sadd.s32 $0x80, s30  }
0x285: {  	v10 =	vor.u32 v11, v10;
	v11 =	vor.u32 v14, v16  }
0x286: {  	v14 =	vadd.s32 v1, v17;
	v5 =	vor.u32 v6, v5;
	v8 =	vshll.u32 v8, $0x1  }
0x287: {  	v4 =	vadd.s32 v1, v4;
	v6 =	vadd.s32 v1, v11;
	v8 =	vand.u32 $0x1C0, v8  }
0x288: {  	v7 =	vshll.u32 v7, $0x1;
	v10 =	vadd.s32 v1, v10;
	v5 =	vadd.s32 v1, v5  }
0x289: {  	v11 =	vshrl.u32 v13, $0x2;
	v13 =	vand.u32 $0x38, v15;
	v7 =	vand.u32 $0x1C0, v7  }
0x28a: {  	v11 =	vand.u32 $0x38, v11;
	v7 =	vor.u32 v7, v13;
	v9 =	vshra.s32 v9, $0x5  }
0x28b: {  	[tilespmem:v3+s17+$0x0] =	vst.idx.add.f32.msk $0xffff, v2;
	v8 =	vor.u32 v8, v11;
	v11 =	vshra.s32 v12, $0x5;
	v7 =	vor.u32 v9, v7  }
0x28c: {  	[tilespmem:v14+s21+$0x0] =	vst.idx.add.f32.msk $0xffff, v2;
	v8 =	vor.u32 v11, v8;
	v7 =	vadd.s32 v1, v7  }
0x28d: {  	[tilespmem:v6+s20+$0x0] =	vst.idx.add.f32.msk $0xffff, v2;
	v6 =	vadd.s32 v1, v8  }
0x28e: {  	s0 =	sadd.s32 @!p0 s7, s15;
	[tilespmem:v4+s18+$0x0] =	vst.idx.add.f32.msk $0xffff, v2  }
0x28f: {  	s1 =	sadd.s32 @!p0 s4, s0;
	[tilespmem:v10+s19+$0x0] =	vst.idx.add.f32.msk $0xffff, v2  }
0x290: {  	s1 =	sshll.u32 @!p0 s1, $0x7;
	[tilespmem:v5+s16+$0x0] =	vst.idx.add.f32.msk $0xffff, v2  }
0x291: {  	s30 =	simm.s32 @!p0 $0x0;
	s1 =	sand.u32 @!p0 $0x1FFFFF80, s1;
	[tilespmem:v7+s23+$0x0] =	vst.idx.add.f32.msk $0xffff, v2  }
0x292: {  	s31 =	simm.s32 @!p0 $0x3C00;
	s29 =	sadd.s32 @!p0 s5, s0;
	s1 =	sadd.s32 @!p0 s2, s1;
	[tilespmem:v6+s22+$0x0] =	vst.idx.add.f32.msk $0xffff, v2  }
0x293: {  	[tilespmem:s31], [sflag:$0x6] =	stream.linear.gather @!p0 [hbm4b:s1+s30], $0x400, $0x38;
	[tilespmem:$0x16000] =	vst v63  }
0x294: {  	s0 =	sadd.s32 @!p0 s6, s0;
	s1 =	sshll.u32 @!p0 s29, $0x7  }
0x295: {  	s0 =	sshll.u32 @!p0 s0, $0x7;
	s1 =	sand.u32 @!p0 $0x1FFFFF80, s1  }
0x296: {  	s0 =	sand.u32 @!p0 $0x1FFFFF80, s0;
	s29 =	simm.s32 @!p0 $0x4000;
	s1 =	sadd.s32 @!p0 s2, s1  }
0x297: {  	[tilespmem:s29], [sflag:$0x6] =	stream.linear.gather @!p0 [hbm4b:s1+s30], $0x400, $0x38;
	[tilespmem:$0x16000] =	vst v63  }
0x298: {  	s0 =	sadd.s32 @!p0 s2, s0;
	s1 =	simm.s32 @!p0 $0x4400  }
0x299: {  	[tilespmem:s1], [sflag:$0x6] =	stream.linear.gather @!p0 [hbm4b:s0+s30], $0x400, $0x38;
	[tilespmem:$0x16000] =	vst v63  }
0x29a: {  	_ =	swait.ge [sflag:s10], $0x400  }
0x29b: {  	[sflag:s10] =	ssyncset.done $0x0  }
0x29c: {  	[sflag:s10] =	ssyncadd.s32 $0xFFFFFC00  }
0x29d: {  	_ =	swait.ge [sflag:s10], $0x400  }
0x29e: {  	[sflag:s10] =	ssyncset.done $0x0  }
0x29f: {  	[sflag:s10] =	ssyncadd.s32 $0xFFFFFC00  }
0x2a0: {  	_ =	swait.ge [sflag:s10], $0x400  }
0x2a1: {  	[sflag:s10] =	ssyncset.done $0x0  }
0x2a2: {  	s30 =	simm.s32 $0x5070;
	[sflag:s10] =	ssyncadd.s32 $0xFFFFFC00  }
0x2a3: {  	v3 =	vld [tilespmem:s30+$0xFFFFF790]  }
0x2a4: {  	v4 =	vld [tilespmem:s30+$0xFFFFFBC0]  }
0x2a5: {  	v5 =	vld [tilespmem:s30+$0xFFFFF7E0]  }
0x2a6: {  	v6 =	vld [tilespmem:s30+$0xFFFFFB90]  }
0x2a7: {  	v7 =	vld [tilespmem:s30+$0xFFFFF7B0]  }
0x2a8: {  	v8 =	vld [tilespmem:s30+$0xFFFFFBA0]  }
0x2a9: {  	v9 =	vld [tilespmem:s30+$0xFFFFFBB0]  }
0x2aa: {  	v10 =	vld [tilespmem:s30+$0xFFFFF7C0]  }
0x2ab: {  	v11 =	vld [tilespmem:s30+$0xFFFFF7D0]  }
0x2ac: {  	v12 =	vld [tilespmem:s30+$0xFFFFF7A0]  }
0x2ad: {  	v13 =	vld [tilespmem:s30+$0xFFFFFBD0]  }
0x2ae: {  	v15 =	vld [tilespmem:s30+$0xFFFFFBE0]  }
0x2af: {  	v4 =	vshrl.u32 v4, $0x2;
	v3 =	vshll.u32 v3, $0x1  }
0x2b0: {  	v9 =	vshrl.u32 v9, $0x2;
	v7 =	vshll.u32 v7, $0x1;
	v10 =	vshll.u32 v10, $0x1  }
0x2b1: {  	v14 =	vld [tilespmem:s30+$0xFFFFFFA0];
	v5 =	vshll.u32 v5, $0x1;
	v8 =	vshrl.u32 v8, $0x2;
	v11 =	vshll.u32 v11, $0x1  }
0x2b2: {  	v16 =	vld [tilespmem:s30+$0xFFFFFF90];
	v12 =	vshll.u32 v12, $0x1;
	v6 =	vshrl.u32 v6, $0x2;
	v13 =	vshrl.u32 v13, $0x2  }
0x2b3: {  	v17 =	vld [tilespmem:s30+$0xFFFFFFC0];
	v15 =	vshrl.u32 v15, $0x2;
	v3 =	vand.u32 $0x1C0, v3;
	v4 =	vand.u32 $0x38, v4  }
0x2b4: {  	v18 =	vld [tilespmem:s30+$0xFFFFFFB0];
	v7 =	vand.u32 $0x1C0, v7;
	v8 =	vand.u32 $0x38, v8;
	v10 =	vand.u32 $0x1C0, v10  }
0x2b5: {  	v20 =	vld [tilespmem:s30+$0xFFFFFFE0];
	v12 =	vand.u32 $0x1C0, v12;
	v6 =	vand.u32 $0x38, v6;
	v19 =	vand.u32 $0x1C0, v5  }
0x2b6: {  	v9 =	vand.u32 $0x38, v9;
	v8 =	vor.u32 v12, v8;
	v12 =	vld [tilespmem:s30+$0xFFFFFFD0];
	v5 =	vor.u32 v3, v6  }
0x2b7: {  	v21 =	vld [tilespmem:s30+$0xFFFFFC00];
	v3 =	vshra.s32 v14, $0x5;
	v6 =	vshra.s32 v16, $0x5;
	v16 =	vand.u32 $0x1C0, v11  }
0x2b8: {  	v10 =	vor.u32 v10, v4;
	v11 =	vshra.s32 v17, $0x5;
	v4 =	vor.u32 v7, v9;
	v7 =	vld [tilespmem:s30+$0xFFFFF800]  }
0x2b9: {  	v9 =	vshra.s32 v18, $0x5;
	v17 =	vand.u32 $0x38, v13;
	v13 =	vld [tilespmem:s30+$0xFFFFFBF0];
	v3 =	vor.u32 v3, v8  }
0x2ba: {  	v8 =	vld [tilespmem:s30+$0xFFFFF7F0];
	v4 =	vor.u32 v9, v4;
	v9 =	vand.u32 $0x38, v15;
	v15 =	vshra.s32 v20, $0x5  }
0x2bb: {  	v16 =	vor.u32 v16, v17;
	v14 =	vshra.s32 v12, $0x5;
	v12 =	vor.u32 v19, v9;
	v9 =	vld [tilespmem:s30+$0x0]  }
0x2bc: {  	s29 =	simm.s32 $0x0;
	v3 =	vadd.s32 v1, v3;
	v17 =	vor.u32 v15, v12;
	v12 =	vld [tilespmem:s30+$0xFFFFFFF0];
	v15 =	vshrl.u32 v21, $0x2;
	s30 =	simm.s32 $0x50F0  }
.LBB2_17:
0x2bd: {  	v18 =	vld [tilespmem:s30+$0xFFFFF790];
	s29 =	sadd.s32 $0x80, s29;
	v10 =	vor.u32 v11, v10;
	v11 =	vor.u32 v14, v16;
	v14 =	vadd.s32 v1, v17  }
0x2be: {  	v5 =	vor.u32 v6, v5;
	v16 =	vld [tilespmem:s30+$0xFFFFFF90];
	p1 =	slt.u32 s29, $0x380;
	v6 =	vadd.s32 v1, v11  }
0x2bf: {  	v8 =	vshll.u32 v8, $0x1;
	v17 =	vld [tilespmem:s30+$0xFFFFFFB0];
	v11 =	vshrl.u32 v13, $0x2;
	v13 =	vand.u32 $0x38, v15  }
0x2c0: {  	v8 =	vand.u32 $0x1C0, v8;
	v7 =	vshll.u32 v7, $0x1;
	v15 =	vld [tilespmem:s30+$0xFFFFFBC0];
	v11 =	vand.u32 $0x38, v11  }
0x2c1: {  	v7 =	vand.u32 $0x1C0, v7;
	v19 =	vld [tilespmem:s30+$0xFFFFF7E0];
	v8 =	vor.u32 v8, v11;
	v11 =	vshra.s32 v12, $0x5  }
0x2c2: {  	v7 =	vor.u32 v7, v13;
	v9 =	vshra.s32 v9, $0x5;
	[tilespmem:v14+s21+$0x0] =	vst.idx.add.f32.msk $0xffff, v2;
	v8 =	vor.u32 v11, v8  }
0x2c3: {  	v7 =	vor.u32 v9, v7;
	[tilespmem:v6+s20+$0x0] =	vst.idx.add.f32.msk $0xffff, v2;
	v6 =	vadd.s32 v1, v8  }
0x2c4: {  	v7 =	vadd.s32 v1, v7;
	v8 =	vld [tilespmem:s30+$0xFFFFFFA0]  }
0x2c5: {  	v4 =	vadd.s32 v1, v4;
	v9 =	vld [tilespmem:s30+$0xFFFFFB90];
	v11 =	vshrl.u32 v15, $0x2  }
0x2c6: {  	v12 =	vld [tilespmem:s30+$0xFFFFF7A0]  }
0x2c7: {  	v5 =	vadd.s32 v1, v5;
	v13 =	vld [tilespmem:s30+$0xFFFFF7B0]  }
0x2c8: {  	v14 =	vld [tilespmem:s30+$0xFFFFFBA0]  }
0x2c9: {  	v10 =	vadd.s32 v1, v10;
	v15 =	vld [tilespmem:s30+$0xFFFFFFC0]  }
0x2ca: {  	[tilespmem:v3+s17+$0x0] =	vst.idx.add.f32.msk $0xffff, v2  }
0x2cb: {  	v3 =	vld [tilespmem:s30+$0xFFFFFBB0]  }
0x2cc: {  	v20 =	vld [tilespmem:s30+$0xFFFFF7C0]  }
0x2cd: {  	v21 =	vld [tilespmem:s30+$0xFFFFF7D0]  }
0x2ce: {  	[tilespmem:v10+s19+$0x0] =	vst.idx.add.f32.msk $0xffff, v2  }
0x2cf: {  	v10 =	vshll.u32 v18, $0x1;
	v18 =	vld [tilespmem:s30+$0xFFFFFBD0]  }
0x2d0: {  	v11 =	vand.u32 $0x38, v11;
	v10 =	vand.u32 $0x1C0, v10;
	v3 =	vshrl.u32 v3, $0x2;
	v22 =	vld [tilespmem:s30+$0xFFFFFBE0]  }
0x2d1: {  	v19 =	vshll.u32 v19, $0x1;
	v13 =	vshll.u32 v13, $0x1;
	v20 =	vshll.u32 v20, $0x1;
	[tilespmem:v5+s16+$0x0] =	vst.idx.add.f32.msk $0xffff, v2  }
0x2d2: {  	v13 =	vand.u32 $0x1C0, v13;
	v5 =	vshrl.u32 v14, $0x2;
	v14 =	vshll.u32 v21, $0x1;
	[tilespmem:v7+s23+$0x0] =	vst.idx.add.f32.msk $0xffff, v2  }
0x2d3: {  	v7 =	vshll.u32 v12, $0x1;
	v5 =	vand.u32 $0x38, v5;
	v12 =	vand.u32 $0x1C0, v20;
	[tilespmem:v6+s22+$0x0] =	vst.idx.add.f32.msk $0xffff, v2  }
0x2d4: {  	v6 =	vshrl.u32 v9, $0x2;
	v7 =	vand.u32 $0x1C0, v7;
	v9 =	vshrl.u32 v18, $0x2;
	[tilespmem:v4+s18+$0x0] =	vst.idx.add.f32.msk $0xffff, v2  }
0x2d5: {  	v19 =	vand.u32 $0x1C0, v19;
	v4 =	vand.u32 $0x38, v6;
	v7 =	vor.u32 v7, v5;
	v18 =	vld [tilespmem:s30+$0xFFFFFFD0]  }
0x2d6: {  	v5 =	vor.u32 v10, v4;
	v4 =	vshra.s32 v8, $0x5;
	v21 =	vshrl.u32 v22, $0x2;
	v20 =	vld [tilespmem:s30+$0xFFFFFFE0]  }
0x2d7: {  	v3 =	vand.u32 $0x38, v3;
	v6 =	vshra.s32 v16, $0x5;
	v16 =	vand.u32 $0x1C0, v14;
	v22 =	vld [tilespmem:s30+$0xFFFFFC00]  }
.Ltmp7:
0x2d8: {  	v10 =	vor.u32 v12, v11;
	v11 =	vshra.s32 v15, $0x5;
	v23 =	vor.u32 v4, v7;
	v8 =	vld [tilespmem:s30+$0xFFFFF7F0];
	(pc) =	sbr.rel @p1 .LBB2_17-.Ltmp7, $4  }
0x2d9: {  	v3 =	vor.u32 v13, v3;
	v12 =	vand.u32 $0x38, v9;
	v4 =	vshra.s32 v17, $0x5;
	v7 =	vld [tilespmem:s30+$0xFFFFF800]  }
0x2da: {  	v9 =	vand.u32 $0x38, v21;
	v4 =	vor.u32 v4, v3;
	v14 =	vshra.s32 v18, $0x5;
	v13 =	vld [tilespmem:s30+$0xFFFFFBF0]  }
0x2db: {  	v3 =	vadd.s32 v1, v23;
	v15 =	vor.u32 v19, v9;
	v17 =	vshra.s32 v20, $0x5;
	v9 =	vld [tilespmem:s30+$0x0]  }
0x2dc: {  	v16 =	vor.u32 v16, v12;
	v17 =	vor.u32 v17, v15;
	v12 =	vld [tilespmem:s30+$0xFFFFFFF0];
	v15 =	vshrl.u32 v22, $0x2;
	s30 =	sadd.s32 $0x80, s30  }
0x2dd: {  	v10 =	vor.u32 v11, v10;
	v11 =	vor.u32 v14, v16  }
0x2de: {  	v14 =	vadd.s32 v1, v17;
	v5 =	vor.u32 v6, v5;
	v8 =	vshll.u32 v8, $0x1  }
0x2df: {  	v4 =	vadd.s32 v1, v4;
	v6 =	vadd.s32 v1, v11;
	v8 =	vand.u32 $0x1C0, v8  }
0x2e0: {  	v7 =	vshll.u32 v7, $0x1;
	v10 =	vadd.s32 v1, v10;
	v5 =	vadd.s32 v1, v5  }
0x2e1: {  	v11 =	vshrl.u32 v13, $0x2;
	v13 =	vand.u32 $0x38, v15;
	v7 =	vand.u32 $0x1C0, v7  }
0x2e2: {  	v11 =	vand.u32 $0x38, v11;
	v7 =	vor.u32 v7, v13;
	v9 =	vshra.s32 v9, $0x5  }
0x2e3: {  	[tilespmem:v3+s17+$0x0] =	vst.idx.add.f32.msk $0xffff, v2;
	v8 =	vor.u32 v8, v11;
	v11 =	vshra.s32 v12, $0x5;
	v7 =	vor.u32 v9, v7  }
0x2e4: {  	[tilespmem:v14+s21+$0x0] =	vst.idx.add.f32.msk $0xffff, v2;
	v8 =	vor.u32 v11, v8;
	v7 =	vadd.s32 v1, v7  }
0x2e5: {  	[tilespmem:v6+s20+$0x0] =	vst.idx.add.f32.msk $0xffff, v2;
	v6 =	vadd.s32 v1, v8  }
0x2e6: {  	s0 =	sadd.s32 @!p0 s8, s15;
	[tilespmem:v4+s18+$0x0] =	vst.idx.add.f32.msk $0xffff, v2  }
0x2e7: {  	s1 =	sadd.s32 @!p0 s4, s0;
	[tilespmem:v10+s19+$0x0] =	vst.idx.add.f32.msk $0xffff, v2  }
0x2e8: {  	s1 =	sshll.u32 @!p0 s1, $0x7;
	[tilespmem:v5+s16+$0x0] =	vst.idx.add.f32.msk $0xffff, v2  }
0x2e9: {  	s29 =	simm.s32 @!p0 $0x0;
	s1 =	sand.u32 @!p0 $0x1FFFFF80, s1;
	[tilespmem:v7+s23+$0x0] =	vst.idx.add.f32.msk $0xffff, v2  }
0x2ea: {  	s30 =	simm.s32 @!p0 $0x4800;
	s15 =	sadd.s32 @!p0 s5, s0;
	s1 =	sadd.s32 @!p0 s2, s1;
	[tilespmem:v6+s22+$0x0] =	vst.idx.add.f32.msk $0xffff, v2  }
0x2eb: {  	[tilespmem:s30], [sflag:$0x7] =	stream.linear.gather @!p0 [hbm4b:s1+s29], $0x400, $0x38;
	[tilespmem:$0x16000] =	vst v63  }
0x2ec: {  	s0 =	sadd.s32 @!p0 s6, s0;
	s1 =	sshll.u32 @!p0 s15, $0x7  }
0x2ed: {  	s0 =	sshll.u32 @!p0 s0, $0x7;
	s1 =	sand.u32 @!p0 $0x1FFFFF80, s1  }
0x2ee: {  	s0 =	sand.u32 @!p0 $0x1FFFFF80, s0;
	s15 =	simm.s32 @!p0 $0x4C00;
	s1 =	sadd.s32 @!p0 s2, s1  }
0x2ef: {  	[tilespmem:s15], [sflag:$0x7] =	stream.linear.gather @!p0 [hbm4b:s1+s29], $0x400, $0x38;
	[tilespmem:$0x16000] =	vst v63  }
0x2f0: {  	s0 =	sadd.s32 @!p0 s2, s0;
	s1 =	simm.s32 @!p0 $0x5000  }
0x2f1: {  	[tilespmem:s1], [sflag:$0x7] =	stream.linear.gather @!p0 [hbm4b:s0+s29], $0x400, $0x38;
	[tilespmem:$0x16000] =	vst v63  }
0x2f2: {  	_ =	swait.ge [sflag:s13], $0x400  }
0x2f3: {  	[sflag:s13] =	ssyncset.done $0x0  }
0x2f4: {  	[sflag:s13] =	ssyncadd.s32 $0xFFFFFC00  }
0x2f5: {  	_ =	swait.ge [sflag:s13], $0x400  }
0x2f6: {  	[sflag:s13] =	ssyncset.done $0x0  }
0x2f7: {  	[sflag:s13] =	ssyncadd.s32 $0xFFFFFC00  }
0x2f8: {  	_ =	swait.ge [sflag:s13], $0x400  }
0x2f9: {  	[sflag:s13] =	ssyncset.done $0x0  }
0x2fa: {  	s29 =	simm.s32 $0x5C70;
	[sflag:s13] =	ssyncadd.s32 $0xFFFFFC00  }
0x2fb: {  	v3 =	vld [tilespmem:s29+$0xFFFFF790]  }
0x2fc: {  	v4 =	vld [tilespmem:s29+$0xFFFFFBC0]  }
0x2fd: {  	v5 =	vld [tilespmem:s29+$0xFFFFF7E0]  }
0x2fe: {  	v6 =	vld [tilespmem:s29+$0xFFFFFB90]  }
0x2ff: {  	v7 =	vld [tilespmem:s29+$0xFFFFF7B0]  }
0x300: {  	v8 =	vld [tilespmem:s29+$0xFFFFFBA0]  }
0x301: {  	v9 =	vld [tilespmem:s29+$0xFFFFFBB0]  }
0x302: {  	v10 =	vld [tilespmem:s29+$0xFFFFF7C0]  }
0x303: {  	v11 =	vld [tilespmem:s29+$0xFFFFF7D0]  }
0x304: {  	v12 =	vld [tilespmem:s29+$0xFFFFF7A0]  }
0x305: {  	v13 =	vld [tilespmem:s29+$0xFFFFFBD0]  }
0x306: {  	v15 =	vld [tilespmem:s29+$0xFFFFFBE0]  }
0x307: {  	v4 =	vshrl.u32 v4, $0x2;
	v3 =	vshll.u32 v3, $0x1  }
0x308: {  	v9 =	vshrl.u32 v9, $0x2;
	v7 =	vshll.u32 v7, $0x1;
	v10 =	vshll.u32 v10, $0x1  }
0x309: {  	v14 =	vld [tilespmem:s29+$0xFFFFFFA0];
	v5 =	vshll.u32 v5, $0x1;
	v8 =	vshrl.u32 v8, $0x2;
	v11 =	vshll.u32 v11, $0x1  }
0x30a: {  	v16 =	vld [tilespmem:s29+$0xFFFFFF90];
	v12 =	vshll.u32 v12, $0x1;
	v6 =	vshrl.u32 v6, $0x2;
	v13 =	vshrl.u32 v13, $0x2  }
0x30b: {  	v17 =	vld [tilespmem:s29+$0xFFFFFFC0];
	v15 =	vshrl.u32 v15, $0x2;
	v3 =	vand.u32 $0x1C0, v3;
	v4 =	vand.u32 $0x38, v4  }
0x30c: {  	v18 =	vld [tilespmem:s29+$0xFFFFFFB0];
	v7 =	vand.u32 $0x1C0, v7;
	v8 =	vand.u32 $0x38, v8;
	v10 =	vand.u32 $0x1C0, v10  }
0x30d: {  	v20 =	vld [tilespmem:s29+$0xFFFFFFE0];
	v12 =	vand.u32 $0x1C0, v12;
	v6 =	vand.u32 $0x38, v6;
	v19 =	vand.u32 $0x1C0, v5  }
0x30e: {  	v9 =	vand.u32 $0x38, v9;
	v8 =	vor.u32 v12, v8;
	v12 =	vld [tilespmem:s29+$0xFFFFFFD0];
	v5 =	vor.u32 v3, v6  }
0x30f: {  	v21 =	vld [tilespmem:s29+$0xFFFFFC00];
	v3 =	vshra.s32 v14, $0x5;
	v6 =	vshra.s32 v16, $0x5;
	v16 =	vand.u32 $0x1C0, v11  }
0x310: {  	v10 =	vor.u32 v10, v4;
	v11 =	vshra.s32 v17, $0x5;
	v4 =	vor.u32 v7, v9;
	v7 =	vld [tilespmem:s29+$0xFFFFF800]  }
0x311: {  	v9 =	vshra.s32 v18, $0x5;
	v17 =	vand.u32 $0x38, v13;
	v13 =	vld [tilespmem:s29+$0xFFFFFBF0];
	v3 =	vor.u32 v3, v8  }
0x312: {  	v8 =	vld [tilespmem:s29+$0xFFFFF7F0];
	v4 =	vor.u32 v9, v4;
	v9 =	vand.u32 $0x38, v15;
	v15 =	vshra.s32 v20, $0x5  }
0x313: {  	v16 =	vor.u32 v16, v17;
	v14 =	vshra.s32 v12, $0x5;
	v12 =	vor.u32 v19, v9;
	v9 =	vld [tilespmem:s29+$0x0]  }
0x314: {  	s15 =	simm.s32 $0x0;
	v3 =	vadd.s32 v1, v3;
	v17 =	vor.u32 v15, v12;
	v12 =	vld [tilespmem:s29+$0xFFFFFFF0];
	v15 =	vshrl.u32 v21, $0x2;
	s29 =	simm.s32 $0x5CF0  }
.LBB2_19:
0x315: {  	v18 =	vld [tilespmem:s29+$0xFFFFF790];
	s15 =	sadd.s32 $0x80, s15;
	v10 =	vor.u32 v11, v10;
	v11 =	vor.u32 v14, v16;
	v14 =	vadd.s32 v1, v17  }
0x316: {  	v5 =	vor.u32 v6, v5;
	v16 =	vld [tilespmem:s29+$0xFFFFFF90];
	p0 =	slt.u32 s15, $0x380;
	v6 =	vadd.s32 v1, v11  }
0x317: {  	v8 =	vshll.u32 v8, $0x1;
	v17 =	vld [tilespmem:s29+$0xFFFFFFB0];
	v11 =	vshrl.u32 v13, $0x2;
	v13 =	vand.u32 $0x38, v15  }
0x318: {  	v8 =	vand.u32 $0x1C0, v8;
	v7 =	vshll.u32 v7, $0x1;
	v15 =	vld [tilespmem:s29+$0xFFFFFBC0];
	v11 =	vand.u32 $0x38, v11  }
0x319: {  	v7 =	vand.u32 $0x1C0, v7;
	v19 =	vld [tilespmem:s29+$0xFFFFF7E0];
	v8 =	vor.u32 v8, v11;
	v11 =	vshra.s32 v12, $0x5  }
0x31a: {  	v7 =	vor.u32 v7, v13;
	v9 =	vshra.s32 v9, $0x5;
	[tilespmem:v14+s21+$0x0] =	vst.idx.add.f32.msk $0xffff, v2;
	v8 =	vor.u32 v11, v8  }
0x31b: {  	v7 =	vor.u32 v9, v7;
	[tilespmem:v6+s20+$0x0] =	vst.idx.add.f32.msk $0xffff, v2;
	v6 =	vadd.s32 v1, v8  }
0x31c: {  	v7 =	vadd.s32 v1, v7;
	v8 =	vld [tilespmem:s29+$0xFFFFFFA0]  }
0x31d: {  	v4 =	vadd.s32 v1, v4;
	v9 =	vld [tilespmem:s29+$0xFFFFFB90];
	v11 =	vshrl.u32 v15, $0x2  }
0x31e: {  	v12 =	vld [tilespmem:s29+$0xFFFFF7A0]  }
0x31f: {  	v5 =	vadd.s32 v1, v5;
	v13 =	vld [tilespmem:s29+$0xFFFFF7B0]  }
0x320: {  	v14 =	vld [tilespmem:s29+$0xFFFFFBA0]  }
0x321: {  	v10 =	vadd.s32 v1, v10;
	v15 =	vld [tilespmem:s29+$0xFFFFFFC0]  }
0x322: {  	[tilespmem:v3+s17+$0x0] =	vst.idx.add.f32.msk $0xffff, v2  }
0x323: {  	v3 =	vld [tilespmem:s29+$0xFFFFFBB0]  }
0x324: {  	v20 =	vld [tilespmem:s29+$0xFFFFF7C0]  }
0x325: {  	v21 =	vld [tilespmem:s29+$0xFFFFF7D0]  }
0x326: {  	[tilespmem:v10+s19+$0x0] =	vst.idx.add.f32.msk $0xffff, v2  }
0x327: {  	v10 =	vshll.u32 v18, $0x1;
	v18 =	vld [tilespmem:s29+$0xFFFFFBD0]  }
0x328: {  	v11 =	vand.u32 $0x38, v11;
	v10 =	vand.u32 $0x1C0, v10;
	v3 =	vshrl.u32 v3, $0x2;
	v22 =	vld [tilespmem:s29+$0xFFFFFBE0]  }
0x329: {  	v19 =	vshll.u32 v19, $0x1;
	v13 =	vshll.u32 v13, $0x1;
	v20 =	vshll.u32 v20, $0x1;
	[tilespmem:v5+s16+$0x0] =	vst.idx.add.f32.msk $0xffff, v2  }
0x32a: {  	v13 =	vand.u32 $0x1C0, v13;
	v5 =	vshrl.u32 v14, $0x2;
	v14 =	vshll.u32 v21, $0x1;
	[tilespmem:v7+s23+$0x0] =	vst.idx.add.f32.msk $0xffff, v2  }
0x32b: {  	v7 =	vshll.u32 v12, $0x1;
	v5 =	vand.u32 $0x38, v5;
	v12 =	vand.u32 $0x1C0, v20;
	[tilespmem:v6+s22+$0x0] =	vst.idx.add.f32.msk $0xffff, v2  }
0x32c: {  	v6 =	vshrl.u32 v9, $0x2;
	v7 =	vand.u32 $0x1C0, v7;
	v9 =	vshrl.u32 v18, $0x2;
	[tilespmem:v4+s18+$0x0] =	vst.idx.add.f32.msk $0xffff, v2  }
0x32d: {  	v19 =	vand.u32 $0x1C0, v19;
	v4 =	vand.u32 $0x38, v6;
	v7 =	vor.u32 v7, v5;
	v18 =	vld [tilespmem:s29+$0xFFFFFFD0]  }
0x32e: {  	v5 =	vor.u32 v10, v4;
	v4 =	vshra.s32 v8, $0x5;
	v21 =	vshrl.u32 v22, $0x2;
	v20 =	vld [tilespmem:s29+$0xFFFFFFE0]  }
0x32f: {  	v3 =	vand.u32 $0x38, v3;
	v6 =	vshra.s32 v16, $0x5;
	v16 =	vand.u32 $0x1C0, v14;
	v22 =	vld [tilespmem:s29+$0xFFFFFC00]  }
.Ltmp8:
0x330: {  	v10 =	vor.u32 v12, v11;
	v11 =	vshra.s32 v15, $0x5;
	v23 =	vor.u32 v4, v7;
	v8 =	vld [tilespmem:s29+$0xFFFFF7F0];
	(pc) =	sbr.rel @p0 .LBB2_19-.Ltmp8, $4  }
0x331: {  	v3 =	vor.u32 v13, v3;
	v12 =	vand.u32 $0x38, v9;
	v4 =	vshra.s32 v17, $0x5;
	v7 =	vld [tilespmem:s29+$0xFFFFF800]  }
0x332: {  	v9 =	vand.u32 $0x38, v21;
	v4 =	vor.u32 v4, v3;
	v14 =	vshra.s32 v18, $0x5;
	v13 =	vld [tilespmem:s29+$0xFFFFFBF0]  }
0x333: {  	v3 =	vadd.s32 v1, v23;
	v15 =	vor.u32 v19, v9;
	v17 =	vshra.s32 v20, $0x5;
	v9 =	vld [tilespmem:s29+$0x0]  }
0x334: {  	v16 =	vor.u32 v16, v12;
	v17 =	vor.u32 v17, v15;
	v12 =	vld [tilespmem:s29+$0xFFFFFFF0];
	v15 =	vshrl.u32 v22, $0x2;
	s29 =	sadd.s32 $0x80, s29  }
0x335: {  	v10 =	vor.u32 v11, v10;
	v57 =	vor.u32 v14, v16  }
0x336: {  	v58 =	vadd.s32 v1, v17;
	v5 =	vor.u32 v6, v5;
	v8 =	vshll.u32 v8, $0x1  }
0x337: {  	v61 =	vand.u32 $0x38, v15;
	v4 =	vadd.s32 v1, v4;
	v59 =	vadd.s32 v1, v57  }
0x338: {  	v8 =	vand.u32 $0x1C0, v8;
	v7 =	vshll.u32 v7, $0x1;
	v10 =	vadd.s32 v1, v10  }
0x339: {  	v5 =	vadd.s32 v1, v5;
	v60 =	vshrl.u32 v13, $0x2;
	v7 =	vand.u32 $0x1C0, v7  }
0x33a: {  	v11 =	vand.u32 $0x38, v60;
	v7 =	vor.u32 v7, v61;
	v9 =	vshra.s32 v9, $0x5  }
0x33b: {  	[tilespmem:v3+s17+$0x0] =	vst.idx.add.f32.msk $0xffff, v2;
	v8 =	vor.u32 v8, v11;
	v62 =	vshra.s32 v12, $0x5;
	v7 =	vor.u32 v9, v7  }
0x33c: {  	s14 =	sadd.s32 $0x1, s14;
	[tilespmem:v58+s21+$0x0] =	vst.idx.add.f32.msk $0xffff, v2;
	v8 =	vor.u32 v62, v8;
	v7 =	vadd.s32 v1, v7  }
0x33d: {  	p0 =	sne.s32 s14, $0x20;
	[tilespmem:v4+s18+$0x0] =	vst.idx.add.f32.msk $0xffff, v2;
	v63 =	vadd.s32 v1, v8  }
.Ltmp9:
0x33e: {  	[tilespmem:v59+s20+$0x0] =	vst.idx.add.f32.msk $0xffff, v2;
	(pc) =	sbr.rel @p0 .LBB2_4-.Ltmp9, $4  }
0x33f: {  	[tilespmem:v10+s19+$0x0] =	vst.idx.add.f32.msk $0xffff, v2  }
0x340: {  	[tilespmem:v5+s16+$0x0] =	vst.idx.add.f32.msk $0xffff, v2  }
0x341: {  	[tilespmem:v7+s23+$0x0] =	vst.idx.add.f32.msk $0xffff, v2  }
0x342: {  	[tilespmem:v63+s22+$0x0] =	vst.idx.add.f32.msk $0xffff, v2  }
0x343: {  	s0 =	rddreg [dreg:$0x1d];
	s1 =	simm.s32 $0x9  }
0x344: {  	[hbm4b:s0+s3] =	stream.linear.scatter [tilespmem:s16], [sflag:$0x9], $0x10000, $0x38;
	[tilespmem:$0x16000] =	vst v63  }
0x345: {  	_ =	swait.ge [sflag:s1], $0x10000  }
0x346: {  	s14 =	rddreg [dreg:$0x1f]  }
0x347: {  	s31 =	rddreg [dreg:$0x1e];
	s14 =	sadd.s32 $0x1, s14  }
0x348: {  	p0 =	sne.s32 s14, s31  }
.Ltmp10:
0x349: {  	_ = 	snop;
	(pc) =	sbr.rel @p0 .LBB2_1-.Ltmp10, $3  }
0x34a: {  	_ =	sdelay $0x1  }
0x34b: {  	[sflag:s1] =	ssyncset.done $0x0  }
0x34c: {  	[sflag:s1] =	ssyncadd.s32 $0xFFFF0000  }
0x34d: {  	_ =	sfence.sel $0x180000  }
0x34e: {  	[bflag:$0x0] =	sbarrier.arrive $0xFFFF  }
0x34f: {  	_ =	strace $0x90000047  }
0x350: {  	s0 =	stileid.u32;
	[bflag:$0x2] =	sbarrier.arrive $0xFFFF  }
0x351: {  	p0 =	sne.s32 s0, $0x0;
	s0 =	rddreg [dreg:$0x2]  }
0x352: {  	s0 =	sadd.s32 @!p0 $0x100000, s0  }
0x353: {  	[sflag:s0] =	ssyncadd.tile.s32 @!p0 $0x1;
	_ =	shalt  }
.Lfunc_end2:
_tile_overlayer_lowered:
.L_overlay_start_2:
0x354: {  	(tag) =	ssettag $0x2  }
0x355: {  	s0 =	rddreg [dreg:$0x0];
	s2 =	stileid.u32  }
0x356: {  	s1 =	rddreg [dreg:$0x1];
	p0 =	sne.s32 s2, $0x0  }
0x357: {  	s3 =	rddreg [dreg:$0x2];
	[bflag:$0x3] =	sbarrier.arrive $0xFFFF;
	s2 =	simm.s32 @!p0 $0x1C09  }
0x358: {  	[timem:s3], [sflag:s2] =	dma.local @!p0 [hbm:s0], s1  }
0x359: {  	s0 =	simm.s32 @!p0 $0x9  }
0x35a: {  	_ =	swait.ge @!p0 [sflag:s0], s1  }
0x35b: {  	s1 =	ssub.s32 @!p0 $0x0, s1;
	[sflag:s0] =	ssyncset.done @!p0 $0x0  }
0x35c: {  	[sflag:s0] =	ssyncadd.s32 @!p0 s1  }
0x35d: {  	[bflag:$0x3] =	sbarrier.arrive $0xFFFF  }
0x35e: {  	_ =	shalt  }

</sc_bundles>
